<compile_context>
chip_gen: v7x
topology: tpu7x:2x2x1
jax: 0.10.2.dev20260603
libtpu: 0.0.44.dev20260713+nightly
codegen_flags: <defaults>
</compile_context>

<pallas_src>
import functools

import jax
import jax.numpy as jnp
from jax import lax
from jax.experimental import pallas as pl
from jax.experimental.pallas import tpu as pltpu
from jax.experimental.pallas import tpu_sc as plsc

C = 128
E = 160000
NC, NS = 2, 16
CH = 80
NCHUNKS = 2048
E_PAD = NCHUNKS * CH
NPAIRS = NCHUNKS // 2
P0 = 800
MAX_WCH = 2 * ((max(P0, NPAIRS - P0) + NS - 1) // NS)
EI = E_PAD + MAX_WCH * CH
ME = 3200


def _sc_combine(table, idx_t):
    mesh = plsc.VectorSubcoreMesh(core_axis_name="c", subcore_axis_name="s")

    @functools.partial(
        pl.kernel,
        out_type=jax.ShapeDtypeStruct((E_PAD, 4 * C), jnp.float32),
        mesh=mesh,
        scratch_types=[
            [pltpu.VMEM((CH,), jnp.int32) for _ in range(4)],
            [pltpu.VMEM((CH,), jnp.int32) for _ in range(4)],
            [pltpu.VMEM((CH, C), jnp.float32) for _ in range(4)],
            [pltpu.VMEM((CH, C), jnp.float32) for _ in range(4)],
            pltpu.SemaphoreType.DMA,
            pltpu.SemaphoreType.DMA,
            pltpu.SemaphoreType.DMA,
            pltpu.SemaphoreType.DMA,
            pltpu.SemaphoreType.DMA,
            pltpu.SemaphoreType.DMA,
        ],
    )
    def k(table_ref, idx_ref, out_ref, idxa, idxb, seta, setb,
          isem0, isem1, gsem0, gsem1, ssem0, ssem1):
        cid = lax.axis_index("c")
        sid = lax.axis_index("s")
        idxs = (idxa, idxb)
        sets = (seta, setb)
        isems = (isem0, isem1)
        gsems = (gsem0, gsem1)
        ssems = (ssem0, ssem1)

        my_np = jnp.where(cid == 0, P0 // NS, (NPAIRS - P0) // NS)
        my_pair0 = jnp.where(cid == 0, 0, P0) + sid * my_np
        c0 = my_pair0 * 2
        start_edge = c0 * CH

        def idx_descs(kc, st):
            return [
                pltpu.make_async_copy(
                    idx_ref.at[pl.ds(j * EI + kc * CH, CH)],
                    idxs[st][j], isems[st])
                for j in range(4)
            ]

        def gather_descs(st):
            return [
                pltpu.make_async_copy(
                    table_ref.at[idxs[st][j]], sets[st][j], gsems[st])
                for j in range(4)
            ]

        def scatter_descs(kc, st):
            s = kc * CH
            return [
                pltpu.make_async_copy(
                    sets[st][j],
                    out_ref.at[pl.ds(s, CH), pl.ds(j * C, C)], ssems[st])
                for j in range(4)
            ]

        def compute(st):
            g0, g1, g2, g3 = sets[st]

            @pl.loop(0, CH)
            def edge(e):
                @pl.loop(0, C // 16)
                def chan(r):
                    sl = pl.ds(r * 16, 16)
                    v1 = g0[e, sl]
                    v2 = g1[e, sl]
                    v3 = g2[e, sl]
                    v4 = g3[e, sl]
                    g0[e, sl] = v1 + v3
                    g1[e, sl] = v2 + v4
                    g2[e, sl] = jnp.abs(v1 - v3)
                    g3[e, sl] = jnp.abs(v2 - v4)

        @pl.when(my_np > 0)
        def _run():
            for d in idx_descs(c0, 0):
                d.start()
            for d in idx_descs(c0, 0):
                d.wait()
            for d in gather_descs(0):
                d.start()
            for d in idx_descs(c0 + 1, 1):
                d.start()

            @pl.loop(0, my_np)
            def pair(i):
                kc = c0 + i * 2

                @pl.when(i >= 1)
                def _():
                    for d in scatter_descs(kc - 1, 1):
                        d.wait()

                for d in idx_descs(kc + 1, 1):
                    d.wait()
                for d in gather_descs(1):
                    d.start()
                for d in gather_descs(0):
                    d.wait()

                @pl.when(i + 1 < my_np)
                def _():
                    for d in idx_descs(kc + 2, 0):
                        d.start()

                compute(0)
                for d in scatter_descs(kc, 0):
                    d.start()

                for d in scatter_descs(kc, 0):
                    d.wait()

                @pl.when(i + 1 < my_np)
                def _():
                    for d in idx_descs(kc + 2, 0):
                        d.wait()
                    for d in gather_descs(0):
                        d.start()

                for d in gather_descs(1):
                    d.wait()

                @pl.when(i + 1 < my_np)
                def _():
                    for d in idx_descs(kc + 3, 1):
                        d.start()

                compute(1)
                for d in scatter_descs(kc + 1, 1):
                    d.start()

            for d in scatter_descs(c0 + my_np * 2 - 1, 1):
                d.wait()

    return k(table, idx_t)


def _tc_layer1(x0, combos, w0t, wrt, b_row):

    def body(x0_ref, cb_ref, w0_ref, wr_ref, b_ref, y_ref):
        acc = jnp.dot(x0_ref[...], w0_ref[...],
                      preferred_element_type=jnp.float32)
        acc = acc + jnp.dot(cb_ref[...], wr_ref[...],
                            preferred_element_type=jnp.float32)
        y_ref[...] = jnp.maximum(acc + b_ref[...], 0.0)

    return pl.pallas_call(
        body,
        grid=(E // ME,),
        in_specs=[
            pl.BlockSpec((ME, C), lambda i: (i, 0)),
            pl.BlockSpec((ME, 4 * C), lambda i: (i, 0)),
            pl.BlockSpec((C, C), lambda i: (0, 0)),
            pl.BlockSpec((4 * C, C), lambda i: (0, 0)),
            pl.BlockSpec((1, C), lambda i: (0, 0)),
        ],
        out_specs=pl.BlockSpec((ME, C), lambda i: (i, 0)),
        out_shape=jax.ShapeDtypeStruct((E, C), jnp.float32),
    )(x0, combos, w0t, wrt, b_row)


def _tc_layer2(y, combos, w0, wr, b_col):

    def body(y_ref, cb_ref, w0_ref, wr_ref, b_ref, o_ref):
        acc = lax.dot_general(w0_ref[...], y_ref[...],
                              (((1,), (1,)), ((), ())),
                              preferred_element_type=jnp.float32)
        acc = acc + lax.dot_general(wr_ref[...], cb_ref[...],
                                    (((1,), (1,)), ((), ())),
                                    preferred_element_type=jnp.float32)
        o_ref[...] = jnp.maximum(acc + b_ref[...], 0.0)[None]

    return pl.pallas_call(
        body,
        grid=(E // ME,),
        in_specs=[
            pl.BlockSpec((ME, C), lambda i: (i, 0)),
            pl.BlockSpec((ME, 4 * C), lambda i: (i, 0)),
            pl.BlockSpec((C, C), lambda i: (0, 0)),
            pl.BlockSpec((C, 4 * C), lambda i: (0, 0)),
            pl.BlockSpec((C, 1), lambda i: (0, 0)),
        ],
        out_specs=pl.BlockSpec((1, C, ME), lambda i: (0, 0, i)),
        out_shape=jax.ShapeDtypeStruct((1, C, E), jnp.float32),
    )(y, combos, w0, wr, b_col)


def kernel(fe, gemm_edges, W1, b1, W2, b2):
    x_t = fe[0, :, :, 0].T
    idx_pad = jnp.pad(gemm_edges, ((0, EI - E), (0, 0)))
    idx_t = idx_pad.T.reshape(-1)

    w0t1 = W1[:, :, 0].T
    wrt1 = W1[:, :, 1:].transpose(2, 1, 0).reshape(4 * C, C)
    w02 = W2[:, :, 0]
    wr2 = W2[:, :, 1:].transpose(0, 2, 1).reshape(C, 4 * C)

    combos1 = _sc_combine(x_t, idx_t)
    y1 = _tc_layer1(x_t, combos1, w0t1, wrt1, b1[None, :])
    combos2 = _sc_combine(y1, idx_t)
    return _tc_layer2(y1, combos2, w02, wr2, b2[:, None])

# --- scband reference (transcript-rebuilt; emitter-appended) ---
"""Pipeline reference for scband-mesh-encoder-6012954214524 (READ-ONLY COPY).

The authoritative reference and input builder live on the scoring server;
editing this copy changes nothing except your own understanding.
"""

import jax, jax.numpy as jnp
import numpy as np

B, CIN, COUT, E = 1, 128, 128, 160000

def setup_inputs(seed: int = 0) -> dict:
    key = jax.random.key(seed)
    ks = jax.random.split(key, 6)
    fe = jax.random.normal(ks[0], (B, CIN, E, 1), dtype=jnp.float32)
    gemm_edges = jax.random.randint(ks[1], (E, 4), 0, E, dtype=jnp.int32)
    s1 = 1.0 / np.sqrt(CIN * 5)
    s2 = 1.0 / np.sqrt(COUT * 5)
    W1 = jax.random.normal(ks[2], (COUT, CIN, 5), dtype=jnp.float32) * s1
    b1 = jax.random.normal(ks[3], (COUT,), dtype=jnp.float32) * s1
    W2 = jax.random.normal(ks[4], (COUT, COUT, 5), dtype=jnp.float32) * s2
    b2 = jax.random.normal(ks[5], (COUT,), dtype=jnp.float32) * s2
    return {"fe": fe, "gemm_edges": gemm_edges, "W1": W1, "b1": b1, "W2": W2, "b2": b2}

def _mesh_conv(x, gemm, W, b):
    # x: [B, C, E]; gemm: [E, 4] neighbor edge indices (MeshCNN GeMM)
    Bv, Cv, Ev = x.shape
    # pad a zero column at edge-index 0 (handles -1 boundary sentinel after +1 shift)
    xpad = jnp.concatenate([jnp.zeros((Bv, Cv, 1), x.dtype), x], axis=2)
    G = jnp.concatenate([jnp.arange(Ev, dtype=gemm.dtype)[:, None], gemm], axis=1) + 1  # [E, 5]
    f = jnp.take(xpad, G, axis=2)  # gather -> [B, C, E, 5]
    x0 = f[..., 0]
    x1 = f[..., 1] + f[..., 3]
    x2 = f[..., 2] + f[..., 4]
    x3 = jnp.abs(f[..., 1] - f[..., 3])
    x4 = jnp.abs(f[..., 2] - f[..., 4])
    fsym = jnp.stack([x0, x1, x2, x3, x4], axis=3)  # [B, C, E, 5]
    # Conv2d with kernel (1,5) over the 5-neighborhood taps
    out = jnp.einsum('bcej,ocj->boe', fsym, W) + b[None, :, None]
    return out

def reference(fe, gemm_edges, W1, b1, W2, b2):
    # MeshEncoder with convs=[128]: single DownConv, no MeshPool (last block)
    x = fe[..., 0]  # MeshConv squeezes trailing singleton dim -> [B, C, E]
    x1 = jax.nn.relu(_mesh_conv(x, gemm_edges, W1, b1))
    x1 = jax.nn.relu(_mesh_conv(x1, gemm_edges, W2, b2))
    # DownConv returns (x1, before_pool=None); MeshEncoder returns (fe, [None])
    return x1

if __name__ == "__main__":
    import jax
    _d = setup_inputs()
    print(jax.jit(kernel)(*tuple(_d.values())))

</pallas_src>

<mosaic_0001>
#map = affine_map<(d0, d1) -> (0, 0)>
#map1 = affine_map<(d0, d1) -> (0)>
module attributes {stable_mosaic.version = 14 : i64} {
  func.func @k(%arg0: i32, %arg1: i32, %arg2: memref<160000x128xf32, #tpu.memory_space<hbm>>, %arg3: memref<687360xi32, #tpu.memory_space<hbm>>, %arg4: memref<163840x512xf32, #tpu.memory_space<hbm>>, %arg5: memref<80xi32, #tpu.memory_space<vmem>>, %arg6: memref<80xi32, #tpu.memory_space<vmem>>, %arg7: memref<80xi32, #tpu.memory_space<vmem>>, %arg8: memref<80xi32, #tpu.memory_space<vmem>>, %arg9: memref<80xi32, #tpu.memory_space<vmem>>, %arg10: memref<80xi32, #tpu.memory_space<vmem>>, %arg11: memref<80xi32, #tpu.memory_space<vmem>>, %arg12: memref<80xi32, #tpu.memory_space<vmem>>, %arg13: memref<80x128xf32, #tpu.memory_space<vmem>>, %arg14: memref<80x128xf32, #tpu.memory_space<vmem>>, %arg15: memref<80x128xf32, #tpu.memory_space<vmem>>, %arg16: memref<80x128xf32, #tpu.memory_space<vmem>>, %arg17: memref<80x128xf32, #tpu.memory_space<vmem>>, %arg18: memref<80x128xf32, #tpu.memory_space<vmem>>, %arg19: memref<80x128xf32, #tpu.memory_space<vmem>>, %arg20: memref<80x128xf32, #tpu.memory_space<vmem>>, %arg21: memref<!tpu.dma_semaphore, #tpu.memory_space<semaphore_mem>>, %arg22: memref<!tpu.dma_semaphore, #tpu.memory_space<semaphore_mem>>, %arg23: memref<!tpu.dma_semaphore, #tpu.memory_space<semaphore_mem>>, %arg24: memref<!tpu.dma_semaphore, #tpu.memory_space<semaphore_mem>>, %arg25: memref<!tpu.dma_semaphore, #tpu.memory_space<semaphore_mem>>, %arg26: memref<!tpu.dma_semaphore, #tpu.memory_space<semaphore_mem>>) attributes {dimension_semantics = [#tpu.dimension_semantics<core_parallel>, #tpu.dimension_semantics<subcore_parallel>], iteration_bounds = array<i64: 2, 16>, scalar_prefetch = 0 : i64, scratch_operands = 22 : i64, tpu.core_type = #tpu.core_type<sc_vector_subcore>, window_params = [{transform_indices = #map}, {transform_indices = #map1}, {transform_indices = #map}]} {
    %eq3A = arith.constant 0 : i32
    %eq3A_0 = arith.cmpi eq, %arg0, %eq3A : i32
    %jit3A = arith.constant 50 : i32
    %jit3A_1 = arith.constant 14 : i32
    %select_n3A = arith.select %eq3A_0, %jit3A, %jit3A_1 : i32
    %eq3A_2 = arith.constant 0 : i32
    %eq3A_3 = arith.cmpi eq, %arg0, %eq3A_2 : i32
    %jit3A_4 = arith.constant 0 : i32
    %jit3A_5 = arith.constant 800 : i32
    %select_n3A_6 = arith.select %eq3A_3, %jit3A_4, %jit3A_5 : i32
    %mul3A = arith.muli %arg1, %select_n3A : i32
    %add3A = arith.addi %select_n3A_6, %mul3A : i32
    %mul3A_7 = arith.constant 2 : i32
    %mul3A_8 = arith.muli %add3A, %mul3A_7 : i32
    %mul3A_9 = arith.constant 80 : i32
    %mul3A_10 = arith.muli %mul3A_8, %mul3A_9 : i32
    %gt3A = arith.constant 0 : i32
    %gt3A_11 = arith.cmpi sgt, %select_n3A, %gt3A : i32
    %convert_element_type3A = arith.extui %gt3A_11 : i1 to i32
    %cond3A = arith.constant 0 : i32
    %cond3A_12 = arith.cmpi ne, %convert_element_type3A, %cond3A : i32
    scf.if %cond3A_12 {
      %mul3A_13 = arith.constant 80 : i32
      %mul3A_14 = arith.muli %mul3A_8, %mul3A_13 : i32
      %add3A_15 = arith.constant 0 : i32
      %add3A_16 = arith.addi %add3A_15, %mul3A_14 : i32
      %mul3A_17 = arith.constant 80 : i32
      %mul3A_18 = arith.muli %mul3A_8, %mul3A_17 : i32
      %add3A_19 = arith.constant 171840 : i32
      %add3A_20 = arith.addi %add3A_19, %mul3A_18 : i32
      %mul3A_21 = arith.constant 80 : i32
      %mul3A_22 = arith.muli %mul3A_8, %mul3A_21 : i32
      %add3A_23 = arith.constant 343680 : i32
      %add3A_24 = arith.addi %add3A_23, %mul3A_22 : i32
      %mul3A_25 = arith.constant 80 : i32
      %mul3A_26 = arith.muli %mul3A_8, %mul3A_25 : i32
      %add3A_27 = arith.constant 515520 : i32
      %add3A_28 = arith.addi %add3A_27, %mul3A_26 : i32
      %dma_start3A = tpu.memref_slice %arg3[%add3A_16] : memref<687360xi32, #tpu.memory_space<hbm>> -> memref<80xi32, #tpu.memory_space<hbm>>
      %dma_start3A_29 = tpu.memref_slice %arg3[%add3A_16] : memref<687360xi32, #tpu.memory_space<hbm>> -> memref<80xi32, #tpu.memory_space<hbm>>
      tpu.enqueue_dma source(%dma_start3A_29 : memref<80xi32, #tpu.memory_space<hbm>>) target(%arg5 : memref<80xi32, #tpu.memory_space<vmem>>) target_semaphore(%arg21 : memref<!tpu.dma_semaphore, #tpu.memory_space<semaphore_mem>>)
      %dma_start3A_30 = tpu.memref_slice %arg3[%add3A_20] : memref<687360xi32, #tpu.memory_space<hbm>> -> memref<80xi32, #tpu.memory_space<hbm>>
      %dma_start3A_31 = tpu.memref_slice %arg3[%add3A_20] : memref<687360xi32, #tpu.memory_space<hbm>> -> memref<80xi32, #tpu.memory_space<hbm>>
      tpu.enqueue_dma source(%dma_start3A_31 : memref<80xi32, #tpu.memory_space<hbm>>) target(%arg6 : memref<80xi32, #tpu.memory_space<vmem>>) target_semaphore(%arg21 : memref<!tpu.dma_semaphore, #tpu.memory_space<semaphore_mem>>)
      %dma_start3A_32 = tpu.memref_slice %arg3[%add3A_24] : memref<687360xi32, #tpu.memory_space<hbm>> -> memref<80xi32, #tpu.memory_space<hbm>>
      %dma_start3A_33 = tpu.memref_slice %arg3[%add3A_24] : memref<687360xi32, #tpu.memory_space<hbm>> -> memref<80xi32, #tpu.memory_space<hbm>>
      tpu.enqueue_dma source(%dma_start3A_33 : memref<80xi32, #tpu.memory_space<hbm>>) target(%arg7 : memref<80xi32, #tpu.memory_space<vmem>>) target_semaphore(%arg21 : memref<!tpu.dma_semaphore, #tpu.memory_space<semaphore_mem>>)
      %dma_start3A_34 = tpu.memref_slice %arg3[%add3A_28] : memref<687360xi32, #tpu.memory_space<hbm>> -> memref<80xi32, #tpu.memory_space<hbm>>
      %dma_start3A_35 = tpu.memref_slice %arg3[%add3A_28] : memref<687360xi32, #tpu.memory_space<hbm>> -> memref<80xi32, #tpu.memory_space<hbm>>
      tpu.enqueue_dma source(%dma_start3A_35 : memref<80xi32, #tpu.memory_space<hbm>>) target(%arg8 : memref<80xi32, #tpu.memory_space<vmem>>) target_semaphore(%arg21 : memref<!tpu.dma_semaphore, #tpu.memory_space<semaphore_mem>>)
      %mul3A_36 = arith.constant 80 : i32
      %mul3A_37 = arith.muli %mul3A_8, %mul3A_36 : i32
      %add3A_38 = arith.constant 0 : i32
      %add3A_39 = arith.addi %add3A_38, %mul3A_37 : i32
      %mul3A_40 = arith.constant 80 : i32
      %mul3A_41 = arith.muli %mul3A_8, %mul3A_40 : i32
      %add3A_42 = arith.constant 171840 : i32
      %add3A_43 = arith.addi %add3A_42, %mul3A_41 : i32
      %mul3A_44 = arith.constant 80 : i32
      %mul3A_45 = arith.muli %mul3A_8, %mul3A_44 : i32
      %add3A_46 = arith.constant 343680 : i32
      %add3A_47 = arith.addi %add3A_46, %mul3A_45 : i32
      %mul3A_48 = arith.constant 80 : i32
      %mul3A_49 = arith.muli %mul3A_8, %mul3A_48 : i32
      %add3A_50 = arith.constant 515520 : i32
      %add3A_51 = arith.addi %add3A_50, %mul3A_49 : i32
      %dma_wait3A = tpu.memref_slice %arg3[%add3A_39] : memref<687360xi32, #tpu.memory_space<hbm>> -> memref<80xi32, #tpu.memory_space<hbm>>
      %dma_wait3A_52 = tpu.memref_slice %arg3[%add3A_39] : memref<687360xi32, #tpu.memory_space<hbm>> -> memref<80xi32, #tpu.memory_space<hbm>>
      tpu.wait_dma2 semaphore(%arg21 : memref<!tpu.dma_semaphore, #tpu.memory_space<semaphore_mem>>) src(%dma_wait3A_52 : memref<80xi32, #tpu.memory_space<hbm>>) dst(%arg5 : memref<80xi32, #tpu.memory_space<vmem>>)
      %dma_wait3A_53 = tpu.memref_slice %arg3[%add3A_43] : memref<687360xi32, #tpu.memory_space<hbm>> -> memref<80xi32, #tpu.memory_space<hbm>>
      %dma_wait3A_54 = tpu.memref_slice %arg3[%add3A_43] : memref<687360xi32, #tpu.memory_space<hbm>> -> memref<80xi32, #tpu.memory_space<hbm>>
      tpu.wait_dma2 semaphore(%arg21 : memref<!tpu.dma_semaphore, #tpu.memory_space<semaphore_mem>>) src(%dma_wait3A_54 : memref<80xi32, #tpu.memory_space<hbm>>) dst(%arg6 : memref<80xi32, #tpu.memory_space<vmem>>)
      %dma_wait3A_55 = tpu.memref_slice %arg3[%add3A_47] : memref<687360xi32, #tpu.memory_space<hbm>> -> memref<80xi32, #tpu.memory_space<hbm>>
      %dma_wait3A_56 = tpu.memref_slice %arg3[%add3A_47] : memref<687360xi32, #tpu.memory_space<hbm>> -> memref<80xi32, #tpu.memory_space<hbm>>
      tpu.wait_dma2 semaphore(%arg21 : memref<!tpu.dma_semaphore, #tpu.memory_space<semaphore_mem>>) src(%dma_wait3A_56 : memref<80xi32, #tpu.memory_space<hbm>>) dst(%arg7 : memref<80xi32, #tpu.memory_space<vmem>>)
      %dma_wait3A_57 = tpu.memref_slice %arg3[%add3A_51] : memref<687360xi32, #tpu.memory_space<hbm>> -> memref<80xi32, #tpu.memory_space<hbm>>
      %dma_wait3A_58 = tpu.memref_slice %arg3[%add3A_51] : memref<687360xi32, #tpu.memory_space<hbm>> -> memref<80xi32, #tpu.memory_space<hbm>>
      tpu.wait_dma2 semaphore(%arg21 : memref<!tpu.dma_semaphore, #tpu.memory_space<semaphore_mem>>) src(%dma_wait3A_58 : memref<80xi32, #tpu.memory_space<hbm>>) dst(%arg8 : memref<80xi32, #tpu.memory_space<vmem>>)
      %dma_start3A_59 = arith.constant 0 : i32
      %dma_start3A_60 = arith.constant 0 : i32
      %dma_start3A_61 = tpu.memref_slice %arg2[%dma_start3A_59, %dma_start3A_60] : memref<160000x128xf32, #tpu.memory_space<hbm>> -> memref<160000x128xf32, #tpu.memory_space<hbm>>
      tpu.enqueue_indirect_dma source(%dma_start3A_61 : memref<160000x128xf32, #tpu.memory_space<hbm>>) target(%arg13 : memref<80x128xf32, #tpu.memory_space<vmem>>) offsets(%arg5 : memref<80xi32, #tpu.memory_space<vmem>>) semaphore(%arg23 : memref<!tpu.dma_semaphore, #tpu.memory_space<semaphore_mem>>)
      %dma_start3A_62 = arith.constant 0 : i32
      %dma_start3A_63 = arith.constant 0 : i32
      %dma_start3A_64 = tpu.memref_slice %arg2[%dma_start3A_62, %dma_start3A_63] : memref<160000x128xf32, #tpu.memory_space<hbm>> -> memref<160000x128xf32, #tpu.memory_space<hbm>>
      tpu.enqueue_indirect_dma source(%dma_start3A_64 : memref<160000x128xf32, #tpu.memory_space<hbm>>) target(%arg14 : memref<80x128xf32, #tpu.memory_space<vmem>>) offsets(%arg6 : memref<80xi32, #tpu.memory_space<vmem>>) semaphore(%arg23 : memref<!tpu.dma_semaphore, #tpu.memory_space<semaphore_mem>>)
      %dma_start3A_65 = arith.constant 0 : i32
      %dma_start3A_66 = arith.constant 0 : i32
      %dma_start3A_67 = tpu.memref_slice %arg2[%dma_start3A_65, %dma_start3A_66] : memref<160000x128xf32, #tpu.memory_space<hbm>> -> memref<160000x128xf32, #tpu.memory_space<hbm>>
      tpu.enqueue_indirect_dma source(%dma_start3A_67 : memref<160000x128xf32, #tpu.memory_space<hbm>>) target(%arg15 : memref<80x128xf32, #tpu.memory_space<vmem>>) offsets(%arg7 : memref<80xi32, #tpu.memory_space<vmem>>) semaphore(%arg23 : memref<!tpu.dma_semaphore, #tpu.memory_space<semaphore_mem>>)
      %dma_start3A_68 = arith.constant 0 : i32
      %dma_start3A_69 = arith.constant 0 : i32
      %dma_start3A_70 = tpu.memref_slice %arg2[%dma_start3A_68, %dma_start3A_69] : memref<160000x128xf32, #tpu.memory_space<hbm>> -> memref<160000x128xf32, #tpu.memory_space<hbm>>
      tpu.enqueue_indirect_dma source(%dma_start3A_70 : memref<160000x128xf32, #tpu.memory_space<hbm>>) target(%arg16 : memref<80x128xf32, #tpu.memory_space<vmem>>) offsets(%arg8 : memref<80xi32, #tpu.memory_space<vmem>>) semaphore(%arg23 : memref<!tpu.dma_semaphore, #tpu.memory_space<semaphore_mem>>)
      %add3A_71 = arith.constant 1 : i32
      %add3A_72 = arith.addi %mul3A_8, %add3A_71 : i32
      %mul3A_73 = arith.constant 80 : i32
      %mul3A_74 = arith.muli %add3A_72, %mul3A_73 : i32
      %add3A_75 = arith.constant 0 : i32
      %add3A_76 = arith.addi %add3A_75, %mul3A_74 : i32
      %mul3A_77 = arith.constant 80 : i32
      %mul3A_78 = arith.muli %add3A_72, %mul3A_77 : i32
      %add3A_79 = arith.constant 171840 : i32
      %add3A_80 = arith.addi %add3A_79, %mul3A_78 : i32
      %mul3A_81 = arith.constant 80 : i32
      %mul3A_82 = arith.muli %add3A_72, %mul3A_81 : i32
      %add3A_83 = arith.constant 343680 : i32
      %add3A_84 = arith.addi %add3A_83, %mul3A_82 : i32
      %mul3A_85 = arith.constant 80 : i32
      %mul3A_86 = arith.muli %add3A_72, %mul3A_85 : i32
      %add3A_87 = arith.constant 515520 : i32
      %add3A_88 = arith.addi %add3A_87, %mul3A_86 : i32
      %dma_start3A_89 = tpu.memref_slice %arg3[%add3A_76] : memref<687360xi32, #tpu.memory_space<hbm>> -> memref<80xi32, #tpu.memory_space<hbm>>
      %dma_start3A_90 = tpu.memref_slice %arg3[%add3A_76] : memref<687360xi32, #tpu.memory_space<hbm>> -> memref<80xi32, #tpu.memory_space<hbm>>
      tpu.enqueue_dma source(%dma_start3A_90 : memref<80xi32, #tpu.memory_space<hbm>>) target(%arg9 : memref<80xi32, #tpu.memory_space<vmem>>) target_semaphore(%arg22 : memref<!tpu.dma_semaphore, #tpu.memory_space<semaphore_mem>>)
      %dma_start3A_91 = tpu.memref_slice %arg3[%add3A_80] : memref<687360xi32, #tpu.memory_space<hbm>> -> memref<80xi32, #tpu.memory_space<hbm>>
      %dma_start3A_92 = tpu.memref_slice %arg3[%add3A_80] : memref<687360xi32, #tpu.memory_space<hbm>> -> memref<80xi32, #tpu.memory_space<hbm>>
      tpu.enqueue_dma source(%dma_start3A_92 : memref<80xi32, #tpu.memory_space<hbm>>) target(%arg10 : memref<80xi32, #tpu.memory_space<vmem>>) target_semaphore(%arg22 : memref<!tpu.dma_semaphore, #tpu.memory_space<semaphore_mem>>)
      %dma_start3A_93 = tpu.memref_slice %arg3[%add3A_84] : memref<687360xi32, #tpu.memory_space<hbm>> -> memref<80xi32, #tpu.memory_space<hbm>>
      %dma_start3A_94 = tpu.memref_slice %arg3[%add3A_84] : memref<687360xi32, #tpu.memory_space<hbm>> -> memref<80xi32, #tpu.memory_space<hbm>>
      tpu.enqueue_dma source(%dma_start3A_94 : memref<80xi32, #tpu.memory_space<hbm>>) target(%arg11 : memref<80xi32, #tpu.memory_space<vmem>>) target_semaphore(%arg22 : memref<!tpu.dma_semaphore, #tpu.memory_space<semaphore_mem>>)
      %dma_start3A_95 = tpu.memref_slice %arg3[%add3A_88] : memref<687360xi32, #tpu.memory_space<hbm>> -> memref<80xi32, #tpu.memory_space<hbm>>
      %dma_start3A_96 = tpu.memref_slice %arg3[%add3A_88] : memref<687360xi32, #tpu.memory_space<hbm>> -> memref<80xi32, #tpu.memory_space<hbm>>
      tpu.enqueue_dma source(%dma_start3A_96 : memref<80xi32, #tpu.memory_space<hbm>>) target(%arg12 : memref<80xi32, #tpu.memory_space<vmem>>) target_semaphore(%arg22 : memref<!tpu.dma_semaphore, #tpu.memory_space<semaphore_mem>>)
      %sub3A = arith.constant 0 : i32
      %sub3A_97 = arith.subi %select_n3A, %sub3A : i32
      %sub3A_98 = arith.constant 1 : i32
      %sub3A_99 = arith.constant 1 : i32
      %sub3A_100 = arith.subi %sub3A_98, %sub3A_99 : i32
      %add3A_101 = arith.addi %sub3A_97, %sub3A_100 : i32
      %div3A = arith.constant 1 : i32
      %div3A_102 = arith.divsi %add3A_101, %div3A : i32
      %while3A = arith.constant 1 : i32
      %while3A_103 = arith.constant 0 : i32
      %while3A_104 = arith.constant 0 : i32
      %while3A_105 = arith.subi %div3A_102, %while3A_104 : i32
      %while3A_106 = arith.addi %while3A_104, %while3A_105 : i32
      %while3A_107 = arith.constant 1 : i32
      %while3A_108 = arith.divsi %while3A_105, %while3A_107 : i32
      %while3A_109 = arith.muli %while3A_108, %while3A_107 : i32
      %while3A_110 = arith.addi %while3A_104, %while3A_109 : i32
      %while3A_111 = arith.constant 1 : i32
      scf.for %while3A_136 = %while3A_104 to %while3A_110 step %while3A_111  : i32 {
        %mul3A_137 = arith.muli %while3A_136, %while3A : i32
        %add3A_138 = arith.addi %while3A_103, %mul3A_137 : i32
        %mul3A_139 = arith.constant 2 : i32
        %mul3A_140 = arith.muli %add3A_138, %mul3A_139 : i32
        %add3A_141 = arith.addi %mul3A_8, %mul3A_140 : i32
        %ge3A = arith.constant 1 : i32
        %ge3A_142 = arith.cmpi sge, %add3A_138, %ge3A : i32
        %convert_element_type3A_143 = arith.extui %ge3A_142 : i1 to i32
        %cond3A_144 = arith.constant 0 : i32
        %cond3A_145 = arith.cmpi ne, %convert_element_type3A_143, %cond3A_144 : i32
        scf.if %cond3A_145 {
          %sub3A_290 = arith.constant 1 : i32
          %sub3A_291 = arith.subi %add3A_141, %sub3A_290 : i32
          %mul3A_292 = arith.constant 80 : i32
          %mul3A_293 = arith.muli %sub3A_291, %mul3A_292 : i32
          %dma_wait3A_294 = arith.constant 0 : i32
          %dma_wait3A_295 = tpu.memref_slice %arg4[%mul3A_293, %dma_wait3A_294] : memref<163840x512xf32, #tpu.memory_space<hbm>> -> memref<80x128xf32, #tpu.memory_space<hbm>>
          %dma_wait3A_296 = arith.constant 0 : i32
          %dma_wait3A_297 = tpu.memref_slice %arg4[%mul3A_293, %dma_wait3A_296] : memref<163840x512xf32, #tpu.memory_space<hbm>> -> memref<80x128xf32, #tpu.memory_space<hbm>>
          tpu.wait_dma2 semaphore(%arg26 : memref<!tpu.dma_semaphore, #tpu.memory_space<semaphore_mem>>) src(%arg17 : memref<80x128xf32, #tpu.memory_space<vmem>>) dst(%dma_wait3A_297 : memref<80x128xf32, #tpu.memory_space<hbm>>)
          %dma_wait3A_298 = arith.constant 128 : i32
          %dma_wait3A_299 = tpu.memref_slice %arg4[%mul3A_293, %dma_wait3A_298] : memref<163840x512xf32, #tpu.memory_space<hbm>> -> memref<80x128xf32, #tpu.memory_space<hbm>>
          %dma_wait3A_300 = arith.constant 128 : i32
          %dma_wait3A_301 = tpu.memref_slice %arg4[%mul3A_293, %dma_wait3A_300] : memref<163840x512xf32, #tpu.memory_space<hbm>> -> memref<80x128xf32, #tpu.memory_space<hbm>>
          tpu.wait_dma2 semaphore(%arg26 : memref<!tpu.dma_semaphore, #tpu.memory_space<semaphore_mem>>) src(%arg18 : memref<80x128xf32, #tpu.memory_space<vmem>>) dst(%dma_wait3A_301 : memref<80x128xf32, #tpu.memory_space<hbm>>)
          %dma_wait3A_302 = arith.constant 256 : i32
          %dma_wait3A_303 = tpu.memref_slice %arg4[%mul3A_293, %dma_wait3A_302] : memref<163840x512xf32, #tpu.memory_space<hbm>> -> memref<80x128xf32, #tpu.memory_space<hbm>>
          %dma_wait3A_304 = arith.constant 256 : i32
          %dma_wait3A_305 = tpu.memref_slice %arg4[%mul3A_293, %dma_wait3A_304] : memref<163840x512xf32, #tpu.memory_space<hbm>> -> memref<80x128xf32, #tpu.memory_space<hbm>>
          tpu.wait_dma2 semaphore(%arg26 : memref<!tpu.dma_semaphore, #tpu.memory_space<semaphore_mem>>) src(%arg19 : memref<80x128xf32, #tpu.memory_space<vmem>>) dst(%dma_wait3A_305 : memref<80x128xf32, #tpu.memory_space<hbm>>)
          %dma_wait3A_306 = arith.constant 384 : i32
          %dma_wait3A_307 = tpu.memref_slice %arg4[%mul3A_293, %dma_wait3A_306] : memref<163840x512xf32, #tpu.memory_space<hbm>> -> memref<80x128xf32, #tpu.memory_space<hbm>>
          %dma_wait3A_308 = arith.constant 384 : i32
          %dma_wait3A_309 = tpu.memref_slice %arg4[%mul3A_293, %dma_wait3A_308] : memref<163840x512xf32, #tpu.memory_space<hbm>> -> memref<80x128xf32, #tpu.memory_space<hbm>>
          tpu.wait_dma2 semaphore(%arg26 : memref<!tpu.dma_semaphore, #tpu.memory_space<semaphore_mem>>) src(%arg20 : memref<80x128xf32, #tpu.memory_space<vmem>>) dst(%dma_wait3A_309 : memref<80x128xf32, #tpu.memory_space<hbm>>)
        } else {
        }
        %add3A_146 = arith.constant 1 : i32
        %add3A_147 = arith.addi %add3A_141, %add3A_146 : i32
        %mul3A_148 = arith.constant 80 : i32
        %mul3A_149 = arith.muli %add3A_147, %mul3A_148 : i32
        %add3A_150 = arith.constant 0 : i32
        %add3A_151 = arith.addi %add3A_150, %mul3A_149 : i32
        %mul3A_152 = arith.constant 80 : i32
        %mul3A_153 = arith.muli %add3A_147, %mul3A_152 : i32
        %add3A_154 = arith.constant 171840 : i32
        %add3A_155 = arith.addi %add3A_154, %mul3A_153 : i32
        %mul3A_156 = arith.constant 80 : i32
        %mul3A_157 = arith.muli %add3A_147, %mul3A_156 : i32
        %add3A_158 = arith.constant 343680 : i32
        %add3A_159 = arith.addi %add3A_158, %mul3A_157 : i32
        %mul3A_160 = arith.constant 80 : i32
        %mul3A_161 = arith.muli %add3A_147, %mul3A_160 : i32
        %add3A_162 = arith.constant 515520 : i32
        %add3A_163 = arith.addi %add3A_162, %mul3A_161 : i32
        %dma_wait3A_164 = tpu.memref_slice %arg3[%add3A_151] : memref<687360xi32, #tpu.memory_space<hbm>> -> memref<80xi32, #tpu.memory_space<hbm>>
        %dma_wait3A_165 = tpu.memref_slice %arg3[%add3A_151] : memref<687360xi32, #tpu.memory_space<hbm>> -> memref<80xi32, #tpu.memory_space<hbm>>
        tpu.wait_dma2 semaphore(%arg22 : memref<!tpu.dma_semaphore, #tpu.memory_space<semaphore_mem>>) src(%dma_wait3A_165 : memref<80xi32, #tpu.memory_space<hbm>>) dst(%arg9 : memref<80xi32, #tpu.memory_space<vmem>>)
        %dma_wait3A_166 = tpu.memref_slice %arg3[%add3A_155] : memref<687360xi32, #tpu.memory_space<hbm>> -> memref<80xi32, #tpu.memory_space<hbm>>
        %dma_wait3A_167 = tpu.memref_slice %arg3[%add3A_155] : memref<687360xi32, #tpu.memory_space<hbm>> -> memref<80xi32, #tpu.memory_space<hbm>>
        tpu.wait_dma2 semaphore(%arg22 : memref<!tpu.dma_semaphore, #tpu.memory_space<semaphore_mem>>) src(%dma_wait3A_167 : memref<80xi32, #tpu.memory_space<hbm>>) dst(%arg10 : memref<80xi32, #tpu.memory_space<vmem>>)
        %dma_wait3A_168 = tpu.memref_slice %arg3[%add3A_159] : memref<687360xi32, #tpu.memory_space<hbm>> -> memref<80xi32, #tpu.memory_space<hbm>>
        %dma_wait3A_169 = tpu.memref_slice %arg3[%add3A_159] : memref<687360xi32, #tpu.memory_space<hbm>> -> memref<80xi32, #tpu.memory_space<hbm>>
        tpu.wait_dma2 semaphore(%arg22 : memref<!tpu.dma_semaphore, #tpu.memory_space<semaphore_mem>>) src(%dma_wait3A_169 : memref<80xi32, #tpu.memory_space<hbm>>) dst(%arg11 : memref<80xi32, #tpu.memory_space<vmem>>)
        %dma_wait3A_170 = tpu.memref_slice %arg3[%add3A_163] : memref<687360xi32, #tpu.memory_space<hbm>> -> memref<80xi32, #tpu.memory_space<hbm>>
        %dma_wait3A_171 = tpu.memref_slice %arg3[%add3A_163] : memref<687360xi32, #tpu.memory_space<hbm>> -> memref<80xi32, #tpu.memory_space<hbm>>
        tpu.wait_dma2 semaphore(%arg22 : memref<!tpu.dma_semaphore, #tpu.memory_space<semaphore_mem>>) src(%dma_wait3A_171 : memref<80xi32, #tpu.memory_space<hbm>>) dst(%arg12 : memref<80xi32, #tpu.memory_space<vmem>>)
        %dma_start3A_172 = arith.constant 0 : i32
        %dma_start3A_173 = arith.constant 0 : i32
        %dma_start3A_174 = tpu.memref_slice %arg2[%dma_start3A_172, %dma_start3A_173] : memref<160000x128xf32, #tpu.memory_space<hbm>> -> memref<160000x128xf32, #tpu.memory_space<hbm>>
        tpu.enqueue_indirect_dma source(%dma_start3A_174 : memref<160000x128xf32, #tpu.memory_space<hbm>>) target(%arg17 : memref<80x128xf32, #tpu.memory_space<vmem>>) offsets(%arg9 : memref<80xi32, #tpu.memory_space<vmem>>) semaphore(%arg24 : memref<!tpu.dma_semaphore, #tpu.memory_space<semaphore_mem>>)
        %dma_start3A_175 = arith.constant 0 : i32
        %dma_start3A_176 = arith.constant 0 : i32
        %dma_start3A_177 = tpu.memref_slice %arg2[%dma_start3A_175, %dma_start3A_176] : memref<160000x128xf32, #tpu.memory_space<hbm>> -> memref<160000x128xf32, #tpu.memory_space<hbm>>
        tpu.enqueue_indirect_dma source(%dma_start3A_177 : memref<160000x128xf32, #tpu.memory_space<hbm>>) target(%arg18 : memref<80x128xf32, #tpu.memory_space<vmem>>) offsets(%arg10 : memref<80xi32, #tpu.memory_space<vmem>>) semaphore(%arg24 : memref<!tpu.dma_semaphore, #tpu.memory_space<semaphore_mem>>)
        %dma_start3A_178 = arith.constant 0 : i32
        %dma_start3A_179 = arith.constant 0 : i32
        %dma_start3A_180 = tpu.memref_slice %arg2[%dma_start3A_178, %dma_start3A_179] : memref<160000x128xf32, #tpu.memory_space<hbm>> -> memref<160000x128xf32, #tpu.memory_space<hbm>>
        tpu.enqueue_indirect_dma source(%dma_start3A_180 : memref<160000x128xf32, #tpu.memory_space<hbm>>) target(%arg19 : memref<80x128xf32, #tpu.memory_space<vmem>>) offsets(%arg11 : memref<80xi32, #tpu.memory_space<vmem>>) semaphore(%arg24 : memref<!tpu.dma_semaphore, #tpu.memory_space<semaphore_mem>>)
        %dma_start3A_181 = arith.constant 0 : i32
        %dma_start3A_182 = arith.constant 0 : i32
        %dma_start3A_183 = tpu.memref_slice %arg2[%dma_start3A_181, %dma_start3A_182] : memref<160000x128xf32, #tpu.memory_space<hbm>> -> memref<160000x128xf32, #tpu.memory_space<hbm>>
        tpu.enqueue_indirect_dma source(%dma_start3A_183 : memref<160000x128xf32, #tpu.memory_space<hbm>>) target(%arg20 : memref<80x128xf32, #tpu.memory_space<vmem>>) offsets(%arg12 : memref<80xi32, #tpu.memory_space<vmem>>) semaphore(%arg24 : memref<!tpu.dma_semaphore, #tpu.memory_space<semaphore_mem>>)
        %dma_wait3A_184 = arith.constant 0 : i32
        %dma_wait3A_185 = arith.constant 0 : i32
        %dma_wait3A_186 = tpu.memref_slice %arg2[%dma_wait3A_184, %dma_wait3A_185] : memref<160000x128xf32, #tpu.memory_space<hbm>> -> memref<160000x128xf32, #tpu.memory_space<hbm>>
        tpu.wait_indirect_dma semaphore(%arg23 : memref<!tpu.dma_semaphore, #tpu.memory_space<semaphore_mem>>) src(%dma_wait3A_186 : memref<160000x128xf32, #tpu.memory_space<hbm>>) dst(%arg13 : memref<80x128xf32, #tpu.memory_space<vmem>>)
        %dma_wait3A_187 = arith.constant 0 : i32
        %dma_wait3A_188 = arith.constant 0 : i32
        %dma_wait3A_189 = tpu.memref_slice %arg2[%dma_wait3A_187, %dma_wait3A_188] : memref<160000x128xf32, #tpu.memory_space<hbm>> -> memref<160000x128xf32, #tpu.memory_space<hbm>>
        tpu.wait_indirect_dma semaphore(%arg23 : memref<!tpu.dma_semaphore, #tpu.memory_space<semaphore_mem>>) src(%dma_wait3A_189 : memref<160000x128xf32, #tpu.memory_space<hbm>>) dst(%arg14 : memref<80x128xf32, #tpu.memory_space<vmem>>)
        %dma_wait3A_190 = arith.constant 0 : i32
        %dma_wait3A_191 = arith.constant 0 : i32
        %dma_wait3A_192 = tpu.memref_slice %arg2[%dma_wait3A_190, %dma_wait3A_191] : memref<160000x128xf32, #tpu.memory_space<hbm>> -> memref<160000x128xf32, #tpu.memory_space<hbm>>
        tpu.wait_indirect_dma semaphore(%arg23 : memref<!tpu.dma_semaphore, #tpu.memory_space<semaphore_mem>>) src(%dma_wait3A_192 : memref<160000x128xf32, #tpu.memory_space<hbm>>) dst(%arg15 : memref<80x128xf32, #tpu.memory_space<vmem>>)
        %dma_wait3A_193 = arith.constant 0 : i32
        %dma_wait3A_194 = arith.constant 0 : i32
        %dma_wait3A_195 = tpu.memref_slice %arg2[%dma_wait3A_193, %dma_wait3A_194] : memref<160000x128xf32, #tpu.memory_space<hbm>> -> memref<160000x128xf32, #tpu.memory_space<hbm>>
        tpu.wait_indirect_dma semaphore(%arg23 : memref<!tpu.dma_semaphore, #tpu.memory_space<semaphore_mem>>) src(%dma_wait3A_195 : memref<160000x128xf32, #tpu.memory_space<hbm>>) dst(%arg16 : memref<80x128xf32, #tpu.memory_space<vmem>>)
        %add3A_196 = arith.constant 1 : i32
        %add3A_197 = arith.addi %add3A_138, %add3A_196 : i32
        %lt3A = arith.cmpi slt, %add3A_197, %select_n3A : i32
        %convert_element_type3A_198 = arith.extui %lt3A : i1 to i32
        %cond3A_199 = arith.constant 0 : i32
        %cond3A_200 = arith.cmpi ne, %convert_element_type3A_198, %cond3A_199 : i32
        scf.if %cond3A_200 {
          %add3A_290 = arith.constant 2 : i32
          %add3A_291 = arith.addi %add3A_141, %add3A_290 : i32
          %mul3A_292 = arith.constant 80 : i32
          %mul3A_293 = arith.muli %add3A_291, %mul3A_292 : i32
          %add3A_294 = arith.constant 0 : i32
          %add3A_295 = arith.addi %add3A_294, %mul3A_293 : i32
          %mul3A_296 = arith.constant 80 : i32
          %mul3A_297 = arith.muli %add3A_291, %mul3A_296 : i32
          %add3A_298 = arith.constant 171840 : i32
          %add3A_299 = arith.addi %add3A_298, %mul3A_297 : i32
          %mul3A_300 = arith.constant 80 : i32
          %mul3A_301 = arith.muli %add3A_291, %mul3A_300 : i32
          %add3A_302 = arith.constant 343680 : i32
          %add3A_303 = arith.addi %add3A_302, %mul3A_301 : i32
          %mul3A_304 = arith.constant 80 : i32
          %mul3A_305 = arith.muli %add3A_291, %mul3A_304 : i32
          %add3A_306 = arith.constant 515520 : i32
          %add3A_307 = arith.addi %add3A_306, %mul3A_305 : i32
          %dma_start3A_308 = tpu.memref_slice %arg3[%add3A_295] : memref<687360xi32, #tpu.memory_space<hbm>> -> memref<80xi32, #tpu.memory_space<hbm>>
          %dma_start3A_309 = tpu.memref_slice %arg3[%add3A_295] : memref<687360xi32, #tpu.memory_space<hbm>> -> memref<80xi32, #tpu.memory_space<hbm>>
          tpu.enqueue_dma source(%dma_start3A_309 : memref<80xi32, #tpu.memory_space<hbm>>) target(%arg5 : memref<80xi32, #tpu.memory_space<vmem>>) target_semaphore(%arg21 : memref<!tpu.dma_semaphore, #tpu.memory_space<semaphore_mem>>)
          %dma_start3A_310 = tpu.memref_slice %arg3[%add3A_299] : memref<687360xi32, #tpu.memory_space<hbm>> -> memref<80xi32, #tpu.memory_space<hbm>>
          %dma_start3A_311 = tpu.memref_slice %arg3[%add3A_299] : memref<687360xi32, #tpu.memory_space<hbm>> -> memref<80xi32, #tpu.memory_space<hbm>>
          tpu.enqueue_dma source(%dma_start3A_311 : memref<80xi32, #tpu.memory_space<hbm>>) target(%arg6 : memref<80xi32, #tpu.memory_space<vmem>>) target_semaphore(%arg21 : memref<!tpu.dma_semaphore, #tpu.memory_space<semaphore_mem>>)
          %dma_start3A_312 = tpu.memref_slice %arg3[%add3A_303] : memref<687360xi32, #tpu.memory_space<hbm>> -> memref<80xi32, #tpu.memory_space<hbm>>
          %dma_start3A_313 = tpu.memref_slice %arg3[%add3A_303] : memref<687360xi32, #tpu.memory_space<hbm>> -> memref<80xi32, #tpu.memory_space<hbm>>
          tpu.enqueue_dma source(%dma_start3A_313 : memref<80xi32, #tpu.memory_space<hbm>>) target(%arg7 : memref<80xi32, #tpu.memory_space<vmem>>) target_semaphore(%arg21 : memref<!tpu.dma_semaphore, #tpu.memory_space<semaphore_mem>>)
          %dma_start3A_314 = tpu.memref_slice %arg3[%add3A_307] : memref<687360xi32, #tpu.memory_space<hbm>> -> memref<80xi32, #tpu.memory_space<hbm>>
          %dma_start3A_315 = tpu.memref_slice %arg3[%add3A_307] : memref<687360xi32, #tpu.memory_space<hbm>> -> memref<80xi32, #tpu.memory_space<hbm>>
          tpu.enqueue_dma source(%dma_start3A_315 : memref<80xi32, #tpu.memory_space<hbm>>) target(%arg8 : memref<80xi32, #tpu.memory_space<vmem>>) target_semaphore(%arg21 : memref<!tpu.dma_semaphore, #tpu.memory_space<semaphore_mem>>)
        } else {
        }
        %scan3A = arith.constant 0 : i32
        %scan3A_201 = arith.constant 80 : i32
        %scan3A_202 = arith.addi %scan3A, %scan3A_201 : i32
        %scan3A_203 = arith.constant 1 : i32
        scf.for %scan3A_290 = %scan3A to %scan3A_202 step %scan3A_203  : i32 {
          %mul3A_291 = arith.constant 1 : i32
          %mul3A_292 = arith.muli %scan3A_290, %mul3A_291 : i32
          %add3A_293 = arith.constant 0 : i32
          %add3A_294 = arith.addi %add3A_293, %mul3A_292 : i32
          %scan3A_295 = arith.constant 0 : i32
          %scan3A_296 = arith.constant 8 : i32
          %scan3A_297 = arith.addi %scan3A_295, %scan3A_296 : i32
          %scan3A_298 = arith.constant 1 : i32
          scf.for %scan3A_300 = %scan3A_295 to %scan3A_297 step %scan3A_298  : i32 {
            %mul3A_301 = arith.constant 1 : i32
            %mul3A_302 = arith.muli %scan3A_300, %mul3A_301 : i32
            %add3A_303 = arith.constant 0 : i32
            %add3A_304 = arith.addi %add3A_303, %mul3A_302 : i32
            %mul3A_305 = arith.constant 16 : i32
            %mul3A_306 = arith.muli %add3A_304, %mul3A_305 : i32
            %get3A = arith.index_cast %add3A_294 : i32 to index
            %get3A_307 = arith.index_cast %mul3A_306 : i32 to index
            %get3A_308 = tpu.vector_load %arg13[%get3A, %get3A_307] {strides = array<i32>} : memref<80x128xf32, #tpu.memory_space<vmem>>, vector<1x16xf32>,
            %get3A_309 = vector.shape_cast %get3A_308 : vector<1x16xf32> to vector<16xf32>
            %get3A_310 = arith.index_cast %add3A_294 : i32 to index
            %get3A_311 = arith.index_cast %mul3A_306 : i32 to index
            %get3A_312 = tpu.vector_load %arg14[%get3A_310, %get3A_311] {strides = array<i32>} : memref<80x128xf32, #tpu.memory_space<vmem>>, vector<1x16xf32>,
            %get3A_313 = vector.shape_cast %get3A_312 : vector<1x16xf32> to vector<16xf32>
            %get3A_314 = arith.index_cast %add3A_294 : i32 to index
            %get3A_315 = arith.index_cast %mul3A_306 : i32 to index
            %get3A_316 = tpu.vector_load %arg15[%get3A_314, %get3A_315] {strides = array<i32>} : memref<80x128xf32, #tpu.memory_space<vmem>>, vector<1x16xf32>,
            %get3A_317 = vector.shape_cast %get3A_316 : vector<1x16xf32> to vector<16xf32>
            %get3A_318 = arith.index_cast %add3A_294 : i32 to index
            %get3A_319 = arith.index_cast %mul3A_306 : i32 to index
            %get3A_320 = tpu.vector_load %arg16[%get3A_318, %get3A_319] {strides = array<i32>} : memref<80x128xf32, #tpu.memory_space<vmem>>, vector<1x16xf32>,
            %get3A_321 = vector.shape_cast %get3A_320 : vector<1x16xf32> to vector<16xf32>
            %add3A_322 = arith.addf %get3A_309, %get3A_317 : vector<16xf32>
            %swap3A = arith.index_cast %add3A_294 : i32 to index
            %swap3A_323 = arith.index_cast %mul3A_306 : i32 to index
            %swap3A_324 = tpu.vector_load %arg13[%swap3A, %swap3A_323] {strides = array<i32>} : memref<80x128xf32, #tpu.memory_space<vmem>>, vector<1x16xf32>,
            %swap3A_325 = vector.shape_cast %swap3A_324 : vector<1x16xf32> to vector<16xf32>
            %swap3A_326 = vector.shape_cast %add3A_322 : vector<16xf32> to vector<1x16xf32>
            tpu.vector_store %arg13[%swap3A, %swap3A_323], %swap3A_326 {strides = array<i32>} : memref<80x128xf32, #tpu.memory_space<vmem>>, vector<1x16xf32>,
            %add3A_327 = arith.addf %get3A_313, %get3A_321 : vector<16xf32>
            %swap3A_328 = arith.index_cast %add3A_294 : i32 to index
            %swap3A_329 = arith.index_cast %mul3A_306 : i32 to index
            %swap3A_330 = tpu.vector_load %arg14[%swap3A_328, %swap3A_329] {strides = array<i32>} : memref<80x128xf32, #tpu.memory_space<vmem>>, vector<1x16xf32>,
            %swap3A_331 = vector.shape_cast %swap3A_330 : vector<1x16xf32> to vector<16xf32>
            %swap3A_332 = vector.shape_cast %add3A_327 : vector<16xf32> to vector<1x16xf32>
            tpu.vector_store %arg14[%swap3A_328, %swap3A_329], %swap3A_332 {strides = array<i32>} : memref<80x128xf32, #tpu.memory_space<vmem>>, vector<1x16xf32>,
            %sub3A_333 = arith.subf %get3A_309, %get3A_317 : vector<16xf32>
            %abs3A = math.absf %sub3A_333 : vector<16xf32>
            %swap3A_334 = arith.index_cast %add3A_294 : i32 to index
            %swap3A_335 = arith.index_cast %mul3A_306 : i32 to index
            %swap3A_336 = tpu.vector_load %arg15[%swap3A_334, %swap3A_335] {strides = array<i32>} : memref<80x128xf32, #tpu.memory_space<vmem>>, vector<1x16xf32>,
            %swap3A_337 = vector.shape_cast %swap3A_336 : vector<1x16xf32> to vector<16xf32>
            %swap3A_338 = vector.shape_cast %abs3A : vector<16xf32> to vector<1x16xf32>
            tpu.vector_store %arg15[%swap3A_334, %swap3A_335], %swap3A_338 {strides = array<i32>} : memref<80x128xf32, #tpu.memory_space<vmem>>, vector<1x16xf32>,
            %sub3A_339 = arith.subf %get3A_313, %get3A_321 : vector<16xf32>
            %abs3A_340 = math.absf %sub3A_339 : vector<16xf32>
            %swap3A_341 = arith.index_cast %add3A_294 : i32 to index
            %swap3A_342 = arith.index_cast %mul3A_306 : i32 to index
            %swap3A_343 = tpu.vector_load %arg16[%swap3A_341, %swap3A_342] {strides = array<i32>} : memref<80x128xf32, #tpu.memory_space<vmem>>, vector<1x16xf32>,
            %swap3A_344 = vector.shape_cast %swap3A_343 : vector<1x16xf32> to vector<16xf32>
            %swap3A_345 = vector.shape_cast %abs3A_340 : vector<16xf32> to vector<1x16xf32>
            tpu.vector_store %arg16[%swap3A_341, %swap3A_342], %swap3A_345 {strides = array<i32>} : memref<80x128xf32, #tpu.memory_space<vmem>>, vector<1x16xf32>,
          }
          %scan3A_299 = arith.constant 8 : i32
        }
        %scan3A_204 = arith.constant 80 : i32
        %mul3A_205 = arith.constant 80 : i32
        %mul3A_206 = arith.muli %add3A_141, %mul3A_205 : i32
        %dma_start3A_207 = arith.constant 0 : i32
        %dma_start3A_208 = tpu.memref_slice %arg4[%mul3A_206, %dma_start3A_207] : memref<163840x512xf32, #tpu.memory_space<hbm>> -> memref<80x128xf32, #tpu.memory_space<hbm>>
        %dma_start3A_209 = arith.constant 0 : i32
        %dma_start3A_210 = tpu.memref_slice %arg4[%mul3A_206, %dma_start3A_209] : memref<163840x512xf32, #tpu.memory_space<hbm>> -> memref<80x128xf32, #tpu.memory_space<hbm>>
        tpu.enqueue_dma source(%arg13 : memref<80x128xf32, #tpu.memory_space<vmem>>) target(%dma_start3A_210 : memref<80x128xf32, #tpu.memory_space<hbm>>) target_semaphore(%arg25 : memref<!tpu.dma_semaphore, #tpu.memory_space<semaphore_mem>>)
        %dma_start3A_211 = arith.constant 128 : i32
        %dma_start3A_212 = tpu.memref_slice %arg4[%mul3A_206, %dma_start3A_211] : memref<163840x512xf32, #tpu.memory_space<hbm>> -> memref<80x128xf32, #tpu.memory_space<hbm>>
        %dma_start3A_213 = arith.constant 128 : i32
        %dma_start3A_214 = tpu.memref_slice %arg4[%mul3A_206, %dma_start3A_213] : memref<163840x512xf32, #tpu.memory_space<hbm>> -> memref<80x128xf32, #tpu.memory_space<hbm>>
        tpu.enqueue_dma source(%arg14 : memref<80x128xf32, #tpu.memory_space<vmem>>) target(%dma_start3A_214 : memref<80x128xf32, #tpu.memory_space<hbm>>) target_semaphore(%arg25 : memref<!tpu.dma_semaphore, #tpu.memory_space<semaphore_mem>>)
        %dma_start3A_215 = arith.constant 256 : i32
        %dma_start3A_216 = tpu.memref_slice %arg4[%mul3A_206, %dma_start3A_215] : memref<163840x512xf32, #tpu.memory_space<hbm>> -> memref<80x128xf32, #tpu.memory_space<hbm>>
        %dma_start3A_217 = arith.constant 256 : i32
        %dma_start3A_218 = tpu.memref_slice %arg4[%mul3A_206, %dma_start3A_217] : memref<163840x512xf32, #tpu.memory_space<hbm>> -> memref<80x128xf32, #tpu.memory_space<hbm>>
        tpu.enqueue_dma source(%arg15 : memref<80x128xf32, #tpu.memory_space<vmem>>) target(%dma_start3A_218 : memref<80x128xf32, #tpu.memory_space<hbm>>) target_semaphore(%arg25 : memref<!tpu.dma_semaphore, #tpu.memory_space<semaphore_mem>>)
        %dma_start3A_219 = arith.constant 384 : i32
        %dma_start3A_220 = tpu.memref_slice %arg4[%mul3A_206, %dma_start3A_219] : memref<163840x512xf32, #tpu.memory_space<hbm>> -> memref<80x128xf32, #tpu.memory_space<hbm>>
        %dma_start3A_221 = arith.constant 384 : i32
        %dma_start3A_222 = tpu.memref_slice %arg4[%mul3A_206, %dma_start3A_221] : memref<163840x512xf32, #tpu.memory_space<hbm>> -> memref<80x128xf32, #tpu.memory_space<hbm>>
        tpu.enqueue_dma source(%arg16 : memref<80x128xf32, #tpu.memory_space<vmem>>) target(%dma_start3A_222 : memref<80x128xf32, #tpu.memory_space<hbm>>) target_semaphore(%arg25 : memref<!tpu.dma_semaphore, #tpu.memory_space<semaphore_mem>>)
        %mul3A_223 = arith.constant 80 : i32
        %mul3A_224 = arith.muli %add3A_141, %mul3A_223 : i32
        %dma_wait3A_225 = arith.constant 0 : i32
        %dma_wait3A_226 = tpu.memref_slice %arg4[%mul3A_224, %dma_wait3A_225] : memref<163840x512xf32, #tpu.memory_space<hbm>> -> memref<80x128xf32, #tpu.memory_space<hbm>>
        %dma_wait3A_227 = arith.constant 0 : i32
        %dma_wait3A_228 = tpu.memref_slice %arg4[%mul3A_224, %dma_wait3A_227] : memref<163840x512xf32, #tpu.memory_space<hbm>> -> memref<80x128xf32, #tpu.memory_space<hbm>>
        tpu.wait_dma2 semaphore(%arg25 : memref<!tpu.dma_semaphore, #tpu.memory_space<semaphore_mem>>) src(%arg13 : memref<80x128xf32, #tpu.memory_space<vmem>>) dst(%dma_wait3A_228 : memref<80x128xf32, #tpu.memory_space<hbm>>)
        %dma_wait3A_229 = arith.constant 128 : i32
        %dma_wait3A_230 = tpu.memref_slice %arg4[%mul3A_224, %dma_wait3A_229] : memref<163840x512xf32, #tpu.memory_space<hbm>> -> memref<80x128xf32, #tpu.memory_space<hbm>>
        %dma_wait3A_231 = arith.constant 128 : i32
        %dma_wait3A_232 = tpu.memref_slice %arg4[%mul3A_224, %dma_wait3A_231] : memref<163840x512xf32, #tpu.memory_space<hbm>> -> memref<80x128xf32, #tpu.memory_space<hbm>>
        tpu.wait_dma2 semaphore(%arg25 : memref<!tpu.dma_semaphore, #tpu.memory_space<semaphore_mem>>) src(%arg14 : memref<80x128xf32, #tpu.memory_space<vmem>>) dst(%dma_wait3A_232 : memref<80x128xf32, #tpu.memory_space<hbm>>)
        %dma_wait3A_233 = arith.constant 256 : i32
        %dma_wait3A_234 = tpu.memref_slice %arg4[%mul3A_224, %dma_wait3A_233] : memref<163840x512xf32, #tpu.memory_space<hbm>> -> memref<80x128xf32, #tpu.memory_space<hbm>>
        %dma_wait3A_235 = arith.constant 256 : i32
        %dma_wait3A_236 = tpu.memref_slice %arg4[%mul3A_224, %dma_wait3A_235] : memref<163840x512xf32, #tpu.memory_space<hbm>> -> memref<80x128xf32, #tpu.memory_space<hbm>>
        tpu.wait_dma2 semaphore(%arg25 : memref<!tpu.dma_semaphore, #tpu.memory_space<semaphore_mem>>) src(%arg15 : memref<80x128xf32, #tpu.memory_space<vmem>>) dst(%dma_wait3A_236 : memref<80x128xf32, #tpu.memory_space<hbm>>)
        %dma_wait3A_237 = arith.constant 384 : i32
        %dma_wait3A_238 = tpu.memref_slice %arg4[%mul3A_224, %dma_wait3A_237] : memref<163840x512xf32, #tpu.memory_space<hbm>> -> memref<80x128xf32, #tpu.memory_space<hbm>>
        %dma_wait3A_239 = arith.constant 384 : i32
        %dma_wait3A_240 = tpu.memref_slice %arg4[%mul3A_224, %dma_wait3A_239] : memref<163840x512xf32, #tpu.memory_space<hbm>> -> memref<80x128xf32, #tpu.memory_space<hbm>>
        tpu.wait_dma2 semaphore(%arg25 : memref<!tpu.dma_semaphore, #tpu.memory_space<semaphore_mem>>) src(%arg16 : memref<80x128xf32, #tpu.memory_space<vmem>>) dst(%dma_wait3A_240 : memref<80x128xf32, #tpu.memory_space<hbm>>)
        %add3A_241 = arith.constant 1 : i32
        %add3A_242 = arith.addi %add3A_138, %add3A_241 : i32
        %lt3A_243 = arith.cmpi slt, %add3A_242, %select_n3A : i32
        %convert_element_type3A_244 = arith.extui %lt3A_243 : i1 to i32
        %cond3A_245 = arith.constant 0 : i32
        %cond3A_246 = arith.cmpi ne, %convert_element_type3A_244, %cond3A_245 : i32
        scf.if %cond3A_246 {
          %add3A_290 = arith.constant 2 : i32
          %add3A_291 = arith.addi %add3A_141, %add3A_290 : i32
          %mul3A_292 = arith.constant 80 : i32
          %mul3A_293 = arith.muli %add3A_291, %mul3A_292 : i32
          %add3A_294 = arith.constant 0 : i32
          %add3A_295 = arith.addi %add3A_294, %mul3A_293 : i32
          %mul3A_296 = arith.constant 80 : i32
          %mul3A_297 = arith.muli %add3A_291, %mul3A_296 : i32
          %add3A_298 = arith.constant 171840 : i32
          %add3A_299 = arith.addi %add3A_298, %mul3A_297 : i32
          %mul3A_300 = arith.constant 80 : i32
          %mul3A_301 = arith.muli %add3A_291, %mul3A_300 : i32
          %add3A_302 = arith.constant 343680 : i32
          %add3A_303 = arith.addi %add3A_302, %mul3A_301 : i32
          %mul3A_304 = arith.constant 80 : i32
          %mul3A_305 = arith.muli %add3A_291, %mul3A_304 : i32
          %add3A_306 = arith.constant 515520 : i32
          %add3A_307 = arith.addi %add3A_306, %mul3A_305 : i32
          %dma_wait3A_308 = tpu.memref_slice %arg3[%add3A_295] : memref<687360xi32, #tpu.memory_space<hbm>> -> memref<80xi32, #tpu.memory_space<hbm>>
          %dma_wait3A_309 = tpu.memref_slice %arg3[%add3A_295] : memref<687360xi32, #tpu.memory_space<hbm>> -> memref<80xi32, #tpu.memory_space<hbm>>
          tpu.wait_dma2 semaphore(%arg21 : memref<!tpu.dma_semaphore, #tpu.memory_space<semaphore_mem>>) src(%dma_wait3A_309 : memref<80xi32, #tpu.memory_space<hbm>>) dst(%arg5 : memref<80xi32, #tpu.memory_space<vmem>>)
          %dma_wait3A_310 = tpu.memref_slice %arg3[%add3A_299] : memref<687360xi32, #tpu.memory_space<hbm>> -> memref<80xi32, #tpu.memory_space<hbm>>
          %dma_wait3A_311 = tpu.memref_slice %arg3[%add3A_299] : memref<687360xi32, #tpu.memory_space<hbm>> -> memref<80xi32, #tpu.memory_space<hbm>>
          tpu.wait_dma2 semaphore(%arg21 : memref<!tpu.dma_semaphore, #tpu.memory_space<semaphore_mem>>) src(%dma_wait3A_311 : memref<80xi32, #tpu.memory_space<hbm>>) dst(%arg6 : memref<80xi32, #tpu.memory_space<vmem>>)
          %dma_wait3A_312 = tpu.memref_slice %arg3[%add3A_303] : memref<687360xi32, #tpu.memory_space<hbm>> -> memref<80xi32, #tpu.memory_space<hbm>>
          %dma_wait3A_313 = tpu.memref_slice %arg3[%add3A_303] : memref<687360xi32, #tpu.memory_space<hbm>> -> memref<80xi32, #tpu.memory_space<hbm>>
          tpu.wait_dma2 semaphore(%arg21 : memref<!tpu.dma_semaphore, #tpu.memory_space<semaphore_mem>>) src(%dma_wait3A_313 : memref<80xi32, #tpu.memory_space<hbm>>) dst(%arg7 : memref<80xi32, #tpu.memory_space<vmem>>)
          %dma_wait3A_314 = tpu.memref_slice %arg3[%add3A_307] : memref<687360xi32, #tpu.memory_space<hbm>> -> memref<80xi32, #tpu.memory_space<hbm>>
          %dma_wait3A_315 = tpu.memref_slice %arg3[%add3A_307] : memref<687360xi32, #tpu.memory_space<hbm>> -> memref<80xi32, #tpu.memory_space<hbm>>
          tpu.wait_dma2 semaphore(%arg21 : memref<!tpu.dma_semaphore, #tpu.memory_space<semaphore_mem>>) src(%dma_wait3A_315 : memref<80xi32, #tpu.memory_space<hbm>>) dst(%arg8 : memref<80xi32, #tpu.memory_space<vmem>>)
          %dma_start3A_316 = arith.constant 0 : i32
          %dma_start3A_317 = arith.constant 0 : i32
          %dma_start3A_318 = tpu.memref_slice %arg2[%dma_start3A_316, %dma_start3A_317] : memref<160000x128xf32, #tpu.memory_space<hbm>> -> memref<160000x128xf32, #tpu.memory_space<hbm>>
          tpu.enqueue_indirect_dma source(%dma_start3A_318 : memref<160000x128xf32, #tpu.memory_space<hbm>>) target(%arg13 : memref<80x128xf32, #tpu.memory_space<vmem>>) offsets(%arg5 : memref<80xi32, #tpu.memory_space<vmem>>) semaphore(%arg23 : memref<!tpu.dma_semaphore, #tpu.memory_space<semaphore_mem>>)
          %dma_start3A_319 = arith.constant 0 : i32
          %dma_start3A_320 = arith.constant 0 : i32
          %dma_start3A_321 = tpu.memref_slice %arg2[%dma_start3A_319, %dma_start3A_320] : memref<160000x128xf32, #tpu.memory_space<hbm>> -> memref<160000x128xf32, #tpu.memory_space<hbm>>
          tpu.enqueue_indirect_dma source(%dma_start3A_321 : memref<160000x128xf32, #tpu.memory_space<hbm>>) target(%arg14 : memref<80x128xf32, #tpu.memory_space<vmem>>) offsets(%arg6 : memref<80xi32, #tpu.memory_space<vmem>>) semaphore(%arg23 : memref<!tpu.dma_semaphore, #tpu.memory_space<semaphore_mem>>)
          %dma_start3A_322 = arith.constant 0 : i32
          %dma_start3A_323 = arith.constant 0 : i32
          %dma_start3A_324 = tpu.memref_slice %arg2[%dma_start3A_322, %dma_start3A_323] : memref<160000x128xf32, #tpu.memory_space<hbm>> -> memref<160000x128xf32, #tpu.memory_space<hbm>>
          tpu.enqueue_indirect_dma source(%dma_start3A_324 : memref<160000x128xf32, #tpu.memory_space<hbm>>) target(%arg15 : memref<80x128xf32, #tpu.memory_space<vmem>>) offsets(%arg7 : memref<80xi32, #tpu.memory_space<vmem>>) semaphore(%arg23 : memref<!tpu.dma_semaphore, #tpu.memory_space<semaphore_mem>>)
          %dma_start3A_325 = arith.constant 0 : i32
          %dma_start3A_326 = arith.constant 0 : i32
          %dma_start3A_327 = tpu.memref_slice %arg2[%dma_start3A_325, %dma_start3A_326] : memref<160000x128xf32, #tpu.memory_space<hbm>> -> memref<160000x128xf32, #tpu.memory_space<hbm>>
          tpu.enqueue_indirect_dma source(%dma_start3A_327 : memref<160000x128xf32, #tpu.memory_space<hbm>>) target(%arg16 : memref<80x128xf32, #tpu.memory_space<vmem>>) offsets(%arg8 : memref<80xi32, #tpu.memory_space<vmem>>) semaphore(%arg23 : memref<!tpu.dma_semaphore, #tpu.memory_space<semaphore_mem>>)
        } else {
        }
        %dma_wait3A_247 = arith.constant 0 : i32
        %dma_wait3A_248 = arith.constant 0 : i32
        %dma_wait3A_249 = tpu.memref_slice %arg2[%dma_wait3A_247, %dma_wait3A_248] : memref<160000x128xf32, #tpu.memory_space<hbm>> -> memref<160000x128xf32, #tpu.memory_space<hbm>>
        tpu.wait_indirect_dma semaphore(%arg24 : memref<!tpu.dma_semaphore, #tpu.memory_space<semaphore_mem>>) src(%dma_wait3A_249 : memref<160000x128xf32, #tpu.memory_space<hbm>>) dst(%arg17 : memref<80x128xf32, #tpu.memory_space<vmem>>)
        %dma_wait3A_250 = arith.constant 0 : i32
        %dma_wait3A_251 = arith.constant 0 : i32
        %dma_wait3A_252 = tpu.memref_slice %arg2[%dma_wait3A_250, %dma_wait3A_251] : memref<160000x128xf32, #tpu.memory_space<hbm>> -> memref<160000x128xf32, #tpu.memory_space<hbm>>
        tpu.wait_indirect_dma semaphore(%arg24 : memref<!tpu.dma_semaphore, #tpu.memory_space<semaphore_mem>>) src(%dma_wait3A_252 : memref<160000x128xf32, #tpu.memory_space<hbm>>) dst(%arg18 : memref<80x128xf32, #tpu.memory_space<vmem>>)
        %dma_wait3A_253 = arith.constant 0 : i32
        %dma_wait3A_254 = arith.constant 0 : i32
        %dma_wait3A_255 = tpu.memref_slice %arg2[%dma_wait3A_253, %dma_wait3A_254] : memref<160000x128xf32, #tpu.memory_space<hbm>> -> memref<160000x128xf32, #tpu.memory_space<hbm>>
        tpu.wait_indirect_dma semaphore(%arg24 : memref<!tpu.dma_semaphore, #tpu.memory_space<semaphore_mem>>) src(%dma_wait3A_255 : memref<160000x128xf32, #tpu.memory_space<hbm>>) dst(%arg19 : memref<80x128xf32, #tpu.memory_space<vmem>>)
        %dma_wait3A_256 = arith.constant 0 : i32
        %dma_wait3A_257 = arith.constant 0 : i32
        %dma_wait3A_258 = tpu.memref_slice %arg2[%dma_wait3A_256, %dma_wait3A_257] : memref<160000x128xf32, #tpu.memory_space<hbm>> -> memref<160000x128xf32, #tpu.memory_space<hbm>>
        tpu.wait_indirect_dma semaphore(%arg24 : memref<!tpu.dma_semaphore, #tpu.memory_space<semaphore_mem>>) src(%dma_wait3A_258 : memref<160000x128xf32, #tpu.memory_space<hbm>>) dst(%arg20 : memref<80x128xf32, #tpu.memory_space<vmem>>)
        %add3A_259 = arith.constant 1 : i32
        %add3A_260 = arith.addi %add3A_138, %add3A_259 : i32
        %lt3A_261 = arith.cmpi slt, %add3A_260, %select_n3A : i32
        %convert_element_type3A_262 = arith.extui %lt3A_261 : i1 to i32
        %cond3A_263 = arith.constant 0 : i32
        %cond3A_264 = arith.cmpi ne, %convert_element_type3A_262, %cond3A_263 : i32
        scf.if %cond3A_264 {
          %add3A_290 = arith.constant 3 : i32
          %add3A_291 = arith.addi %add3A_141, %add3A_290 : i32
          %mul3A_292 = arith.constant 80 : i32
          %mul3A_293 = arith.muli %add3A_291, %mul3A_292 : i32
          %add3A_294 = arith.constant 0 : i32
          %add3A_295 = arith.addi %add3A_294, %mul3A_293 : i32
          %mul3A_296 = arith.constant 80 : i32
          %mul3A_297 = arith.muli %add3A_291, %mul3A_296 : i32
          %add3A_298 = arith.constant 171840 : i32
          %add3A_299 = arith.addi %add3A_298, %mul3A_297 : i32
          %mul3A_300 = arith.constant 80 : i32
          %mul3A_301 = arith.muli %add3A_291, %mul3A_300 : i32
          %add3A_302 = arith.constant 343680 : i32
          %add3A_303 = arith.addi %add3A_302, %mul3A_301 : i32
          %mul3A_304 = arith.constant 80 : i32
          %mul3A_305 = arith.muli %add3A_291, %mul3A_304 : i32
          %add3A_306 = arith.constant 515520 : i32
          %add3A_307 = arith.addi %add3A_306, %mul3A_305 : i32
          %dma_start3A_308 = tpu.memref_slice %arg3[%add3A_295] : memref<687360xi32, #tpu.memory_space<hbm>> -> memref<80xi32, #tpu.memory_space<hbm>>
          %dma_start3A_309 = tpu.memref_slice %arg3[%add3A_295] : memref<687360xi32, #tpu.memory_space<hbm>> -> memref<80xi32, #tpu.memory_space<hbm>>
          tpu.enqueue_dma source(%dma_start3A_309 : memref<80xi32, #tpu.memory_space<hbm>>) target(%arg9 : memref<80xi32, #tpu.memory_space<vmem>>) target_semaphore(%arg22 : memref<!tpu.dma_semaphore, #tpu.memory_space<semaphore_mem>>)
          %dma_start3A_310 = tpu.memref_slice %arg3[%add3A_299] : memref<687360xi32, #tpu.memory_space<hbm>> -> memref<80xi32, #tpu.memory_space<hbm>>
          %dma_start3A_311 = tpu.memref_slice %arg3[%add3A_299] : memref<687360xi32, #tpu.memory_space<hbm>> -> memref<80xi32, #tpu.memory_space<hbm>>
          tpu.enqueue_dma source(%dma_start3A_311 : memref<80xi32, #tpu.memory_space<hbm>>) target(%arg10 : memref<80xi32, #tpu.memory_space<vmem>>) target_semaphore(%arg22 : memref<!tpu.dma_semaphore, #tpu.memory_space<semaphore_mem>>)
          %dma_start3A_312 = tpu.memref_slice %arg3[%add3A_303] : memref<687360xi32, #tpu.memory_space<hbm>> -> memref<80xi32, #tpu.memory_space<hbm>>
          %dma_start3A_313 = tpu.memref_slice %arg3[%add3A_303] : memref<687360xi32, #tpu.memory_space<hbm>> -> memref<80xi32, #tpu.memory_space<hbm>>
          tpu.enqueue_dma source(%dma_start3A_313 : memref<80xi32, #tpu.memory_space<hbm>>) target(%arg11 : memref<80xi32, #tpu.memory_space<vmem>>) target_semaphore(%arg22 : memref<!tpu.dma_semaphore, #tpu.memory_space<semaphore_mem>>)
          %dma_start3A_314 = tpu.memref_slice %arg3[%add3A_307] : memref<687360xi32, #tpu.memory_space<hbm>> -> memref<80xi32, #tpu.memory_space<hbm>>
          %dma_start3A_315 = tpu.memref_slice %arg3[%add3A_307] : memref<687360xi32, #tpu.memory_space<hbm>> -> memref<80xi32, #tpu.memory_space<hbm>>
          tpu.enqueue_dma source(%dma_start3A_315 : memref<80xi32, #tpu.memory_space<hbm>>) target(%arg12 : memref<80xi32, #tpu.memory_space<vmem>>) target_semaphore(%arg22 : memref<!tpu.dma_semaphore, #tpu.memory_space<semaphore_mem>>)
        } else {
        }
        %scan3A_265 = arith.constant 0 : i32
        %scan3A_266 = arith.constant 80 : i32
        %scan3A_267 = arith.addi %scan3A_265, %scan3A_266 : i32
        %scan3A_268 = arith.constant 1 : i32
        scf.for %scan3A_290 = %scan3A_265 to %scan3A_267 step %scan3A_268  : i32 {
          %mul3A_291 = arith.constant 1 : i32
          %mul3A_292 = arith.muli %scan3A_290, %mul3A_291 : i32
          %add3A_293 = arith.constant 0 : i32
          %add3A_294 = arith.addi %add3A_293, %mul3A_292 : i32
          %scan3A_295 = arith.constant 0 : i32
          %scan3A_296 = arith.constant 8 : i32
          %scan3A_297 = arith.addi %scan3A_295, %scan3A_296 : i32
          %scan3A_298 = arith.constant 1 : i32
          scf.for %scan3A_300 = %scan3A_295 to %scan3A_297 step %scan3A_298  : i32 {
            %mul3A_301 = arith.constant 1 : i32
            %mul3A_302 = arith.muli %scan3A_300, %mul3A_301 : i32
            %add3A_303 = arith.constant 0 : i32
            %add3A_304 = arith.addi %add3A_303, %mul3A_302 : i32
            %mul3A_305 = arith.constant 16 : i32
            %mul3A_306 = arith.muli %add3A_304, %mul3A_305 : i32
            %get3A = arith.index_cast %add3A_294 : i32 to index
            %get3A_307 = arith.index_cast %mul3A_306 : i32 to index
            %get3A_308 = tpu.vector_load %arg17[%get3A, %get3A_307] {strides = array<i32>} : memref<80x128xf32, #tpu.memory_space<vmem>>, vector<1x16xf32>,
            %get3A_309 = vector.shape_cast %get3A_308 : vector<1x16xf32> to vector<16xf32>
            %get3A_310 = arith.index_cast %add3A_294 : i32 to index
            %get3A_311 = arith.index_cast %mul3A_306 : i32 to index
            %get3A_312 = tpu.vector_load %arg18[%get3A_310, %get3A_311] {strides = array<i32>} : memref<80x128xf32, #tpu.memory_space<vmem>>, vector<1x16xf32>,
            %get3A_313 = vector.shape_cast %get3A_312 : vector<1x16xf32> to vector<16xf32>
            %get3A_314 = arith.index_cast %add3A_294 : i32 to index
            %get3A_315 = arith.index_cast %mul3A_306 : i32 to index
            %get3A_316 = tpu.vector_load %arg19[%get3A_314, %get3A_315] {strides = array<i32>} : memref<80x128xf32, #tpu.memory_space<vmem>>, vector<1x16xf32>,
            %get3A_317 = vector.shape_cast %get3A_316 : vector<1x16xf32> to vector<16xf32>
            %get3A_318 = arith.index_cast %add3A_294 : i32 to index
            %get3A_319 = arith.index_cast %mul3A_306 : i32 to index
            %get3A_320 = tpu.vector_load %arg20[%get3A_318, %get3A_319] {strides = array<i32>} : memref<80x128xf32, #tpu.memory_space<vmem>>, vector<1x16xf32>,
            %get3A_321 = vector.shape_cast %get3A_320 : vector<1x16xf32> to vector<16xf32>
            %add3A_322 = arith.addf %get3A_309, %get3A_317 : vector<16xf32>
            %swap3A = arith.index_cast %add3A_294 : i32 to index
            %swap3A_323 = arith.index_cast %mul3A_306 : i32 to index
            %swap3A_324 = tpu.vector_load %arg17[%swap3A, %swap3A_323] {strides = array<i32>} : memref<80x128xf32, #tpu.memory_space<vmem>>, vector<1x16xf32>,
            %swap3A_325 = vector.shape_cast %swap3A_324 : vector<1x16xf32> to vector<16xf32>
            %swap3A_326 = vector.shape_cast %add3A_322 : vector<16xf32> to vector<1x16xf32>
            tpu.vector_store %arg17[%swap3A, %swap3A_323], %swap3A_326 {strides = array<i32>} : memref<80x128xf32, #tpu.memory_space<vmem>>, vector<1x16xf32>,
            %add3A_327 = arith.addf %get3A_313, %get3A_321 : vector<16xf32>
            %swap3A_328 = arith.index_cast %add3A_294 : i32 to index
            %swap3A_329 = arith.index_cast %mul3A_306 : i32 to index
            %swap3A_330 = tpu.vector_load %arg18[%swap3A_328, %swap3A_329] {strides = array<i32>} : memref<80x128xf32, #tpu.memory_space<vmem>>, vector<1x16xf32>,
            %swap3A_331 = vector.shape_cast %swap3A_330 : vector<1x16xf32> to vector<16xf32>
            %swap3A_332 = vector.shape_cast %add3A_327 : vector<16xf32> to vector<1x16xf32>
            tpu.vector_store %arg18[%swap3A_328, %swap3A_329], %swap3A_332 {strides = array<i32>} : memref<80x128xf32, #tpu.memory_space<vmem>>, vector<1x16xf32>,
            %sub3A_333 = arith.subf %get3A_309, %get3A_317 : vector<16xf32>
            %abs3A = math.absf %sub3A_333 : vector<16xf32>
            %swap3A_334 = arith.index_cast %add3A_294 : i32 to index
            %swap3A_335 = arith.index_cast %mul3A_306 : i32 to index
            %swap3A_336 = tpu.vector_load %arg19[%swap3A_334, %swap3A_335] {strides = array<i32>} : memref<80x128xf32, #tpu.memory_space<vmem>>, vector<1x16xf32>,
            %swap3A_337 = vector.shape_cast %swap3A_336 : vector<1x16xf32> to vector<16xf32>
            %swap3A_338 = vector.shape_cast %abs3A : vector<16xf32> to vector<1x16xf32>
            tpu.vector_store %arg19[%swap3A_334, %swap3A_335], %swap3A_338 {strides = array<i32>} : memref<80x128xf32, #tpu.memory_space<vmem>>, vector<1x16xf32>,
            %sub3A_339 = arith.subf %get3A_313, %get3A_321 : vector<16xf32>
            %abs3A_340 = math.absf %sub3A_339 : vector<16xf32>
            %swap3A_341 = arith.index_cast %add3A_294 : i32 to index
            %swap3A_342 = arith.index_cast %mul3A_306 : i32 to index
            %swap3A_343 = tpu.vector_load %arg20[%swap3A_341, %swap3A_342] {strides = array<i32>} : memref<80x128xf32, #tpu.memory_space<vmem>>, vector<1x16xf32>,
            %swap3A_344 = vector.shape_cast %swap3A_343 : vector<1x16xf32> to vector<16xf32>
            %swap3A_345 = vector.shape_cast %abs3A_340 : vector<16xf32> to vector<1x16xf32>
            tpu.vector_store %arg20[%swap3A_341, %swap3A_342], %swap3A_345 {strides = array<i32>} : memref<80x128xf32, #tpu.memory_space<vmem>>, vector<1x16xf32>,
          }
          %scan3A_299 = arith.constant 8 : i32
        }
        %scan3A_269 = arith.constant 80 : i32
        %add3A_270 = arith.constant 1 : i32
        %add3A_271 = arith.addi %add3A_141, %add3A_270 : i32
        %mul3A_272 = arith.constant 80 : i32
        %mul3A_273 = arith.muli %add3A_271, %mul3A_272 : i32
        %dma_start3A_274 = arith.constant 0 : i32
        %dma_start3A_275 = tpu.memref_slice %arg4[%mul3A_273, %dma_start3A_274] : memref<163840x512xf32, #tpu.memory_space<hbm>> -> memref<80x128xf32, #tpu.memory_space<hbm>>
        %dma_start3A_276 = arith.constant 0 : i32
        %dma_start3A_277 = tpu.memref_slice %arg4[%mul3A_273, %dma_start3A_276] : memref<163840x512xf32, #tpu.memory_space<hbm>> -> memref<80x128xf32, #tpu.memory_space<hbm>>
        tpu.enqueue_dma source(%arg17 : memref<80x128xf32, #tpu.memory_space<vmem>>) target(%dma_start3A_277 : memref<80x128xf32, #tpu.memory_space<hbm>>) target_semaphore(%arg26 : memref<!tpu.dma_semaphore, #tpu.memory_space<semaphore_mem>>)
        %dma_start3A_278 = arith.constant 128 : i32
        %dma_start3A_279 = tpu.memref_slice %arg4[%mul3A_273, %dma_start3A_278] : memref<163840x512xf32, #tpu.memory_space<hbm>> -> memref<80x128xf32, #tpu.memory_space<hbm>>
        %dma_start3A_280 = arith.constant 128 : i32
        %dma_start3A_281 = tpu.memref_slice %arg4[%mul3A_273, %dma_start3A_280] : memref<163840x512xf32, #tpu.memory_space<hbm>> -> memref<80x128xf32, #tpu.memory_space<hbm>>
        tpu.enqueue_dma source(%arg18 : memref<80x128xf32, #tpu.memory_space<vmem>>) target(%dma_start3A_281 : memref<80x128xf32, #tpu.memory_space<hbm>>) target_semaphore(%arg26 : memref<!tpu.dma_semaphore, #tpu.memory_space<semaphore_mem>>)
        %dma_start3A_282 = arith.constant 256 : i32
        %dma_start3A_283 = tpu.memref_slice %arg4[%mul3A_273, %dma_start3A_282] : memref<163840x512xf32, #tpu.memory_space<hbm>> -> memref<80x128xf32, #tpu.memory_space<hbm>>
        %dma_start3A_284 = arith.constant 256 : i32
        %dma_start3A_285 = tpu.memref_slice %arg4[%mul3A_273, %dma_start3A_284] : memref<163840x512xf32, #tpu.memory_space<hbm>> -> memref<80x128xf32, #tpu.memory_space<hbm>>
        tpu.enqueue_dma source(%arg19 : memref<80x128xf32, #tpu.memory_space<vmem>>) target(%dma_start3A_285 : memref<80x128xf32, #tpu.memory_space<hbm>>) target_semaphore(%arg26 : memref<!tpu.dma_semaphore, #tpu.memory_space<semaphore_mem>>)
        %dma_start3A_286 = arith.constant 384 : i32
        %dma_start3A_287 = tpu.memref_slice %arg4[%mul3A_273, %dma_start3A_286] : memref<163840x512xf32, #tpu.memory_space<hbm>> -> memref<80x128xf32, #tpu.memory_space<hbm>>
        %dma_start3A_288 = arith.constant 384 : i32
        %dma_start3A_289 = tpu.memref_slice %arg4[%mul3A_273, %dma_start3A_288] : memref<163840x512xf32, #tpu.memory_space<hbm>> -> memref<80x128xf32, #tpu.memory_space<hbm>>
        tpu.enqueue_dma source(%arg20 : memref<80x128xf32, #tpu.memory_space<vmem>>) target(%dma_start3A_289 : memref<80x128xf32, #tpu.memory_space<hbm>>) target_semaphore(%arg26 : memref<!tpu.dma_semaphore, #tpu.memory_space<semaphore_mem>>)
      }
      %while3A_112 = arith.constant 1 : i32
      scf.for %while3A_136 = %while3A_110 to %while3A_106 step %while3A_112  : i32 {
        %mul3A_137 = arith.muli %while3A_136, %while3A : i32
        %add3A_138 = arith.addi %while3A_103, %mul3A_137 : i32
        %mul3A_139 = arith.constant 2 : i32
        %mul3A_140 = arith.muli %add3A_138, %mul3A_139 : i32
        %add3A_141 = arith.addi %mul3A_8, %mul3A_140 : i32
        %ge3A = arith.constant 1 : i32
        %ge3A_142 = arith.cmpi sge, %add3A_138, %ge3A : i32
        %convert_element_type3A_143 = arith.extui %ge3A_142 : i1 to i32
        %cond3A_144 = arith.constant 0 : i32
        %cond3A_145 = arith.cmpi ne, %convert_element_type3A_143, %cond3A_144 : i32
        scf.if %cond3A_145 {
          %sub3A_290 = arith.constant 1 : i32
          %sub3A_291 = arith.subi %add3A_141, %sub3A_290 : i32
          %mul3A_292 = arith.constant 80 : i32
          %mul3A_293 = arith.muli %sub3A_291, %mul3A_292 : i32
          %dma_wait3A_294 = arith.constant 0 : i32
          %dma_wait3A_295 = tpu.memref_slice %arg4[%mul3A_293, %dma_wait3A_294] : memref<163840x512xf32, #tpu.memory_space<hbm>> -> memref<80x128xf32, #tpu.memory_space<hbm>>
          %dma_wait3A_296 = arith.constant 0 : i32
          %dma_wait3A_297 = tpu.memref_slice %arg4[%mul3A_293, %dma_wait3A_296] : memref<163840x512xf32, #tpu.memory_space<hbm>> -> memref<80x128xf32, #tpu.memory_space<hbm>>
          tpu.wait_dma2 semaphore(%arg26 : memref<!tpu.dma_semaphore, #tpu.memory_space<semaphore_mem>>) src(%arg17 : memref<80x128xf32, #tpu.memory_space<vmem>>) dst(%dma_wait3A_297 : memref<80x128xf32, #tpu.memory_space<hbm>>)
          %dma_wait3A_298 = arith.constant 128 : i32
          %dma_wait3A_299 = tpu.memref_slice %arg4[%mul3A_293, %dma_wait3A_298] : memref<163840x512xf32, #tpu.memory_space<hbm>> -> memref<80x128xf32, #tpu.memory_space<hbm>>
          %dma_wait3A_300 = arith.constant 128 : i32
          %dma_wait3A_301 = tpu.memref_slice %arg4[%mul3A_293, %dma_wait3A_300] : memref<163840x512xf32, #tpu.memory_space<hbm>> -> memref<80x128xf32, #tpu.memory_space<hbm>>
          tpu.wait_dma2 semaphore(%arg26 : memref<!tpu.dma_semaphore, #tpu.memory_space<semaphore_mem>>) src(%arg18 : memref<80x128xf32, #tpu.memory_space<vmem>>) dst(%dma_wait3A_301 : memref<80x128xf32, #tpu.memory_space<hbm>>)
          %dma_wait3A_302 = arith.constant 256 : i32
          %dma_wait3A_303 = tpu.memref_slice %arg4[%mul3A_293, %dma_wait3A_302] : memref<163840x512xf32, #tpu.memory_space<hbm>> -> memref<80x128xf32, #tpu.memory_space<hbm>>
          %dma_wait3A_304 = arith.constant 256 : i32
          %dma_wait3A_305 = tpu.memref_slice %arg4[%mul3A_293, %dma_wait3A_304] : memref<163840x512xf32, #tpu.memory_space<hbm>> -> memref<80x128xf32, #tpu.memory_space<hbm>>
          tpu.wait_dma2 semaphore(%arg26 : memref<!tpu.dma_semaphore, #tpu.memory_space<semaphore_mem>>) src(%arg19 : memref<80x128xf32, #tpu.memory_space<vmem>>) dst(%dma_wait3A_305 : memref<80x128xf32, #tpu.memory_space<hbm>>)
          %dma_wait3A_306 = arith.constant 384 : i32
          %dma_wait3A_307 = tpu.memref_slice %arg4[%mul3A_293, %dma_wait3A_306] : memref<163840x512xf32, #tpu.memory_space<hbm>> -> memref<80x128xf32, #tpu.memory_space<hbm>>
          %dma_wait3A_308 = arith.constant 384 : i32
          %dma_wait3A_309 = tpu.memref_slice %arg4[%mul3A_293, %dma_wait3A_308] : memref<163840x512xf32, #tpu.memory_space<hbm>> -> memref<80x128xf32, #tpu.memory_space<hbm>>
          tpu.wait_dma2 semaphore(%arg26 : memref<!tpu.dma_semaphore, #tpu.memory_space<semaphore_mem>>) src(%arg20 : memref<80x128xf32, #tpu.memory_space<vmem>>) dst(%dma_wait3A_309 : memref<80x128xf32, #tpu.memory_space<hbm>>)
        } else {
        }
        %add3A_146 = arith.constant 1 : i32
        %add3A_147 = arith.addi %add3A_141, %add3A_146 : i32
        %mul3A_148 = arith.constant 80 : i32
        %mul3A_149 = arith.muli %add3A_147, %mul3A_148 : i32
        %add3A_150 = arith.constant 0 : i32
        %add3A_151 = arith.addi %add3A_150, %mul3A_149 : i32
        %mul3A_152 = arith.constant 80 : i32
        %mul3A_153 = arith.muli %add3A_147, %mul3A_152 : i32
        %add3A_154 = arith.constant 171840 : i32
        %add3A_155 = arith.addi %add3A_154, %mul3A_153 : i32
        %mul3A_156 = arith.constant 80 : i32
        %mul3A_157 = arith.muli %add3A_147, %mul3A_156 : i32
        %add3A_158 = arith.constant 343680 : i32
        %add3A_159 = arith.addi %add3A_158, %mul3A_157 : i32
        %mul3A_160 = arith.constant 80 : i32
        %mul3A_161 = arith.muli %add3A_147, %mul3A_160 : i32
        %add3A_162 = arith.constant 515520 : i32
        %add3A_163 = arith.addi %add3A_162, %mul3A_161 : i32
        %dma_wait3A_164 = tpu.memref_slice %arg3[%add3A_151] : memref<687360xi32, #tpu.memory_space<hbm>> -> memref<80xi32, #tpu.memory_space<hbm>>
        %dma_wait3A_165 = tpu.memref_slice %arg3[%add3A_151] : memref<687360xi32, #tpu.memory_space<hbm>> -> memref<80xi32, #tpu.memory_space<hbm>>
        tpu.wait_dma2 semaphore(%arg22 : memref<!tpu.dma_semaphore, #tpu.memory_space<semaphore_mem>>) src(%dma_wait3A_165 : memref<80xi32, #tpu.memory_space<hbm>>) dst(%arg9 : memref<80xi32, #tpu.memory_space<vmem>>)
        %dma_wait3A_166 = tpu.memref_slice %arg3[%add3A_155] : memref<687360xi32, #tpu.memory_space<hbm>> -> memref<80xi32, #tpu.memory_space<hbm>>
        %dma_wait3A_167 = tpu.memref_slice %arg3[%add3A_155] : memref<687360xi32, #tpu.memory_space<hbm>> -> memref<80xi32, #tpu.memory_space<hbm>>
        tpu.wait_dma2 semaphore(%arg22 : memref<!tpu.dma_semaphore, #tpu.memory_space<semaphore_mem>>) src(%dma_wait3A_167 : memref<80xi32, #tpu.memory_space<hbm>>) dst(%arg10 : memref<80xi32, #tpu.memory_space<vmem>>)
        %dma_wait3A_168 = tpu.memref_slice %arg3[%add3A_159] : memref<687360xi32, #tpu.memory_space<hbm>> -> memref<80xi32, #tpu.memory_space<hbm>>
        %dma_wait3A_169 = tpu.memref_slice %arg3[%add3A_159] : memref<687360xi32, #tpu.memory_space<hbm>> -> memref<80xi32, #tpu.memory_space<hbm>>
        tpu.wait_dma2 semaphore(%arg22 : memref<!tpu.dma_semaphore, #tpu.memory_space<semaphore_mem>>) src(%dma_wait3A_169 : memref<80xi32, #tpu.memory_space<hbm>>) dst(%arg11 : memref<80xi32, #tpu.memory_space<vmem>>)
        %dma_wait3A_170 = tpu.memref_slice %arg3[%add3A_163] : memref<687360xi32, #tpu.memory_space<hbm>> -> memref<80xi32, #tpu.memory_space<hbm>>
        %dma_wait3A_171 = tpu.memref_slice %arg3[%add3A_163] : memref<687360xi32, #tpu.memory_space<hbm>> -> memref<80xi32, #tpu.memory_space<hbm>>
        tpu.wait_dma2 semaphore(%arg22 : memref<!tpu.dma_semaphore, #tpu.memory_space<semaphore_mem>>) src(%dma_wait3A_171 : memref<80xi32, #tpu.memory_space<hbm>>) dst(%arg12 : memref<80xi32, #tpu.memory_space<vmem>>)
        %dma_start3A_172 = arith.constant 0 : i32
        %dma_start3A_173 = arith.constant 0 : i32
        %dma_start3A_174 = tpu.memref_slice %arg2[%dma_start3A_172, %dma_start3A_173] : memref<160000x128xf32, #tpu.memory_space<hbm>> -> memref<160000x128xf32, #tpu.memory_space<hbm>>
        tpu.enqueue_indirect_dma source(%dma_start3A_174 : memref<160000x128xf32, #tpu.memory_space<hbm>>) target(%arg17 : memref<80x128xf32, #tpu.memory_space<vmem>>) offsets(%arg9 : memref<80xi32, #tpu.memory_space<vmem>>) semaphore(%arg24 : memref<!tpu.dma_semaphore, #tpu.memory_space<semaphore_mem>>)
        %dma_start3A_175 = arith.constant 0 : i32
        %dma_start3A_176 = arith.constant 0 : i32
        %dma_start3A_177 = tpu.memref_slice %arg2[%dma_start3A_175, %dma_start3A_176] : memref<160000x128xf32, #tpu.memory_space<hbm>> -> memref<160000x128xf32, #tpu.memory_space<hbm>>
        tpu.enqueue_indirect_dma source(%dma_start3A_177 : memref<160000x128xf32, #tpu.memory_space<hbm>>) target(%arg18 : memref<80x128xf32, #tpu.memory_space<vmem>>) offsets(%arg10 : memref<80xi32, #tpu.memory_space<vmem>>) semaphore(%arg24 : memref<!tpu.dma_semaphore, #tpu.memory_space<semaphore_mem>>)
        %dma_start3A_178 = arith.constant 0 : i32
        %dma_start3A_179 = arith.constant 0 : i32
        %dma_start3A_180 = tpu.memref_slice %arg2[%dma_start3A_178, %dma_start3A_179] : memref<160000x128xf32, #tpu.memory_space<hbm>> -> memref<160000x128xf32, #tpu.memory_space<hbm>>
        tpu.enqueue_indirect_dma source(%dma_start3A_180 : memref<160000x128xf32, #tpu.memory_space<hbm>>) target(%arg19 : memref<80x128xf32, #tpu.memory_space<vmem>>) offsets(%arg11 : memref<80xi32, #tpu.memory_space<vmem>>) semaphore(%arg24 : memref<!tpu.dma_semaphore, #tpu.memory_space<semaphore_mem>>)
        %dma_start3A_181 = arith.constant 0 : i32
        %dma_start3A_182 = arith.constant 0 : i32
        %dma_start3A_183 = tpu.memref_slice %arg2[%dma_start3A_181, %dma_start3A_182] : memref<160000x128xf32, #tpu.memory_space<hbm>> -> memref<160000x128xf32, #tpu.memory_space<hbm>>
        tpu.enqueue_indirect_dma source(%dma_start3A_183 : memref<160000x128xf32, #tpu.memory_space<hbm>>) target(%arg20 : memref<80x128xf32, #tpu.memory_space<vmem>>) offsets(%arg12 : memref<80xi32, #tpu.memory_space<vmem>>) semaphore(%arg24 : memref<!tpu.dma_semaphore, #tpu.memory_space<semaphore_mem>>)
        %dma_wait3A_184 = arith.constant 0 : i32
        %dma_wait3A_185 = arith.constant 0 : i32
        %dma_wait3A_186 = tpu.memref_slice %arg2[%dma_wait3A_184, %dma_wait3A_185] : memref<160000x128xf32, #tpu.memory_space<hbm>> -> memref<160000x128xf32, #tpu.memory_space<hbm>>
        tpu.wait_indirect_dma semaphore(%arg23 : memref<!tpu.dma_semaphore, #tpu.memory_space<semaphore_mem>>) src(%dma_wait3A_186 : memref<160000x128xf32, #tpu.memory_space<hbm>>) dst(%arg13 : memref<80x128xf32, #tpu.memory_space<vmem>>)
        %dma_wait3A_187 = arith.constant 0 : i32
        %dma_wait3A_188 = arith.constant 0 : i32
        %dma_wait3A_189 = tpu.memref_slice %arg2[%dma_wait3A_187, %dma_wait3A_188] : memref<160000x128xf32, #tpu.memory_space<hbm>> -> memref<160000x128xf32, #tpu.memory_space<hbm>>
        tpu.wait_indirect_dma semaphore(%arg23 : memref<!tpu.dma_semaphore, #tpu.memory_space<semaphore_mem>>) src(%dma_wait3A_189 : memref<160000x128xf32, #tpu.memory_space<hbm>>) dst(%arg14 : memref<80x128xf32, #tpu.memory_space<vmem>>)
        %dma_wait3A_190 = arith.constant 0 : i32
        %dma_wait3A_191 = arith.constant 0 : i32
        %dma_wait3A_192 = tpu.memref_slice %arg2[%dma_wait3A_190, %dma_wait3A_191] : memref<160000x128xf32, #tpu.memory_space<hbm>> -> memref<160000x128xf32, #tpu.memory_space<hbm>>
        tpu.wait_indirect_dma semaphore(%arg23 : memref<!tpu.dma_semaphore, #tpu.memory_space<semaphore_mem>>) src(%dma_wait3A_192 : memref<160000x128xf32, #tpu.memory_space<hbm>>) dst(%arg15 : memref<80x128xf32, #tpu.memory_space<vmem>>)
        %dma_wait3A_193 = arith.constant 0 : i32
        %dma_wait3A_194 = arith.constant 0 : i32
        %dma_wait3A_195 = tpu.memref_slice %arg2[%dma_wait3A_193, %dma_wait3A_194] : memref<160000x128xf32, #tpu.memory_space<hbm>> -> memref<160000x128xf32, #tpu.memory_space<hbm>>
        tpu.wait_indirect_dma semaphore(%arg23 : memref<!tpu.dma_semaphore, #tpu.memory_space<semaphore_mem>>) src(%dma_wait3A_195 : memref<160000x128xf32, #tpu.memory_space<hbm>>) dst(%arg16 : memref<80x128xf32, #tpu.memory_space<vmem>>)
        %add3A_196 = arith.constant 1 : i32
        %add3A_197 = arith.addi %add3A_138, %add3A_196 : i32
        %lt3A = arith.cmpi slt, %add3A_197, %select_n3A : i32
        %convert_element_type3A_198 = arith.extui %lt3A : i1 to i32
        %cond3A_199 = arith.constant 0 : i32
        %cond3A_200 = arith.cmpi ne, %convert_element_type3A_198, %cond3A_199 : i32
        scf.if %cond3A_200 {
          %add3A_290 = arith.constant 2 : i32
          %add3A_291 = arith.addi %add3A_141, %add3A_290 : i32
          %mul3A_292 = arith.constant 80 : i32
          %mul3A_293 = arith.muli %add3A_291, %mul3A_292 : i32
          %add3A_294 = arith.constant 0 : i32
          %add3A_295 = arith.addi %add3A_294, %mul3A_293 : i32
          %mul3A_296 = arith.constant 80 : i32
          %mul3A_297 = arith.muli %add3A_291, %mul3A_296 : i32
          %add3A_298 = arith.constant 171840 : i32
          %add3A_299 = arith.addi %add3A_298, %mul3A_297 : i32
          %mul3A_300 = arith.constant 80 : i32
          %mul3A_301 = arith.muli %add3A_291, %mul3A_300 : i32
          %add3A_302 = arith.constant 343680 : i32
          %add3A_303 = arith.addi %add3A_302, %mul3A_301 : i32
          %mul3A_304 = arith.constant 80 : i32
          %mul3A_305 = arith.muli %add3A_291, %mul3A_304 : i32
          %add3A_306 = arith.constant 515520 : i32
          %add3A_307 = arith.addi %add3A_306, %mul3A_305 : i32
          %dma_start3A_308 = tpu.memref_slice %arg3[%add3A_295] : memref<687360xi32, #tpu.memory_space<hbm>> -> memref<80xi32, #tpu.memory_space<hbm>>
          %dma_start3A_309 = tpu.memref_slice %arg3[%add3A_295] : memref<687360xi32, #tpu.memory_space<hbm>> -> memref<80xi32, #tpu.memory_space<hbm>>
          tpu.enqueue_dma source(%dma_start3A_309 : memref<80xi32, #tpu.memory_space<hbm>>) target(%arg5 : memref<80xi32, #tpu.memory_space<vmem>>) target_semaphore(%arg21 : memref<!tpu.dma_semaphore, #tpu.memory_space<semaphore_mem>>)
          %dma_start3A_310 = tpu.memref_slice %arg3[%add3A_299] : memref<687360xi32, #tpu.memory_space<hbm>> -> memref<80xi32, #tpu.memory_space<hbm>>
          %dma_start3A_311 = tpu.memref_slice %arg3[%add3A_299] : memref<687360xi32, #tpu.memory_space<hbm>> -> memref<80xi32, #tpu.memory_space<hbm>>
          tpu.enqueue_dma source(%dma_start3A_311 : memref<80xi32, #tpu.memory_space<hbm>>) target(%arg6 : memref<80xi32, #tpu.memory_space<vmem>>) target_semaphore(%arg21 : memref<!tpu.dma_semaphore, #tpu.memory_space<semaphore_mem>>)
          %dma_start3A_312 = tpu.memref_slice %arg3[%add3A_303] : memref<687360xi32, #tpu.memory_space<hbm>> -> memref<80xi32, #tpu.memory_space<hbm>>
          %dma_start3A_313 = tpu.memref_slice %arg3[%add3A_303] : memref<687360xi32, #tpu.memory_space<hbm>> -> memref<80xi32, #tpu.memory_space<hbm>>
          tpu.enqueue_dma source(%dma_start3A_313 : memref<80xi32, #tpu.memory_space<hbm>>) target(%arg7 : memref<80xi32, #tpu.memory_space<vmem>>) target_semaphore(%arg21 : memref<!tpu.dma_semaphore, #tpu.memory_space<semaphore_mem>>)
          %dma_start3A_314 = tpu.memref_slice %arg3[%add3A_307] : memref<687360xi32, #tpu.memory_space<hbm>> -> memref<80xi32, #tpu.memory_space<hbm>>
          %dma_start3A_315 = tpu.memref_slice %arg3[%add3A_307] : memref<687360xi32, #tpu.memory_space<hbm>> -> memref<80xi32, #tpu.memory_space<hbm>>
          tpu.enqueue_dma source(%dma_start3A_315 : memref<80xi32, #tpu.memory_space<hbm>>) target(%arg8 : memref<80xi32, #tpu.memory_space<vmem>>) target_semaphore(%arg21 : memref<!tpu.dma_semaphore, #tpu.memory_space<semaphore_mem>>)
        } else {
        }
        %scan3A = arith.constant 0 : i32
        %scan3A_201 = arith.constant 80 : i32
        %scan3A_202 = arith.addi %scan3A, %scan3A_201 : i32
        %scan3A_203 = arith.constant 1 : i32
        scf.for %scan3A_290 = %scan3A to %scan3A_202 step %scan3A_203  : i32 {
          %mul3A_291 = arith.constant 1 : i32
          %mul3A_292 = arith.muli %scan3A_290, %mul3A_291 : i32
          %add3A_293 = arith.constant 0 : i32
          %add3A_294 = arith.addi %add3A_293, %mul3A_292 : i32
          %scan3A_295 = arith.constant 0 : i32
          %scan3A_296 = arith.constant 8 : i32
          %scan3A_297 = arith.addi %scan3A_295, %scan3A_296 : i32
          %scan3A_298 = arith.constant 1 : i32
          scf.for %scan3A_300 = %scan3A_295 to %scan3A_297 step %scan3A_298  : i32 {
            %mul3A_301 = arith.constant 1 : i32
            %mul3A_302 = arith.muli %scan3A_300, %mul3A_301 : i32
            %add3A_303 = arith.constant 0 : i32
            %add3A_304 = arith.addi %add3A_303, %mul3A_302 : i32
            %mul3A_305 = arith.constant 16 : i32
            %mul3A_306 = arith.muli %add3A_304, %mul3A_305 : i32
            %get3A = arith.index_cast %add3A_294 : i32 to index
            %get3A_307 = arith.index_cast %mul3A_306 : i32 to index
            %get3A_308 = tpu.vector_load %arg13[%get3A, %get3A_307] {strides = array<i32>} : memref<80x128xf32, #tpu.memory_space<vmem>>, vector<1x16xf32>,
            %get3A_309 = vector.shape_cast %get3A_308 : vector<1x16xf32> to vector<16xf32>
            %get3A_310 = arith.index_cast %add3A_294 : i32 to index
            %get3A_311 = arith.index_cast %mul3A_306 : i32 to index
            %get3A_312 = tpu.vector_load %arg14[%get3A_310, %get3A_311] {strides = array<i32>} : memref<80x128xf32, #tpu.memory_space<vmem>>, vector<1x16xf32>,
            %get3A_313 = vector.shape_cast %get3A_312 : vector<1x16xf32> to vector<16xf32>
            %get3A_314 = arith.index_cast %add3A_294 : i32 to index
            %get3A_315 = arith.index_cast %mul3A_306 : i32 to index
            %get3A_316 = tpu.vector_load %arg15[%get3A_314, %get3A_315] {strides = array<i32>} : memref<80x128xf32, #tpu.memory_space<vmem>>, vector<1x16xf32>,
            %get3A_317 = vector.shape_cast %get3A_316 : vector<1x16xf32> to vector<16xf32>
            %get3A_318 = arith.index_cast %add3A_294 : i32 to index
            %get3A_319 = arith.index_cast %mul3A_306 : i32 to index
            %get3A_320 = tpu.vector_load %arg16[%get3A_318, %get3A_319] {strides = array<i32>} : memref<80x128xf32, #tpu.memory_space<vmem>>, vector<1x16xf32>,
            %get3A_321 = vector.shape_cast %get3A_320 : vector<1x16xf32> to vector<16xf32>
            %add3A_322 = arith.addf %get3A_309, %get3A_317 : vector<16xf32>
            %swap3A = arith.index_cast %add3A_294 : i32 to index
            %swap3A_323 = arith.index_cast %mul3A_306 : i32 to index
            %swap3A_324 = tpu.vector_load %arg13[%swap3A, %swap3A_323] {strides = array<i32>} : memref<80x128xf32, #tpu.memory_space<vmem>>, vector<1x16xf32>,
            %swap3A_325 = vector.shape_cast %swap3A_324 : vector<1x16xf32> to vector<16xf32>
            %swap3A_326 = vector.shape_cast %add3A_322 : vector<16xf32> to vector<1x16xf32>
            tpu.vector_store %arg13[%swap3A, %swap3A_323], %swap3A_326 {strides = array<i32>} : memref<80x128xf32, #tpu.memory_space<vmem>>, vector<1x16xf32>,
            %add3A_327 = arith.addf %get3A_313, %get3A_321 : vector<16xf32>
            %swap3A_328 = arith.index_cast %add3A_294 : i32 to index
            %swap3A_329 = arith.index_cast %mul3A_306 : i32 to index
            %swap3A_330 = tpu.vector_load %arg14[%swap3A_328, %swap3A_329] {strides = array<i32>} : memref<80x128xf32, #tpu.memory_space<vmem>>, vector<1x16xf32>,
            %swap3A_331 = vector.shape_cast %swap3A_330 : vector<1x16xf32> to vector<16xf32>
            %swap3A_332 = vector.shape_cast %add3A_327 : vector<16xf32> to vector<1x16xf32>
            tpu.vector_store %arg14[%swap3A_328, %swap3A_329], %swap3A_332 {strides = array<i32>} : memref<80x128xf32, #tpu.memory_space<vmem>>, vector<1x16xf32>,
            %sub3A_333 = arith.subf %get3A_309, %get3A_317 : vector<16xf32>
            %abs3A = math.absf %sub3A_333 : vector<16xf32>
            %swap3A_334 = arith.index_cast %add3A_294 : i32 to index
            %swap3A_335 = arith.index_cast %mul3A_306 : i32 to index
            %swap3A_336 = tpu.vector_load %arg15[%swap3A_334, %swap3A_335] {strides = array<i32>} : memref<80x128xf32, #tpu.memory_space<vmem>>, vector<1x16xf32>,
            %swap3A_337 = vector.shape_cast %swap3A_336 : vector<1x16xf32> to vector<16xf32>
            %swap3A_338 = vector.shape_cast %abs3A : vector<16xf32> to vector<1x16xf32>
            tpu.vector_store %arg15[%swap3A_334, %swap3A_335], %swap3A_338 {strides = array<i32>} : memref<80x128xf32, #tpu.memory_space<vmem>>, vector<1x16xf32>,
            %sub3A_339 = arith.subf %get3A_313, %get3A_321 : vector<16xf32>
            %abs3A_340 = math.absf %sub3A_339 : vector<16xf32>
            %swap3A_341 = arith.index_cast %add3A_294 : i32 to index
            %swap3A_342 = arith.index_cast %mul3A_306 : i32 to index
            %swap3A_343 = tpu.vector_load %arg16[%swap3A_341, %swap3A_342] {strides = array<i32>} : memref<80x128xf32, #tpu.memory_space<vmem>>, vector<1x16xf32>,
            %swap3A_344 = vector.shape_cast %swap3A_343 : vector<1x16xf32> to vector<16xf32>
            %swap3A_345 = vector.shape_cast %abs3A_340 : vector<16xf32> to vector<1x16xf32>
            tpu.vector_store %arg16[%swap3A_341, %swap3A_342], %swap3A_345 {strides = array<i32>} : memref<80x128xf32, #tpu.memory_space<vmem>>, vector<1x16xf32>,
          }
          %scan3A_299 = arith.constant 8 : i32
        }
        %scan3A_204 = arith.constant 80 : i32
        %mul3A_205 = arith.constant 80 : i32
        %mul3A_206 = arith.muli %add3A_141, %mul3A_205 : i32
        %dma_start3A_207 = arith.constant 0 : i32
        %dma_start3A_208 = tpu.memref_slice %arg4[%mul3A_206, %dma_start3A_207] : memref<163840x512xf32, #tpu.memory_space<hbm>> -> memref<80x128xf32, #tpu.memory_space<hbm>>
        %dma_start3A_209 = arith.constant 0 : i32
        %dma_start3A_210 = tpu.memref_slice %arg4[%mul3A_206, %dma_start3A_209] : memref<163840x512xf32, #tpu.memory_space<hbm>> -> memref<80x128xf32, #tpu.memory_space<hbm>>
        tpu.enqueue_dma source(%arg13 : memref<80x128xf32, #tpu.memory_space<vmem>>) target(%dma_start3A_210 : memref<80x128xf32, #tpu.memory_space<hbm>>) target_semaphore(%arg25 : memref<!tpu.dma_semaphore, #tpu.memory_space<semaphore_mem>>)
        %dma_start3A_211 = arith.constant 128 : i32
        %dma_start3A_212 = tpu.memref_slice %arg4[%mul3A_206, %dma_start3A_211] : memref<163840x512xf32, #tpu.memory_space<hbm>> -> memref<80x128xf32, #tpu.memory_space<hbm>>
        %dma_start3A_213 = arith.constant 128 : i32
        %dma_start3A_214 = tpu.memref_slice %arg4[%mul3A_206, %dma_start3A_213] : memref<163840x512xf32, #tpu.memory_space<hbm>> -> memref<80x128xf32, #tpu.memory_space<hbm>>
        tpu.enqueue_dma source(%arg14 : memref<80x128xf32, #tpu.memory_space<vmem>>) target(%dma_start3A_214 : memref<80x128xf32, #tpu.memory_space<hbm>>) target_semaphore(%arg25 : memref<!tpu.dma_semaphore, #tpu.memory_space<semaphore_mem>>)
        %dma_start3A_215 = arith.constant 256 : i32
        %dma_start3A_216 = tpu.memref_slice %arg4[%mul3A_206, %dma_start3A_215] : memref<163840x512xf32, #tpu.memory_space<hbm>> -> memref<80x128xf32, #tpu.memory_space<hbm>>
        %dma_start3A_217 = arith.constant 256 : i32
        %dma_start3A_218 = tpu.memref_slice %arg4[%mul3A_206, %dma_start3A_217] : memref<163840x512xf32, #tpu.memory_space<hbm>> -> memref<80x128xf32, #tpu.memory_space<hbm>>
        tpu.enqueue_dma source(%arg15 : memref<80x128xf32, #tpu.memory_space<vmem>>) target(%dma_start3A_218 : memref<80x128xf32, #tpu.memory_space<hbm>>) target_semaphore(%arg25 : memref<!tpu.dma_semaphore, #tpu.memory_space<semaphore_mem>>)
        %dma_start3A_219 = arith.constant 384 : i32
        %dma_start3A_220 = tpu.memref_slice %arg4[%mul3A_206, %dma_start3A_219] : memref<163840x512xf32, #tpu.memory_space<hbm>> -> memref<80x128xf32, #tpu.memory_space<hbm>>
        %dma_start3A_221 = arith.constant 384 : i32
        %dma_start3A_222 = tpu.memref_slice %arg4[%mul3A_206, %dma_start3A_221] : memref<163840x512xf32, #tpu.memory_space<hbm>> -> memref<80x128xf32, #tpu.memory_space<hbm>>
        tpu.enqueue_dma source(%arg16 : memref<80x128xf32, #tpu.memory_space<vmem>>) target(%dma_start3A_222 : memref<80x128xf32, #tpu.memory_space<hbm>>) target_semaphore(%arg25 : memref<!tpu.dma_semaphore, #tpu.memory_space<semaphore_mem>>)
        %mul3A_223 = arith.constant 80 : i32
        %mul3A_224 = arith.muli %add3A_141, %mul3A_223 : i32
        %dma_wait3A_225 = arith.constant 0 : i32
        %dma_wait3A_226 = tpu.memref_slice %arg4[%mul3A_224, %dma_wait3A_225] : memref<163840x512xf32, #tpu.memory_space<hbm>> -> memref<80x128xf32, #tpu.memory_space<hbm>>
        %dma_wait3A_227 = arith.constant 0 : i32
        %dma_wait3A_228 = tpu.memref_slice %arg4[%mul3A_224, %dma_wait3A_227] : memref<163840x512xf32, #tpu.memory_space<hbm>> -> memref<80x128xf32, #tpu.memory_space<hbm>>
        tpu.wait_dma2 semaphore(%arg25 : memref<!tpu.dma_semaphore, #tpu.memory_space<semaphore_mem>>) src(%arg13 : memref<80x128xf32, #tpu.memory_space<vmem>>) dst(%dma_wait3A_228 : memref<80x128xf32, #tpu.memory_space<hbm>>)
        %dma_wait3A_229 = arith.constant 128 : i32
        %dma_wait3A_230 = tpu.memref_slice %arg4[%mul3A_224, %dma_wait3A_229] : memref<163840x512xf32, #tpu.memory_space<hbm>> -> memref<80x128xf32, #tpu.memory_space<hbm>>
        %dma_wait3A_231 = arith.constant 128 : i32
        %dma_wait3A_232 = tpu.memref_slice %arg4[%mul3A_224, %dma_wait3A_231] : memref<163840x512xf32, #tpu.memory_space<hbm>> -> memref<80x128xf32, #tpu.memory_space<hbm>>
        tpu.wait_dma2 semaphore(%arg25 : memref<!tpu.dma_semaphore, #tpu.memory_space<semaphore_mem>>) src(%arg14 : memref<80x128xf32, #tpu.memory_space<vmem>>) dst(%dma_wait3A_232 : memref<80x128xf32, #tpu.memory_space<hbm>>)
        %dma_wait3A_233 = arith.constant 256 : i32
        %dma_wait3A_234 = tpu.memref_slice %arg4[%mul3A_224, %dma_wait3A_233] : memref<163840x512xf32, #tpu.memory_space<hbm>> -> memref<80x128xf32, #tpu.memory_space<hbm>>
        %dma_wait3A_235 = arith.constant 256 : i32
        %dma_wait3A_236 = tpu.memref_slice %arg4[%mul3A_224, %dma_wait3A_235] : memref<163840x512xf32, #tpu.memory_space<hbm>> -> memref<80x128xf32, #tpu.memory_space<hbm>>
        tpu.wait_dma2 semaphore(%arg25 : memref<!tpu.dma_semaphore, #tpu.memory_space<semaphore_mem>>) src(%arg15 : memref<80x128xf32, #tpu.memory_space<vmem>>) dst(%dma_wait3A_236 : memref<80x128xf32, #tpu.memory_space<hbm>>)
        %dma_wait3A_237 = arith.constant 384 : i32
        %dma_wait3A_238 = tpu.memref_slice %arg4[%mul3A_224, %dma_wait3A_237] : memref<163840x512xf32, #tpu.memory_space<hbm>> -> memref<80x128xf32, #tpu.memory_space<hbm>>
        %dma_wait3A_239 = arith.constant 384 : i32
        %dma_wait3A_240 = tpu.memref_slice %arg4[%mul3A_224, %dma_wait3A_239] : memref<163840x512xf32, #tpu.memory_space<hbm>> -> memref<80x128xf32, #tpu.memory_space<hbm>>
        tpu.wait_dma2 semaphore(%arg25 : memref<!tpu.dma_semaphore, #tpu.memory_space<semaphore_mem>>) src(%arg16 : memref<80x128xf32, #tpu.memory_space<vmem>>) dst(%dma_wait3A_240 : memref<80x128xf32, #tpu.memory_space<hbm>>)
        %add3A_241 = arith.constant 1 : i32
        %add3A_242 = arith.addi %add3A_138, %add3A_241 : i32
        %lt3A_243 = arith.cmpi slt, %add3A_242, %select_n3A : i32
        %convert_element_type3A_244 = arith.extui %lt3A_243 : i1 to i32
        %cond3A_245 = arith.constant 0 : i32
        %cond3A_246 = arith.cmpi ne, %convert_element_type3A_244, %cond3A_245 : i32
        scf.if %cond3A_246 {
          %add3A_290 = arith.constant 2 : i32
          %add3A_291 = arith.addi %add3A_141, %add3A_290 : i32
          %mul3A_292 = arith.constant 80 : i32
          %mul3A_293 = arith.muli %add3A_291, %mul3A_292 : i32
          %add3A_294 = arith.constant 0 : i32
          %add3A_295 = arith.addi %add3A_294, %mul3A_293 : i32
          %mul3A_296 = arith.constant 80 : i32
          %mul3A_297 = arith.muli %add3A_291, %mul3A_296 : i32
          %add3A_298 = arith.constant 171840 : i32
          %add3A_299 = arith.addi %add3A_298, %mul3A_297 : i32
          %mul3A_300 = arith.constant 80 : i32
          %mul3A_301 = arith.muli %add3A_291, %mul3A_300 : i32
          %add3A_302 = arith.constant 343680 : i32
          %add3A_303 = arith.addi %add3A_302, %mul3A_301 : i32
          %mul3A_304 = arith.constant 80 : i32
          %mul3A_305 = arith.muli %add3A_291, %mul3A_304 : i32
          %add3A_306 = arith.constant 515520 : i32
          %add3A_307 = arith.addi %add3A_306, %mul3A_305 : i32
          %dma_wait3A_308 = tpu.memref_slice %arg3[%add3A_295] : memref<687360xi32, #tpu.memory_space<hbm>> -> memref<80xi32, #tpu.memory_space<hbm>>
          %dma_wait3A_309 = tpu.memref_slice %arg3[%add3A_295] : memref<687360xi32, #tpu.memory_space<hbm>> -> memref<80xi32, #tpu.memory_space<hbm>>
          tpu.wait_dma2 semaphore(%arg21 : memref<!tpu.dma_semaphore, #tpu.memory_space<semaphore_mem>>) src(%dma_wait3A_309 : memref<80xi32, #tpu.memory_space<hbm>>) dst(%arg5 : memref<80xi32, #tpu.memory_space<vmem>>)
          %dma_wait3A_310 = tpu.memref_slice %arg3[%add3A_299] : memref<687360xi32, #tpu.memory_space<hbm>> -> memref<80xi32, #tpu.memory_space<hbm>>
          %dma_wait3A_311 = tpu.memref_slice %arg3[%add3A_299] : memref<687360xi32, #tpu.memory_space<hbm>> -> memref<80xi32, #tpu.memory_space<hbm>>
          tpu.wait_dma2 semaphore(%arg21 : memref<!tpu.dma_semaphore, #tpu.memory_space<semaphore_mem>>) src(%dma_wait3A_311 : memref<80xi32, #tpu.memory_space<hbm>>) dst(%arg6 : memref<80xi32, #tpu.memory_space<vmem>>)
          %dma_wait3A_312 = tpu.memref_slice %arg3[%add3A_303] : memref<687360xi32, #tpu.memory_space<hbm>> -> memref<80xi32, #tpu.memory_space<hbm>>
          %dma_wait3A_313 = tpu.memref_slice %arg3[%add3A_303] : memref<687360xi32, #tpu.memory_space<hbm>> -> memref<80xi32, #tpu.memory_space<hbm>>
          tpu.wait_dma2 semaphore(%arg21 : memref<!tpu.dma_semaphore, #tpu.memory_space<semaphore_mem>>) src(%dma_wait3A_313 : memref<80xi32, #tpu.memory_space<hbm>>) dst(%arg7 : memref<80xi32, #tpu.memory_space<vmem>>)
          %dma_wait3A_314 = tpu.memref_slice %arg3[%add3A_307] : memref<687360xi32, #tpu.memory_space<hbm>> -> memref<80xi32, #tpu.memory_space<hbm>>
          %dma_wait3A_315 = tpu.memref_slice %arg3[%add3A_307] : memref<687360xi32, #tpu.memory_space<hbm>> -> memref<80xi32, #tpu.memory_space<hbm>>
          tpu.wait_dma2 semaphore(%arg21 : memref<!tpu.dma_semaphore, #tpu.memory_space<semaphore_mem>>) src(%dma_wait3A_315 : memref<80xi32, #tpu.memory_space<hbm>>) dst(%arg8 : memref<80xi32, #tpu.memory_space<vmem>>)
          %dma_start3A_316 = arith.constant 0 : i32
          %dma_start3A_317 = arith.constant 0 : i32
          %dma_start3A_318 = tpu.memref_slice %arg2[%dma_start3A_316, %dma_start3A_317] : memref<160000x128xf32, #tpu.memory_space<hbm>> -> memref<160000x128xf32, #tpu.memory_space<hbm>>
          tpu.enqueue_indirect_dma source(%dma_start3A_318 : memref<160000x128xf32, #tpu.memory_space<hbm>>) target(%arg13 : memref<80x128xf32, #tpu.memory_space<vmem>>) offsets(%arg5 : memref<80xi32, #tpu.memory_space<vmem>>) semaphore(%arg23 : memref<!tpu.dma_semaphore, #tpu.memory_space<semaphore_mem>>)
          %dma_start3A_319 = arith.constant 0 : i32
          %dma_start3A_320 = arith.constant 0 : i32
          %dma_start3A_321 = tpu.memref_slice %arg2[%dma_start3A_319, %dma_start3A_320] : memref<160000x128xf32, #tpu.memory_space<hbm>> -> memref<160000x128xf32, #tpu.memory_space<hbm>>
          tpu.enqueue_indirect_dma source(%dma_start3A_321 : memref<160000x128xf32, #tpu.memory_space<hbm>>) target(%arg14 : memref<80x128xf32, #tpu.memory_space<vmem>>) offsets(%arg6 : memref<80xi32, #tpu.memory_space<vmem>>) semaphore(%arg23 : memref<!tpu.dma_semaphore, #tpu.memory_space<semaphore_mem>>)
          %dma_start3A_322 = arith.constant 0 : i32
          %dma_start3A_323 = arith.constant 0 : i32
          %dma_start3A_324 = tpu.memref_slice %arg2[%dma_start3A_322, %dma_start3A_323] : memref<160000x128xf32, #tpu.memory_space<hbm>> -> memref<160000x128xf32, #tpu.memory_space<hbm>>
          tpu.enqueue_indirect_dma source(%dma_start3A_324 : memref<160000x128xf32, #tpu.memory_space<hbm>>) target(%arg15 : memref<80x128xf32, #tpu.memory_space<vmem>>) offsets(%arg7 : memref<80xi32, #tpu.memory_space<vmem>>) semaphore(%arg23 : memref<!tpu.dma_semaphore, #tpu.memory_space<semaphore_mem>>)
          %dma_start3A_325 = arith.constant 0 : i32
          %dma_start3A_326 = arith.constant 0 : i32
          %dma_start3A_327 = tpu.memref_slice %arg2[%dma_start3A_325, %dma_start3A_326] : memref<160000x128xf32, #tpu.memory_space<hbm>> -> memref<160000x128xf32, #tpu.memory_space<hbm>>
          tpu.enqueue_indirect_dma source(%dma_start3A_327 : memref<160000x128xf32, #tpu.memory_space<hbm>>) target(%arg16 : memref<80x128xf32, #tpu.memory_space<vmem>>) offsets(%arg8 : memref<80xi32, #tpu.memory_space<vmem>>) semaphore(%arg23 : memref<!tpu.dma_semaphore, #tpu.memory_space<semaphore_mem>>)
        } else {
        }
        %dma_wait3A_247 = arith.constant 0 : i32
        %dma_wait3A_248 = arith.constant 0 : i32
        %dma_wait3A_249 = tpu.memref_slice %arg2[%dma_wait3A_247, %dma_wait3A_248] : memref<160000x128xf32, #tpu.memory_space<hbm>> -> memref<160000x128xf32, #tpu.memory_space<hbm>>
        tpu.wait_indirect_dma semaphore(%arg24 : memref<!tpu.dma_semaphore, #tpu.memory_space<semaphore_mem>>) src(%dma_wait3A_249 : memref<160000x128xf32, #tpu.memory_space<hbm>>) dst(%arg17 : memref<80x128xf32, #tpu.memory_space<vmem>>)
        %dma_wait3A_250 = arith.constant 0 : i32
        %dma_wait3A_251 = arith.constant 0 : i32
        %dma_wait3A_252 = tpu.memref_slice %arg2[%dma_wait3A_250, %dma_wait3A_251] : memref<160000x128xf32, #tpu.memory_space<hbm>> -> memref<160000x128xf32, #tpu.memory_space<hbm>>
        tpu.wait_indirect_dma semaphore(%arg24 : memref<!tpu.dma_semaphore, #tpu.memory_space<semaphore_mem>>) src(%dma_wait3A_252 : memref<160000x128xf32, #tpu.memory_space<hbm>>) dst(%arg18 : memref<80x128xf32, #tpu.memory_space<vmem>>)
        %dma_wait3A_253 = arith.constant 0 : i32
        %dma_wait3A_254 = arith.constant 0 : i32
        %dma_wait3A_255 = tpu.memref_slice %arg2[%dma_wait3A_253, %dma_wait3A_254] : memref<160000x128xf32, #tpu.memory_space<hbm>> -> memref<160000x128xf32, #tpu.memory_space<hbm>>
        tpu.wait_indirect_dma semaphore(%arg24 : memref<!tpu.dma_semaphore, #tpu.memory_space<semaphore_mem>>) src(%dma_wait3A_255 : memref<160000x128xf32, #tpu.memory_space<hbm>>) dst(%arg19 : memref<80x128xf32, #tpu.memory_space<vmem>>)
        %dma_wait3A_256 = arith.constant 0 : i32
        %dma_wait3A_257 = arith.constant 0 : i32
        %dma_wait3A_258 = tpu.memref_slice %arg2[%dma_wait3A_256, %dma_wait3A_257] : memref<160000x128xf32, #tpu.memory_space<hbm>> -> memref<160000x128xf32, #tpu.memory_space<hbm>>
        tpu.wait_indirect_dma semaphore(%arg24 : memref<!tpu.dma_semaphore, #tpu.memory_space<semaphore_mem>>) src(%dma_wait3A_258 : memref<160000x128xf32, #tpu.memory_space<hbm>>) dst(%arg20 : memref<80x128xf32, #tpu.memory_space<vmem>>)
        %add3A_259 = arith.constant 1 : i32
        %add3A_260 = arith.addi %add3A_138, %add3A_259 : i32
        %lt3A_261 = arith.cmpi slt, %add3A_260, %select_n3A : i32
        %convert_element_type3A_262 = arith.extui %lt3A_261 : i1 to i32
        %cond3A_263 = arith.constant 0 : i32
        %cond3A_264 = arith.cmpi ne, %convert_element_type3A_262, %cond3A_263 : i32
        scf.if %cond3A_264 {
          %add3A_290 = arith.constant 3 : i32
          %add3A_291 = arith.addi %add3A_141, %add3A_290 : i32
          %mul3A_292 = arith.constant 80 : i32
          %mul3A_293 = arith.muli %add3A_291, %mul3A_292 : i32
          %add3A_294 = arith.constant 0 : i32
          %add3A_295 = arith.addi %add3A_294, %mul3A_293 : i32
          %mul3A_296 = arith.constant 80 : i32
          %mul3A_297 = arith.muli %add3A_291, %mul3A_296 : i32
          %add3A_298 = arith.constant 171840 : i32
          %add3A_299 = arith.addi %add3A_298, %mul3A_297 : i32
          %mul3A_300 = arith.constant 80 : i32
          %mul3A_301 = arith.muli %add3A_291, %mul3A_300 : i32
          %add3A_302 = arith.constant 343680 : i32
          %add3A_303 = arith.addi %add3A_302, %mul3A_301 : i32
          %mul3A_304 = arith.constant 80 : i32
          %mul3A_305 = arith.muli %add3A_291, %mul3A_304 : i32
          %add3A_306 = arith.constant 515520 : i32
          %add3A_307 = arith.addi %add3A_306, %mul3A_305 : i32
          %dma_start3A_308 = tpu.memref_slice %arg3[%add3A_295] : memref<687360xi32, #tpu.memory_space<hbm>> -> memref<80xi32, #tpu.memory_space<hbm>>
          %dma_start3A_309 = tpu.memref_slice %arg3[%add3A_295] : memref<687360xi32, #tpu.memory_space<hbm>> -> memref<80xi32, #tpu.memory_space<hbm>>
          tpu.enqueue_dma source(%dma_start3A_309 : memref<80xi32, #tpu.memory_space<hbm>>) target(%arg9 : memref<80xi32, #tpu.memory_space<vmem>>) target_semaphore(%arg22 : memref<!tpu.dma_semaphore, #tpu.memory_space<semaphore_mem>>)
          %dma_start3A_310 = tpu.memref_slice %arg3[%add3A_299] : memref<687360xi32, #tpu.memory_space<hbm>> -> memref<80xi32, #tpu.memory_space<hbm>>
          %dma_start3A_311 = tpu.memref_slice %arg3[%add3A_299] : memref<687360xi32, #tpu.memory_space<hbm>> -> memref<80xi32, #tpu.memory_space<hbm>>
          tpu.enqueue_dma source(%dma_start3A_311 : memref<80xi32, #tpu.memory_space<hbm>>) target(%arg10 : memref<80xi32, #tpu.memory_space<vmem>>) target_semaphore(%arg22 : memref<!tpu.dma_semaphore, #tpu.memory_space<semaphore_mem>>)
          %dma_start3A_312 = tpu.memref_slice %arg3[%add3A_303] : memref<687360xi32, #tpu.memory_space<hbm>> -> memref<80xi32, #tpu.memory_space<hbm>>
          %dma_start3A_313 = tpu.memref_slice %arg3[%add3A_303] : memref<687360xi32, #tpu.memory_space<hbm>> -> memref<80xi32, #tpu.memory_space<hbm>>
          tpu.enqueue_dma source(%dma_start3A_313 : memref<80xi32, #tpu.memory_space<hbm>>) target(%arg11 : memref<80xi32, #tpu.memory_space<vmem>>) target_semaphore(%arg22 : memref<!tpu.dma_semaphore, #tpu.memory_space<semaphore_mem>>)
          %dma_start3A_314 = tpu.memref_slice %arg3[%add3A_307] : memref<687360xi32, #tpu.memory_space<hbm>> -> memref<80xi32, #tpu.memory_space<hbm>>
          %dma_start3A_315 = tpu.memref_slice %arg3[%add3A_307] : memref<687360xi32, #tpu.memory_space<hbm>> -> memref<80xi32, #tpu.memory_space<hbm>>
          tpu.enqueue_dma source(%dma_start3A_315 : memref<80xi32, #tpu.memory_space<hbm>>) target(%arg12 : memref<80xi32, #tpu.memory_space<vmem>>) target_semaphore(%arg22 : memref<!tpu.dma_semaphore, #tpu.memory_space<semaphore_mem>>)
        } else {
        }
        %scan3A_265 = arith.constant 0 : i32
        %scan3A_266 = arith.constant 80 : i32
        %scan3A_267 = arith.addi %scan3A_265, %scan3A_266 : i32
        %scan3A_268 = arith.constant 1 : i32
        scf.for %scan3A_290 = %scan3A_265 to %scan3A_267 step %scan3A_268  : i32 {
          %mul3A_291 = arith.constant 1 : i32
          %mul3A_292 = arith.muli %scan3A_290, %mul3A_291 : i32
          %add3A_293 = arith.constant 0 : i32
          %add3A_294 = arith.addi %add3A_293, %mul3A_292 : i32
          %scan3A_295 = arith.constant 0 : i32
          %scan3A_296 = arith.constant 8 : i32
          %scan3A_297 = arith.addi %scan3A_295, %scan3A_296 : i32
          %scan3A_298 = arith.constant 1 : i32
          scf.for %scan3A_300 = %scan3A_295 to %scan3A_297 step %scan3A_298  : i32 {
            %mul3A_301 = arith.constant 1 : i32
            %mul3A_302 = arith.muli %scan3A_300, %mul3A_301 : i32
            %add3A_303 = arith.constant 0 : i32
            %add3A_304 = arith.addi %add3A_303, %mul3A_302 : i32
            %mul3A_305 = arith.constant 16 : i32
            %mul3A_306 = arith.muli %add3A_304, %mul3A_305 : i32
            %get3A = arith.index_cast %add3A_294 : i32 to index
            %get3A_307 = arith.index_cast %mul3A_306 : i32 to index
            %get3A_308 = tpu.vector_load %arg17[%get3A, %get3A_307] {strides = array<i32>} : memref<80x128xf32, #tpu.memory_space<vmem>>, vector<1x16xf32>,
            %get3A_309 = vector.shape_cast %get3A_308 : vector<1x16xf32> to vector<16xf32>
            %get3A_310 = arith.index_cast %add3A_294 : i32 to index
            %get3A_311 = arith.index_cast %mul3A_306 : i32 to index
            %get3A_312 = tpu.vector_load %arg18[%get3A_310, %get3A_311] {strides = array<i32>} : memref<80x128xf32, #tpu.memory_space<vmem>>, vector<1x16xf32>,
            %get3A_313 = vector.shape_cast %get3A_312 : vector<1x16xf32> to vector<16xf32>
            %get3A_314 = arith.index_cast %add3A_294 : i32 to index
            %get3A_315 = arith.index_cast %mul3A_306 : i32 to index
            %get3A_316 = tpu.vector_load %arg19[%get3A_314, %get3A_315] {strides = array<i32>} : memref<80x128xf32, #tpu.memory_space<vmem>>, vector<1x16xf32>,
            %get3A_317 = vector.shape_cast %get3A_316 : vector<1x16xf32> to vector<16xf32>
            %get3A_318 = arith.index_cast %add3A_294 : i32 to index
            %get3A_319 = arith.index_cast %mul3A_306 : i32 to index
            %get3A_320 = tpu.vector_load %arg20[%get3A_318, %get3A_319] {strides = array<i32>} : memref<80x128xf32, #tpu.memory_space<vmem>>, vector<1x16xf32>,
            %get3A_321 = vector.shape_cast %get3A_320 : vector<1x16xf32> to vector<16xf32>
            %add3A_322 = arith.addf %get3A_309, %get3A_317 : vector<16xf32>
            %swap3A = arith.index_cast %add3A_294 : i32 to index
            %swap3A_323 = arith.index_cast %mul3A_306 : i32 to index
            %swap3A_324 = tpu.vector_load %arg17[%swap3A, %swap3A_323] {strides = array<i32>} : memref<80x128xf32, #tpu.memory_space<vmem>>, vector<1x16xf32>,
            %swap3A_325 = vector.shape_cast %swap3A_324 : vector<1x16xf32> to vector<16xf32>
            %swap3A_326 = vector.shape_cast %add3A_322 : vector<16xf32> to vector<1x16xf32>
            tpu.vector_store %arg17[%swap3A, %swap3A_323], %swap3A_326 {strides = array<i32>} : memref<80x128xf32, #tpu.memory_space<vmem>>, vector<1x16xf32>,
            %add3A_327 = arith.addf %get3A_313, %get3A_321 : vector<16xf32>
            %swap3A_328 = arith.index_cast %add3A_294 : i32 to index
            %swap3A_329 = arith.index_cast %mul3A_306 : i32 to index
            %swap3A_330 = tpu.vector_load %arg18[%swap3A_328, %swap3A_329] {strides = array<i32>} : memref<80x128xf32, #tpu.memory_space<vmem>>, vector<1x16xf32>,
            %swap3A_331 = vector.shape_cast %swap3A_330 : vector<1x16xf32> to vector<16xf32>
            %swap3A_332 = vector.shape_cast %add3A_327 : vector<16xf32> to vector<1x16xf32>
            tpu.vector_store %arg18[%swap3A_328, %swap3A_329], %swap3A_332 {strides = array<i32>} : memref<80x128xf32, #tpu.memory_space<vmem>>, vector<1x16xf32>,
            %sub3A_333 = arith.subf %get3A_309, %get3A_317 : vector<16xf32>
            %abs3A = math.absf %sub3A_333 : vector<16xf32>
            %swap3A_334 = arith.index_cast %add3A_294 : i32 to index
            %swap3A_335 = arith.index_cast %mul3A_306 : i32 to index
            %swap3A_336 = tpu.vector_load %arg19[%swap3A_334, %swap3A_335] {strides = array<i32>} : memref<80x128xf32, #tpu.memory_space<vmem>>, vector<1x16xf32>,
            %swap3A_337 = vector.shape_cast %swap3A_336 : vector<1x16xf32> to vector<16xf32>
            %swap3A_338 = vector.shape_cast %abs3A : vector<16xf32> to vector<1x16xf32>
            tpu.vector_store %arg19[%swap3A_334, %swap3A_335], %swap3A_338 {strides = array<i32>} : memref<80x128xf32, #tpu.memory_space<vmem>>, vector<1x16xf32>,
            %sub3A_339 = arith.subf %get3A_313, %get3A_321 : vector<16xf32>
            %abs3A_340 = math.absf %sub3A_339 : vector<16xf32>
            %swap3A_341 = arith.index_cast %add3A_294 : i32 to index
            %swap3A_342 = arith.index_cast %mul3A_306 : i32 to index
            %swap3A_343 = tpu.vector_load %arg20[%swap3A_341, %swap3A_342] {strides = array<i32>} : memref<80x128xf32, #tpu.memory_space<vmem>>, vector<1x16xf32>,
            %swap3A_344 = vector.shape_cast %swap3A_343 : vector<1x16xf32> to vector<16xf32>
            %swap3A_345 = vector.shape_cast %abs3A_340 : vector<16xf32> to vector<1x16xf32>
            tpu.vector_store %arg20[%swap3A_341, %swap3A_342], %swap3A_345 {strides = array<i32>} : memref<80x128xf32, #tpu.memory_space<vmem>>, vector<1x16xf32>,
          }
          %scan3A_299 = arith.constant 8 : i32
        }
        %scan3A_269 = arith.constant 80 : i32
        %add3A_270 = arith.constant 1 : i32
        %add3A_271 = arith.addi %add3A_141, %add3A_270 : i32
        %mul3A_272 = arith.constant 80 : i32
        %mul3A_273 = arith.muli %add3A_271, %mul3A_272 : i32
        %dma_start3A_274 = arith.constant 0 : i32
        %dma_start3A_275 = tpu.memref_slice %arg4[%mul3A_273, %dma_start3A_274] : memref<163840x512xf32, #tpu.memory_space<hbm>> -> memref<80x128xf32, #tpu.memory_space<hbm>>
        %dma_start3A_276 = arith.constant 0 : i32
        %dma_start3A_277 = tpu.memref_slice %arg4[%mul3A_273, %dma_start3A_276] : memref<163840x512xf32, #tpu.memory_space<hbm>> -> memref<80x128xf32, #tpu.memory_space<hbm>>
        tpu.enqueue_dma source(%arg17 : memref<80x128xf32, #tpu.memory_space<vmem>>) target(%dma_start3A_277 : memref<80x128xf32, #tpu.memory_space<hbm>>) target_semaphore(%arg26 : memref<!tpu.dma_semaphore, #tpu.memory_space<semaphore_mem>>)
        %dma_start3A_278 = arith.constant 128 : i32
        %dma_start3A_279 = tpu.memref_slice %arg4[%mul3A_273, %dma_start3A_278] : memref<163840x512xf32, #tpu.memory_space<hbm>> -> memref<80x128xf32, #tpu.memory_space<hbm>>
        %dma_start3A_280 = arith.constant 128 : i32
        %dma_start3A_281 = tpu.memref_slice %arg4[%mul3A_273, %dma_start3A_280] : memref<163840x512xf32, #tpu.memory_space<hbm>> -> memref<80x128xf32, #tpu.memory_space<hbm>>
        tpu.enqueue_dma source(%arg18 : memref<80x128xf32, #tpu.memory_space<vmem>>) target(%dma_start3A_281 : memref<80x128xf32, #tpu.memory_space<hbm>>) target_semaphore(%arg26 : memref<!tpu.dma_semaphore, #tpu.memory_space<semaphore_mem>>)
        %dma_start3A_282 = arith.constant 256 : i32
        %dma_start3A_283 = tpu.memref_slice %arg4[%mul3A_273, %dma_start3A_282] : memref<163840x512xf32, #tpu.memory_space<hbm>> -> memref<80x128xf32, #tpu.memory_space<hbm>>
        %dma_start3A_284 = arith.constant 256 : i32
        %dma_start3A_285 = tpu.memref_slice %arg4[%mul3A_273, %dma_start3A_284] : memref<163840x512xf32, #tpu.memory_space<hbm>> -> memref<80x128xf32, #tpu.memory_space<hbm>>
        tpu.enqueue_dma source(%arg19 : memref<80x128xf32, #tpu.memory_space<vmem>>) target(%dma_start3A_285 : memref<80x128xf32, #tpu.memory_space<hbm>>) target_semaphore(%arg26 : memref<!tpu.dma_semaphore, #tpu.memory_space<semaphore_mem>>)
        %dma_start3A_286 = arith.constant 384 : i32
        %dma_start3A_287 = tpu.memref_slice %arg4[%mul3A_273, %dma_start3A_286] : memref<163840x512xf32, #tpu.memory_space<hbm>> -> memref<80x128xf32, #tpu.memory_space<hbm>>
        %dma_start3A_288 = arith.constant 384 : i32
        %dma_start3A_289 = tpu.memref_slice %arg4[%mul3A_273, %dma_start3A_288] : memref<163840x512xf32, #tpu.memory_space<hbm>> -> memref<80x128xf32, #tpu.memory_space<hbm>>
        tpu.enqueue_dma source(%arg20 : memref<80x128xf32, #tpu.memory_space<vmem>>) target(%dma_start3A_289 : memref<80x128xf32, #tpu.memory_space<hbm>>) target_semaphore(%arg26 : memref<!tpu.dma_semaphore, #tpu.memory_space<semaphore_mem>>)
      }
      %mul3A_113 = arith.constant 2 : i32
      %mul3A_114 = arith.muli %select_n3A, %mul3A_113 : i32
      %add3A_115 = arith.addi %mul3A_8, %mul3A_114 : i32
      %sub3A_116 = arith.constant 1 : i32
      %sub3A_117 = arith.subi %add3A_115, %sub3A_116 : i32
      %mul3A_118 = arith.constant 80 : i32
      %mul3A_119 = arith.muli %sub3A_117, %mul3A_118 : i32
      %dma_wait3A_120 = arith.constant 0 : i32
      %dma_wait3A_121 = tpu.memref_slice %arg4[%mul3A_119, %dma_wait3A_120] : memref<163840x512xf32, #tpu.memory_space<hbm>> -> memref<80x128xf32, #tpu.memory_space<hbm>>
      %dma_wait3A_122 = arith.constant 0 : i32
      %dma_wait3A_123 = tpu.memref_slice %arg4[%mul3A_119, %dma_wait3A_122] : memref<163840x512xf32, #tpu.memory_space<hbm>> -> memref<80x128xf32, #tpu.memory_space<hbm>>
      tpu.wait_dma2 semaphore(%arg26 : memref<!tpu.dma_semaphore, #tpu.memory_space<semaphore_mem>>) src(%arg17 : memref<80x128xf32, #tpu.memory_space<vmem>>) dst(%dma_wait3A_123 : memref<80x128xf32, #tpu.memory_space<hbm>>)
      %dma_wait3A_124 = arith.constant 128 : i32
      %dma_wait3A_125 = tpu.memref_slice %arg4[%mul3A_119, %dma_wait3A_124] : memref<163840x512xf32, #tpu.memory_space<hbm>> -> memref<80x128xf32, #tpu.memory_space<hbm>>
      %dma_wait3A_126 = arith.constant 128 : i32
      %dma_wait3A_127 = tpu.memref_slice %arg4[%mul3A_119, %dma_wait3A_126] : memref<163840x512xf32, #tpu.memory_space<hbm>> -> memref<80x128xf32, #tpu.memory_space<hbm>>
      tpu.wait_dma2 semaphore(%arg26 : memref<!tpu.dma_semaphore, #tpu.memory_space<semaphore_mem>>) src(%arg18 : memref<80x128xf32, #tpu.memory_space<vmem>>) dst(%dma_wait3A_127 : memref<80x128xf32, #tpu.memory_space<hbm>>)
      %dma_wait3A_128 = arith.constant 256 : i32
      %dma_wait3A_129 = tpu.memref_slice %arg4[%mul3A_119, %dma_wait3A_128] : memref<163840x512xf32, #tpu.memory_space<hbm>> -> memref<80x128xf32, #tpu.memory_space<hbm>>
      %dma_wait3A_130 = arith.constant 256 : i32
      %dma_wait3A_131 = tpu.memref_slice %arg4[%mul3A_119, %dma_wait3A_130] : memref<163840x512xf32, #tpu.memory_space<hbm>> -> memref<80x128xf32, #tpu.memory_space<hbm>>
      tpu.wait_dma2 semaphore(%arg26 : memref<!tpu.dma_semaphore, #tpu.memory_space<semaphore_mem>>) src(%arg19 : memref<80x128xf32, #tpu.memory_space<vmem>>) dst(%dma_wait3A_131 : memref<80x128xf32, #tpu.memory_space<hbm>>)
      %dma_wait3A_132 = arith.constant 384 : i32
      %dma_wait3A_133 = tpu.memref_slice %arg4[%mul3A_119, %dma_wait3A_132] : memref<163840x512xf32, #tpu.memory_space<hbm>> -> memref<80x128xf32, #tpu.memory_space<hbm>>
      %dma_wait3A_134 = arith.constant 384 : i32
      %dma_wait3A_135 = tpu.memref_slice %arg4[%mul3A_119, %dma_wait3A_134] : memref<163840x512xf32, #tpu.memory_space<hbm>> -> memref<80x128xf32, #tpu.memory_space<hbm>>
      tpu.wait_dma2 semaphore(%arg26 : memref<!tpu.dma_semaphore, #tpu.memory_space<semaphore_mem>>) src(%arg20 : memref<80x128xf32, #tpu.memory_space<vmem>>) dst(%dma_wait3A_135 : memref<80x128xf32, #tpu.memory_space<hbm>>)
    } else {
    }
    return
  }
}

#map = affine_map<(d0, d1) -> (0, 0)>
#map1 = affine_map<(d0, d1) -> (0)>
module attributes {stable_mosaic.version = 14 : i64} {
  func.func @k(%arg0: i32, %arg1: i32, %arg2: memref<160000x128xf32, #tpu.memory_space<hbm>>, %arg3: memref<687360xi32, #tpu.memory_space<hbm>>, %arg4: memref<163840x512xf32, #tpu.memory_space<hbm>>, %arg5: memref<80xi32, #tpu.memory_space<vmem>>, %arg6: memref<80xi32, #tpu.memory_space<vmem>>, %arg7: memref<80xi32, #tpu.memory_space<vmem>>, %arg8: memref<80xi32, #tpu.memory_space<vmem>>, %arg9: memref<80xi32, #tpu.memory_space<vmem>>, %arg10: memref<80xi32, #tpu.memory_space<vmem>>, %arg11: memref<80xi32, #tpu.memory_space<vmem>>, %arg12: memref<80xi32, #tpu.memory_space<vmem>>, %arg13: memref<80x128xf32, #tpu.memory_space<vmem>>, %arg14: memref<80x128xf32, #tpu.memory_space<vmem>>, %arg15: memref<80x128xf32, #tpu.memory_space<vmem>>, %arg16: memref<80x128xf32, #tpu.memory_space<vmem>>, %arg17: memref<80x128xf32, #tpu.memory_space<vmem>>, %arg18: memref<80x128xf32, #tpu.memory_space<vmem>>, %arg19: memref<80x128xf32, #tpu.memory_space<vmem>>, %arg20: memref<80x128xf32, #tpu.memory_space<vmem>>, %arg21: memref<!tpu.dma_semaphore, #tpu.memory_space<semaphore_mem>>, %arg22: memref<!tpu.dma_semaphore, #tpu.memory_space<semaphore_mem>>, %arg23: memref<!tpu.dma_semaphore, #tpu.memory_space<semaphore_mem>>, %arg24: memref<!tpu.dma_semaphore, #tpu.memory_space<semaphore_mem>>, %arg25: memref<!tpu.dma_semaphore, #tpu.memory_space<semaphore_mem>>, %arg26: memref<!tpu.dma_semaphore, #tpu.memory_space<semaphore_mem>>) attributes {dimension_semantics = [#tpu.dimension_semantics<core_parallel>, #tpu.dimension_semantics<subcore_parallel>], iteration_bounds = array<i64: 2, 16>, scalar_prefetch = 0 : i64, scratch_operands = 22 : i64, tpu.core_type = #tpu.core_type<sc_vector_subcore>, window_params = [{transform_indices = #map}, {transform_indices = #map1}, {transform_indices = #map}]} {
    %eq3A = arith.constant 0 : i32
    %eq3A_0 = arith.cmpi eq, %arg0, %eq3A : i32
    %jit3A = arith.constant 50 : i32
    %jit3A_1 = arith.constant 14 : i32
    %select_n3A = arith.select %eq3A_0, %jit3A, %jit3A_1 : i32
    %eq3A_2 = arith.constant 0 : i32
    %eq3A_3 = arith.cmpi eq, %arg0, %eq3A_2 : i32
    %jit3A_4 = arith.constant 0 : i32
    %jit3A_5 = arith.constant 800 : i32
    %select_n3A_6 = arith.select %eq3A_3, %jit3A_4, %jit3A_5 : i32
    %mul3A = arith.muli %arg1, %select_n3A : i32
    %add3A = arith.addi %select_n3A_6, %mul3A : i32
    %mul3A_7 = arith.constant 2 : i32
    %mul3A_8 = arith.muli %add3A, %mul3A_7 : i32
    %mul3A_9 = arith.constant 80 : i32
    %mul3A_10 = arith.muli %mul3A_8, %mul3A_9 : i32
    %gt3A = arith.constant 0 : i32
    %gt3A_11 = arith.cmpi sgt, %select_n3A, %gt3A : i32
    %convert_element_type3A = arith.extui %gt3A_11 : i1 to i32
    %cond3A = arith.constant 0 : i32
    %cond3A_12 = arith.cmpi ne, %convert_element_type3A, %cond3A : i32
    scf.if %cond3A_12 {
      %mul3A_13 = arith.constant 80 : i32
      %mul3A_14 = arith.muli %mul3A_8, %mul3A_13 : i32
      %add3A_15 = arith.constant 0 : i32
      %add3A_16 = arith.addi %add3A_15, %mul3A_14 : i32
      %mul3A_17 = arith.constant 80 : i32
      %mul3A_18 = arith.muli %mul3A_8, %mul3A_17 : i32
      %add3A_19 = arith.constant 171840 : i32
      %add3A_20 = arith.addi %add3A_19, %mul3A_18 : i32
      %mul3A_21 = arith.constant 80 : i32
      %mul3A_22 = arith.muli %mul3A_8, %mul3A_21 : i32
      %add3A_23 = arith.constant 343680 : i32
      %add3A_24 = arith.addi %add3A_23, %mul3A_22 : i32
      %mul3A_25 = arith.constant 80 : i32
      %mul3A_26 = arith.muli %mul3A_8, %mul3A_25 : i32
      %add3A_27 = arith.constant 515520 : i32
      %add3A_28 = arith.addi %add3A_27, %mul3A_26 : i32
      %dma_start3A = tpu.memref_slice %arg3[%add3A_16] : memref<687360xi32, #tpu.memory_space<hbm>> -> memref<80xi32, #tpu.memory_space<hbm>>
      %dma_start3A_29 = tpu.memref_slice %arg3[%add3A_16] : memref<687360xi32, #tpu.memory_space<hbm>> -> memref<80xi32, #tpu.memory_space<hbm>>
      tpu.enqueue_dma source(%dma_start3A_29 : memref<80xi32, #tpu.memory_space<hbm>>) target(%arg5 : memref<80xi32, #tpu.memory_space<vmem>>) target_semaphore(%arg21 : memref<!tpu.dma_semaphore, #tpu.memory_space<semaphore_mem>>)
      %dma_start3A_30 = tpu.memref_slice %arg3[%add3A_20] : memref<687360xi32, #tpu.memory_space<hbm>> -> memref<80xi32, #tpu.memory_space<hbm>>
      %dma_start3A_31 = tpu.memref_slice %arg3[%add3A_20] : memref<687360xi32, #tpu.memory_space<hbm>> -> memref<80xi32, #tpu.memory_space<hbm>>
      tpu.enqueue_dma source(%dma_start3A_31 : memref<80xi32, #tpu.memory_space<hbm>>) target(%arg6 : memref<80xi32, #tpu.memory_space<vmem>>) target_semaphore(%arg21 : memref<!tpu.dma_semaphore, #tpu.memory_space<semaphore_mem>>)
      %dma_start3A_32 = tpu.memref_slice %arg3[%add3A_24] : memref<687360xi32, #tpu.memory_space<hbm>> -> memref<80xi32, #tpu.memory_space<hbm>>
      %dma_start3A_33 = tpu.memref_slice %arg3[%add3A_24] : memref<687360xi32, #tpu.memory_space<hbm>> -> memref<80xi32, #tpu.memory_space<hbm>>
      tpu.enqueue_dma source(%dma_start3A_33 : memref<80xi32, #tpu.memory_space<hbm>>) target(%arg7 : memref<80xi32, #tpu.memory_space<vmem>>) target_semaphore(%arg21 : memref<!tpu.dma_semaphore, #tpu.memory_space<semaphore_mem>>)
      %dma_start3A_34 = tpu.memref_slice %arg3[%add3A_28] : memref<687360xi32, #tpu.memory_space<hbm>> -> memref<80xi32, #tpu.memory_space<hbm>>
      %dma_start3A_35 = tpu.memref_slice %arg3[%add3A_28] : memref<687360xi32, #tpu.memory_space<hbm>> -> memref<80xi32, #tpu.memory_space<hbm>>
      tpu.enqueue_dma source(%dma_start3A_35 : memref<80xi32, #tpu.memory_space<hbm>>) target(%arg8 : memref<80xi32, #tpu.memory_space<vmem>>) target_semaphore(%arg21 : memref<!tpu.dma_semaphore, #tpu.memory_space<semaphore_mem>>)
      %mul3A_36 = arith.constant 80 : i32
      %mul3A_37 = arith.muli %mul3A_8, %mul3A_36 : i32
      %add3A_38 = arith.constant 0 : i32
      %add3A_39 = arith.addi %add3A_38, %mul3A_37 : i32
      %mul3A_40 = arith.constant 80 : i32
      %mul3A_41 = arith.muli %mul3A_8, %mul3A_40 : i32
      %add3A_42 = arith.constant 171840 : i32
      %add3A_43 = arith.addi %add3A_42, %mul3A_41 : i32
      %mul3A_44 = arith.constant 80 : i32
      %mul3A_45 = arith.muli %mul3A_8, %mul3A_44 : i32
      %add3A_46 = arith.constant 343680 : i32
      %add3A_47 = arith.addi %add3A_46, %mul3A_45 : i32
      %mul3A_48 = arith.constant 80 : i32
      %mul3A_49 = arith.muli %mul3A_8, %mul3A_48 : i32
      %add3A_50 = arith.constant 515520 : i32
      %add3A_51 = arith.addi %add3A_50, %mul3A_49 : i32
      %dma_wait3A = tpu.memref_slice %arg3[%add3A_39] : memref<687360xi32, #tpu.memory_space<hbm>> -> memref<80xi32, #tpu.memory_space<hbm>>
      %dma_wait3A_52 = tpu.memref_slice %arg3[%add3A_39] : memref<687360xi32, #tpu.memory_space<hbm>> -> memref<80xi32, #tpu.memory_space<hbm>>
      tpu.wait_dma2 semaphore(%arg21 : memref<!tpu.dma_semaphore, #tpu.memory_space<semaphore_mem>>) src(%dma_wait3A_52 : memref<80xi32, #tpu.memory_space<hbm>>) dst(%arg5 : memref<80xi32, #tpu.memory_space<vmem>>)
      %dma_wait3A_53 = tpu.memref_slice %arg3[%add3A_43] : memref<687360xi32, #tpu.memory_space<hbm>> -> memref<80xi32, #tpu.memory_space<hbm>>
      %dma_wait3A_54 = tpu.memref_slice %arg3[%add3A_43] : memref<687360xi32, #tpu.memory_space<hbm>> -> memref<80xi32, #tpu.memory_space<hbm>>
      tpu.wait_dma2 semaphore(%arg21 : memref<!tpu.dma_semaphore, #tpu.memory_space<semaphore_mem>>) src(%dma_wait3A_54 : memref<80xi32, #tpu.memory_space<hbm>>) dst(%arg6 : memref<80xi32, #tpu.memory_space<vmem>>)
      %dma_wait3A_55 = tpu.memref_slice %arg3[%add3A_47] : memref<687360xi32, #tpu.memory_space<hbm>> -> memref<80xi32, #tpu.memory_space<hbm>>
      %dma_wait3A_56 = tpu.memref_slice %arg3[%add3A_47] : memref<687360xi32, #tpu.memory_space<hbm>> -> memref<80xi32, #tpu.memory_space<hbm>>
      tpu.wait_dma2 semaphore(%arg21 : memref<!tpu.dma_semaphore, #tpu.memory_space<semaphore_mem>>) src(%dma_wait3A_56 : memref<80xi32, #tpu.memory_space<hbm>>) dst(%arg7 : memref<80xi32, #tpu.memory_space<vmem>>)
      %dma_wait3A_57 = tpu.memref_slice %arg3[%add3A_51] : memref<687360xi32, #tpu.memory_space<hbm>> -> memref<80xi32, #tpu.memory_space<hbm>>
      %dma_wait3A_58 = tpu.memref_slice %arg3[%add3A_51] : memref<687360xi32, #tpu.memory_space<hbm>> -> memref<80xi32, #tpu.memory_space<hbm>>
      tpu.wait_dma2 semaphore(%arg21 : memref<!tpu.dma_semaphore, #tpu.memory_space<semaphore_mem>>) src(%dma_wait3A_58 : memref<80xi32, #tpu.memory_space<hbm>>) dst(%arg8 : memref<80xi32, #tpu.memory_space<vmem>>)
      %dma_start3A_59 = arith.constant 0 : i32
      %dma_start3A_60 = arith.constant 0 : i32
      %dma_start3A_61 = tpu.memref_slice %arg2[%dma_start3A_59, %dma_start3A_60] : memref<160000x128xf32, #tpu.memory_space<hbm>> -> memref<160000x128xf32, #tpu.memory_space<hbm>>
      tpu.enqueue_indirect_dma source(%dma_start3A_61 : memref<160000x128xf32, #tpu.memory_space<hbm>>) target(%arg13 : memref<80x128xf32, #tpu.memory_space<vmem>>) offsets(%arg5 : memref<80xi32, #tpu.memory_space<vmem>>) semaphore(%arg23 : memref<!tpu.dma_semaphore, #tpu.memory_space<semaphore_mem>>)
      %dma_start3A_62 = arith.constant 0 : i32
      %dma_start3A_63 = arith.constant 0 : i32
      %dma_start3A_64 = tpu.memref_slice %arg2[%dma_start3A_62, %dma_start3A_63] : memref<160000x128xf32, #tpu.memory_space<hbm>> -> memref<160000x128xf32, #tpu.memory_space<hbm>>
      tpu.enqueue_indirect_dma source(%dma_start3A_64 : memref<160000x128xf32, #tpu.memory_space<hbm>>) target(%arg14 : memref<80x128xf32, #tpu.memory_space<vmem>>) offsets(%arg6 : memref<80xi32, #tpu.memory_space<vmem>>) semaphore(%arg23 : memref<!tpu.dma_semaphore, #tpu.memory_space<semaphore_mem>>)
      %dma_start3A_65 = arith.constant 0 : i32
      %dma_start3A_66 = arith.constant 0 : i32
      %dma_start3A_67 = tpu.memref_slice %arg2[%dma_start3A_65, %dma_start3A_66] : memref<160000x128xf32, #tpu.memory_space<hbm>> -> memref<160000x128xf32, #tpu.memory_space<hbm>>
      tpu.enqueue_indirect_dma source(%dma_start3A_67 : memref<160000x128xf32, #tpu.memory_space<hbm>>) target(%arg15 : memref<80x128xf32, #tpu.memory_space<vmem>>) offsets(%arg7 : memref<80xi32, #tpu.memory_space<vmem>>) semaphore(%arg23 : memref<!tpu.dma_semaphore, #tpu.memory_space<semaphore_mem>>)
      %dma_start3A_68 = arith.constant 0 : i32
      %dma_start3A_69 = arith.constant 0 : i32
      %dma_start3A_70 = tpu.memref_slice %arg2[%dma_start3A_68, %dma_start3A_69] : memref<160000x128xf32, #tpu.memory_space<hbm>> -> memref<160000x128xf32, #tpu.memory_space<hbm>>
      tpu.enqueue_indirect_dma source(%dma_start3A_70 : memref<160000x128xf32, #tpu.memory_space<hbm>>) target(%arg16 : memref<80x128xf32, #tpu.memory_space<vmem>>) offsets(%arg8 : memref<80xi32, #tpu.memory_space<vmem>>) semaphore(%arg23 : memref<!tpu.dma_semaphore, #tpu.memory_space<semaphore_mem>>)
      %add3A_71 = arith.constant 1 : i32
      %add3A_72 = arith.addi %mul3A_8, %add3A_71 : i32
      %mul3A_73 = arith.constant 80 : i32
      %mul3A_74 = arith.muli %add3A_72, %mul3A_73 : i32
      %add3A_75 = arith.constant 0 : i32
      %add3A_76 = arith.addi %add3A_75, %mul3A_74 : i32
      %mul3A_77 = arith.constant 80 : i32
      %mul3A_78 = arith.muli %add3A_72, %mul3A_77 : i32
      %add3A_79 = arith.constant 171840 : i32
      %add3A_80 = arith.addi %add3A_79, %mul3A_78 : i32
      %mul3A_81 = arith.constant 80 : i32
      %mul3A_82 = arith.muli %add3A_72, %mul3A_81 : i32
      %add3A_83 = arith.constant 343680 : i32
      %add3A_84 = arith.addi %add3A_83, %mul3A_82 : i32
      %mul3A_85 = arith.constant 80 : i32
      %mul3A_86 = arith.muli %add3A_72, %mul3A_85 : i32
      %add3A_87 = arith.constant 515520 : i32
      %add3A_88 = arith.addi %add3A_87, %mul3A_86 : i32
      %dma_start3A_89 = tpu.memref_slice %arg3[%add3A_76] : memref<687360xi32, #tpu.memory_space<hbm>> -> memref<80xi32, #tpu.memory_space<hbm>>
      %dma_start3A_90 = tpu.memref_slice %arg3[%add3A_76] : memref<687360xi32, #tpu.memory_space<hbm>> -> memref<80xi32, #tpu.memory_space<hbm>>
      tpu.enqueue_dma source(%dma_start3A_90 : memref<80xi32, #tpu.memory_space<hbm>>) target(%arg9 : memref<80xi32, #tpu.memory_space<vmem>>) target_semaphore(%arg22 : memref<!tpu.dma_semaphore, #tpu.memory_space<semaphore_mem>>)
      %dma_start3A_91 = tpu.memref_slice %arg3[%add3A_80] : memref<687360xi32, #tpu.memory_space<hbm>> -> memref<80xi32, #tpu.memory_space<hbm>>
      %dma_start3A_92 = tpu.memref_slice %arg3[%add3A_80] : memref<687360xi32, #tpu.memory_space<hbm>> -> memref<80xi32, #tpu.memory_space<hbm>>
      tpu.enqueue_dma source(%dma_start3A_92 : memref<80xi32, #tpu.memory_space<hbm>>) target(%arg10 : memref<80xi32, #tpu.memory_space<vmem>>) target_semaphore(%arg22 : memref<!tpu.dma_semaphore, #tpu.memory_space<semaphore_mem>>)
      %dma_start3A_93 = tpu.memref_slice %arg3[%add3A_84] : memref<687360xi32, #tpu.memory_space<hbm>> -> memref<80xi32, #tpu.memory_space<hbm>>
      %dma_start3A_94 = tpu.memref_slice %arg3[%add3A_84] : memref<687360xi32, #tpu.memory_space<hbm>> -> memref<80xi32, #tpu.memory_space<hbm>>
      tpu.enqueue_dma source(%dma_start3A_94 : memref<80xi32, #tpu.memory_space<hbm>>) target(%arg11 : memref<80xi32, #tpu.memory_space<vmem>>) target_semaphore(%arg22 : memref<!tpu.dma_semaphore, #tpu.memory_space<semaphore_mem>>)
      %dma_start3A_95 = tpu.memref_slice %arg3[%add3A_88] : memref<687360xi32, #tpu.memory_space<hbm>> -> memref<80xi32, #tpu.memory_space<hbm>>
      %dma_start3A_96 = tpu.memref_slice %arg3[%add3A_88] : memref<687360xi32, #tpu.memory_space<hbm>> -> memref<80xi32, #tpu.memory_space<hbm>>
      tpu.enqueue_dma source(%dma_start3A_96 : memref<80xi32, #tpu.memory_space<hbm>>) target(%arg12 : memref<80xi32, #tpu.memory_space<vmem>>) target_semaphore(%arg22 : memref<!tpu.dma_semaphore, #tpu.memory_space<semaphore_mem>>)
      %sub3A = arith.constant 0 : i32
      %sub3A_97 = arith.subi %select_n3A, %sub3A : i32
      %sub3A_98 = arith.constant 1 : i32
      %sub3A_99 = arith.constant 1 : i32
      %sub3A_100 = arith.subi %sub3A_98, %sub3A_99 : i32
      %add3A_101 = arith.addi %sub3A_97, %sub3A_100 : i32
      %div3A = arith.constant 1 : i32
      %div3A_102 = arith.divsi %add3A_101, %div3A : i32
      %while3A = arith.constant 1 : i32
      %while3A_103 = arith.constant 0 : i32
      %while3A_104 = arith.constant 0 : i32
      %while3A_105 = arith.subi %div3A_102, %while3A_104 : i32
      %while3A_106 = arith.addi %while3A_104, %while3A_105 : i32
      %while3A_107 = arith.constant 1 : i32
      %while3A_108 = arith.divsi %while3A_105, %while3A_107 : i32
      %while3A_109 = arith.muli %while3A_108, %while3A_107 : i32
      %while3A_110 = arith.addi %while3A_104, %while3A_109 : i32
      %while3A_111 = arith.constant 1 : i32
      scf.for %while3A_136 = %while3A_104 to %while3A_110 step %while3A_111  : i32 {
        %mul3A_137 = arith.muli %while3A_136, %while3A : i32
        %add3A_138 = arith.addi %while3A_103, %mul3A_137 : i32
        %mul3A_139 = arith.constant 2 : i32
        %mul3A_140 = arith.muli %add3A_138, %mul3A_139 : i32
        %add3A_141 = arith.addi %mul3A_8, %mul3A_140 : i32
        %ge3A = arith.constant 1 : i32
        %ge3A_142 = arith.cmpi sge, %add3A_138, %ge3A : i32
        %convert_element_type3A_143 = arith.extui %ge3A_142 : i1 to i32
        %cond3A_144 = arith.constant 0 : i32
        %cond3A_145 = arith.cmpi ne, %convert_element_type3A_143, %cond3A_144 : i32
        scf.if %cond3A_145 {
          %sub3A_290 = arith.constant 1 : i32
          %sub3A_291 = arith.subi %add3A_141, %sub3A_290 : i32
          %mul3A_292 = arith.constant 80 : i32
          %mul3A_293 = arith.muli %sub3A_291, %mul3A_292 : i32
          %dma_wait3A_294 = arith.constant 0 : i32
          %dma_wait3A_295 = tpu.memref_slice %arg4[%mul3A_293, %dma_wait3A_294] : memref<163840x512xf32, #tpu.memory_space<hbm>> -> memref<80x128xf32, #tpu.memory_space<hbm>>
          %dma_wait3A_296 = arith.constant 0 : i32
          %dma_wait3A_297 = tpu.memref_slice %arg4[%mul3A_293, %dma_wait3A_296] : memref<163840x512xf32, #tpu.memory_space<hbm>> -> memref<80x128xf32, #tpu.memory_space<hbm>>
          tpu.wait_dma2 semaphore(%arg26 : memref<!tpu.dma_semaphore, #tpu.memory_space<semaphore_mem>>) src(%arg17 : memref<80x128xf32, #tpu.memory_space<vmem>>) dst(%dma_wait3A_297 : memref<80x128xf32, #tpu.memory_space<hbm>>)
          %dma_wait3A_298 = arith.constant 128 : i32
          %dma_wait3A_299 = tpu.memref_slice %arg4[%mul3A_293, %dma_wait3A_298] : memref<163840x512xf32, #tpu.memory_space<hbm>> -> memref<80x128xf32, #tpu.memory_space<hbm>>
          %dma_wait3A_300 = arith.constant 128 : i32
          %dma_wait3A_301 = tpu.memref_slice %arg4[%mul3A_293, %dma_wait3A_300] : memref<163840x512xf32, #tpu.memory_space<hbm>> -> memref<80x128xf32, #tpu.memory_space<hbm>>
          tpu.wait_dma2 semaphore(%arg26 : memref<!tpu.dma_semaphore, #tpu.memory_space<semaphore_mem>>) src(%arg18 : memref<80x128xf32, #tpu.memory_space<vmem>>) dst(%dma_wait3A_301 : memref<80x128xf32, #tpu.memory_space<hbm>>)
          %dma_wait3A_302 = arith.constant 256 : i32
          %dma_wait3A_303 = tpu.memref_slice %arg4[%mul3A_293, %dma_wait3A_302] : memref<163840x512xf32, #tpu.memory_space<hbm>> -> memref<80x128xf32, #tpu.memory_space<hbm>>
          %dma_wait3A_304 = arith.constant 256 : i32
          %dma_wait3A_305 = tpu.memref_slice %arg4[%mul3A_293, %dma_wait3A_304] : memref<163840x512xf32, #tpu.memory_space<hbm>> -> memref<80x128xf32, #tpu.memory_space<hbm>>
          tpu.wait_dma2 semaphore(%arg26 : memref<!tpu.dma_semaphore, #tpu.memory_space<semaphore_mem>>) src(%arg19 : memref<80x128xf32, #tpu.memory_space<vmem>>) dst(%dma_wait3A_305 : memref<80x128xf32, #tpu.memory_space<hbm>>)
          %dma_wait3A_306 = arith.constant 384 : i32
          %dma_wait3A_307 = tpu.memref_slice %arg4[%mul3A_293, %dma_wait3A_306] : memref<163840x512xf32, #tpu.memory_space<hbm>> -> memref<80x128xf32, #tpu.memory_space<hbm>>
          %dma_wait3A_308 = arith.constant 384 : i32
          %dma_wait3A_309 = tpu.memref_slice %arg4[%mul3A_293, %dma_wait3A_308] : memref<163840x512xf32, #tpu.memory_space<hbm>> -> memref<80x128xf32, #tpu.memory_space<hbm>>
          tpu.wait_dma2 semaphore(%arg26 : memref<!tpu.dma_semaphore, #tpu.memory_space<semaphore_mem>>) src(%arg20 : memref<80x128xf32, #tpu.memory_space<vmem>>) dst(%dma_wait3A_309 : memref<80x128xf32, #tpu.memory_space<hbm>>)
        } else {
        }
        %add3A_146 = arith.constant 1 : i32
        %add3A_147 = arith.addi %add3A_141, %add3A_146 : i32
        %mul3A_148 = arith.constant 80 : i32
        %mul3A_149 = arith.muli %add3A_147, %mul3A_148 : i32
        %add3A_150 = arith.constant 0 : i32
        %add3A_151 = arith.addi %add3A_150, %mul3A_149 : i32
        %mul3A_152 = arith.constant 80 : i32
        %mul3A_153 = arith.muli %add3A_147, %mul3A_152 : i32
        %add3A_154 = arith.constant 171840 : i32
        %add3A_155 = arith.addi %add3A_154, %mul3A_153 : i32
        %mul3A_156 = arith.constant 80 : i32
        %mul3A_157 = arith.muli %add3A_147, %mul3A_156 : i32
        %add3A_158 = arith.constant 343680 : i32
        %add3A_159 = arith.addi %add3A_158, %mul3A_157 : i32
        %mul3A_160 = arith.constant 80 : i32
        %mul3A_161 = arith.muli %add3A_147, %mul3A_160 : i32
        %add3A_162 = arith.constant 515520 : i32
        %add3A_163 = arith.addi %add3A_162, %mul3A_161 : i32
        %dma_wait3A_164 = tpu.memref_slice %arg3[%add3A_151] : memref<687360xi32, #tpu.memory_space<hbm>> -> memref<80xi32, #tpu.memory_space<hbm>>
        %dma_wait3A_165 = tpu.memref_slice %arg3[%add3A_151] : memref<687360xi32, #tpu.memory_space<hbm>> -> memref<80xi32, #tpu.memory_space<hbm>>
        tpu.wait_dma2 semaphore(%arg22 : memref<!tpu.dma_semaphore, #tpu.memory_space<semaphore_mem>>) src(%dma_wait3A_165 : memref<80xi32, #tpu.memory_space<hbm>>) dst(%arg9 : memref<80xi32, #tpu.memory_space<vmem>>)
        %dma_wait3A_166 = tpu.memref_slice %arg3[%add3A_155] : memref<687360xi32, #tpu.memory_space<hbm>> -> memref<80xi32, #tpu.memory_space<hbm>>
        %dma_wait3A_167 = tpu.memref_slice %arg3[%add3A_155] : memref<687360xi32, #tpu.memory_space<hbm>> -> memref<80xi32, #tpu.memory_space<hbm>>
        tpu.wait_dma2 semaphore(%arg22 : memref<!tpu.dma_semaphore, #tpu.memory_space<semaphore_mem>>) src(%dma_wait3A_167 : memref<80xi32, #tpu.memory_space<hbm>>) dst(%arg10 : memref<80xi32, #tpu.memory_space<vmem>>)
        %dma_wait3A_168 = tpu.memref_slice %arg3[%add3A_159] : memref<687360xi32, #tpu.memory_space<hbm>> -> memref<80xi32, #tpu.memory_space<hbm>>
        %dma_wait3A_169 = tpu.memref_slice %arg3[%add3A_159] : memref<687360xi32, #tpu.memory_space<hbm>> -> memref<80xi32, #tpu.memory_space<hbm>>
        tpu.wait_dma2 semaphore(%arg22 : memref<!tpu.dma_semaphore, #tpu.memory_space<semaphore_mem>>) src(%dma_wait3A_169 : memref<80xi32, #tpu.memory_space<hbm>>) dst(%arg11 : memref<80xi32, #tpu.memory_space<vmem>>)
        %dma_wait3A_170 = tpu.memref_slice %arg3[%add3A_163] : memref<687360xi32, #tpu.memory_space<hbm>> -> memref<80xi32, #tpu.memory_space<hbm>>
        %dma_wait3A_171 = tpu.memref_slice %arg3[%add3A_163] : memref<687360xi32, #tpu.memory_space<hbm>> -> memref<80xi32, #tpu.memory_space<hbm>>
        tpu.wait_dma2 semaphore(%arg22 : memref<!tpu.dma_semaphore, #tpu.memory_space<semaphore_mem>>) src(%dma_wait3A_171 : memref<80xi32, #tpu.memory_space<hbm>>) dst(%arg12 : memref<80xi32, #tpu.memory_space<vmem>>)
        %dma_start3A_172 = arith.constant 0 : i32
        %dma_start3A_173 = arith.constant 0 : i32
        %dma_start3A_174 = tpu.memref_slice %arg2[%dma_start3A_172, %dma_start3A_173] : memref<160000x128xf32, #tpu.memory_space<hbm>> -> memref<160000x128xf32, #tpu.memory_space<hbm>>
        tpu.enqueue_indirect_dma source(%dma_start3A_174 : memref<160000x128xf32, #tpu.memory_space<hbm>>) target(%arg17 : memref<80x128xf32, #tpu.memory_space<vmem>>) offsets(%arg9 : memref<80xi32, #tpu.memory_space<vmem>>) semaphore(%arg24 : memref<!tpu.dma_semaphore, #tpu.memory_space<semaphore_mem>>)
        %dma_start3A_175 = arith.constant 0 : i32
        %dma_start3A_176 = arith.constant 0 : i32
        %dma_start3A_177 = tpu.memref_slice %arg2[%dma_start3A_175, %dma_start3A_176] : memref<160000x128xf32, #tpu.memory_space<hbm>> -> memref<160000x128xf32, #tpu.memory_space<hbm>>
        tpu.enqueue_indirect_dma source(%dma_start3A_177 : memref<160000x128xf32, #tpu.memory_space<hbm>>) target(%arg18 : memref<80x128xf32, #tpu.memory_space<vmem>>) offsets(%arg10 : memref<80xi32, #tpu.memory_space<vmem>>) semaphore(%arg24 : memref<!tpu.dma_semaphore, #tpu.memory_space<semaphore_mem>>)
        %dma_start3A_178 = arith.constant 0 : i32
        %dma_start3A_179 = arith.constant 0 : i32
        %dma_start3A_180 = tpu.memref_slice %arg2[%dma_start3A_178, %dma_start3A_179] : memref<160000x128xf32, #tpu.memory_space<hbm>> -> memref<160000x128xf32, #tpu.memory_space<hbm>>
        tpu.enqueue_indirect_dma source(%dma_start3A_180 : memref<160000x128xf32, #tpu.memory_space<hbm>>) target(%arg19 : memref<80x128xf32, #tpu.memory_space<vmem>>) offsets(%arg11 : memref<80xi32, #tpu.memory_space<vmem>>) semaphore(%arg24 : memref<!tpu.dma_semaphore, #tpu.memory_space<semaphore_mem>>)
        %dma_start3A_181 = arith.constant 0 : i32
        %dma_start3A_182 = arith.constant 0 : i32
        %dma_start3A_183 = tpu.memref_slice %arg2[%dma_start3A_181, %dma_start3A_182] : memref<160000x128xf32, #tpu.memory_space<hbm>> -> memref<160000x128xf32, #tpu.memory_space<hbm>>
        tpu.enqueue_indirect_dma source(%dma_start3A_183 : memref<160000x128xf32, #tpu.memory_space<hbm>>) target(%arg20 : memref<80x128xf32, #tpu.memory_space<vmem>>) offsets(%arg12 : memref<80xi32, #tpu.memory_space<vmem>>) semaphore(%arg24 : memref<!tpu.dma_semaphore, #tpu.memory_space<semaphore_mem>>)
        %dma_wait3A_184 = arith.constant 0 : i32
        %dma_wait3A_185 = arith.constant 0 : i32
        %dma_wait3A_186 = tpu.memref_slice %arg2[%dma_wait3A_184, %dma_wait3A_185] : memref<160000x128xf32, #tpu.memory_space<hbm>> -> memref<160000x128xf32, #tpu.memory_space<hbm>>
        tpu.wait_indirect_dma semaphore(%arg23 : memref<!tpu.dma_semaphore, #tpu.memory_space<semaphore_mem>>) src(%dma_wait3A_186 : memref<160000x128xf32, #tpu.memory_space<hbm>>) dst(%arg13 : memref<80x128xf32, #tpu.memory_space<vmem>>)
        %dma_wait3A_187 = arith.constant 0 : i32
        %dma_wait3A_188 = arith.constant 0 : i32
        %dma_wait3A_189 = tpu.memref_slice %arg2[%dma_wait3A_187, %dma_wait3A_188] : memref<160000x128xf32, #tpu.memory_space<hbm>> -> memref<160000x128xf32, #tpu.memory_space<hbm>>
        tpu.wait_indirect_dma semaphore(%arg23 : memref<!tpu.dma_semaphore, #tpu.memory_space<semaphore_mem>>) src(%dma_wait3A_189 : memref<160000x128xf32, #tpu.memory_space<hbm>>) dst(%arg14 : memref<80x128xf32, #tpu.memory_space<vmem>>)
        %dma_wait3A_190 = arith.constant 0 : i32
        %dma_wait3A_191 = arith.constant 0 : i32
        %dma_wait3A_192 = tpu.memref_slice %arg2[%dma_wait3A_190, %dma_wait3A_191] : memref<160000x128xf32, #tpu.memory_space<hbm>> -> memref<160000x128xf32, #tpu.memory_space<hbm>>
        tpu.wait_indirect_dma semaphore(%arg23 : memref<!tpu.dma_semaphore, #tpu.memory_space<semaphore_mem>>) src(%dma_wait3A_192 : memref<160000x128xf32, #tpu.memory_space<hbm>>) dst(%arg15 : memref<80x128xf32, #tpu.memory_space<vmem>>)
        %dma_wait3A_193 = arith.constant 0 : i32
        %dma_wait3A_194 = arith.constant 0 : i32
        %dma_wait3A_195 = tpu.memref_slice %arg2[%dma_wait3A_193, %dma_wait3A_194] : memref<160000x128xf32, #tpu.memory_space<hbm>> -> memref<160000x128xf32, #tpu.memory_space<hbm>>
        tpu.wait_indirect_dma semaphore(%arg23 : memref<!tpu.dma_semaphore, #tpu.memory_space<semaphore_mem>>) src(%dma_wait3A_195 : memref<160000x128xf32, #tpu.memory_space<hbm>>) dst(%arg16 : memref<80x128xf32, #tpu.memory_space<vmem>>)
        %add3A_196 = arith.constant 1 : i32
        %add3A_197 = arith.addi %add3A_138, %add3A_196 : i32
        %lt3A = arith.cmpi slt, %add3A_197, %select_n3A : i32
        %convert_element_type3A_198 = arith.extui %lt3A : i1 to i32
        %cond3A_199 = arith.constant 0 : i32
        %cond3A_200 = arith.cmpi ne, %convert_element_type3A_198, %cond3A_199 : i32
        scf.if %cond3A_200 {
          %add3A_290 = arith.constant 2 : i32
          %add3A_291 = arith.addi %add3A_141, %add3A_290 : i32
          %mul3A_292 = arith.constant 80 : i32
          %mul3A_293 = arith.muli %add3A_291, %mul3A_292 : i32
          %add3A_294 = arith.constant 0 : i32
          %add3A_295 = arith.addi %add3A_294, %mul3A_293 : i32
          %mul3A_296 = arith.constant 80 : i32
          %mul3A_297 = arith.muli %add3A_291, %mul3A_296 : i32
          %add3A_298 = arith.constant 171840 : i32
          %add3A_299 = arith.addi %add3A_298, %mul3A_297 : i32
          %mul3A_300 = arith.constant 80 : i32
          %mul3A_301 = arith.muli %add3A_291, %mul3A_300 : i32
          %add3A_302 = arith.constant 343680 : i32
          %add3A_303 = arith.addi %add3A_302, %mul3A_301 : i32
          %mul3A_304 = arith.constant 80 : i32
          %mul3A_305 = arith.muli %add3A_291, %mul3A_304 : i32
          %add3A_306 = arith.constant 515520 : i32
          %add3A_307 = arith.addi %add3A_306, %mul3A_305 : i32
          %dma_start3A_308 = tpu.memref_slice %arg3[%add3A_295] : memref<687360xi32, #tpu.memory_space<hbm>> -> memref<80xi32, #tpu.memory_space<hbm>>
          %dma_start3A_309 = tpu.memref_slice %arg3[%add3A_295] : memref<687360xi32, #tpu.memory_space<hbm>> -> memref<80xi32, #tpu.memory_space<hbm>>
          tpu.enqueue_dma source(%dma_start3A_309 : memref<80xi32, #tpu.memory_space<hbm>>) target(%arg5 : memref<80xi32, #tpu.memory_space<vmem>>) target_semaphore(%arg21 : memref<!tpu.dma_semaphore, #tpu.memory_space<semaphore_mem>>)
          %dma_start3A_310 = tpu.memref_slice %arg3[%add3A_299] : memref<687360xi32, #tpu.memory_space<hbm>> -> memref<80xi32, #tpu.memory_space<hbm>>
          %dma_start3A_311 = tpu.memref_slice %arg3[%add3A_299] : memref<687360xi32, #tpu.memory_space<hbm>> -> memref<80xi32, #tpu.memory_space<hbm>>
          tpu.enqueue_dma source(%dma_start3A_311 : memref<80xi32, #tpu.memory_space<hbm>>) target(%arg6 : memref<80xi32, #tpu.memory_space<vmem>>) target_semaphore(%arg21 : memref<!tpu.dma_semaphore, #tpu.memory_space<semaphore_mem>>)
          %dma_start3A_312 = tpu.memref_slice %arg3[%add3A_303] : memref<687360xi32, #tpu.memory_space<hbm>> -> memref<80xi32, #tpu.memory_space<hbm>>
          %dma_start3A_313 = tpu.memref_slice %arg3[%add3A_303] : memref<687360xi32, #tpu.memory_space<hbm>> -> memref<80xi32, #tpu.memory_space<hbm>>
          tpu.enqueue_dma source(%dma_start3A_313 : memref<80xi32, #tpu.memory_space<hbm>>) target(%arg7 : memref<80xi32, #tpu.memory_space<vmem>>) target_semaphore(%arg21 : memref<!tpu.dma_semaphore, #tpu.memory_space<semaphore_mem>>)
          %dma_start3A_314 = tpu.memref_slice %arg3[%add3A_307] : memref<687360xi32, #tpu.memory_space<hbm>> -> memref<80xi32, #tpu.memory_space<hbm>>
          %dma_start3A_315 = tpu.memref_slice %arg3[%add3A_307] : memref<687360xi32, #tpu.memory_space<hbm>> -> memref<80xi32, #tpu.memory_space<hbm>>
          tpu.enqueue_dma source(%dma_start3A_315 : memref<80xi32, #tpu.memory_space<hbm>>) target(%arg8 : memref<80xi32, #tpu.memory_space<vmem>>) target_semaphore(%arg21 : memref<!tpu.dma_semaphore, #tpu.memory_space<semaphore_mem>>)
        } else {
        }
        %scan3A = arith.constant 0 : i32
        %scan3A_201 = arith.constant 80 : i32
        %scan3A_202 = arith.addi %scan3A, %scan3A_201 : i32
        %scan3A_203 = arith.constant 1 : i32
        scf.for %scan3A_290 = %scan3A to %scan3A_202 step %scan3A_203  : i32 {
          %mul3A_291 = arith.constant 1 : i32
          %mul3A_292 = arith.muli %scan3A_290, %mul3A_291 : i32
          %add3A_293 = arith.constant 0 : i32
          %add3A_294 = arith.addi %add3A_293, %mul3A_292 : i32
          %scan3A_295 = arith.constant 0 : i32
          %scan3A_296 = arith.constant 8 : i32
          %scan3A_297 = arith.addi %scan3A_295, %scan3A_296 : i32
          %scan3A_298 = arith.constant 1 : i32
          scf.for %scan3A_300 = %scan3A_295 to %scan3A_297 step %scan3A_298  : i32 {
            %mul3A_301 = arith.constant 1 : i32
            %mul3A_302 = arith.muli %scan3A_300, %mul3A_301 : i32
            %add3A_303 = arith.constant 0 : i32
            %add3A_304 = arith.addi %add3A_303, %mul3A_302 : i32
            %mul3A_305 = arith.constant 16 : i32
            %mul3A_306 = arith.muli %add3A_304, %mul3A_305 : i32
            %get3A = arith.index_cast %add3A_294 : i32 to index
            %get3A_307 = arith.index_cast %mul3A_306 : i32 to index
            %get3A_308 = tpu.vector_load %arg13[%get3A, %get3A_307] {strides = array<i32>} : memref<80x128xf32, #tpu.memory_space<vmem>>, vector<1x16xf32>,
            %get3A_309 = vector.shape_cast %get3A_308 : vector<1x16xf32> to vector<16xf32>
            %get3A_310 = arith.index_cast %add3A_294 : i32 to index
            %get3A_311 = arith.index_cast %mul3A_306 : i32 to index
            %get3A_312 = tpu.vector_load %arg14[%get3A_310, %get3A_311] {strides = array<i32>} : memref<80x128xf32, #tpu.memory_space<vmem>>, vector<1x16xf32>,
            %get3A_313 = vector.shape_cast %get3A_312 : vector<1x16xf32> to vector<16xf32>
            %get3A_314 = arith.index_cast %add3A_294 : i32 to index
            %get3A_315 = arith.index_cast %mul3A_306 : i32 to index
            %get3A_316 = tpu.vector_load %arg15[%get3A_314, %get3A_315] {strides = array<i32>} : memref<80x128xf32, #tpu.memory_space<vmem>>, vector<1x16xf32>,
            %get3A_317 = vector.shape_cast %get3A_316 : vector<1x16xf32> to vector<16xf32>
            %get3A_318 = arith.index_cast %add3A_294 : i32 to index
            %get3A_319 = arith.index_cast %mul3A_306 : i32 to index
            %get3A_320 = tpu.vector_load %arg16[%get3A_318, %get3A_319] {strides = array<i32>} : memref<80x128xf32, #tpu.memory_space<vmem>>, vector<1x16xf32>,
            %get3A_321 = vector.shape_cast %get3A_320 : vector<1x16xf32> to vector<16xf32>
            %add3A_322 = arith.addf %get3A_309, %get3A_317 : vector<16xf32>
            %swap3A = arith.index_cast %add3A_294 : i32 to index
            %swap3A_323 = arith.index_cast %mul3A_306 : i32 to index
            %swap3A_324 = tpu.vector_load %arg13[%swap3A, %swap3A_323] {strides = array<i32>} : memref<80x128xf32, #tpu.memory_space<vmem>>, vector<1x16xf32>,
            %swap3A_325 = vector.shape_cast %swap3A_324 : vector<1x16xf32> to vector<16xf32>
            %swap3A_326 = vector.shape_cast %add3A_322 : vector<16xf32> to vector<1x16xf32>
            tpu.vector_store %arg13[%swap3A, %swap3A_323], %swap3A_326 {strides = array<i32>} : memref<80x128xf32, #tpu.memory_space<vmem>>, vector<1x16xf32>,
            %add3A_327 = arith.addf %get3A_313, %get3A_321 : vector<16xf32>
            %swap3A_328 = arith.index_cast %add3A_294 : i32 to index
            %swap3A_329 = arith.index_cast %mul3A_306 : i32 to index
            %swap3A_330 = tpu.vector_load %arg14[%swap3A_328, %swap3A_329] {strides = array<i32>} : memref<80x128xf32, #tpu.memory_space<vmem>>, vector<1x16xf32>,
            %swap3A_331 = vector.shape_cast %swap3A_330 : vector<1x16xf32> to vector<16xf32>
            %swap3A_332 = vector.shape_cast %add3A_327 : vector<16xf32> to vector<1x16xf32>
            tpu.vector_store %arg14[%swap3A_328, %swap3A_329], %swap3A_332 {strides = array<i32>} : memref<80x128xf32, #tpu.memory_space<vmem>>, vector<1x16xf32>,
            %sub3A_333 = arith.subf %get3A_309, %get3A_317 : vector<16xf32>
            %abs3A = math.absf %sub3A_333 : vector<16xf32>
            %swap3A_334 = arith.index_cast %add3A_294 : i32 to index
            %swap3A_335 = arith.index_cast %mul3A_306 : i32 to index
            %swap3A_336 = tpu.vector_load %arg15[%swap3A_334, %swap3A_335] {strides = array<i32>} : memref<80x128xf32, #tpu.memory_space<vmem>>, vector<1x16xf32>,
            %swap3A_337 = vector.shape_cast %swap3A_336 : vector<1x16xf32> to vector<16xf32>
            %swap3A_338 = vector.shape_cast %abs3A : vector<16xf32> to vector<1x16xf32>
            tpu.vector_store %arg15[%swap3A_334, %swap3A_335], %swap3A_338 {strides = array<i32>} : memref<80x128xf32, #tpu.memory_space<vmem>>, vector<1x16xf32>,
            %sub3A_339 = arith.subf %get3A_313, %get3A_321 : vector<16xf32>
            %abs3A_340 = math.absf %sub3A_339 : vector<16xf32>
            %swap3A_341 = arith.index_cast %add3A_294 : i32 to index
            %swap3A_342 = arith.index_cast %mul3A_306 : i32 to index
            %swap3A_343 = tpu.vector_load %arg16[%swap3A_341, %swap3A_342] {strides = array<i32>} : memref<80x128xf32, #tpu.memory_space<vmem>>, vector<1x16xf32>,
            %swap3A_344 = vector.shape_cast %swap3A_343 : vector<1x16xf32> to vector<16xf32>
            %swap3A_345 = vector.shape_cast %abs3A_340 : vector<16xf32> to vector<1x16xf32>
            tpu.vector_store %arg16[%swap3A_341, %swap3A_342], %swap3A_345 {strides = array<i32>} : memref<80x128xf32, #tpu.memory_space<vmem>>, vector<1x16xf32>,
          }
          %scan3A_299 = arith.constant 8 : i32
        }
        %scan3A_204 = arith.constant 80 : i32
        %mul3A_205 = arith.constant 80 : i32
        %mul3A_206 = arith.muli %add3A_141, %mul3A_205 : i32
        %dma_start3A_207 = arith.constant 0 : i32
        %dma_start3A_208 = tpu.memref_slice %arg4[%mul3A_206, %dma_start3A_207] : memref<163840x512xf32, #tpu.memory_space<hbm>> -> memref<80x128xf32, #tpu.memory_space<hbm>>
        %dma_start3A_209 = arith.constant 0 : i32
        %dma_start3A_210 = tpu.memref_slice %arg4[%mul3A_206, %dma_start3A_209] : memref<163840x512xf32, #tpu.memory_space<hbm>> -> memref<80x128xf32, #tpu.memory_space<hbm>>
        tpu.enqueue_dma source(%arg13 : memref<80x128xf32, #tpu.memory_space<vmem>>) target(%dma_start3A_210 : memref<80x128xf32, #tpu.memory_space<hbm>>) target_semaphore(%arg25 : memref<!tpu.dma_semaphore, #tpu.memory_space<semaphore_mem>>)
        %dma_start3A_211 = arith.constant 128 : i32
        %dma_start3A_212 = tpu.memref_slice %arg4[%mul3A_206, %dma_start3A_211] : memref<163840x512xf32, #tpu.memory_space<hbm>> -> memref<80x128xf32, #tpu.memory_space<hbm>>
        %dma_start3A_213 = arith.constant 128 : i32
        %dma_start3A_214 = tpu.memref_slice %arg4[%mul3A_206, %dma_start3A_213] : memref<163840x512xf32, #tpu.memory_space<hbm>> -> memref<80x128xf32, #tpu.memory_space<hbm>>
        tpu.enqueue_dma source(%arg14 : memref<80x128xf32, #tpu.memory_space<vmem>>) target(%dma_start3A_214 : memref<80x128xf32, #tpu.memory_space<hbm>>) target_semaphore(%arg25 : memref<!tpu.dma_semaphore, #tpu.memory_space<semaphore_mem>>)
        %dma_start3A_215 = arith.constant 256 : i32
        %dma_start3A_216 = tpu.memref_slice %arg4[%mul3A_206, %dma_start3A_215] : memref<163840x512xf32, #tpu.memory_space<hbm>> -> memref<80x128xf32, #tpu.memory_space<hbm>>
        %dma_start3A_217 = arith.constant 256 : i32
        %dma_start3A_218 = tpu.memref_slice %arg4[%mul3A_206, %dma_start3A_217] : memref<163840x512xf32, #tpu.memory_space<hbm>> -> memref<80x128xf32, #tpu.memory_space<hbm>>
        tpu.enqueue_dma source(%arg15 : memref<80x128xf32, #tpu.memory_space<vmem>>) target(%dma_start3A_218 : memref<80x128xf32, #tpu.memory_space<hbm>>) target_semaphore(%arg25 : memref<!tpu.dma_semaphore, #tpu.memory_space<semaphore_mem>>)
        %dma_start3A_219 = arith.constant 384 : i32
        %dma_start3A_220 = tpu.memref_slice %arg4[%mul3A_206, %dma_start3A_219] : memref<163840x512xf32, #tpu.memory_space<hbm>> -> memref<80x128xf32, #tpu.memory_space<hbm>>
        %dma_start3A_221 = arith.constant 384 : i32
        %dma_start3A_222 = tpu.memref_slice %arg4[%mul3A_206, %dma_start3A_221] : memref<163840x512xf32, #tpu.memory_space<hbm>> -> memref<80x128xf32, #tpu.memory_space<hbm>>
        tpu.enqueue_dma source(%arg16 : memref<80x128xf32, #tpu.memory_space<vmem>>) target(%dma_start3A_222 : memref<80x128xf32, #tpu.memory_space<hbm>>) target_semaphore(%arg25 : memref<!tpu.dma_semaphore, #tpu.memory_space<semaphore_mem>>)
        %mul3A_223 = arith.constant 80 : i32
        %mul3A_224 = arith.muli %add3A_141, %mul3A_223 : i32
        %dma_wait3A_225 = arith.constant 0 : i32
        %dma_wait3A_226 = tpu.memref_slice %arg4[%mul3A_224, %dma_wait3A_225] : memref<163840x512xf32, #tpu.memory_space<hbm>> -> memref<80x128xf32, #tpu.memory_space<hbm>>
        %dma_wait3A_227 = arith.constant 0 : i32
        %dma_wait3A_228 = tpu.memref_slice %arg4[%mul3A_224, %dma_wait3A_227] : memref<163840x512xf32, #tpu.memory_space<hbm>> -> memref<80x128xf32, #tpu.memory_space<hbm>>
        tpu.wait_dma2 semaphore(%arg25 : memref<!tpu.dma_semaphore, #tpu.memory_space<semaphore_mem>>) src(%arg13 : memref<80x128xf32, #tpu.memory_space<vmem>>) dst(%dma_wait3A_228 : memref<80x128xf32, #tpu.memory_space<hbm>>)
        %dma_wait3A_229 = arith.constant 128 : i32
        %dma_wait3A_230 = tpu.memref_slice %arg4[%mul3A_224, %dma_wait3A_229] : memref<163840x512xf32, #tpu.memory_space<hbm>> -> memref<80x128xf32, #tpu.memory_space<hbm>>
        %dma_wait3A_231 = arith.constant 128 : i32
        %dma_wait3A_232 = tpu.memref_slice %arg4[%mul3A_224, %dma_wait3A_231] : memref<163840x512xf32, #tpu.memory_space<hbm>> -> memref<80x128xf32, #tpu.memory_space<hbm>>
        tpu.wait_dma2 semaphore(%arg25 : memref<!tpu.dma_semaphore, #tpu.memory_space<semaphore_mem>>) src(%arg14 : memref<80x128xf32, #tpu.memory_space<vmem>>) dst(%dma_wait3A_232 : memref<80x128xf32, #tpu.memory_space<hbm>>)
        %dma_wait3A_233 = arith.constant 256 : i32
        %dma_wait3A_234 = tpu.memref_slice %arg4[%mul3A_224, %dma_wait3A_233] : memref<163840x512xf32, #tpu.memory_space<hbm>> -> memref<80x128xf32, #tpu.memory_space<hbm>>
        %dma_wait3A_235 = arith.constant 256 : i32
        %dma_wait3A_236 = tpu.memref_slice %arg4[%mul3A_224, %dma_wait3A_235] : memref<163840x512xf32, #tpu.memory_space<hbm>> -> memref<80x128xf32, #tpu.memory_space<hbm>>
        tpu.wait_dma2 semaphore(%arg25 : memref<!tpu.dma_semaphore, #tpu.memory_space<semaphore_mem>>) src(%arg15 : memref<80x128xf32, #tpu.memory_space<vmem>>) dst(%dma_wait3A_236 : memref<80x128xf32, #tpu.memory_space<hbm>>)
        %dma_wait3A_237 = arith.constant 384 : i32
        %dma_wait3A_238 = tpu.memref_slice %arg4[%mul3A_224, %dma_wait3A_237] : memref<163840x512xf32, #tpu.memory_space<hbm>> -> memref<80x128xf32, #tpu.memory_space<hbm>>
        %dma_wait3A_239 = arith.constant 384 : i32
        %dma_wait3A_240 = tpu.memref_slice %arg4[%mul3A_224, %dma_wait3A_239] : memref<163840x512xf32, #tpu.memory_space<hbm>> -> memref<80x128xf32, #tpu.memory_space<hbm>>
        tpu.wait_dma2 semaphore(%arg25 : memref<!tpu.dma_semaphore, #tpu.memory_space<semaphore_mem>>) src(%arg16 : memref<80x128xf32, #tpu.memory_space<vmem>>) dst(%dma_wait3A_240 : memref<80x128xf32, #tpu.memory_space<hbm>>)
        %add3A_241 = arith.constant 1 : i32
        %add3A_242 = arith.addi %add3A_138, %add3A_241 : i32
        %lt3A_243 = arith.cmpi slt, %add3A_242, %select_n3A : i32
        %convert_element_type3A_244 = arith.extui %lt3A_243 : i1 to i32
        %cond3A_245 = arith.constant 0 : i32
        %cond3A_246 = arith.cmpi ne, %convert_element_type3A_244, %cond3A_245 : i32
        scf.if %cond3A_246 {
          %add3A_290 = arith.constant 2 : i32
          %add3A_291 = arith.addi %add3A_141, %add3A_290 : i32
          %mul3A_292 = arith.constant 80 : i32
          %mul3A_293 = arith.muli %add3A_291, %mul3A_292 : i32
          %add3A_294 = arith.constant 0 : i32
          %add3A_295 = arith.addi %add3A_294, %mul3A_293 : i32
          %mul3A_296 = arith.constant 80 : i32
          %mul3A_297 = arith.muli %add3A_291, %mul3A_296 : i32
          %add3A_298 = arith.constant 171840 : i32
          %add3A_299 = arith.addi %add3A_298, %mul3A_297 : i32
          %mul3A_300 = arith.constant 80 : i32
          %mul3A_301 = arith.muli %add3A_291, %mul3A_300 : i32
          %add3A_302 = arith.constant 343680 : i32
          %add3A_303 = arith.addi %add3A_302, %mul3A_301 : i32
          %mul3A_304 = arith.constant 80 : i32
          %mul3A_305 = arith.muli %add3A_291, %mul3A_304 : i32
          %add3A_306 = arith.constant 515520 : i32
          %add3A_307 = arith.addi %add3A_306, %mul3A_305 : i32
          %dma_wait3A_308 = tpu.memref_slice %arg3[%add3A_295] : memref<687360xi32, #tpu.memory_space<hbm>> -> memref<80xi32, #tpu.memory_space<hbm>>
          %dma_wait3A_309 = tpu.memref_slice %arg3[%add3A_295] : memref<687360xi32, #tpu.memory_space<hbm>> -> memref<80xi32, #tpu.memory_space<hbm>>
          tpu.wait_dma2 semaphore(%arg21 : memref<!tpu.dma_semaphore, #tpu.memory_space<semaphore_mem>>) src(%dma_wait3A_309 : memref<80xi32, #tpu.memory_space<hbm>>) dst(%arg5 : memref<80xi32, #tpu.memory_space<vmem>>)
          %dma_wait3A_310 = tpu.memref_slice %arg3[%add3A_299] : memref<687360xi32, #tpu.memory_space<hbm>> -> memref<80xi32, #tpu.memory_space<hbm>>
          %dma_wait3A_311 = tpu.memref_slice %arg3[%add3A_299] : memref<687360xi32, #tpu.memory_space<hbm>> -> memref<80xi32, #tpu.memory_space<hbm>>
          tpu.wait_dma2 semaphore(%arg21 : memref<!tpu.dma_semaphore, #tpu.memory_space<semaphore_mem>>) src(%dma_wait3A_311 : memref<80xi32, #tpu.memory_space<hbm>>) dst(%arg6 : memref<80xi32, #tpu.memory_space<vmem>>)
          %dma_wait3A_312 = tpu.memref_slice %arg3[%add3A_303] : memref<687360xi32, #tpu.memory_space<hbm>> -> memref<80xi32, #tpu.memory_space<hbm>>
          %dma_wait3A_313 = tpu.memref_slice %arg3[%add3A_303] : memref<687360xi32, #tpu.memory_space<hbm>> -> memref<80xi32, #tpu.memory_space<hbm>>
          tpu.wait_dma2 semaphore(%arg21 : memref<!tpu.dma_semaphore, #tpu.memory_space<semaphore_mem>>) src(%dma_wait3A_313 : memref<80xi32, #tpu.memory_space<hbm>>) dst(%arg7 : memref<80xi32, #tpu.memory_space<vmem>>)
          %dma_wait3A_314 = tpu.memref_slice %arg3[%add3A_307] : memref<687360xi32, #tpu.memory_space<hbm>> -> memref<80xi32, #tpu.memory_space<hbm>>
          %dma_wait3A_315 = tpu.memref_slice %arg3[%add3A_307] : memref<687360xi32, #tpu.memory_space<hbm>> -> memref<80xi32, #tpu.memory_space<hbm>>
          tpu.wait_dma2 semaphore(%arg21 : memref<!tpu.dma_semaphore, #tpu.memory_space<semaphore_mem>>) src(%dma_wait3A_315 : memref<80xi32, #tpu.memory_space<hbm>>) dst(%arg8 : memref<80xi32, #tpu.memory_space<vmem>>)
          %dma_start3A_316 = arith.constant 0 : i32
          %dma_start3A_317 = arith.constant 0 : i32
          %dma_start3A_318 = tpu.memref_slice %arg2[%dma_start3A_316, %dma_start3A_317] : memref<160000x128xf32, #tpu.memory_space<hbm>> -> memref<160000x128xf32, #tpu.memory_space<hbm>>
          tpu.enqueue_indirect_dma source(%dma_start3A_318 : memref<160000x128xf32, #tpu.memory_space<hbm>>) target(%arg13 : memref<80x128xf32, #tpu.memory_space<vmem>>) offsets(%arg5 : memref<80xi32, #tpu.memory_space<vmem>>) semaphore(%arg23 : memref<!tpu.dma_semaphore, #tpu.memory_space<semaphore_mem>>)
          %dma_start3A_319 = arith.constant 0 : i32
          %dma_start3A_320 = arith.constant 0 : i32
          %dma_start3A_321 = tpu.memref_slice %arg2[%dma_start3A_319, %dma_start3A_320] : memref<160000x128xf32, #tpu.memory_space<hbm>> -> memref<160000x128xf32, #tpu.memory_space<hbm>>
          tpu.enqueue_indirect_dma source(%dma_start3A_321 : memref<160000x128xf32, #tpu.memory_space<hbm>>) target(%arg14 : memref<80x128xf32, #tpu.memory_space<vmem>>) offsets(%arg6 : memref<80xi32, #tpu.memory_space<vmem>>) semaphore(%arg23 : memref<!tpu.dma_semaphore, #tpu.memory_space<semaphore_mem>>)
          %dma_start3A_322 = arith.constant 0 : i32
          %dma_start3A_323 = arith.constant 0 : i32
          %dma_start3A_324 = tpu.memref_slice %arg2[%dma_start3A_322, %dma_start3A_323] : memref<160000x128xf32, #tpu.memory_space<hbm>> -> memref<160000x128xf32, #tpu.memory_space<hbm>>
          tpu.enqueue_indirect_dma source(%dma_start3A_324 : memref<160000x128xf32, #tpu.memory_space<hbm>>) target(%arg15 : memref<80x128xf32, #tpu.memory_space<vmem>>) offsets(%arg7 : memref<80xi32, #tpu.memory_space<vmem>>) semaphore(%arg23 : memref<!tpu.dma_semaphore, #tpu.memory_space<semaphore_mem>>)
          %dma_start3A_325 = arith.constant 0 : i32
          %dma_start3A_326 = arith.constant 0 : i32
          %dma_start3A_327 = tpu.memref_slice %arg2[%dma_start3A_325, %dma_start3A_326] : memref<160000x128xf32, #tpu.memory_space<hbm>> -> memref<160000x128xf32, #tpu.memory_space<hbm>>
          tpu.enqueue_indirect_dma source(%dma_start3A_327 : memref<160000x128xf32, #tpu.memory_space<hbm>>) target(%arg16 : memref<80x128xf32, #tpu.memory_space<vmem>>) offsets(%arg8 : memref<80xi32, #tpu.memory_space<vmem>>) semaphore(%arg23 : memref<!tpu.dma_semaphore, #tpu.memory_space<semaphore_mem>>)
        } else {
        }
        %dma_wait3A_247 = arith.constant 0 : i32
        %dma_wait3A_248 = arith.constant 0 : i32
        %dma_wait3A_249 = tpu.memref_slice %arg2[%dma_wait3A_247, %dma_wait3A_248] : memref<160000x128xf32, #tpu.memory_space<hbm>> -> memref<160000x128xf32, #tpu.memory_space<hbm>>
        tpu.wait_indirect_dma semaphore(%arg24 : memref<!tpu.dma_semaphore, #tpu.memory_space<semaphore_mem>>) src(%dma_wait3A_249 : memref<160000x128xf32, #tpu.memory_space<hbm>>) dst(%arg17 : memref<80x128xf32, #tpu.memory_space<vmem>>)
        %dma_wait3A_250 = arith.constant 0 : i32
        %dma_wait3A_251 = arith.constant 0 : i32
        %dma_wait3A_252 = tpu.memref_slice %arg2[%dma_wait3A_250, %dma_wait3A_251] : memref<160000x128xf32, #tpu.memory_space<hbm>> -> memref<160000x128xf32, #tpu.memory_space<hbm>>
        tpu.wait_indirect_dma semaphore(%arg24 : memref<!tpu.dma_semaphore, #tpu.memory_space<semaphore_mem>>) src(%dma_wait3A_252 : memref<160000x128xf32, #tpu.memory_space<hbm>>) dst(%arg18 : memref<80x128xf32, #tpu.memory_space<vmem>>)
        %dma_wait3A_253 = arith.constant 0 : i32
        %dma_wait3A_254 = arith.constant 0 : i32
        %dma_wait3A_255 = tpu.memref_slice %arg2[%dma_wait3A_253, %dma_wait3A_254] : memref<160000x128xf32, #tpu.memory_space<hbm>> -> memref<160000x128xf32, #tpu.memory_space<hbm>>
        tpu.wait_indirect_dma semaphore(%arg24 : memref<!tpu.dma_semaphore, #tpu.memory_space<semaphore_mem>>) src(%dma_wait3A_255 : memref<160000x128xf32, #tpu.memory_space<hbm>>) dst(%arg19 : memref<80x128xf32, #tpu.memory_space<vmem>>)
        %dma_wait3A_256 = arith.constant 0 : i32
        %dma_wait3A_257 = arith.constant 0 : i32
        %dma_wait3A_258 = tpu.memref_slice %arg2[%dma_wait3A_256, %dma_wait3A_257] : memref<160000x128xf32, #tpu.memory_space<hbm>> -> memref<160000x128xf32, #tpu.memory_space<hbm>>
        tpu.wait_indirect_dma semaphore(%arg24 : memref<!tpu.dma_semaphore, #tpu.memory_space<semaphore_mem>>) src(%dma_wait3A_258 : memref<160000x128xf32, #tpu.memory_space<hbm>>) dst(%arg20 : memref<80x128xf32, #tpu.memory_space<vmem>>)
        %add3A_259 = arith.constant 1 : i32
        %add3A_260 = arith.addi %add3A_138, %add3A_259 : i32
        %lt3A_261 = arith.cmpi slt, %add3A_260, %select_n3A : i32
        %convert_element_type3A_262 = arith.extui %lt3A_261 : i1 to i32
        %cond3A_263 = arith.constant 0 : i32
        %cond3A_264 = arith.cmpi ne, %convert_element_type3A_262, %cond3A_263 : i32
        scf.if %cond3A_264 {
          %add3A_290 = arith.constant 3 : i32
          %add3A_291 = arith.addi %add3A_141, %add3A_290 : i32
          %mul3A_292 = arith.constant 80 : i32
          %mul3A_293 = arith.muli %add3A_291, %mul3A_292 : i32
          %add3A_294 = arith.constant 0 : i32
          %add3A_295 = arith.addi %add3A_294, %mul3A_293 : i32
          %mul3A_296 = arith.constant 80 : i32
          %mul3A_297 = arith.muli %add3A_291, %mul3A_296 : i32
          %add3A_298 = arith.constant 171840 : i32
          %add3A_299 = arith.addi %add3A_298, %mul3A_297 : i32
          %mul3A_300 = arith.constant 80 : i32
          %mul3A_301 = arith.muli %add3A_291, %mul3A_300 : i32
          %add3A_302 = arith.constant 343680 : i32
          %add3A_303 = arith.addi %add3A_302, %mul3A_301 : i32
          %mul3A_304 = arith.constant 80 : i32
          %mul3A_305 = arith.muli %add3A_291, %mul3A_304 : i32
          %add3A_306 = arith.constant 515520 : i32
          %add3A_307 = arith.addi %add3A_306, %mul3A_305 : i32
          %dma_start3A_308 = tpu.memref_slice %arg3[%add3A_295] : memref<687360xi32, #tpu.memory_space<hbm>> -> memref<80xi32, #tpu.memory_space<hbm>>
          %dma_start3A_309 = tpu.memref_slice %arg3[%add3A_295] : memref<687360xi32, #tpu.memory_space<hbm>> -> memref<80xi32, #tpu.memory_space<hbm>>
          tpu.enqueue_dma source(%dma_start3A_309 : memref<80xi32, #tpu.memory_space<hbm>>) target(%arg9 : memref<80xi32, #tpu.memory_space<vmem>>) target_semaphore(%arg22 : memref<!tpu.dma_semaphore, #tpu.memory_space<semaphore_mem>>)
          %dma_start3A_310 = tpu.memref_slice %arg3[%add3A_299] : memref<687360xi32, #tpu.memory_space<hbm>> -> memref<80xi32, #tpu.memory_space<hbm>>
          %dma_start3A_311 = tpu.memref_slice %arg3[%add3A_299] : memref<687360xi32, #tpu.memory_space<hbm>> -> memref<80xi32, #tpu.memory_space<hbm>>
          tpu.enqueue_dma source(%dma_start3A_311 : memref<80xi32, #tpu.memory_space<hbm>>) target(%arg10 : memref<80xi32, #tpu.memory_space<vmem>>) target_semaphore(%arg22 : memref<!tpu.dma_semaphore, #tpu.memory_space<semaphore_mem>>)
          %dma_start3A_312 = tpu.memref_slice %arg3[%add3A_303] : memref<687360xi32, #tpu.memory_space<hbm>> -> memref<80xi32, #tpu.memory_space<hbm>>
          %dma_start3A_313 = tpu.memref_slice %arg3[%add3A_303] : memref<687360xi32, #tpu.memory_space<hbm>> -> memref<80xi32, #tpu.memory_space<hbm>>
          tpu.enqueue_dma source(%dma_start3A_313 : memref<80xi32, #tpu.memory_space<hbm>>) target(%arg11 : memref<80xi32, #tpu.memory_space<vmem>>) target_semaphore(%arg22 : memref<!tpu.dma_semaphore, #tpu.memory_space<semaphore_mem>>)
          %dma_start3A_314 = tpu.memref_slice %arg3[%add3A_307] : memref<687360xi32, #tpu.memory_space<hbm>> -> memref<80xi32, #tpu.memory_space<hbm>>
          %dma_start3A_315 = tpu.memref_slice %arg3[%add3A_307] : memref<687360xi32, #tpu.memory_space<hbm>> -> memref<80xi32, #tpu.memory_space<hbm>>
          tpu.enqueue_dma source(%dma_start3A_315 : memref<80xi32, #tpu.memory_space<hbm>>) target(%arg12 : memref<80xi32, #tpu.memory_space<vmem>>) target_semaphore(%arg22 : memref<!tpu.dma_semaphore, #tpu.memory_space<semaphore_mem>>)
        } else {
        }
        %scan3A_265 = arith.constant 0 : i32
        %scan3A_266 = arith.constant 80 : i32
        %scan3A_267 = arith.addi %scan3A_265, %scan3A_266 : i32
        %scan3A_268 = arith.constant 1 : i32
        scf.for %scan3A_290 = %scan3A_265 to %scan3A_267 step %scan3A_268  : i32 {
          %mul3A_291 = arith.constant 1 : i32
          %mul3A_292 = arith.muli %scan3A_290, %mul3A_291 : i32
          %add3A_293 = arith.constant 0 : i32
          %add3A_294 = arith.addi %add3A_293, %mul3A_292 : i32
          %scan3A_295 = arith.constant 0 : i32
          %scan3A_296 = arith.constant 8 : i32
          %scan3A_297 = arith.addi %scan3A_295, %scan3A_296 : i32
          %scan3A_298 = arith.constant 1 : i32
          scf.for %scan3A_300 = %scan3A_295 to %scan3A_297 step %scan3A_298  : i32 {
            %mul3A_301 = arith.constant 1 : i32
            %mul3A_302 = arith.muli %scan3A_300, %mul3A_301 : i32
            %add3A_303 = arith.constant 0 : i32
            %add3A_304 = arith.addi %add3A_303, %mul3A_302 : i32
            %mul3A_305 = arith.constant 16 : i32
            %mul3A_306 = arith.muli %add3A_304, %mul3A_305 : i32
            %get3A = arith.index_cast %add3A_294 : i32 to index
            %get3A_307 = arith.index_cast %mul3A_306 : i32 to index
            %get3A_308 = tpu.vector_load %arg17[%get3A, %get3A_307] {strides = array<i32>} : memref<80x128xf32, #tpu.memory_space<vmem>>, vector<1x16xf32>,
            %get3A_309 = vector.shape_cast %get3A_308 : vector<1x16xf32> to vector<16xf32>
            %get3A_310 = arith.index_cast %add3A_294 : i32 to index
            %get3A_311 = arith.index_cast %mul3A_306 : i32 to index
            %get3A_312 = tpu.vector_load %arg18[%get3A_310, %get3A_311] {strides = array<i32>} : memref<80x128xf32, #tpu.memory_space<vmem>>, vector<1x16xf32>,
            %get3A_313 = vector.shape_cast %get3A_312 : vector<1x16xf32> to vector<16xf32>
            %get3A_314 = arith.index_cast %add3A_294 : i32 to index
            %get3A_315 = arith.index_cast %mul3A_306 : i32 to index
            %get3A_316 = tpu.vector_load %arg19[%get3A_314, %get3A_315] {strides = array<i32>} : memref<80x128xf32, #tpu.memory_space<vmem>>, vector<1x16xf32>,
            %get3A_317 = vector.shape_cast %get3A_316 : vector<1x16xf32> to vector<16xf32>
            %get3A_318 = arith.index_cast %add3A_294 : i32 to index
            %get3A_319 = arith.index_cast %mul3A_306 : i32 to index
            %get3A_320 = tpu.vector_load %arg20[%get3A_318, %get3A_319] {strides = array<i32>} : memref<80x128xf32, #tpu.memory_space<vmem>>, vector<1x16xf32>,
            %get3A_321 = vector.shape_cast %get3A_320 : vector<1x16xf32> to vector<16xf32>
            %add3A_322 = arith.addf %get3A_309, %get3A_317 : vector<16xf32>
            %swap3A = arith.index_cast %add3A_294 : i32 to index
            %swap3A_323 = arith.index_cast %mul3A_306 : i32 to index
            %swap3A_324 = tpu.vector_load %arg17[%swap3A, %swap3A_323] {strides = array<i32>} : memref<80x128xf32, #tpu.memory_space<vmem>>, vector<1x16xf32>,
            %swap3A_325 = vector.shape_cast %swap3A_324 : vector<1x16xf32> to vector<16xf32>
            %swap3A_326 = vector.shape_cast %add3A_322 : vector<16xf32> to vector<1x16xf32>
            tpu.vector_store %arg17[%swap3A, %swap3A_323], %swap3A_326 {strides = array<i32>} : memref<80x128xf32, #tpu.memory_space<vmem>>, vector<1x16xf32>,
            %add3A_327 = arith.addf %get3A_313, %get3A_321 : vector<16xf32>
            %swap3A_328 = arith.index_cast %add3A_294 : i32 to index
            %swap3A_329 = arith.index_cast %mul3A_306 : i32 to index
            %swap3A_330 = tpu.vector_load %arg18[%swap3A_328, %swap3A_329] {strides = array<i32>} : memref<80x128xf32, #tpu.memory_space<vmem>>, vector<1x16xf32>,
            %swap3A_331 = vector.shape_cast %swap3A_330 : vector<1x16xf32> to vector<16xf32>
            %swap3A_332 = vector.shape_cast %add3A_327 : vector<16xf32> to vector<1x16xf32>
            tpu.vector_store %arg18[%swap3A_328, %swap3A_329], %swap3A_332 {strides = array<i32>} : memref<80x128xf32, #tpu.memory_space<vmem>>, vector<1x16xf32>,
            %sub3A_333 = arith.subf %get3A_309, %get3A_317 : vector<16xf32>
            %abs3A = math.absf %sub3A_333 : vector<16xf32>
            %swap3A_334 = arith.index_cast %add3A_294 : i32 to index
            %swap3A_335 = arith.index_cast %mul3A_306 : i32 to index
            %swap3A_336 = tpu.vector_load %arg19[%swap3A_334, %swap3A_335] {strides = array<i32>} : memref<80x128xf32, #tpu.memory_space<vmem>>, vector<1x16xf32>,
            %swap3A_337 = vector.shape_cast %swap3A_336 : vector<1x16xf32> to vector<16xf32>
            %swap3A_338 = vector.shape_cast %abs3A : vector<16xf32> to vector<1x16xf32>
            tpu.vector_store %arg19[%swap3A_334, %swap3A_335], %swap3A_338 {strides = array<i32>} : memref<80x128xf32, #tpu.memory_space<vmem>>, vector<1x16xf32>,
            %sub3A_339 = arith.subf %get3A_313, %get3A_321 : vector<16xf32>
            %abs3A_340 = math.absf %sub3A_339 : vector<16xf32>
            %swap3A_341 = arith.index_cast %add3A_294 : i32 to index
            %swap3A_342 = arith.index_cast %mul3A_306 : i32 to index
            %swap3A_343 = tpu.vector_load %arg20[%swap3A_341, %swap3A_342] {strides = array<i32>} : memref<80x128xf32, #tpu.memory_space<vmem>>, vector<1x16xf32>,
            %swap3A_344 = vector.shape_cast %swap3A_343 : vector<1x16xf32> to vector<16xf32>
            %swap3A_345 = vector.shape_cast %abs3A_340 : vector<16xf32> to vector<1x16xf32>
            tpu.vector_store %arg20[%swap3A_341, %swap3A_342], %swap3A_345 {strides = array<i32>} : memref<80x128xf32, #tpu.memory_space<vmem>>, vector<1x16xf32>,
          }
          %scan3A_299 = arith.constant 8 : i32
        }
        %scan3A_269 = arith.constant 80 : i32
        %add3A_270 = arith.constant 1 : i32
        %add3A_271 = arith.addi %add3A_141, %add3A_270 : i32
        %mul3A_272 = arith.constant 80 : i32
        %mul3A_273 = arith.muli %add3A_271, %mul3A_272 : i32
        %dma_start3A_274 = arith.constant 0 : i32
        %dma_start3A_275 = tpu.memref_slice %arg4[%mul3A_273, %dma_start3A_274] : memref<163840x512xf32, #tpu.memory_space<hbm>> -> memref<80x128xf32, #tpu.memory_space<hbm>>
        %dma_start3A_276 = arith.constant 0 : i32
        %dma_start3A_277 = tpu.memref_slice %arg4[%mul3A_273, %dma_start3A_276] : memref<163840x512xf32, #tpu.memory_space<hbm>> -> memref<80x128xf32, #tpu.memory_space<hbm>>
        tpu.enqueue_dma source(%arg17 : memref<80x128xf32, #tpu.memory_space<vmem>>) target(%dma_start3A_277 : memref<80x128xf32, #tpu.memory_space<hbm>>) target_semaphore(%arg26 : memref<!tpu.dma_semaphore, #tpu.memory_space<semaphore_mem>>)
        %dma_start3A_278 = arith.constant 128 : i32
        %dma_start3A_279 = tpu.memref_slice %arg4[%mul3A_273, %dma_start3A_278] : memref<163840x512xf32, #tpu.memory_space<hbm>> -> memref<80x128xf32, #tpu.memory_space<hbm>>
        %dma_start3A_280 = arith.constant 128 : i32
        %dma_start3A_281 = tpu.memref_slice %arg4[%mul3A_273, %dma_start3A_280] : memref<163840x512xf32, #tpu.memory_space<hbm>> -> memref<80x128xf32, #tpu.memory_space<hbm>>
        tpu.enqueue_dma source(%arg18 : memref<80x128xf32, #tpu.memory_space<vmem>>) target(%dma_start3A_281 : memref<80x128xf32, #tpu.memory_space<hbm>>) target_semaphore(%arg26 : memref<!tpu.dma_semaphore, #tpu.memory_space<semaphore_mem>>)
        %dma_start3A_282 = arith.constant 256 : i32
        %dma_start3A_283 = tpu.memref_slice %arg4[%mul3A_273, %dma_start3A_282] : memref<163840x512xf32, #tpu.memory_space<hbm>> -> memref<80x128xf32, #tpu.memory_space<hbm>>
        %dma_start3A_284 = arith.constant 256 : i32
        %dma_start3A_285 = tpu.memref_slice %arg4[%mul3A_273, %dma_start3A_284] : memref<163840x512xf32, #tpu.memory_space<hbm>> -> memref<80x128xf32, #tpu.memory_space<hbm>>
        tpu.enqueue_dma source(%arg19 : memref<80x128xf32, #tpu.memory_space<vmem>>) target(%dma_start3A_285 : memref<80x128xf32, #tpu.memory_space<hbm>>) target_semaphore(%arg26 : memref<!tpu.dma_semaphore, #tpu.memory_space<semaphore_mem>>)
        %dma_start3A_286 = arith.constant 384 : i32
        %dma_start3A_287 = tpu.memref_slice %arg4[%mul3A_273, %dma_start3A_286] : memref<163840x512xf32, #tpu.memory_space<hbm>> -> memref<80x128xf32, #tpu.memory_space<hbm>>
        %dma_start3A_288 = arith.constant 384 : i32
        %dma_start3A_289 = tpu.memref_slice %arg4[%mul3A_273, %dma_start3A_288] : memref<163840x512xf32, #tpu.memory_space<hbm>> -> memref<80x128xf32, #tpu.memory_space<hbm>>
        tpu.enqueue_dma source(%arg20 : memref<80x128xf32, #tpu.memory_space<vmem>>) target(%dma_start3A_289 : memref<80x128xf32, #tpu.memory_space<hbm>>) target_semaphore(%arg26 : memref<!tpu.dma_semaphore, #tpu.memory_space<semaphore_mem>>)
      }
      %while3A_112 = arith.constant 1 : i32
      scf.for %while3A_136 = %while3A_110 to %while3A_106 step %while3A_112  : i32 {
        %mul3A_137 = arith.muli %while3A_136, %while3A : i32
        %add3A_138 = arith.addi %while3A_103, %mul3A_137 : i32
        %mul3A_139 = arith.constant 2 : i32
        %mul3A_140 = arith.muli %add3A_138, %mul3A_139 : i32
        %add3A_141 = arith.addi %mul3A_8, %mul3A_140 : i32
        %ge3A = arith.constant 1 : i32
        %ge3A_142 = arith.cmpi sge, %add3A_138, %ge3A : i32
        %convert_element_type3A_143 = arith.extui %ge3A_142 : i1 to i32
        %cond3A_144 = arith.constant 0 : i32
        %cond3A_145 = arith.cmpi ne, %convert_element_type3A_143, %cond3A_144 : i32
        scf.if %cond3A_145 {
          %sub3A_290 = arith.constant 1 : i32
          %sub3A_291 = arith.subi %add3A_141, %sub3A_290 : i32
          %mul3A_292 = arith.constant 80 : i32
          %mul3A_293 = arith.muli %sub3A_291, %mul3A_292 : i32
          %dma_wait3A_294 = arith.constant 0 : i32
          %dma_wait3A_295 = tpu.memref_slice %arg4[%mul3A_293, %dma_wait3A_294] : memref<163840x512xf32, #tpu.memory_space<hbm>> -> memref<80x128xf32, #tpu.memory_space<hbm>>
          %dma_wait3A_296 = arith.constant 0 : i32
          %dma_wait3A_297 = tpu.memref_slice %arg4[%mul3A_293, %dma_wait3A_296] : memref<163840x512xf32, #tpu.memory_space<hbm>> -> memref<80x128xf32, #tpu.memory_space<hbm>>
          tpu.wait_dma2 semaphore(%arg26 : memref<!tpu.dma_semaphore, #tpu.memory_space<semaphore_mem>>) src(%arg17 : memref<80x128xf32, #tpu.memory_space<vmem>>) dst(%dma_wait3A_297 : memref<80x128xf32, #tpu.memory_space<hbm>>)
          %dma_wait3A_298 = arith.constant 128 : i32
          %dma_wait3A_299 = tpu.memref_slice %arg4[%mul3A_293, %dma_wait3A_298] : memref<163840x512xf32, #tpu.memory_space<hbm>> -> memref<80x128xf32, #tpu.memory_space<hbm>>
          %dma_wait3A_300 = arith.constant 128 : i32
          %dma_wait3A_301 = tpu.memref_slice %arg4[%mul3A_293, %dma_wait3A_300] : memref<163840x512xf32, #tpu.memory_space<hbm>> -> memref<80x128xf32, #tpu.memory_space<hbm>>
          tpu.wait_dma2 semaphore(%arg26 : memref<!tpu.dma_semaphore, #tpu.memory_space<semaphore_mem>>) src(%arg18 : memref<80x128xf32, #tpu.memory_space<vmem>>) dst(%dma_wait3A_301 : memref<80x128xf32, #tpu.memory_space<hbm>>)
          %dma_wait3A_302 = arith.constant 256 : i32
          %dma_wait3A_303 = tpu.memref_slice %arg4[%mul3A_293, %dma_wait3A_302] : memref<163840x512xf32, #tpu.memory_space<hbm>> -> memref<80x128xf32, #tpu.memory_space<hbm>>
          %dma_wait3A_304 = arith.constant 256 : i32
          %dma_wait3A_305 = tpu.memref_slice %arg4[%mul3A_293, %dma_wait3A_304] : memref<163840x512xf32, #tpu.memory_space<hbm>> -> memref<80x128xf32, #tpu.memory_space<hbm>>
          tpu.wait_dma2 semaphore(%arg26 : memref<!tpu.dma_semaphore, #tpu.memory_space<semaphore_mem>>) src(%arg19 : memref<80x128xf32, #tpu.memory_space<vmem>>) dst(%dma_wait3A_305 : memref<80x128xf32, #tpu.memory_space<hbm>>)
          %dma_wait3A_306 = arith.constant 384 : i32
          %dma_wait3A_307 = tpu.memref_slice %arg4[%mul3A_293, %dma_wait3A_306] : memref<163840x512xf32, #tpu.memory_space<hbm>> -> memref<80x128xf32, #tpu.memory_space<hbm>>
          %dma_wait3A_308 = arith.constant 384 : i32
          %dma_wait3A_309 = tpu.memref_slice %arg4[%mul3A_293, %dma_wait3A_308] : memref<163840x512xf32, #tpu.memory_space<hbm>> -> memref<80x128xf32, #tpu.memory_space<hbm>>
          tpu.wait_dma2 semaphore(%arg26 : memref<!tpu.dma_semaphore, #tpu.memory_space<semaphore_mem>>) src(%arg20 : memref<80x128xf32, #tpu.memory_space<vmem>>) dst(%dma_wait3A_309 : memref<80x128xf32, #tpu.memory_space<hbm>>)
        } else {
        }
        %add3A_146 = arith.constant 1 : i32
        %add3A_147 = arith.addi %add3A_141, %add3A_146 : i32
        %mul3A_148 = arith.constant 80 : i32
        %mul3A_149 = arith.muli %add3A_147, %mul3A_148 : i32
        %add3A_150 = arith.constant 0 : i32
        %add3A_151 = arith.addi %add3A_150, %mul3A_149 : i32
        %mul3A_152 = arith.constant 80 : i32
        %mul3A_153 = arith.muli %add3A_147, %mul3A_152 : i32
        %add3A_154 = arith.constant 171840 : i32
        %add3A_155 = arith.addi %add3A_154, %mul3A_153 : i32
        %mul3A_156 = arith.constant 80 : i32
        %mul3A_157 = arith.muli %add3A_147, %mul3A_156 : i32
        %add3A_158 = arith.constant 343680 : i32
        %add3A_159 = arith.addi %add3A_158, %mul3A_157 : i32
        %mul3A_160 = arith.constant 80 : i32
        %mul3A_161 = arith.muli %add3A_147, %mul3A_160 : i32
        %add3A_162 = arith.constant 515520 : i32
        %add3A_163 = arith.addi %add3A_162, %mul3A_161 : i32
        %dma_wait3A_164 = tpu.memref_slice %arg3[%add3A_151] : memref<687360xi32, #tpu.memory_space<hbm>> -> memref<80xi32, #tpu.memory_space<hbm>>
        %dma_wait3A_165 = tpu.memref_slice %arg3[%add3A_151] : memref<687360xi32, #tpu.memory_space<hbm>> -> memref<80xi32, #tpu.memory_space<hbm>>
        tpu.wait_dma2 semaphore(%arg22 : memref<!tpu.dma_semaphore, #tpu.memory_space<semaphore_mem>>) src(%dma_wait3A_165 : memref<80xi32, #tpu.memory_space<hbm>>) dst(%arg9 : memref<80xi32, #tpu.memory_space<vmem>>)
        %dma_wait3A_166 = tpu.memref_slice %arg3[%add3A_155] : memref<687360xi32, #tpu.memory_space<hbm>> -> memref<80xi32, #tpu.memory_space<hbm>>
        %dma_wait3A_167 = tpu.memref_slice %arg3[%add3A_155] : memref<687360xi32, #tpu.memory_space<hbm>> -> memref<80xi32, #tpu.memory_space<hbm>>
        tpu.wait_dma2 semaphore(%arg22 : memref<!tpu.dma_semaphore, #tpu.memory_space<semaphore_mem>>) src(%dma_wait3A_167 : memref<80xi32, #tpu.memory_space<hbm>>) dst(%arg10 : memref<80xi32, #tpu.memory_space<vmem>>)
        %dma_wait3A_168 = tpu.memref_slice %arg3[%add3A_159] : memref<687360xi32, #tpu.memory_space<hbm>> -> memref<80xi32, #tpu.memory_space<hbm>>
        %dma_wait3A_169 = tpu.memref_slice %arg3[%add3A_159] : memref<687360xi32, #tpu.memory_space<hbm>> -> memref<80xi32, #tpu.memory_space<hbm>>
        tpu.wait_dma2 semaphore(%arg22 : memref<!tpu.dma_semaphore, #tpu.memory_space<semaphore_mem>>) src(%dma_wait3A_169 : memref<80xi32, #tpu.memory_space<hbm>>) dst(%arg11 : memref<80xi32, #tpu.memory_space<vmem>>)
        %dma_wait3A_170 = tpu.memref_slice %arg3[%add3A_163] : memref<687360xi32, #tpu.memory_space<hbm>> -> memref<80xi32, #tpu.memory_space<hbm>>
        %dma_wait3A_171 = tpu.memref_slice %arg3[%add3A_163] : memref<687360xi32, #tpu.memory_space<hbm>> -> memref<80xi32, #tpu.memory_space<hbm>>
        tpu.wait_dma2 semaphore(%arg22 : memref<!tpu.dma_semaphore, #tpu.memory_space<semaphore_mem>>) src(%dma_wait3A_171 : memref<80xi32, #tpu.memory_space<hbm>>) dst(%arg12 : memref<80xi32, #tpu.memory_space<vmem>>)
        %dma_start3A_172 = arith.constant 0 : i32
        %dma_start3A_173 = arith.constant 0 : i32
        %dma_start3A_174 = tpu.memref_slice %arg2[%dma_start3A_172, %dma_start3A_173] : memref<160000x128xf32, #tpu.memory_space<hbm>> -> memref<160000x128xf32, #tpu.memory_space<hbm>>
        tpu.enqueue_indirect_dma source(%dma_start3A_174 : memref<160000x128xf32, #tpu.memory_space<hbm>>) target(%arg17 : memref<80x128xf32, #tpu.memory_space<vmem>>) offsets(%arg9 : memref<80xi32, #tpu.memory_space<vmem>>) semaphore(%arg24 : memref<!tpu.dma_semaphore, #tpu.memory_space<semaphore_mem>>)
        %dma_start3A_175 = arith.constant 0 : i32
        %dma_start3A_176 = arith.constant 0 : i32
        %dma_start3A_177 = tpu.memref_slice %arg2[%dma_start3A_175, %dma_start3A_176] : memref<160000x128xf32, #tpu.memory_space<hbm>> -> memref<160000x128xf32, #tpu.memory_space<hbm>>
        tpu.enqueue_indirect_dma source(%dma_start3A_177 : memref<160000x128xf32, #tpu.memory_space<hbm>>) target(%arg18 : memref<80x128xf32, #tpu.memory_space<vmem>>) offsets(%arg10 : memref<80xi32, #tpu.memory_space<vmem>>) semaphore(%arg24 : memref<!tpu.dma_semaphore, #tpu.memory_space<semaphore_mem>>)
        %dma_start3A_178 = arith.constant 0 : i32
        %dma_start3A_179 = arith.constant 0 : i32
        %dma_start3A_180 = tpu.memref_slice %arg2[%dma_start3A_178, %dma_start3A_179] : memref<160000x128xf32, #tpu.memory_space<hbm>> -> memref<160000x128xf32, #tpu.memory_space<hbm>>
        tpu.enqueue_indirect_dma source(%dma_start3A_180 : memref<160000x128xf32, #tpu.memory_space<hbm>>) target(%arg19 : memref<80x128xf32, #tpu.memory_space<vmem>>) offsets(%arg11 : memref<80xi32, #tpu.memory_space<vmem>>) semaphore(%arg24 : memref<!tpu.dma_semaphore, #tpu.memory_space<semaphore_mem>>)
        %dma_start3A_181 = arith.constant 0 : i32
        %dma_start3A_182 = arith.constant 0 : i32
        %dma_start3A_183 = tpu.memref_slice %arg2[%dma_start3A_181, %dma_start3A_182] : memref<160000x128xf32, #tpu.memory_space<hbm>> -> memref<160000x128xf32, #tpu.memory_space<hbm>>
        tpu.enqueue_indirect_dma source(%dma_start3A_183 : memref<160000x128xf32, #tpu.memory_space<hbm>>) target(%arg20 : memref<80x128xf32, #tpu.memory_space<vmem>>) offsets(%arg12 : memref<80xi32, #tpu.memory_space<vmem>>) semaphore(%arg24 : memref<!tpu.dma_semaphore, #tpu.memory_space<semaphore_mem>>)
        %dma_wait3A_184 = arith.constant 0 : i32
        %dma_wait3A_185 = arith.constant 0 : i32
        %dma_wait3A_186 = tpu.memref_slice %arg2[%dma_wait3A_184, %dma_wait3A_185] : memref<160000x128xf32, #tpu.memory_space<hbm>> -> memref<160000x128xf32, #tpu.memory_space<hbm>>
        tpu.wait_indirect_dma semaphore(%arg23 : memref<!tpu.dma_semaphore, #tpu.memory_space<semaphore_mem>>) src(%dma_wait3A_186 : memref<160000x128xf32, #tpu.memory_space<hbm>>) dst(%arg13 : memref<80x128xf32, #tpu.memory_space<vmem>>)
        %dma_wait3A_187 = arith.constant 0 : i32
        %dma_wait3A_188 = arith.constant 0 : i32
        %dma_wait3A_189 = tpu.memref_slice %arg2[%dma_wait3A_187, %dma_wait3A_188] : memref<160000x128xf32, #tpu.memory_space<hbm>> -> memref<160000x128xf32, #tpu.memory_space<hbm>>
        tpu.wait_indirect_dma semaphore(%arg23 : memref<!tpu.dma_semaphore, #tpu.memory_space<semaphore_mem>>) src(%dma_wait3A_189 : memref<160000x128xf32, #tpu.memory_space<hbm>>) dst(%arg14 : memref<80x128xf32, #tpu.memory_space<vmem>>)
        %dma_wait3A_190 = arith.constant 0 : i32
        %dma_wait3A_191 = arith.constant 0 : i32
        %dma_wait3A_192 = tpu.memref_slice %arg2[%dma_wait3A_190, %dma_wait3A_191] : memref<160000x128xf32, #tpu.memory_space<hbm>> -> memref<160000x128xf32, #tpu.memory_space<hbm>>
        tpu.wait_indirect_dma semaphore(%arg23 : memref<!tpu.dma_semaphore, #tpu.memory_space<semaphore_mem>>) src(%dma_wait3A_192 : memref<160000x128xf32, #tpu.memory_space<hbm>>) dst(%arg15 : memref<80x128xf32, #tpu.memory_space<vmem>>)
        %dma_wait3A_193 = arith.constant 0 : i32
        %dma_wait3A_194 = arith.constant 0 : i32
        %dma_wait3A_195 = tpu.memref_slice %arg2[%dma_wait3A_193, %dma_wait3A_194] : memref<160000x128xf32, #tpu.memory_space<hbm>> -> memref<160000x128xf32, #tpu.memory_space<hbm>>
        tpu.wait_indirect_dma semaphore(%arg23 : memref<!tpu.dma_semaphore, #tpu.memory_space<semaphore_mem>>) src(%dma_wait3A_195 : memref<160000x128xf32, #tpu.memory_space<hbm>>) dst(%arg16 : memref<80x128xf32, #tpu.memory_space<vmem>>)
        %add3A_196 = arith.constant 1 : i32
        %add3A_197 = arith.addi %add3A_138, %add3A_196 : i32
        %lt3A = arith.cmpi slt, %add3A_197, %select_n3A : i32
        %convert_element_type3A_198 = arith.extui %lt3A : i1 to i32
        %cond3A_199 = arith.constant 0 : i32
        %cond3A_200 = arith.cmpi ne, %convert_element_type3A_198, %cond3A_199 : i32
        scf.if %cond3A_200 {
          %add3A_290 = arith.constant 2 : i32
          %add3A_291 = arith.addi %add3A_141, %add3A_290 : i32
          %mul3A_292 = arith.constant 80 : i32
          %mul3A_293 = arith.muli %add3A_291, %mul3A_292 : i32
          %add3A_294 = arith.constant 0 : i32
          %add3A_295 = arith.addi %add3A_294, %mul3A_293 : i32
          %mul3A_296 = arith.constant 80 : i32
          %mul3A_297 = arith.muli %add3A_291, %mul3A_296 : i32
          %add3A_298 = arith.constant 171840 : i32
          %add3A_299 = arith.addi %add3A_298, %mul3A_297 : i32
          %mul3A_300 = arith.constant 80 : i32
          %mul3A_301 = arith.muli %add3A_291, %mul3A_300 : i32
          %add3A_302 = arith.constant 343680 : i32
          %add3A_303 = arith.addi %add3A_302, %mul3A_301 : i32
          %mul3A_304 = arith.constant 80 : i32
          %mul3A_305 = arith.muli %add3A_291, %mul3A_304 : i32
          %add3A_306 = arith.constant 515520 : i32
          %add3A_307 = arith.addi %add3A_306, %mul3A_305 : i32
          %dma_start3A_308 = tpu.memref_slice %arg3[%add3A_295] : memref<687360xi32, #tpu.memory_space<hbm>> -> memref<80xi32, #tpu.memory_space<hbm>>
          %dma_start3A_309 = tpu.memref_slice %arg3[%add3A_295] : memref<687360xi32, #tpu.memory_space<hbm>> -> memref<80xi32, #tpu.memory_space<hbm>>
          tpu.enqueue_dma source(%dma_start3A_309 : memref<80xi32, #tpu.memory_space<hbm>>) target(%arg5 : memref<80xi32, #tpu.memory_space<vmem>>) target_semaphore(%arg21 : memref<!tpu.dma_semaphore, #tpu.memory_space<semaphore_mem>>)
          %dma_start3A_310 = tpu.memref_slice %arg3[%add3A_299] : memref<687360xi32, #tpu.memory_space<hbm>> -> memref<80xi32, #tpu.memory_space<hbm>>
          %dma_start3A_311 = tpu.memref_slice %arg3[%add3A_299] : memref<687360xi32, #tpu.memory_space<hbm>> -> memref<80xi32, #tpu.memory_space<hbm>>
          tpu.enqueue_dma source(%dma_start3A_311 : memref<80xi32, #tpu.memory_space<hbm>>) target(%arg6 : memref<80xi32, #tpu.memory_space<vmem>>) target_semaphore(%arg21 : memref<!tpu.dma_semaphore, #tpu.memory_space<semaphore_mem>>)
          %dma_start3A_312 = tpu.memref_slice %arg3[%add3A_303] : memref<687360xi32, #tpu.memory_space<hbm>> -> memref<80xi32, #tpu.memory_space<hbm>>
          %dma_start3A_313 = tpu.memref_slice %arg3[%add3A_303] : memref<687360xi32, #tpu.memory_space<hbm>> -> memref<80xi32, #tpu.memory_space<hbm>>
          tpu.enqueue_dma source(%dma_start3A_313 : memref<80xi32, #tpu.memory_space<hbm>>) target(%arg7 : memref<80xi32, #tpu.memory_space<vmem>>) target_semaphore(%arg21 : memref<!tpu.dma_semaphore, #tpu.memory_space<semaphore_mem>>)
          %dma_start3A_314 = tpu.memref_slice %arg3[%add3A_307] : memref<687360xi32, #tpu.memory_space<hbm>> -> memref<80xi32, #tpu.memory_space<hbm>>
          %dma_start3A_315 = tpu.memref_slice %arg3[%add3A_307] : memref<687360xi32, #tpu.memory_space<hbm>> -> memref<80xi32, #tpu.memory_space<hbm>>
          tpu.enqueue_dma source(%dma_start3A_315 : memref<80xi32, #tpu.memory_space<hbm>>) target(%arg8 : memref<80xi32, #tpu.memory_space<vmem>>) target_semaphore(%arg21 : memref<!tpu.dma_semaphore, #tpu.memory_space<semaphore_mem>>)
        } else {
        }
        %scan3A = arith.constant 0 : i32
        %scan3A_201 = arith.constant 80 : i32
        %scan3A_202 = arith.addi %scan3A, %scan3A_201 : i32
        %scan3A_203 = arith.constant 1 : i32
        scf.for %scan3A_290 = %scan3A to %scan3A_202 step %scan3A_203  : i32 {
          %mul3A_291 = arith.constant 1 : i32
          %mul3A_292 = arith.muli %scan3A_290, %mul3A_291 : i32
          %add3A_293 = arith.constant 0 : i32
          %add3A_294 = arith.addi %add3A_293, %mul3A_292 : i32
          %scan3A_295 = arith.constant 0 : i32
          %scan3A_296 = arith.constant 8 : i32
          %scan3A_297 = arith.addi %scan3A_295, %scan3A_296 : i32
          %scan3A_298 = arith.constant 1 : i32
          scf.for %scan3A_300 = %scan3A_295 to %scan3A_297 step %scan3A_298  : i32 {
            %mul3A_301 = arith.constant 1 : i32
            %mul3A_302 = arith.muli %scan3A_300, %mul3A_301 : i32
            %add3A_303 = arith.constant 0 : i32
            %add3A_304 = arith.addi %add3A_303, %mul3A_302 : i32
            %mul3A_305 = arith.constant 16 : i32
            %mul3A_306 = arith.muli %add3A_304, %mul3A_305 : i32
            %get3A = arith.index_cast %add3A_294 : i32 to index
            %get3A_307 = arith.index_cast %mul3A_306 : i32 to index
            %get3A_308 = tpu.vector_load %arg13[%get3A, %get3A_307] {strides = array<i32>} : memref<80x128xf32, #tpu.memory_space<vmem>>, vector<1x16xf32>,
            %get3A_309 = vector.shape_cast %get3A_308 : vector<1x16xf32> to vector<16xf32>
            %get3A_310 = arith.index_cast %add3A_294 : i32 to index
            %get3A_311 = arith.index_cast %mul3A_306 : i32 to index
            %get3A_312 = tpu.vector_load %arg14[%get3A_310, %get3A_311] {strides = array<i32>} : memref<80x128xf32, #tpu.memory_space<vmem>>, vector<1x16xf32>,
            %get3A_313 = vector.shape_cast %get3A_312 : vector<1x16xf32> to vector<16xf32>
            %get3A_314 = arith.index_cast %add3A_294 : i32 to index
            %get3A_315 = arith.index_cast %mul3A_306 : i32 to index
            %get3A_316 = tpu.vector_load %arg15[%get3A_314, %get3A_315] {strides = array<i32>} : memref<80x128xf32, #tpu.memory_space<vmem>>, vector<1x16xf32>,
            %get3A_317 = vector.shape_cast %get3A_316 : vector<1x16xf32> to vector<16xf32>
            %get3A_318 = arith.index_cast %add3A_294 : i32 to index
            %get3A_319 = arith.index_cast %mul3A_306 : i32 to index
            %get3A_320 = tpu.vector_load %arg16[%get3A_318, %get3A_319] {strides = array<i32>} : memref<80x128xf32, #tpu.memory_space<vmem>>, vector<1x16xf32>,
            %get3A_321 = vector.shape_cast %get3A_320 : vector<1x16xf32> to vector<16xf32>
            %add3A_322 = arith.addf %get3A_309, %get3A_317 : vector<16xf32>
            %swap3A = arith.index_cast %add3A_294 : i32 to index
            %swap3A_323 = arith.index_cast %mul3A_306 : i32 to index
            %swap3A_324 = tpu.vector_load %arg13[%swap3A, %swap3A_323] {strides = array<i32>} : memref<80x128xf32, #tpu.memory_space<vmem>>, vector<1x16xf32>,
            %swap3A_325 = vector.shape_cast %swap3A_324 : vector<1x16xf32> to vector<16xf32>
            %swap3A_326 = vector.shape_cast %add3A_322 : vector<16xf32> to vector<1x16xf32>
            tpu.vector_store %arg13[%swap3A, %swap3A_323], %swap3A_326 {strides = array<i32>} : memref<80x128xf32, #tpu.memory_space<vmem>>, vector<1x16xf32>,
            %add3A_327 = arith.addf %get3A_313, %get3A_321 : vector<16xf32>
            %swap3A_328 = arith.index_cast %add3A_294 : i32 to index
            %swap3A_329 = arith.index_cast %mul3A_306 : i32 to index
            %swap3A_330 = tpu.vector_load %arg14[%swap3A_328, %swap3A_329] {strides = array<i32>} : memref<80x128xf32, #tpu.memory_space<vmem>>, vector<1x16xf32>,
            %swap3A_331 = vector.shape_cast %swap3A_330 : vector<1x16xf32> to vector<16xf32>
            %swap3A_332 = vector.shape_cast %add3A_327 : vector<16xf32> to vector<1x16xf32>
            tpu.vector_store %arg14[%swap3A_328, %swap3A_329], %swap3A_332 {strides = array<i32>} : memref<80x128xf32, #tpu.memory_space<vmem>>, vector<1x16xf32>,
            %sub3A_333 = arith.subf %get3A_309, %get3A_317 : vector<16xf32>
            %abs3A = math.absf %sub3A_333 : vector<16xf32>
            %swap3A_334 = arith.index_cast %add3A_294 : i32 to index
            %swap3A_335 = arith.index_cast %mul3A_306 : i32 to index
            %swap3A_336 = tpu.vector_load %arg15[%swap3A_334, %swap3A_335] {strides = array<i32>} : memref<80x128xf32, #tpu.memory_space<vmem>>, vector<1x16xf32>,
            %swap3A_337 = vector.shape_cast %swap3A_336 : vector<1x16xf32> to vector<16xf32>
            %swap3A_338 = vector.shape_cast %abs3A : vector<16xf32> to vector<1x16xf32>
            tpu.vector_store %arg15[%swap3A_334, %swap3A_335], %swap3A_338 {strides = array<i32>} : memref<80x128xf32, #tpu.memory_space<vmem>>, vector<1x16xf32>,
            %sub3A_339 = arith.subf %get3A_313, %get3A_321 : vector<16xf32>
            %abs3A_340 = math.absf %sub3A_339 : vector<16xf32>
            %swap3A_341 = arith.index_cast %add3A_294 : i32 to index
            %swap3A_342 = arith.index_cast %mul3A_306 : i32 to index
            %swap3A_343 = tpu.vector_load %arg16[%swap3A_341, %swap3A_342] {strides = array<i32>} : memref<80x128xf32, #tpu.memory_space<vmem>>, vector<1x16xf32>,
            %swap3A_344 = vector.shape_cast %swap3A_343 : vector<1x16xf32> to vector<16xf32>
            %swap3A_345 = vector.shape_cast %abs3A_340 : vector<16xf32> to vector<1x16xf32>
            tpu.vector_store %arg16[%swap3A_341, %swap3A_342], %swap3A_345 {strides = array<i32>} : memref<80x128xf32, #tpu.memory_space<vmem>>, vector<1x16xf32>,
          }
          %scan3A_299 = arith.constant 8 : i32
        }
        %scan3A_204 = arith.constant 80 : i32
        %mul3A_205 = arith.constant 80 : i32
        %mul3A_206 = arith.muli %add3A_141, %mul3A_205 : i32
        %dma_start3A_207 = arith.constant 0 : i32
        %dma_start3A_208 = tpu.memref_slice %arg4[%mul3A_206, %dma_start3A_207] : memref<163840x512xf32, #tpu.memory_space<hbm>> -> memref<80x128xf32, #tpu.memory_space<hbm>>
        %dma_start3A_209 = arith.constant 0 : i32
        %dma_start3A_210 = tpu.memref_slice %arg4[%mul3A_206, %dma_start3A_209] : memref<163840x512xf32, #tpu.memory_space<hbm>> -> memref<80x128xf32, #tpu.memory_space<hbm>>
        tpu.enqueue_dma source(%arg13 : memref<80x128xf32, #tpu.memory_space<vmem>>) target(%dma_start3A_210 : memref<80x128xf32, #tpu.memory_space<hbm>>) target_semaphore(%arg25 : memref<!tpu.dma_semaphore, #tpu.memory_space<semaphore_mem>>)
        %dma_start3A_211 = arith.constant 128 : i32
        %dma_start3A_212 = tpu.memref_slice %arg4[%mul3A_206, %dma_start3A_211] : memref<163840x512xf32, #tpu.memory_space<hbm>> -> memref<80x128xf32, #tpu.memory_space<hbm>>
        %dma_start3A_213 = arith.constant 128 : i32
        %dma_start3A_214 = tpu.memref_slice %arg4[%mul3A_206, %dma_start3A_213] : memref<163840x512xf32, #tpu.memory_space<hbm>> -> memref<80x128xf32, #tpu.memory_space<hbm>>
        tpu.enqueue_dma source(%arg14 : memref<80x128xf32, #tpu.memory_space<vmem>>) target(%dma_start3A_214 : memref<80x128xf32, #tpu.memory_space<hbm>>) target_semaphore(%arg25 : memref<!tpu.dma_semaphore, #tpu.memory_space<semaphore_mem>>)
        %dma_start3A_215 = arith.constant 256 : i32
        %dma_start3A_216 = tpu.memref_slice %arg4[%mul3A_206, %dma_start3A_215] : memref<163840x512xf32, #tpu.memory_space<hbm>> -> memref<80x128xf32, #tpu.memory_space<hbm>>
        %dma_start3A_217 = arith.constant 256 : i32
        %dma_start3A_218 = tpu.memref_slice %arg4[%mul3A_206, %dma_start3A_217] : memref<163840x512xf32, #tpu.memory_space<hbm>> -> memref<80x128xf32, #tpu.memory_space<hbm>>
        tpu.enqueue_dma source(%arg15 : memref<80x128xf32, #tpu.memory_space<vmem>>) target(%dma_start3A_218 : memref<80x128xf32, #tpu.memory_space<hbm>>) target_semaphore(%arg25 : memref<!tpu.dma_semaphore, #tpu.memory_space<semaphore_mem>>)
        %dma_start3A_219 = arith.constant 384 : i32
        %dma_start3A_220 = tpu.memref_slice %arg4[%mul3A_206, %dma_start3A_219] : memref<163840x512xf32, #tpu.memory_space<hbm>> -> memref<80x128xf32, #tpu.memory_space<hbm>>
        %dma_start3A_221 = arith.constant 384 : i32
        %dma_start3A_222 = tpu.memref_slice %arg4[%mul3A_206, %dma_start3A_221] : memref<163840x512xf32, #tpu.memory_space<hbm>> -> memref<80x128xf32, #tpu.memory_space<hbm>>
        tpu.enqueue_dma source(%arg16 : memref<80x128xf32, #tpu.memory_space<vmem>>) target(%dma_start3A_222 : memref<80x128xf32, #tpu.memory_space<hbm>>) target_semaphore(%arg25 : memref<!tpu.dma_semaphore, #tpu.memory_space<semaphore_mem>>)
        %mul3A_223 = arith.constant 80 : i32
        %mul3A_224 = arith.muli %add3A_141, %mul3A_223 : i32
        %dma_wait3A_225 = arith.constant 0 : i32
        %dma_wait3A_226 = tpu.memref_slice %arg4[%mul3A_224, %dma_wait3A_225] : memref<163840x512xf32, #tpu.memory_space<hbm>> -> memref<80x128xf32, #tpu.memory_space<hbm>>
        %dma_wait3A_227 = arith.constant 0 : i32
        %dma_wait3A_228 = tpu.memref_slice %arg4[%mul3A_224, %dma_wait3A_227] : memref<163840x512xf32, #tpu.memory_space<hbm>> -> memref<80x128xf32, #tpu.memory_space<hbm>>
        tpu.wait_dma2 semaphore(%arg25 : memref<!tpu.dma_semaphore, #tpu.memory_space<semaphore_mem>>) src(%arg13 : memref<80x128xf32, #tpu.memory_space<vmem>>) dst(%dma_wait3A_228 : memref<80x128xf32, #tpu.memory_space<hbm>>)
        %dma_wait3A_229 = arith.constant 128 : i32
        %dma_wait3A_230 = tpu.memref_slice %arg4[%mul3A_224, %dma_wait3A_229] : memref<163840x512xf32, #tpu.memory_space<hbm>> -> memref<80x128xf32, #tpu.memory_space<hbm>>
        %dma_wait3A_231 = arith.constant 128 : i32
        %dma_wait3A_232 = tpu.memref_slice %arg4[%mul3A_224, %dma_wait3A_231] : memref<163840x512xf32, #tpu.memory_space<hbm>> -> memref<80x128xf32, #tpu.memory_space<hbm>>
        tpu.wait_dma2 semaphore(%arg25 : memref<!tpu.dma_semaphore, #tpu.memory_space<semaphore_mem>>) src(%arg14 : memref<80x128xf32, #tpu.memory_space<vmem>>) dst(%dma_wait3A_232 : memref<80x128xf32, #tpu.memory_space<hbm>>)
        %dma_wait3A_233 = arith.constant 256 : i32
        %dma_wait3A_234 = tpu.memref_slice %arg4[%mul3A_224, %dma_wait3A_233] : memref<163840x512xf32, #tpu.memory_space<hbm>> -> memref<80x128xf32, #tpu.memory_space<hbm>>
        %dma_wait3A_235 = arith.constant 256 : i32
        %dma_wait3A_236 = tpu.memref_slice %arg4[%mul3A_224, %dma_wait3A_235] : memref<163840x512xf32, #tpu.memory_space<hbm>> -> memref<80x128xf32, #tpu.memory_space<hbm>>
        tpu.wait_dma2 semaphore(%arg25 : memref<!tpu.dma_semaphore, #tpu.memory_space<semaphore_mem>>) src(%arg15 : memref<80x128xf32, #tpu.memory_space<vmem>>) dst(%dma_wait3A_236 : memref<80x128xf32, #tpu.memory_space<hbm>>)
        %dma_wait3A_237 = arith.constant 384 : i32
        %dma_wait3A_238 = tpu.memref_slice %arg4[%mul3A_224, %dma_wait3A_237] : memref<163840x512xf32, #tpu.memory_space<hbm>> -> memref<80x128xf32, #tpu.memory_space<hbm>>
        %dma_wait3A_239 = arith.constant 384 : i32
        %dma_wait3A_240 = tpu.memref_slice %arg4[%mul3A_224, %dma_wait3A_239] : memref<163840x512xf32, #tpu.memory_space<hbm>> -> memref<80x128xf32, #tpu.memory_space<hbm>>
        tpu.wait_dma2 semaphore(%arg25 : memref<!tpu.dma_semaphore, #tpu.memory_space<semaphore_mem>>) src(%arg16 : memref<80x128xf32, #tpu.memory_space<vmem>>) dst(%dma_wait3A_240 : memref<80x128xf32, #tpu.memory_space<hbm>>)
        %add3A_241 = arith.constant 1 : i32
        %add3A_242 = arith.addi %add3A_138, %add3A_241 : i32
        %lt3A_243 = arith.cmpi slt, %add3A_242, %select_n3A : i32
        %convert_element_type3A_244 = arith.extui %lt3A_243 : i1 to i32
        %cond3A_245 = arith.constant 0 : i32
        %cond3A_246 = arith.cmpi ne, %convert_element_type3A_244, %cond3A_245 : i32
        scf.if %cond3A_246 {
          %add3A_290 = arith.constant 2 : i32
          %add3A_291 = arith.addi %add3A_141, %add3A_290 : i32
          %mul3A_292 = arith.constant 80 : i32
          %mul3A_293 = arith.muli %add3A_291, %mul3A_292 : i32
          %add3A_294 = arith.constant 0 : i32
          %add3A_295 = arith.addi %add3A_294, %mul3A_293 : i32
          %mul3A_296 = arith.constant 80 : i32
          %mul3A_297 = arith.muli %add3A_291, %mul3A_296 : i32
          %add3A_298 = arith.constant 171840 : i32
          %add3A_299 = arith.addi %add3A_298, %mul3A_297 : i32
          %mul3A_300 = arith.constant 80 : i32
          %mul3A_301 = arith.muli %add3A_291, %mul3A_300 : i32
          %add3A_302 = arith.constant 343680 : i32
          %add3A_303 = arith.addi %add3A_302, %mul3A_301 : i32
          %mul3A_304 = arith.constant 80 : i32
          %mul3A_305 = arith.muli %add3A_291, %mul3A_304 : i32
          %add3A_306 = arith.constant 515520 : i32
          %add3A_307 = arith.addi %add3A_306, %mul3A_305 : i32
          %dma_wait3A_308 = tpu.memref_slice %arg3[%add3A_295] : memref<687360xi32, #tpu.memory_space<hbm>> -> memref<80xi32, #tpu.memory_space<hbm>>
          %dma_wait3A_309 = tpu.memref_slice %arg3[%add3A_295] : memref<687360xi32, #tpu.memory_space<hbm>> -> memref<80xi32, #tpu.memory_space<hbm>>
          tpu.wait_dma2 semaphore(%arg21 : memref<!tpu.dma_semaphore, #tpu.memory_space<semaphore_mem>>) src(%dma_wait3A_309 : memref<80xi32, #tpu.memory_space<hbm>>) dst(%arg5 : memref<80xi32, #tpu.memory_space<vmem>>)
          %dma_wait3A_310 = tpu.memref_slice %arg3[%add3A_299] : memref<687360xi32, #tpu.memory_space<hbm>> -> memref<80xi32, #tpu.memory_space<hbm>>
          %dma_wait3A_311 = tpu.memref_slice %arg3[%add3A_299] : memref<687360xi32, #tpu.memory_space<hbm>> -> memref<80xi32, #tpu.memory_space<hbm>>
          tpu.wait_dma2 semaphore(%arg21 : memref<!tpu.dma_semaphore, #tpu.memory_space<semaphore_mem>>) src(%dma_wait3A_311 : memref<80xi32, #tpu.memory_space<hbm>>) dst(%arg6 : memref<80xi32, #tpu.memory_space<vmem>>)
          %dma_wait3A_312 = tpu.memref_slice %arg3[%add3A_303] : memref<687360xi32, #tpu.memory_space<hbm>> -> memref<80xi32, #tpu.memory_space<hbm>>
          %dma_wait3A_313 = tpu.memref_slice %arg3[%add3A_303] : memref<687360xi32, #tpu.memory_space<hbm>> -> memref<80xi32, #tpu.memory_space<hbm>>
          tpu.wait_dma2 semaphore(%arg21 : memref<!tpu.dma_semaphore, #tpu.memory_space<semaphore_mem>>) src(%dma_wait3A_313 : memref<80xi32, #tpu.memory_space<hbm>>) dst(%arg7 : memref<80xi32, #tpu.memory_space<vmem>>)
          %dma_wait3A_314 = tpu.memref_slice %arg3[%add3A_307] : memref<687360xi32, #tpu.memory_space<hbm>> -> memref<80xi32, #tpu.memory_space<hbm>>
          %dma_wait3A_315 = tpu.memref_slice %arg3[%add3A_307] : memref<687360xi32, #tpu.memory_space<hbm>> -> memref<80xi32, #tpu.memory_space<hbm>>
          tpu.wait_dma2 semaphore(%arg21 : memref<!tpu.dma_semaphore, #tpu.memory_space<semaphore_mem>>) src(%dma_wait3A_315 : memref<80xi32, #tpu.memory_space<hbm>>) dst(%arg8 : memref<80xi32, #tpu.memory_space<vmem>>)
          %dma_start3A_316 = arith.constant 0 : i32
          %dma_start3A_317 = arith.constant 0 : i32
          %dma_start3A_318 = tpu.memref_slice %arg2[%dma_start3A_316, %dma_start3A_317] : memref<160000x128xf32, #tpu.memory_space<hbm>> -> memref<160000x128xf32, #tpu.memory_space<hbm>>
          tpu.enqueue_indirect_dma source(%dma_start3A_318 : memref<160000x128xf32, #tpu.memory_space<hbm>>) target(%arg13 : memref<80x128xf32, #tpu.memory_space<vmem>>) offsets(%arg5 : memref<80xi32, #tpu.memory_space<vmem>>) semaphore(%arg23 : memref<!tpu.dma_semaphore, #tpu.memory_space<semaphore_mem>>)
          %dma_start3A_319 = arith.constant 0 : i32
          %dma_start3A_320 = arith.constant 0 : i32
          %dma_start3A_321 = tpu.memref_slice %arg2[%dma_start3A_319, %dma_start3A_320] : memref<160000x128xf32, #tpu.memory_space<hbm>> -> memref<160000x128xf32, #tpu.memory_space<hbm>>
          tpu.enqueue_indirect_dma source(%dma_start3A_321 : memref<160000x128xf32, #tpu.memory_space<hbm>>) target(%arg14 : memref<80x128xf32, #tpu.memory_space<vmem>>) offsets(%arg6 : memref<80xi32, #tpu.memory_space<vmem>>) semaphore(%arg23 : memref<!tpu.dma_semaphore, #tpu.memory_space<semaphore_mem>>)
          %dma_start3A_322 = arith.constant 0 : i32
          %dma_start3A_323 = arith.constant 0 : i32
          %dma_start3A_324 = tpu.memref_slice %arg2[%dma_start3A_322, %dma_start3A_323] : memref<160000x128xf32, #tpu.memory_space<hbm>> -> memref<160000x128xf32, #tpu.memory_space<hbm>>
          tpu.enqueue_indirect_dma source(%dma_start3A_324 : memref<160000x128xf32, #tpu.memory_space<hbm>>) target(%arg15 : memref<80x128xf32, #tpu.memory_space<vmem>>) offsets(%arg7 : memref<80xi32, #tpu.memory_space<vmem>>) semaphore(%arg23 : memref<!tpu.dma_semaphore, #tpu.memory_space<semaphore_mem>>)
          %dma_start3A_325 = arith.constant 0 : i32
          %dma_start3A_326 = arith.constant 0 : i32
          %dma_start3A_327 = tpu.memref_slice %arg2[%dma_start3A_325, %dma_start3A_326] : memref<160000x128xf32, #tpu.memory_space<hbm>> -> memref<160000x128xf32, #tpu.memory_space<hbm>>
          tpu.enqueue_indirect_dma source(%dma_start3A_327 : memref<160000x128xf32, #tpu.memory_space<hbm>>) target(%arg16 : memref<80x128xf32, #tpu.memory_space<vmem>>) offsets(%arg8 : memref<80xi32, #tpu.memory_space<vmem>>) semaphore(%arg23 : memref<!tpu.dma_semaphore, #tpu.memory_space<semaphore_mem>>)
        } else {
        }
        %dma_wait3A_247 = arith.constant 0 : i32
        %dma_wait3A_248 = arith.constant 0 : i32
        %dma_wait3A_249 = tpu.memref_slice %arg2[%dma_wait3A_247, %dma_wait3A_248] : memref<160000x128xf32, #tpu.memory_space<hbm>> -> memref<160000x128xf32, #tpu.memory_space<hbm>>
        tpu.wait_indirect_dma semaphore(%arg24 : memref<!tpu.dma_semaphore, #tpu.memory_space<semaphore_mem>>) src(%dma_wait3A_249 : memref<160000x128xf32, #tpu.memory_space<hbm>>) dst(%arg17 : memref<80x128xf32, #tpu.memory_space<vmem>>)
        %dma_wait3A_250 = arith.constant 0 : i32
        %dma_wait3A_251 = arith.constant 0 : i32
        %dma_wait3A_252 = tpu.memref_slice %arg2[%dma_wait3A_250, %dma_wait3A_251] : memref<160000x128xf32, #tpu.memory_space<hbm>> -> memref<160000x128xf32, #tpu.memory_space<hbm>>
        tpu.wait_indirect_dma semaphore(%arg24 : memref<!tpu.dma_semaphore, #tpu.memory_space<semaphore_mem>>) src(%dma_wait3A_252 : memref<160000x128xf32, #tpu.memory_space<hbm>>) dst(%arg18 : memref<80x128xf32, #tpu.memory_space<vmem>>)
        %dma_wait3A_253 = arith.constant 0 : i32
        %dma_wait3A_254 = arith.constant 0 : i32
        %dma_wait3A_255 = tpu.memref_slice %arg2[%dma_wait3A_253, %dma_wait3A_254] : memref<160000x128xf32, #tpu.memory_space<hbm>> -> memref<160000x128xf32, #tpu.memory_space<hbm>>
        tpu.wait_indirect_dma semaphore(%arg24 : memref<!tpu.dma_semaphore, #tpu.memory_space<semaphore_mem>>) src(%dma_wait3A_255 : memref<160000x128xf32, #tpu.memory_space<hbm>>) dst(%arg19 : memref<80x128xf32, #tpu.memory_space<vmem>>)
        %dma_wait3A_256 = arith.constant 0 : i32
        %dma_wait3A_257 = arith.constant 0 : i32
        %dma_wait3A_258 = tpu.memref_slice %arg2[%dma_wait3A_256, %dma_wait3A_257] : memref<160000x128xf32, #tpu.memory_space<hbm>> -> memref<160000x128xf32, #tpu.memory_space<hbm>>
        tpu.wait_indirect_dma semaphore(%arg24 : memref<!tpu.dma_semaphore, #tpu.memory_space<semaphore_mem>>) src(%dma_wait3A_258 : memref<160000x128xf32, #tpu.memory_space<hbm>>) dst(%arg20 : memref<80x128xf32, #tpu.memory_space<vmem>>)
        %add3A_259 = arith.constant 1 : i32
        %add3A_260 = arith.addi %add3A_138, %add3A_259 : i32
        %lt3A_261 = arith.cmpi slt, %add3A_260, %select_n3A : i32
        %convert_element_type3A_262 = arith.extui %lt3A_261 : i1 to i32
        %cond3A_263 = arith.constant 0 : i32
        %cond3A_264 = arith.cmpi ne, %convert_element_type3A_262, %cond3A_263 : i32
        scf.if %cond3A_264 {
          %add3A_290 = arith.constant 3 : i32
          %add3A_291 = arith.addi %add3A_141, %add3A_290 : i32
          %mul3A_292 = arith.constant 80 : i32
          %mul3A_293 = arith.muli %add3A_291, %mul3A_292 : i32
          %add3A_294 = arith.constant 0 : i32
          %add3A_295 = arith.addi %add3A_294, %mul3A_293 : i32
          %mul3A_296 = arith.constant 80 : i32
          %mul3A_297 = arith.muli %add3A_291, %mul3A_296 : i32
          %add3A_298 = arith.constant 171840 : i32
          %add3A_299 = arith.addi %add3A_298, %mul3A_297 : i32
          %mul3A_300 = arith.constant 80 : i32
          %mul3A_301 = arith.muli %add3A_291, %mul3A_300 : i32
          %add3A_302 = arith.constant 343680 : i32
          %add3A_303 = arith.addi %add3A_302, %mul3A_301 : i32
          %mul3A_304 = arith.constant 80 : i32
          %mul3A_305 = arith.muli %add3A_291, %mul3A_304 : i32
          %add3A_306 = arith.constant 515520 : i32
          %add3A_307 = arith.addi %add3A_306, %mul3A_305 : i32
          %dma_start3A_308 = tpu.memref_slice %arg3[%add3A_295] : memref<687360xi32, #tpu.memory_space<hbm>> -> memref<80xi32, #tpu.memory_space<hbm>>
          %dma_start3A_309 = tpu.memref_slice %arg3[%add3A_295] : memref<687360xi32, #tpu.memory_space<hbm>> -> memref<80xi32, #tpu.memory_space<hbm>>
          tpu.enqueue_dma source(%dma_start3A_309 : memref<80xi32, #tpu.memory_space<hbm>>) target(%arg9 : memref<80xi32, #tpu.memory_space<vmem>>) target_semaphore(%arg22 : memref<!tpu.dma_semaphore, #tpu.memory_space<semaphore_mem>>)
          %dma_start3A_310 = tpu.memref_slice %arg3[%add3A_299] : memref<687360xi32, #tpu.memory_space<hbm>> -> memref<80xi32, #tpu.memory_space<hbm>>
          %dma_start3A_311 = tpu.memref_slice %arg3[%add3A_299] : memref<687360xi32, #tpu.memory_space<hbm>> -> memref<80xi32, #tpu.memory_space<hbm>>
          tpu.enqueue_dma source(%dma_start3A_311 : memref<80xi32, #tpu.memory_space<hbm>>) target(%arg10 : memref<80xi32, #tpu.memory_space<vmem>>) target_semaphore(%arg22 : memref<!tpu.dma_semaphore, #tpu.memory_space<semaphore_mem>>)
          %dma_start3A_312 = tpu.memref_slice %arg3[%add3A_303] : memref<687360xi32, #tpu.memory_space<hbm>> -> memref<80xi32, #tpu.memory_space<hbm>>
          %dma_start3A_313 = tpu.memref_slice %arg3[%add3A_303] : memref<687360xi32, #tpu.memory_space<hbm>> -> memref<80xi32, #tpu.memory_space<hbm>>
          tpu.enqueue_dma source(%dma_start3A_313 : memref<80xi32, #tpu.memory_space<hbm>>) target(%arg11 : memref<80xi32, #tpu.memory_space<vmem>>) target_semaphore(%arg22 : memref<!tpu.dma_semaphore, #tpu.memory_space<semaphore_mem>>)
          %dma_start3A_314 = tpu.memref_slice %arg3[%add3A_307] : memref<687360xi32, #tpu.memory_space<hbm>> -> memref<80xi32, #tpu.memory_space<hbm>>
          %dma_start3A_315 = tpu.memref_slice %arg3[%add3A_307] : memref<687360xi32, #tpu.memory_space<hbm>> -> memref<80xi32, #tpu.memory_space<hbm>>
          tpu.enqueue_dma source(%dma_start3A_315 : memref<80xi32, #tpu.memory_space<hbm>>) target(%arg12 : memref<80xi32, #tpu.memory_space<vmem>>) target_semaphore(%arg22 : memref<!tpu.dma_semaphore, #tpu.memory_space<semaphore_mem>>)
        } else {
        }
        %scan3A_265 = arith.constant 0 : i32
        %scan3A_266 = arith.constant 80 : i32
        %scan3A_267 = arith.addi %scan3A_265, %scan3A_266 : i32
        %scan3A_268 = arith.constant 1 : i32
        scf.for %scan3A_290 = %scan3A_265 to %scan3A_267 step %scan3A_268  : i32 {
          %mul3A_291 = arith.constant 1 : i32
          %mul3A_292 = arith.muli %scan3A_290, %mul3A_291 : i32
          %add3A_293 = arith.constant 0 : i32
          %add3A_294 = arith.addi %add3A_293, %mul3A_292 : i32
          %scan3A_295 = arith.constant 0 : i32
          %scan3A_296 = arith.constant 8 : i32
          %scan3A_297 = arith.addi %scan3A_295, %scan3A_296 : i32
          %scan3A_298 = arith.constant 1 : i32
          scf.for %scan3A_300 = %scan3A_295 to %scan3A_297 step %scan3A_298  : i32 {
            %mul3A_301 = arith.constant 1 : i32
            %mul3A_302 = arith.muli %scan3A_300, %mul3A_301 : i32
            %add3A_303 = arith.constant 0 : i32
            %add3A_304 = arith.addi %add3A_303, %mul3A_302 : i32
            %mul3A_305 = arith.constant 16 : i32
            %mul3A_306 = arith.muli %add3A_304, %mul3A_305 : i32
            %get3A = arith.index_cast %add3A_294 : i32 to index
            %get3A_307 = arith.index_cast %mul3A_306 : i32 to index
            %get3A_308 = tpu.vector_load %arg17[%get3A, %get3A_307] {strides = array<i32>} : memref<80x128xf32, #tpu.memory_space<vmem>>, vector<1x16xf32>,
            %get3A_309 = vector.shape_cast %get3A_308 : vector<1x16xf32> to vector<16xf32>
            %get3A_310 = arith.index_cast %add3A_294 : i32 to index
            %get3A_311 = arith.index_cast %mul3A_306 : i32 to index
            %get3A_312 = tpu.vector_load %arg18[%get3A_310, %get3A_311] {strides = array<i32>} : memref<80x128xf32, #tpu.memory_space<vmem>>, vector<1x16xf32>,
            %get3A_313 = vector.shape_cast %get3A_312 : vector<1x16xf32> to vector<16xf32>
            %get3A_314 = arith.index_cast %add3A_294 : i32 to index
            %get3A_315 = arith.index_cast %mul3A_306 : i32 to index
            %get3A_316 = tpu.vector_load %arg19[%get3A_314, %get3A_315] {strides = array<i32>} : memref<80x128xf32, #tpu.memory_space<vmem>>, vector<1x16xf32>,
            %get3A_317 = vector.shape_cast %get3A_316 : vector<1x16xf32> to vector<16xf32>
            %get3A_318 = arith.index_cast %add3A_294 : i32 to index
            %get3A_319 = arith.index_cast %mul3A_306 : i32 to index
            %get3A_320 = tpu.vector_load %arg20[%get3A_318, %get3A_319] {strides = array<i32>} : memref<80x128xf32, #tpu.memory_space<vmem>>, vector<1x16xf32>,
            %get3A_321 = vector.shape_cast %get3A_320 : vector<1x16xf32> to vector<16xf32>
            %add3A_322 = arith.addf %get3A_309, %get3A_317 : vector<16xf32>
            %swap3A = arith.index_cast %add3A_294 : i32 to index
            %swap3A_323 = arith.index_cast %mul3A_306 : i32 to index
            %swap3A_324 = tpu.vector_load %arg17[%swap3A, %swap3A_323] {strides = array<i32>} : memref<80x128xf32, #tpu.memory_space<vmem>>, vector<1x16xf32>,
            %swap3A_325 = vector.shape_cast %swap3A_324 : vector<1x16xf32> to vector<16xf32>
            %swap3A_326 = vector.shape_cast %add3A_322 : vector<16xf32> to vector<1x16xf32>
            tpu.vector_store %arg17[%swap3A, %swap3A_323], %swap3A_326 {strides = array<i32>} : memref<80x128xf32, #tpu.memory_space<vmem>>, vector<1x16xf32>,
            %add3A_327 = arith.addf %get3A_313, %get3A_321 : vector<16xf32>
            %swap3A_328 = arith.index_cast %add3A_294 : i32 to index
            %swap3A_329 = arith.index_cast %mul3A_306 : i32 to index
            %swap3A_330 = tpu.vector_load %arg18[%swap3A_328, %swap3A_329] {strides = array<i32>} : memref<80x128xf32, #tpu.memory_space<vmem>>, vector<1x16xf32>,
            %swap3A_331 = vector.shape_cast %swap3A_330 : vector<1x16xf32> to vector<16xf32>
            %swap3A_332 = vector.shape_cast %add3A_327 : vector<16xf32> to vector<1x16xf32>
            tpu.vector_store %arg18[%swap3A_328, %swap3A_329], %swap3A_332 {strides = array<i32>} : memref<80x128xf32, #tpu.memory_space<vmem>>, vector<1x16xf32>,
            %sub3A_333 = arith.subf %get3A_309, %get3A_317 : vector<16xf32>
            %abs3A = math.absf %sub3A_333 : vector<16xf32>
            %swap3A_334 = arith.index_cast %add3A_294 : i32 to index
            %swap3A_335 = arith.index_cast %mul3A_306 : i32 to index
            %swap3A_336 = tpu.vector_load %arg19[%swap3A_334, %swap3A_335] {strides = array<i32>} : memref<80x128xf32, #tpu.memory_space<vmem>>, vector<1x16xf32>,
            %swap3A_337 = vector.shape_cast %swap3A_336 : vector<1x16xf32> to vector<16xf32>
            %swap3A_338 = vector.shape_cast %abs3A : vector<16xf32> to vector<1x16xf32>
            tpu.vector_store %arg19[%swap3A_334, %swap3A_335], %swap3A_338 {strides = array<i32>} : memref<80x128xf32, #tpu.memory_space<vmem>>, vector<1x16xf32>,
            %sub3A_339 = arith.subf %get3A_313, %get3A_321 : vector<16xf32>
            %abs3A_340 = math.absf %sub3A_339 : vector<16xf32>
            %swap3A_341 = arith.index_cast %add3A_294 : i32 to index
            %swap3A_342 = arith.index_cast %mul3A_306 : i32 to index
            %swap3A_343 = tpu.vector_load %arg20[%swap3A_341, %swap3A_342] {strides = array<i32>} : memref<80x128xf32, #tpu.memory_space<vmem>>, vector<1x16xf32>,
            %swap3A_344 = vector.shape_cast %swap3A_343 : vector<1x16xf32> to vector<16xf32>
            %swap3A_345 = vector.shape_cast %abs3A_340 : vector<16xf32> to vector<1x16xf32>
            tpu.vector_store %arg20[%swap3A_341, %swap3A_342], %swap3A_345 {strides = array<i32>} : memref<80x128xf32, #tpu.memory_space<vmem>>, vector<1x16xf32>,
          }
          %scan3A_299 = arith.constant 8 : i32
        }
        %scan3A_269 = arith.constant 80 : i32
        %add3A_270 = arith.constant 1 : i32
        %add3A_271 = arith.addi %add3A_141, %add3A_270 : i32
        %mul3A_272 = arith.constant 80 : i32
        %mul3A_273 = arith.muli %add3A_271, %mul3A_272 : i32
        %dma_start3A_274 = arith.constant 0 : i32
        %dma_start3A_275 = tpu.memref_slice %arg4[%mul3A_273, %dma_start3A_274] : memref<163840x512xf32, #tpu.memory_space<hbm>> -> memref<80x128xf32, #tpu.memory_space<hbm>>
        %dma_start3A_276 = arith.constant 0 : i32
        %dma_start3A_277 = tpu.memref_slice %arg4[%mul3A_273, %dma_start3A_276] : memref<163840x512xf32, #tpu.memory_space<hbm>> -> memref<80x128xf32, #tpu.memory_space<hbm>>
        tpu.enqueue_dma source(%arg17 : memref<80x128xf32, #tpu.memory_space<vmem>>) target(%dma_start3A_277 : memref<80x128xf32, #tpu.memory_space<hbm>>) target_semaphore(%arg26 : memref<!tpu.dma_semaphore, #tpu.memory_space<semaphore_mem>>)
        %dma_start3A_278 = arith.constant 128 : i32
        %dma_start3A_279 = tpu.memref_slice %arg4[%mul3A_273, %dma_start3A_278] : memref<163840x512xf32, #tpu.memory_space<hbm>> -> memref<80x128xf32, #tpu.memory_space<hbm>>
        %dma_start3A_280 = arith.constant 128 : i32
        %dma_start3A_281 = tpu.memref_slice %arg4[%mul3A_273, %dma_start3A_280] : memref<163840x512xf32, #tpu.memory_space<hbm>> -> memref<80x128xf32, #tpu.memory_space<hbm>>
        tpu.enqueue_dma source(%arg18 : memref<80x128xf32, #tpu.memory_space<vmem>>) target(%dma_start3A_281 : memref<80x128xf32, #tpu.memory_space<hbm>>) target_semaphore(%arg26 : memref<!tpu.dma_semaphore, #tpu.memory_space<semaphore_mem>>)
        %dma_start3A_282 = arith.constant 256 : i32
        %dma_start3A_283 = tpu.memref_slice %arg4[%mul3A_273, %dma_start3A_282] : memref<163840x512xf32, #tpu.memory_space<hbm>> -> memref<80x128xf32, #tpu.memory_space<hbm>>
        %dma_start3A_284 = arith.constant 256 : i32
        %dma_start3A_285 = tpu.memref_slice %arg4[%mul3A_273, %dma_start3A_284] : memref<163840x512xf32, #tpu.memory_space<hbm>> -> memref<80x128xf32, #tpu.memory_space<hbm>>
        tpu.enqueue_dma source(%arg19 : memref<80x128xf32, #tpu.memory_space<vmem>>) target(%dma_start3A_285 : memref<80x128xf32, #tpu.memory_space<hbm>>) target_semaphore(%arg26 : memref<!tpu.dma_semaphore, #tpu.memory_space<semaphore_mem>>)
        %dma_start3A_286 = arith.constant 384 : i32
        %dma_start3A_287 = tpu.memref_slice %arg4[%mul3A_273, %dma_start3A_286] : memref<163840x512xf32, #tpu.memory_space<hbm>> -> memref<80x128xf32, #tpu.memory_space<hbm>>
        %dma_start3A_288 = arith.constant 384 : i32
        %dma_start3A_289 = tpu.memref_slice %arg4[%mul3A_273, %dma_start3A_288] : memref<163840x512xf32, #tpu.memory_space<hbm>> -> memref<80x128xf32, #tpu.memory_space<hbm>>
        tpu.enqueue_dma source(%arg20 : memref<80x128xf32, #tpu.memory_space<vmem>>) target(%dma_start3A_289 : memref<80x128xf32, #tpu.memory_space<hbm>>) target_semaphore(%arg26 : memref<!tpu.dma_semaphore, #tpu.memory_space<semaphore_mem>>)
      }
      %mul3A_113 = arith.constant 2 : i32
      %mul3A_114 = arith.muli %select_n3A, %mul3A_113 : i32
      %add3A_115 = arith.addi %mul3A_8, %mul3A_114 : i32
      %sub3A_116 = arith.constant 1 : i32
      %sub3A_117 = arith.subi %add3A_115, %sub3A_116 : i32
      %mul3A_118 = arith.constant 80 : i32
      %mul3A_119 = arith.muli %sub3A_117, %mul3A_118 : i32
      %dma_wait3A_120 = arith.constant 0 : i32
      %dma_wait3A_121 = tpu.memref_slice %arg4[%mul3A_119, %dma_wait3A_120] : memref<163840x512xf32, #tpu.memory_space<hbm>> -> memref<80x128xf32, #tpu.memory_space<hbm>>
      %dma_wait3A_122 = arith.constant 0 : i32
      %dma_wait3A_123 = tpu.memref_slice %arg4[%mul3A_119, %dma_wait3A_122] : memref<163840x512xf32, #tpu.memory_space<hbm>> -> memref<80x128xf32, #tpu.memory_space<hbm>>
      tpu.wait_dma2 semaphore(%arg26 : memref<!tpu.dma_semaphore, #tpu.memory_space<semaphore_mem>>) src(%arg17 : memref<80x128xf32, #tpu.memory_space<vmem>>) dst(%dma_wait3A_123 : memref<80x128xf32, #tpu.memory_space<hbm>>)
      %dma_wait3A_124 = arith.constant 128 : i32
      %dma_wait3A_125 = tpu.memref_slice %arg4[%mul3A_119, %dma_wait3A_124] : memref<163840x512xf32, #tpu.memory_space<hbm>> -> memref<80x128xf32, #tpu.memory_space<hbm>>
      %dma_wait3A_126 = arith.constant 128 : i32
      %dma_wait3A_127 = tpu.memref_slice %arg4[%mul3A_119, %dma_wait3A_126] : memref<163840x512xf32, #tpu.memory_space<hbm>> -> memref<80x128xf32, #tpu.memory_space<hbm>>
      tpu.wait_dma2 semaphore(%arg26 : memref<!tpu.dma_semaphore, #tpu.memory_space<semaphore_mem>>) src(%arg18 : memref<80x128xf32, #tpu.memory_space<vmem>>) dst(%dma_wait3A_127 : memref<80x128xf32, #tpu.memory_space<hbm>>)
      %dma_wait3A_128 = arith.constant 256 : i32
      %dma_wait3A_129 = tpu.memref_slice %arg4[%mul3A_119, %dma_wait3A_128] : memref<163840x512xf32, #tpu.memory_space<hbm>> -> memref<80x128xf32, #tpu.memory_space<hbm>>
      %dma_wait3A_130 = arith.constant 256 : i32
      %dma_wait3A_131 = tpu.memref_slice %arg4[%mul3A_119, %dma_wait3A_130] : memref<163840x512xf32, #tpu.memory_space<hbm>> -> memref<80x128xf32, #tpu.memory_space<hbm>>
      tpu.wait_dma2 semaphore(%arg26 : memref<!tpu.dma_semaphore, #tpu.memory_space<semaphore_mem>>) src(%arg19 : memref<80x128xf32, #tpu.memory_space<vmem>>) dst(%dma_wait3A_131 : memref<80x128xf32, #tpu.memory_space<hbm>>)
      %dma_wait3A_132 = arith.constant 384 : i32
      %dma_wait3A_133 = tpu.memref_slice %arg4[%mul3A_119, %dma_wait3A_132] : memref<163840x512xf32, #tpu.memory_space<hbm>> -> memref<80x128xf32, #tpu.memory_space<hbm>>
      %dma_wait3A_134 = arith.constant 384 : i32
      %dma_wait3A_135 = tpu.memref_slice %arg4[%mul3A_119, %dma_wait3A_134] : memref<163840x512xf32, #tpu.memory_space<hbm>> -> memref<80x128xf32, #tpu.memory_space<hbm>>
      tpu.wait_dma2 semaphore(%arg26 : memref<!tpu.dma_semaphore, #tpu.memory_space<semaphore_mem>>) src(%arg20 : memref<80x128xf32, #tpu.memory_space<vmem>>) dst(%dma_wait3A_135 : memref<80x128xf32, #tpu.memory_space<hbm>>)
    } else {
    }
    return
  }
}

module attributes {stable_mosaic.version = 14 : i64} {
  func.func @body(%arg0: i32, %arg1: memref<3200x128xf32, #tpu.memory_space<vmem>>, %arg2: memref<3200x512xf32, #tpu.memory_space<vmem>>, %arg3: memref<128x128xf32, #tpu.memory_space<vmem>>, %arg4: memref<512x128xf32, #tpu.memory_space<vmem>>, %arg5: memref<1x128xf32, #tpu.memory_space<vmem>>, %arg6: memref<3200x128xf32, #tpu.memory_space<vmem>>) attributes {dimension_semantics = [#tpu.dimension_semantics<arbitrary>], iteration_bounds = array<i64: 50>, scalar_prefetch = 0 : i64, scratch_operands = 0 : i64, tpu.core_type = #tpu.core_type<tc>, window_params = [{transform_indices = @transform_0, window_bounds = array<i64: 3200, 128>}, {transform_indices = @transform_1, window_bounds = array<i64: 3200, 512>}, {pipeline_mode = #tpu.pipeline_mode<synchronous>, transform_indices = @transform_2, window_bounds = array<i64: 128, 128>}, {pipeline_mode = #tpu.pipeline_mode<synchronous>, transform_indices = @transform_3, window_bounds = array<i64: 512, 128>}, {pipeline_mode = #tpu.pipeline_mode<synchronous>, transform_indices = @transform_4, window_bounds = array<i64: 1, 128>}, {transform_indices = @transform_5, window_bounds = array<i64: 3200, 128>}]} {
    %get3A = arith.constant 0 : index
    %get3A_0 = arith.constant 0 : index
    %get3A_1 = vector.load %arg1[%get3A, %get3A_0] : memref<3200x128xf32, #tpu.memory_space<vmem>>, vector<3200x128xf32>
    %get3A_2 = arith.constant 0 : index
    %get3A_3 = arith.constant 0 : index
    %get3A_4 = vector.load %arg3[%get3A_2, %get3A_3] : memref<128x128xf32, #tpu.memory_space<vmem>>, vector<128x128xf32>
    %dot_general3A = arith.constant dense<0.000000e+00> : vector<3200x128xf32>
    %dot_general3A_5 = tpu.matmul %get3A_1, %get3A_4, %dot_general3A {dimension_numbers = #tpu.dot_dimension_numbers<[1], [0], [0], [1], [0, 0, 1, 1], [], []>, transpose_lhs_hint = false} : vector<3200x128xf32>, vector<128x128xf32>, vector<3200x128xf32> -> vector<3200x128xf32>
    %get3A_6 = arith.constant 0 : index
    %get3A_7 = arith.constant 0 : index
    %get3A_8 = vector.load %arg2[%get3A_6, %get3A_7] : memref<3200x512xf32, #tpu.memory_space<vmem>>, vector<3200x512xf32>
    %get3A_9 = arith.constant 0 : index
    %get3A_10 = arith.constant 0 : index
    %get3A_11 = vector.load %arg4[%get3A_9, %get3A_10] : memref<512x128xf32, #tpu.memory_space<vmem>>, vector<512x128xf32>
    %dot_general3A_12 = arith.constant dense<0.000000e+00> : vector<3200x128xf32>
    %dot_general3A_13 = tpu.matmul %get3A_8, %get3A_11, %dot_general3A_12 {dimension_numbers = #tpu.dot_dimension_numbers<[1], [0], [0], [1], [0, 0, 1, 1], [], []>, transpose_lhs_hint = false} : vector<3200x512xf32>, vector<512x128xf32>, vector<3200x128xf32> -> vector<3200x128xf32>
    %add3A = arith.addf %dot_general3A_5, %dot_general3A_13 : vector<3200x128xf32>
    %get3A_14 = arith.constant 0 : index
    %get3A_15 = arith.constant 0 : index
    %get3A_16 = vector.load %arg5[%get3A_14, %get3A_15] : memref<1x128xf32, #tpu.memory_space<vmem>>, vector<1x128xf32>
    %add3A_17 = vector.broadcast %get3A_16 : vector<1x128xf32> to vector<3200x128xf32>
    %add3A_18 = arith.addf %add3A, %add3A_17 : vector<3200x128xf32>
    %max3A = arith.constant 0.000000e+00 : f32
    %max3A_19 = vector.broadcast %max3A : f32 to vector<3200x128xf32>
    %max3A_20 = arith.maximumf %add3A_18, %max3A_19 : vector<3200x128xf32>
    %swap3A = arith.constant 0 : index
    %swap3A_21 = arith.constant 0 : index
    %swap3A_22 = vector.load %arg6[%swap3A, %swap3A_21] : memref<3200x128xf32, #tpu.memory_space<vmem>>, vector<3200x128xf32>
    tpu.vector_store %arg6[%swap3A, %swap3A_21], %max3A_20 {strides = array<i32>} : memref<3200x128xf32, #tpu.memory_space<vmem>>, vector<3200x128xf32>,
    return
  }
  func.func @transform_0(%arg0: i32) -> (i32, i32) {
    %c0_i32 = arith.constant 0 : i32
    %c0_i32_0 = arith.constant 0 : i32
    return %arg0, %c0_i32 : i32, i32
  }
  func.func @transform_1(%arg0: i32) -> (i32, i32) {
    %c0_i32 = arith.constant 0 : i32
    %c0_i32_0 = arith.constant 0 : i32
    return %arg0, %c0_i32 : i32, i32
  }
  func.func @transform_2(%arg0: i32) -> (i32, i32) {
    %c0_i32 = arith.constant 0 : i32
    %c0_i32_0 = arith.constant 0 : i32
    %c0_i32_1 = arith.constant 0 : i32
    return %c0_i32, %c0_i32_0 : i32, i32
  }
  func.func @transform_3(%arg0: i32) -> (i32, i32) {
    %c0_i32 = arith.constant 0 : i32
    %c0_i32_0 = arith.constant 0 : i32
    %c0_i32_1 = arith.constant 0 : i32
    return %c0_i32, %c0_i32_0 : i32, i32
  }
  func.func @transform_4(%arg0: i32) -> (i32, i32) {
    %c0_i32 = arith.constant 0 : i32
    %c0_i32_0 = arith.constant 0 : i32
    %c0_i32_1 = arith.constant 0 : i32
    return %c0_i32, %c0_i32_0 : i32, i32
  }
  func.func @transform_5(%arg0: i32) -> (i32, i32) {
    %c0_i32 = arith.constant 0 : i32
    %c0_i32_0 = arith.constant 0 : i32
    return %arg0, %c0_i32 : i32, i32
  }
}

module attributes {stable_mosaic.version = 14 : i64} {
  func.func @body(%arg0: i32, %arg1: memref<3200x128xf32, #tpu.memory_space<vmem>>, %arg2: memref<3200x512xf32, #tpu.memory_space<vmem>>, %arg3: memref<128x128xf32, #tpu.memory_space<vmem>>, %arg4: memref<128x512xf32, #tpu.memory_space<vmem>>, %arg5: memref<128x1xf32, #tpu.memory_space<vmem>>, %arg6: memref<1x128x3200xf32, #tpu.memory_space<vmem>>) attributes {dimension_semantics = [#tpu.dimension_semantics<arbitrary>], iteration_bounds = array<i64: 50>, scalar_prefetch = 0 : i64, scratch_operands = 0 : i64, tpu.core_type = #tpu.core_type<tc>, window_params = [{transform_indices = @transform_0, window_bounds = array<i64: 3200, 128>}, {transform_indices = @transform_1, window_bounds = array<i64: 3200, 512>}, {pipeline_mode = #tpu.pipeline_mode<synchronous>, transform_indices = @transform_2, window_bounds = array<i64: 128, 128>}, {pipeline_mode = #tpu.pipeline_mode<synchronous>, transform_indices = @transform_3, window_bounds = array<i64: 128, 512>}, {pipeline_mode = #tpu.pipeline_mode<synchronous>, transform_indices = @transform_4, window_bounds = array<i64: 128, 1>}, {transform_indices = @transform_5, window_bounds = array<i64: 1, 128, 3200>}]} {
    %get3A = arith.constant 0 : index
    %get3A_0 = arith.constant 0 : index
    %get3A_1 = vector.load %arg3[%get3A, %get3A_0] : memref<128x128xf32, #tpu.memory_space<vmem>>, vector<128x128xf32>
    %get3A_2 = arith.constant 0 : index
    %get3A_3 = arith.constant 0 : index
    %get3A_4 = vector.load %arg1[%get3A_2, %get3A_3] : memref<3200x128xf32, #tpu.memory_space<vmem>>, vector<3200x128xf32>
    %dot_general3A = arith.constant dense<0.000000e+00> : vector<128x3200xf32>
    %dot_general3A_5 = tpu.matmul %get3A_1, %get3A_4, %dot_general3A {dimension_numbers = #tpu.dot_dimension_numbers<[1], [1], [0], [0], [0, 0, 1, 0], [], []>, transpose_lhs_hint = false} : vector<128x128xf32>, vector<3200x128xf32>, vector<128x3200xf32> -> vector<128x3200xf32>
    %get3A_6 = arith.constant 0 : index
    %get3A_7 = arith.constant 0 : index
    %get3A_8 = vector.load %arg4[%get3A_6, %get3A_7] : memref<128x512xf32, #tpu.memory_space<vmem>>, vector<128x512xf32>
    %get3A_9 = arith.constant 0 : index
    %get3A_10 = arith.constant 0 : index
    %get3A_11 = vector.load %arg2[%get3A_9, %get3A_10] : memref<3200x512xf32, #tpu.memory_space<vmem>>, vector<3200x512xf32>
    %dot_general3A_12 = arith.constant dense<0.000000e+00> : vector<128x3200xf32>
    %dot_general3A_13 = tpu.matmul %get3A_8, %get3A_11, %dot_general3A_12 {dimension_numbers = #tpu.dot_dimension_numbers<[1], [1], [0], [0], [0, 0, 1, 0], [], []>, transpose_lhs_hint = false} : vector<128x512xf32>, vector<3200x512xf32>, vector<128x3200xf32> -> vector<128x3200xf32>
    %add3A = arith.addf %dot_general3A_5, %dot_general3A_13 : vector<128x3200xf32>
    %get3A_14 = arith.constant 0 : index
    %get3A_15 = arith.constant 0 : index
    %get3A_16 = vector.load %arg5[%get3A_14, %get3A_15] : memref<128x1xf32, #tpu.memory_space<vmem>>, vector<128x1xf32>
    %add3A_17 = vector.broadcast %get3A_16 : vector<128x1xf32> to vector<128x3200xf32>
    %add3A_18 = arith.addf %add3A, %add3A_17 : vector<128x3200xf32>
    %max3A = arith.constant 0.000000e+00 : f32
    %max3A_19 = vector.broadcast %max3A : f32 to vector<128x3200xf32>
    %max3A_20 = arith.maximumf %add3A_18, %max3A_19 : vector<128x3200xf32>
    %broadcast_in_dim3A = vector.shape_cast %max3A_20 : vector<128x3200xf32> to vector<1x128x3200xf32>
    %swap3A = arith.constant 0 : index
    %swap3A_21 = arith.constant 0 : index
    %swap3A_22 = arith.constant 0 : index
    %swap3A_23 = vector.load %arg6[%swap3A, %swap3A_21, %swap3A_22] : memref<1x128x3200xf32, #tpu.memory_space<vmem>>, vector<1x128x3200xf32>
    tpu.vector_store %arg6[%swap3A, %swap3A_21, %swap3A_22], %broadcast_in_dim3A {strides = array<i32>} : memref<1x128x3200xf32, #tpu.memory_space<vmem>>, vector<1x128x3200xf32>,
    return
  }
  func.func @transform_0(%arg0: i32) -> (i32, i32) {
    %c0_i32 = arith.constant 0 : i32
    %c0_i32_0 = arith.constant 0 : i32
    return %arg0, %c0_i32 : i32, i32
  }
  func.func @transform_1(%arg0: i32) -> (i32, i32) {
    %c0_i32 = arith.constant 0 : i32
    %c0_i32_0 = arith.constant 0 : i32
    return %arg0, %c0_i32 : i32, i32
  }
  func.func @transform_2(%arg0: i32) -> (i32, i32) {
    %c0_i32 = arith.constant 0 : i32
    %c0_i32_0 = arith.constant 0 : i32
    %c0_i32_1 = arith.constant 0 : i32
    return %c0_i32, %c0_i32_0 : i32, i32
  }
  func.func @transform_3(%arg0: i32) -> (i32, i32) {
    %c0_i32 = arith.constant 0 : i32
    %c0_i32_0 = arith.constant 0 : i32
    %c0_i32_1 = arith.constant 0 : i32
    return %c0_i32, %c0_i32_0 : i32, i32
  }
  func.func @transform_4(%arg0: i32) -> (i32, i32) {
    %c0_i32 = arith.constant 0 : i32
    %c0_i32_0 = arith.constant 0 : i32
    %c0_i32_1 = arith.constant 0 : i32
    return %c0_i32, %c0_i32_0 : i32, i32
  }
  func.func @transform_5(%arg0: i32) -> (i32, i32, i32) {
    %c0_i32 = arith.constant 0 : i32
    %c0_i32_0 = arith.constant 0 : i32
    %c0_i32_1 = arith.constant 0 : i32
    return %c0_i32, %c0_i32_0, %arg0 : i32, i32, i32
  }
}

</mosaic_0001>

<sc_bundles>
// kernel: kernel.6.cloned.1.call-start
scs
__scs_entry_jumppad:
0x0: {  	(pc) =	sbr.rel $0x88, $3  }
0x1: {  	(tag) =	ssettag $0x0;
	lr =	simm.s32 $0x1  }
0x2: {  	[smem:$0x3F9B] =	sst lr;
	_ =	strace $0xD0000000  }
0x3: {  	_ = 	snop  }
0x4: {  	_ = 	snop  }
0x5: {  	_ = 	snop  }
0x6: {  	_ = 	snop  }
0x7: {  	_ = 	snop  }
__scs_overlays_trampoline_lowered:
0x8: {  	[smem:$0x3FAA] =	sst s0  }
0x9: {  	[smem:$0x3FAB] =	sst s1  }
0xa: {  	[smem:$0x3FAC] =	sst s2  }
0xb: {  	[smem:$0x3FAD] =	sst s3  }
0xc: {  	[smem:$0x3FAE] =	sst s4  }
0xd: {  	[smem:$0x3FAF] =	sst s5  }
0xe: {  	[smem:$0x3FB0] =	sst s6  }
0xf: {  	[smem:$0x3FB1] =	sst s7  }
0x10: {  	[smem:$0x3FB2] =	sst s8  }
0x11: {  	[smem:$0x3FB3] =	sst s9;
	s0 =	simm.s32 @!p0 $0x0  }
0x12: {  	s1 =	sld [smem:$0x3F99];
	s0 =	simm.s32 @p0 $0x1  }
0x13: {  	[smem:$0x3FB4] =	sst s0;
	s0 =	simm.s32 @!p1 $0x0  }
0x14: {  	s2 =	sld [smem:$0x3F98];
	s0 =	simm.s32 @p1 $0x1  }
0x15: {  	[smem:$0x3FB5] =	sst s0;
	s0 =	simm.s32 @!p2 $0x0  }
0x16: {  	s3 =	sld [smem:$0x3FDB];
	s0 =	simm.s32 @p2 $0x1  }
0x17: {  	s4 =	simm.s32 $0x1BF5;
	[smem:$0x3FB7] =	sst s0  }
0x18: {  	s0 =	sld [smem:$0x3F9A];
	_ =	swait.ge [sflag:s4], $0x0  }
0x19: {  	s7 =	sld [smem:$0x3F9B]  }
0x1a: {  	s8 =	sadd.s32 $0xFFFFE003, lr  }
0x1b: {  	s9 =	sadd.s32 $0xFFFFFEF7, lr;
	s5 =	simm.s32 $0xFFFFFFFF;
	p2 =	slt.u32 s8, $0xFFFFF086  }
0x1c: {  	p1 =	slt.u32 s9, $0xF7A;
	s5 =	simm.s32 @!p2 $0x0  }
0x1d: {  	s5 =	simm.s32 @p1 $0x1;
	p0 =	seq.s32 s7, s2  }
0x1e: {  	s7 =	smul.u32 @!p0 $0xF7A, s2;
	p2 =	seq.s32 @!p0 s5, $0x0  }
0x1f: {  	s9 =	smul.u32 $0xF7A, s1;
	s8 =	simm.s32 @!p0 $0x1BF5;
	p2 =	por !p2, p0  }
0x20: {  	[sflag:s8] =	ssyncset.s32 @!p0 $0xFFFFF086;
	s6 =	sadd.s32 @!p0 s3, s7;
	s7 =	simm.s32 @!p0 $0x108  }
0x21: {  	s3 =	sadd.s32 s3, s9;
	s6 =	sadd.s32 @!p0 $0x88, s6;
	s7 =	simm.s32 @p2 $0x1082  }
0x22: {  	[simem:s7], [sflag:s8] =	dma.local @!p0 [hbm:s6], $0xF7A  }
0x23: {  	s9 =	sor.u32 $0xD0000000, s2;
	s6 =	simm.s32 $0x108;
	_ =	swait.ge @!p0 [sflag:s8], $0x0  }
0x24: {  	s3 =	sadd.s32 $0x88, s3;
	s6 =	simm.s32 @!p1 $0x1082;
	[sflag:s4] =	ssyncset.s32 $0xFFFFF086  }
0x25: {  	[simem:s6], [sflag:s4] =	dma.local [hbm:s3], $0xF7A  }
0x26: {  	[smem:$0x3F9B] =	sst s1;
	(tag) =	ssettag s2;
	_ =	strace s9  }
0x27: {  	s1 =	sld [smem:$0x3FAB]  }
0x28: {  	s2 =	sld [smem:$0x3FAC]  }
0x29: {  	s4 =	sld [smem:$0x3FAE]  }
0x2a: {  	p0 =	seq.s32 s5, $0x0;
	s5 =	sld [smem:$0x3FAF]  }
0x2b: {  	s6 =	sld [smem:$0x3FB0]  }
0x2c: {  	s7 =	sld [smem:$0x3FB1]  }
0x2d: {  	s3 =	simm.s32 $0x108;
	s8 =	sld [smem:$0x3FB2]  }
0x2e: {  	s3 =	simm.s32 @!p0 $0x1082;
	s9 =	sld [smem:$0x3FB3]  }
0x2f: {  	lr =	sadd.s32 s0, s3;
	s0 =	sld [smem:$0x3FAA]  }
0x30: {  	s3 =	sld [smem:$0x3FAD]  }
0x31: {  	[smem:$0x3FB6] =	sst s10  }
0x32: {  	s10 =	sld [smem:$0x3FB4];
	_ =	sdelay $0x3  }
0x33: {  	p0 =	seq.s32 s10, $0x1;
	s10 =	sld [smem:$0x3FB6];
	_ =	sdelay $0x3  }
0x34: {  	[smem:$0x3FB6] =	sst s10  }
0x35: {  	s10 =	sld [smem:$0x3FB5];
	_ =	sdelay $0x3  }
0x36: {  	p1 =	seq.s32 s10, $0x1;
	s10 =	sld [smem:$0x3FB6];
	_ =	sdelay $0x3  }
0x37: {  	[smem:$0x3FB6] =	sst s10  }
0x38: {  	s10 =	sld [smem:$0x3FB7]  }
0x39: {  	_ = 	snop;
	(pc) =	sbr.ind lr, $3  }
0x3a: {  	_ = 	snop  }
0x3b: {  	_ = 	snop  }
0x3c: {  	p2 =	seq.s32 s10, $0x1;
	s10 =	sld [smem:$0x3FB6]  }
0x3d: {  	_ =	shalt  }
0x3e: {  	_ =	shalt  }
0x3f: {  	_ =	shalt  }
0x40: {  	_ =	shalt  }
0x41: {  	_ =	shalt  }
0x42: {  	_ =	shalt  }
0x43: {  	_ =	shalt  }
0x44: {  	_ =	shalt  }
0x45: {  	_ =	shalt  }
0x46: {  	_ =	shalt  }
0x47: {  	_ =	shalt  }
0x48: {  	_ =	shalt  }
0x49: {  	_ =	shalt  }
0x4a: {  	_ =	shalt  }
0x4b: {  	_ =	shalt  }
0x4c: {  	_ =	shalt  }
0x4d: {  	_ =	shalt  }
0x4e: {  	_ =	shalt  }
0x4f: {  	_ =	shalt  }
0x50: {  	_ =	shalt  }
0x51: {  	_ =	shalt  }
0x52: {  	_ =	shalt  }
0x53: {  	_ =	shalt  }
0x54: {  	_ =	shalt  }
0x55: {  	_ =	shalt  }
0x56: {  	_ =	shalt  }
0x57: {  	_ =	shalt  }
0x58: {  	_ =	shalt  }
0x59: {  	_ =	shalt  }
0x5a: {  	_ =	shalt  }
0x5b: {  	_ =	shalt  }
0x5c: {  	_ =	shalt  }
0x5d: {  	_ =	shalt  }
0x5e: {  	_ =	shalt  }
0x5f: {  	_ =	shalt  }
0x60: {  	_ =	shalt  }
0x61: {  	_ =	shalt  }
0x62: {  	_ =	shalt  }
0x63: {  	_ =	shalt  }
0x64: {  	_ =	shalt  }
0x65: {  	_ =	shalt  }
0x66: {  	_ =	shalt  }
0x67: {  	_ =	shalt  }
0x68: {  	_ =	shalt  }
0x69: {  	_ =	shalt  }
0x6a: {  	_ =	shalt  }
0x6b: {  	_ =	shalt  }
0x6c: {  	_ =	shalt  }
0x6d: {  	_ =	shalt  }
0x6e: {  	_ =	shalt  }
0x6f: {  	_ =	shalt  }
0x70: {  	_ =	shalt  }
0x71: {  	_ =	shalt  }
0x72: {  	_ =	shalt  }
0x73: {  	_ =	shalt  }
0x74: {  	_ =	shalt  }
0x75: {  	_ =	shalt  }
0x76: {  	_ =	shalt  }
0x77: {  	_ =	shalt  }
0x78: {  	_ =	shalt  }
0x79: {  	_ =	shalt  }
0x7a: {  	_ =	shalt  }
0x7b: {  	_ =	shalt  }
0x7c: {  	_ =	shalt  }
0x7d: {  	_ =	shalt  }
0x7e: {  	_ =	shalt  }
0x7f: {  	_ =	shalt  }
0x80: {  	_ =	shalt  }
0x81: {  	_ =	shalt  }
0x82: {  	_ =	shalt  }
0x83: {  	_ =	shalt  }
0x84: {  	_ =	shalt  }
0x85: {  	_ =	shalt  }
0x86: {  	_ =	shalt  }
0x87: {  	_ =	shalt  }
.Lfunc_end0:
.L_simem_size_0:
called_computation_lowered:
.L_overlay_start_0:
0x88: {  	s2 =	sld [smem:$0x3FD9]  }
0x89: {  	s3 =	sld [smem:$0x3FFE];
	_ =	sdelay $0x1  }
0x8a: {  	s1 =	srdreg.scid  }
0x8b: {  	s0 =	sand.u32 $0x1, s1  }
0x8c: {  	s17 =	sshll.u32 s0, $0xA;
	s2 =	sadd.s32 s3, s2  }
0x8d: {  	s2 =	sadd.s32 s2, s17  }
0x8e: {  	[smem:$0x3FC2] =	sst s2  }
0x8f: {  	_ = 	snop  }
0x90: {  	s2 =	sld [smem:$0x3FD0];
	(tm) =	ssettm $0x1  }
0x91: {  	s18 =	sld [smem:$0x3FFB];
	_ =	sdelay $0x3  }
0x92: {  	_ =	strace s18  }
0x93: {  	s3 =	sld [smem:$0x3FFC];
	_ =	sdelay $0x3  }
0x94: {  	_ =	strace s3  }
0x95: {  	s3 =	sld [smem:$0x3FFD];
	_ =	sdelay $0x3  }
0x96: {  	_ =	strace s3  }
0x97: {  	_ =	strace $0x8FFFFFFF  }
0x98: {  	s19 =	sld [smem:$0x3FDB];
	_ =	sdelay $0x1  }
0x99: {  	s4 =	simm.s32 $_scs_section_size  }
0x9a: {  	s5 =	simm.s32 $_size__tile_overlayer_lowered;
	s6 =	simm.s32 $_tile_overlayer_lowered  }
0x9b: {  	s22 =	simm.s32 $0x1BFF;
	s21 =	sshll.u32 s6, $0x1;
	s3 =	sadd.s32 s4, s19  }
0x9c: {  	s7 =	simm.s32 $0x0;
	s20 =	sshll.u32 s5, $0x1;
	s5 =	sadd.s32 s21, s3  }
0x9d: {  	[timem:s7], [sflag:s22] =	dma.local [hbm:s5], s20  }
0x9e: {  	_ =	swait.ge [sflag:s22], s20  }
0x9f: {  	s4 =	ssub.s32 $0x0, s20;
	[sflag:s22] =	ssyncset.done $0x0  }
0xa0: {  	[sflag:s22] =	ssyncadd.s32 s4;
	_ =	sdelay $0x1  }
0xa1: {  	s23 =	simm.s32 $0x1B8B  }
0xa2: {  	_ =	swait.ge [sflag:s23], $0x1  }
0xa3: {  	[sflag:s23] =	ssyncset.done $0x0  }
0xa4: {  	s25 =	simm.s32 $0x1B8E;
	s24 =	sld [smem:$0x3FFE];
	[sflag:s23] =	ssyncadd.s32 $0xFFFFFFFF  }
0xa5: {  	s26 =	simm.s32 $execute0_lowered;
	[smem:$0x3FD2] =	sst s25  }
0xa6: {  	s5 =	sshll.u32 s26, $0x1;
	_ =	strace $0x80000046;
	[dreg:$0x1] =	wrdreg $0xFFFFFFFF  }
0xa7: {  	s28 =	simm.s32 $_size_execute0_lowered;
	s3 =	sadd.s32 s3, s5;
	[dreg:$0x0] =	wrdreg $0x0  }
0xa8: {  	s5 =	sshll.u32 s28, $0x1;
	[dreg:$0x2] =	wrdreg s3  }
0xa9: {  	[dreg:$0x3] =	wrdreg s5  }
0xaa: {  	[dreg:$0x4] =	wrdreg $0xC0  }
0xab: {  	_ =	task [dreg:s7], $0x5FFFF  }
0xac: {  	[dreg:$0x1] =	wrdreg $0xFFFFFFFF  }
0xad: {  	[dreg:$0x0] =	wrdreg $0x60  }
0xae: {  	[dreg:$0x2] =	wrdreg s2  }
0xaf: {  	[dreg:$0x3] =	wrdreg s24  }
0xb0: {  	[dreg:$0x4] =	wrdreg $0x9  }
0xb1: {  	_ =	task.clear_ibuf [dreg:s7], $0x5FFFF;
	_ =	strace $0x90000046  }
0xb2: {  	s29 =	simm.s32 $0x9;
	_ =	strace $0x80000048  }
0xb3: {  	_ =	swait.ge [sflag:s29], $0x1  }
0xb4: {  	[sflag:s29] =	ssyncadd.s32 $0xFFFFFFFF  }
0xb5: {  	_ =	strace $0x90000048  }
0xb6: {  	_ =	sfence  }
0xb7: {  	s30 =	sld [smem:$0x0];
	_ =	sdelay $0x2  }
0xb8: {  	s31 =	sshll.u32 s1, $0xD;
	s1 =	sshrl.u32 s1, $0x2  }
0xb9: {  	s3 =	sand.u32 $0x4000, s31;
	s1 =	sadd.s32 s1, s30  }
0xba: {  	s0 =	sor.u32 s3, s0;
	s1 =	sshll.u32 s1, $0x11  }
0xbb: {  	s0 =	sor.u32 s1, s0  }
0xbc: {  	s0 =	sadd.s32 $0x8F2B, s0  }
0xbd: {  	[sflag:s0] =	ssyncadd.remote.s32 $0x1  }
0xbe: {  	_ =	sfence.sel $0xFFFF  }
0xbf: {  	[dreg:$0x0] =	wrdreg $0xFFFFFFFF;
	(pc) =	sbr.abs _section_cstart, $3  }
0xc0: {  	[dreg:$0x1] =	wrdreg $0xFFFFFFFF  }
0xc1: {  	_ =	task.clear_ibuf [dreg:s7], $0x2FFFF;
	_ =	strace $0x9FFFFFFF  }
0xc2: {  	(tm) =	ssettm $0x7FFFFFFF  }
0xc3: {  	_ =	shalt  }
tec
execute0_lowered:
.L_overlay_start_1:
0x0: {  	(tag) =	ssettag $0x1  }
0x1: {  	s0 =	srdreg.scid;
	s1 =	simm.s32 $0x32;
	s3 =	rddreg [dreg:$0x0]  }
0x2: {  	s4 =	stileid.u32;
	s8 =	rddreg [dreg:$0x1];
	s0 =	sand.u32 $0x1, s0  }
0x3: {  	s6 =	simm.s32 $0x0;
	s29 =	simm.s32 $0x7C00;
	p0 =	seq.s32 s0, $0x0  }
0x4: {  	s30 =	simm.s32 $0x200;
	s31 =	simm.s32 $0x280;
	s1 =	simm.s32 @!p0 $0xE  }
0x5: {  	s20 =	simm.s32 $0x2;
	s2 =	ssub.s32 $0x0, s0;
	s4 =	smul.u32 s4, s1  }
0x6: {  	s9 =	simm.s32 $0xA400;
	s10 =	simm.s32 $0xF400;
	s2 =	sand.u32 $0x320, s2  }
0x7: {  	s11 =	simm.s32 $0x3;
	s0 =	ssub.s32 $0x2, s0;
	s5 =	sadd.s32 s2, s4  }
0x8: {  	s12 =	simm.s32 $0x1000;
	s21 =	sshrl.u32 s0, $0x1;
	s2 =	smul.u32 $0xA0, s5  }
0x9: {  	s13 =	simm.s32 $0x5;
	[smem:$0x7FF] =	sst s6;
	s0 =	ssub.s32 s0, s21  }
0xa: {  	s6 =	sadd.s32 $0x1600, s8;
	s0 =	smax.u32 s0, $0x1;
	s2 =	sshrl.u32 s2, $0x3  }
0xb: {  	_ =	strace $0x80000047;
	[dreg:$0xb] =	wrdreg s0;
	s2 =	sadd.s32 s6, s2  }
0xc: {  	s14 =	simm.s32 $0x4;
	s22 =	sadd.s32 $0x53E8, s2;
	[dreg:$0x3] =	wrdreg s2  }
0xd: {  	s15 =	simm.s32 $0x0;
	s23 =	sadd.s32 $0xA7D0, s2;
	[dreg:$0x4] =	wrdreg s22  }
0xe: {  	s7 =	sadd.s32 $0x16600, s8;
	s24 =	sadd.s32 $0xFBB8, s2;
	[dreg:$0x5] =	wrdreg s23  }
0xf: {  	s16 =	sadd.s32 $0x16680, s8;
	s25 =	sadd.s32 $0xA, s2;
	[dreg:$0x6] =	wrdreg s24  }
0x10: {  	s17 =	sadd.s32 $0x16700, s8;
	s26 =	sadd.s32 $0x53F2, s2;
	[dreg:$0x7] =	wrdreg s25  }
0x11: {  	s18 =	sadd.s32 $0x16780, s8;
	s28 =	sadd.s32 $0xA7DA, s2;
	[dreg:$0x8] =	wrdreg s26  }
0x12: {  	s21 =	simm.s32 $0xCC00;
	s2 =	sadd.s32 $0xFBC2, s2;
	[dreg:$0x9] =	wrdreg s28  }
0x13: {  	s0 =	simm.s32 $0x380;
	[dreg:$0xa] =	wrdreg s2;
	s24 =	simm.s32 $0x50  }
0x14: {  	s25 =	simm.s32 $0x400;
	s2 =	simm.s32 $0x300;
	s22 =	simm.s32 $0x11C00  }
.LBB2_1:
0x15: {  	[dreg:$0xc] =	wrdreg s15  }
0x16: {  	s4 =	simm.s32 $0x0;
	s8 =	rddreg [dreg:$0x3]  }
0x17: {  	[tilespmem:s4], [sflag:$0x1] =	stream.linear.gather [hbm4b:s8+s4], $0x50, $0x38;
	[tilespmem:$0x14400] =	vst v63  }
0x18: {  	s23 =	rddreg [dreg:$0x4];
	s15 =	simm.s32 $0x80  }
0x19: {  	[tilespmem:s15], [sflag:$0x1] =	stream.linear.gather [hbm4b:s23+s4], $0x50, $0x38;
	[tilespmem:$0x14400] =	vst v63  }
0x1a: {  	s26 =	rddreg [dreg:$0x5];
	s19 =	simm.s32 $0x100  }
0x1b: {  	[tilespmem:s19], [sflag:$0x1] =	stream.linear.gather [hbm4b:s26+s4], $0x50, $0x38;
	[tilespmem:$0x14400] =	vst v63  }
0x1c: {  	s28 =	rddreg [dreg:$0x6];
	s23 =	simm.s32 $0x180;
	s26 =	simm.s32 $0x1  }
0x1d: {  	[tilespmem:s23], [sflag:$0x1] =	stream.linear.gather [hbm4b:s28+s4], $0x50, $0x38;
	[tilespmem:$0x14400] =	vst v63  }
0x1e: {  	_ =	swait.ge [sflag:s26], $0x50  }
0x1f: {  	[sflag:s26] =	ssyncset.done $0x0  }
0x20: {  	[sflag:s26] =	ssyncadd.s32 $0xFFFFFFB0  }
0x21: {  	_ =	swait.ge [sflag:s26], $0x50  }
0x22: {  	[sflag:s26] =	ssyncset.done $0x0  }
0x23: {  	[sflag:s26] =	ssyncadd.s32 $0xFFFFFFB0  }
0x24: {  	_ =	swait.ge [sflag:s26], $0x50  }
0x25: {  	[sflag:s26] =	ssyncset.done $0x0  }
0x26: {  	[sflag:s26] =	ssyncadd.s32 $0xFFFFFFB0  }
0x27: {  	_ =	swait.ge [sflag:s26], $0x50  }
0x28: {  	[sflag:s26] =	ssyncset.done $0x0  }
0x29: {  	[sflag:s26] =	ssyncadd.s32 $0xFFFFFFB0  }
0x2a: {  	[tilespmem:s25], [sflag:$0x3] =	stream.indirect.gather [hbm4b:s3+s24], $0x80, s4, s24, $0xb8;
	[tilespmem:$0x14400] =	vst v63  }
0x2b: {  	s28 =	simm.s32 $0x2C00  }
0x2c: {  	[tilespmem:s28], [sflag:$0x3] =	stream.indirect.gather [hbm4b:s3+s24], $0x80, s15, s24, $0xb8;
	[tilespmem:$0x14400] =	vst v63  }
0x2d: {  	s15 =	simm.s32 $0x5400  }
0x2e: {  	[tilespmem:s15], [sflag:$0x3] =	stream.indirect.gather [hbm4b:s3+s24], $0x80, s19, s24, $0xb8;
	[tilespmem:$0x14400] =	vst v63  }
0x2f: {  	_ = 	snop  }
0x30: {  	[tilespmem:s29], [sflag:$0x3] =	stream.indirect.gather [hbm4b:s3+s24], $0x80, s23, s24, $0xb8;
	[tilespmem:$0x14400] =	vst v63  }
0x31: {  	s19 =	rddreg [dreg:$0x7]  }
0x32: {  	[tilespmem:s30], [sflag:$0x2] =	stream.linear.gather [hbm4b:s19+s4], $0x50, $0x38;
	[tilespmem:$0x14400] =	vst v63  }
0x33: {  	s23 =	rddreg [dreg:$0x8]  }
0x34: {  	[tilespmem:s31], [sflag:$0x2] =	stream.linear.gather [hbm4b:s23+s4], $0x50, $0x38;
	[tilespmem:$0x14400] =	vst v63  }
0x35: {  	s26 =	rddreg [dreg:$0x9]  }
0x36: {  	[tilespmem:s2], [sflag:$0x2] =	stream.linear.gather [hbm4b:s26+s4], $0x50, $0x38;
	[tilespmem:$0x14400] =	vst v63  }
0x37: {  	s8 =	simm.s32 $0x0;
	s28 =	rddreg [dreg:$0xa]  }
0x38: {  	[tilespmem:s0], [sflag:$0x2] =	stream.linear.gather [hbm4b:s28+s4], $0x50, $0x38;
	[tilespmem:$0x14400] =	vst v63  }
.LBB2_2:
0x39: {  	p0 =	seq.s32 s8, $0x0  }
0x3a: {  	s4 =	simm.s32 @!p0 $0x6  }
0x3b: {  	_ =	swait.ge @!p0 [sflag:s4], $0x2800  }
0x3c: {  	[sflag:s4] =	ssyncset.done @!p0 $0x0  }
0x3d: {  	[sflag:s4] =	ssyncadd.s32 @!p0 $0xFFFFD800  }
0x3e: {  	_ =	swait.ge @!p0 [sflag:s4], $0x2800  }
0x3f: {  	[sflag:s4] =	ssyncset.done @!p0 $0x0  }
0x40: {  	[sflag:s4] =	ssyncadd.s32 @!p0 $0xFFFFD800  }
0x41: {  	_ =	swait.ge @!p0 [sflag:s4], $0x2800  }
0x42: {  	[sflag:s4] =	ssyncset.done @!p0 $0x0  }
0x43: {  	[sflag:s4] =	ssyncadd.s32 @!p0 $0xFFFFD800  }
0x44: {  	_ =	swait.ge @!p0 [sflag:s4], $0x2800  }
0x45: {  	[sflag:s4] =	ssyncset.done @!p0 $0x0  }
0x46: {  	[sflag:s4] =	ssyncadd.s32 @!p0 $0xFFFFD800  }
0x47: {  	_ =	swait.ge [sflag:s20], $0x50  }
0x48: {  	[sflag:s20] =	ssyncset.done $0x0  }
0x49: {  	[sflag:s20] =	ssyncadd.s32 $0xFFFFFFB0  }
0x4a: {  	_ =	swait.ge [sflag:s20], $0x50  }
0x4b: {  	[sflag:s20] =	ssyncset.done $0x0  }
0x4c: {  	[sflag:s20] =	ssyncadd.s32 $0xFFFFFFB0  }
0x4d: {  	_ =	swait.ge [sflag:s20], $0x50  }
0x4e: {  	[sflag:s20] =	ssyncset.done $0x0  }
0x4f: {  	[sflag:s20] =	ssyncadd.s32 $0xFFFFFFB0  }
0x50: {  	_ =	swait.ge [sflag:s20], $0x50  }
0x51: {  	[sflag:s20] =	ssyncset.done $0x0  }
0x52: {  	[sflag:s20] =	ssyncadd.s32 $0xFFFFFFB0  }
0x53: {  	[tilespmem:s9], [sflag:$0x4] =	stream.indirect.gather [hbm4b:s3+s24], $0x80, s30, s24, $0xb8;
	[tilespmem:$0x14400] =	vst v63  }
0x54: {  	_ = 	snop  }
0x55: {  	[tilespmem:s21], [sflag:$0x4] =	stream.indirect.gather [hbm4b:s3+s24], $0x80, s31, s24, $0xb8;
	[tilespmem:$0x14400] =	vst v63  }
0x56: {  	_ = 	snop  }
0x57: {  	[tilespmem:s10], [sflag:$0x4] =	stream.indirect.gather [hbm4b:s3+s24], $0x80, s2, s24, $0xb8;
	[tilespmem:$0x14400] =	vst v63  }
0x58: {  	_ = 	snop  }
0x59: {  	[tilespmem:s22], [sflag:$0x4] =	stream.indirect.gather [hbm4b:s3+s24], $0x80, s0, s24, $0xb8;
	[tilespmem:$0x14400] =	vst v63  }
0x5a: {  	_ =	swait.ge [sflag:s11], $0x2800  }
0x5b: {  	[sflag:s11] =	ssyncset.done $0x0  }
0x5c: {  	[sflag:s11] =	ssyncadd.s32 $0xFFFFD800  }
0x5d: {  	_ =	swait.ge [sflag:s11], $0x2800  }
0x5e: {  	[sflag:s11] =	ssyncset.done $0x0  }
0x5f: {  	s23 =	sadd.s32 s5, s8;
	s8 =	sadd.s32 $0x1, s8;
	[sflag:s11] =	ssyncadd.s32 $0xFFFFD800  }
0x60: {  	p0 =	sge.u32 s8, s1;
	_ =	swait.ge [sflag:s11], $0x2800  }
0x61: {  	s4 =	smul.u32 @!p0 $0xA0, s23;
	[sflag:s11] =	ssyncset.done $0x0  }
0x62: {  	[sflag:s11] =	ssyncadd.s32 $0xFFFFD800  }
0x63: {  	s4 =	sshrl.u32 @!p0 s4, $0x3;
	_ =	swait.ge [sflag:s11], $0x2800  }
0x64: {  	s4 =	sadd.s32 @!p0 s6, s4;
	[sflag:s11] =	ssyncset.done $0x0  }
0x65: {  	s19 =	simm.s32 @!p0 $0x0;
	s15 =	sadd.s32 @!p0 $0x14, s4;
	[sflag:s11] =	ssyncadd.s32 $0xFFFFD800  }
0x66: {  	[tilespmem:s19], [sflag:$0x1] =	stream.linear.gather @!p0 [hbm4b:s15+s19], $0x50, $0x38;
	[tilespmem:$0x14400] =	vst v63  }
0x67: {  	s26 =	simm.s32 @!p0 $0x80;
	s15 =	sadd.s32 @!p0 $0x53FC, s4  }
0x68: {  	[tilespmem:s26], [sflag:$0x1] =	stream.linear.gather @!p0 [hbm4b:s15+s19], $0x50, $0x38;
	[tilespmem:$0x14400] =	vst v63  }
0x69: {  	s15 =	sadd.s32 @!p0 $0xA7E4, s4;
	s26 =	simm.s32 @!p0 $0x100  }
0x6a: {  	[tilespmem:s26], [sflag:$0x1] =	stream.linear.gather @!p0 [hbm4b:s15+s19], $0x50, $0x38;
	[tilespmem:$0x14400] =	vst v63  }
0x6b: {  	s15 =	sadd.s32 @!p0 $0xFBCC, s4;
	s26 =	simm.s32 @!p0 $0x180  }
0x6c: {  	[tilespmem:s26], [sflag:$0x1] =	stream.linear.gather @!p0 [hbm4b:s15+s19], $0x50, $0x38;
	[tilespmem:$0x14400] =	vst v63  }
0x6d: {  	s15 =	simm.s32 $0x0  }
0x6e: {  	v0 =	vld [tilespmem:s15+$0x400]  }
0x6f: {  	v1 =	vld [tilespmem:s15+$0x5400];
	_ =	sdelay $0x1  }
0x70: {  	v2 =	vld [tilespmem:s15+$0x2C00]  }
0x71: {  	v3 =	vld [tilespmem:s15+$0x7C00];
	_ =	sdelay $0x1  }
0x72: {  	v4 =	vld [tilespmem:s15+$0x410];
	v6 =	vadd.f32 v1, v0;
	v0 =	vsub.f32 v0, v1  }
0x73: {  	v5 =	vld [tilespmem:s15+$0x5410]  }
0x74: {  	v0 =	vand.u32 $0x7FFFFFFF, v0  }
0x75: {  	v7 =	vld [tilespmem:s15+$0x2C10];
	[tilespmem:s15+$0x5400] =	vst v0;
	v0 =	vadd.f32 v3, v2;
	v2 =	vsub.f32 v2, v3  }
0x76: {  	v1 =	vld [tilespmem:s15+$0x7C10];
	[tilespmem:s15+$0x400] =	vst v6  }
0x77: {  	[tilespmem:s15+$0x2C00] =	vst v0;
	v0 =	vand.u32 $0x7FFFFFFF, v2  }
0x78: {  	v6 =	vld [tilespmem:s15+$0x420];
	[tilespmem:s15+$0x7C00] =	vst v0;
	v0 =	vadd.f32 v5, v4;
	v4 =	vsub.f32 v4, v5  }
0x79: {  	v3 =	vld [tilespmem:s15+$0x5420]  }
0x7a: {  	[tilespmem:s15+$0x410] =	vst v0;
	v0 =	vand.u32 $0x7FFFFFFF, v4  }
0x7b: {  	v2 =	vld [tilespmem:s15+$0x2C20];
	[tilespmem:s15+$0x5410] =	vst v0;
	v0 =	vadd.f32 v1, v7;
	v1 =	vsub.f32 v7, v1  }
0x7c: {  	v5 =	vld [tilespmem:s15+$0x7C20]  }
0x7d: {  	[tilespmem:s15+$0x2C10] =	vst v0;
	v0 =	vand.u32 $0x7FFFFFFF, v1  }
0x7e: {  	v4 =	vld [tilespmem:s15+$0x430];
	[tilespmem:s15+$0x7C10] =	vst v0;
	v0 =	vadd.f32 v3, v6;
	v3 =	vsub.f32 v6, v3  }
0x7f: {  	v7 =	vld [tilespmem:s15+$0x5430]  }
0x80: {  	[tilespmem:s15+$0x420] =	vst v0;
	v0 =	vand.u32 $0x7FFFFFFF, v3  }
0x81: {  	v1 =	vld [tilespmem:s15+$0x2C30];
	[tilespmem:s15+$0x5420] =	vst v0;
	v0 =	vadd.f32 v5, v2;
	v2 =	vsub.f32 v2, v5  }
0x82: {  	v6 =	vld [tilespmem:s15+$0x7C30]  }
0x83: {  	[tilespmem:s15+$0x2C20] =	vst v0;
	v0 =	vand.u32 $0x7FFFFFFF, v2  }
0x84: {  	v3 =	vld [tilespmem:s15+$0x440];
	[tilespmem:s15+$0x7C20] =	vst v0;
	v0 =	vadd.f32 v7, v4;
	v4 =	vsub.f32 v4, v7  }
0x85: {  	v5 =	vld [tilespmem:s15+$0x5440]  }
0x86: {  	v2 =	vld [tilespmem:s15+$0x2C40];
	[tilespmem:s15+$0x430] =	vst v0;
	v0 =	vand.u32 $0x7FFFFFFF, v4  }
0x87: {  	v7 =	vld [tilespmem:s15+$0x7C40];
	[tilespmem:s15+$0x5430] =	vst v0;
	v0 =	vadd.f32 v6, v1;
	v1 =	vsub.f32 v1, v6;
	_ =	sdelay $0x1  }
0x88: {  	v4 =	vld [tilespmem:s15+$0x450];
	[tilespmem:s15+$0x2C30] =	vst v0;
	v0 =	vand.u32 $0x7FFFFFFF, v1  }
0x89: {  	v6 =	vld [tilespmem:s15+$0x5450];
	v1 =	vsub.f32 v3, v5;
	[tilespmem:s15+$0x7C30] =	vst v0;
	v0 =	vadd.f32 v5, v3  }
0x8a: {  	v8 =	vld [tilespmem:s15+$0x2C50]  }
0x8b: {  	v5 =	vld [tilespmem:s15+$0x7C50];
	[tilespmem:s15+$0x440] =	vst v0;
	v0 =	vand.u32 $0x7FFFFFFF, v1;
	v1 =	vsub.f32 v2, v7  }
0x8c: {  	v9 =	vld [tilespmem:s15+$0x460]  }
0x8d: {  	[tilespmem:s15+$0x5440] =	vst v0;
	v0 =	vadd.f32 v7, v2;
	v2 =	vld [tilespmem:s15+$0x5460];
	v1 =	vand.u32 $0x7FFFFFFF, v1  }
0x8e: {  	v3 =	vld [tilespmem:s15+$0x7C60];
	[tilespmem:s15+$0x7C40] =	vst v1;
	v1 =	vadd.f32 v6, v4;
	v4 =	vsub.f32 v4, v6  }
0x8f: {  	[tilespmem:s15+$0x2C40] =	vst v0;
	v0 =	vld [tilespmem:s15+$0x2C60]  }
0x90: {  	v6 =	vadd.f32 v5, v8;
	v5 =	vsub.f32 v8, v5;
	[tilespmem:s15+$0x450] =	vst v1;
	v4 =	vand.u32 $0x7FFFFFFF, v4;
	v1 =	vld [tilespmem:s15+$0x470]  }
0x91: {  	[tilespmem:s15+$0x5450] =	vst v4;
	v4 =	vld [tilespmem:s15+$0x5470]  }
0x92: {  	s19 =	simm.s32 $0x200;
	[tilespmem:s15+$0x2C50] =	vst v6;
	v7 =	vand.u32 $0x7FFFFFFF, v5;
	v6 =	vadd.f32 v2, v9;
	v5 =	vsub.f32 v9, v2;
	v2 =	vld [tilespmem:s15+$0x2C70]  }
.LBB2_3:
0x93: {  	s26 =	sshra.s32 s19, $0x2;
	p1 =	sne.s32 s19, $0x9E00;
	[tilespmem:s15+$0x7C50] =	vst v7;
	v7 =	vld [tilespmem:s15+$0x7C70]  }
0x94: {  	v8 =	vld [tilespmem:s26+$0x400];
	[tilespmem:s15+$0x460] =	vst v6;
	v6 =	vadd.f32 v3, v0;
	v5 =	vand.u32 $0x7FFFFFFF, v5;
	v0 =	vsub.f32 v0, v3  }
0x95: {  	v3 =	vld [tilespmem:s26+$0x5400];
	[tilespmem:s15+$0x5460] =	vst v5  }
0x96: {  	v5 =	vld [tilespmem:s26+$0x2C00];
	[tilespmem:s15+$0x2C60] =	vst v6;
	v0 =	vand.u32 $0x7FFFFFFF, v0;
	v6 =	vadd.f32 v4, v1;
	v1 =	vsub.f32 v1, v4  }
0x97: {  	v4 =	vld [tilespmem:s26+$0x7C00];
	[tilespmem:s15+$0x7C60] =	vst v0  }
0x98: {  	v0 =	vld [tilespmem:s26+$0x410];
	[tilespmem:s15+$0x470] =	vst v6;
	v6 =	vadd.f32 v7, v2;
	v1 =	vand.u32 $0x7FFFFFFF, v1;
	v2 =	vsub.f32 v2, v7  }
0x99: {  	v7 =	vld [tilespmem:s26+$0x5410];
	[tilespmem:s15+$0x5470] =	vst v1  }
0x9a: {  	v1 =	vadd.f32 v3, v8;
	v3 =	vsub.f32 v8, v3;
	v8 =	vld [tilespmem:s26+$0x2C10];
	[tilespmem:s15+$0x2C70] =	vst v6;
	v2 =	vand.u32 $0x7FFFFFFF, v2  }
0x9b: {  	v6 =	vld [tilespmem:s26+$0x7C10];
	[tilespmem:s15+$0x7C70] =	vst v2;
	s15 =	smov.u32 s26  }
0x9c: {  	[tilespmem:s15+$0x400] =	vst v1;
	v1 =	vadd.f32 v4, v5;
	v2 =	vand.u32 $0x7FFFFFFF, v3;
	v3 =	vsub.f32 v5, v4;
	v4 =	vld [tilespmem:s15+$0x420]  }
0x9d: {  	[tilespmem:s15+$0x5400] =	vst v2;
	v2 =	vld [tilespmem:s15+$0x5420]  }
0x9e: {  	[tilespmem:s15+$0x2C00] =	vst v1;
	v1 =	vand.u32 $0x7FFFFFFF, v3;
	v3 =	vadd.f32 v7, v0;
	v0 =	vsub.f32 v0, v7;
	v5 =	vld [tilespmem:s15+$0x2C20]  }
0x9f: {  	[tilespmem:s15+$0x7C00] =	vst v1;
	v1 =	vld [tilespmem:s15+$0x7C20]  }
0xa0: {  	[tilespmem:s15+$0x410] =	vst v3;
	v3 =	vadd.f32 v6, v8;
	v0 =	vand.u32 $0x7FFFFFFF, v0;
	v6 =	vsub.f32 v8, v6;
	v7 =	vld [tilespmem:s15+$0x430]  }
0xa1: {  	[tilespmem:s15+$0x5410] =	vst v0;
	v0 =	vld [tilespmem:s15+$0x5430]  }
0xa2: {  	[tilespmem:s15+$0x2C10] =	vst v3;
	v3 =	vand.u32 $0x7FFFFFFF, v6;
	v6 =	vadd.f32 v2, v4;
	v2 =	vsub.f32 v4, v2;
	v4 =	vld [tilespmem:s15+$0x2C30]  }
0xa3: {  	[tilespmem:s15+$0x7C10] =	vst v3;
	v3 =	vld [tilespmem:s15+$0x7C30]  }
0xa4: {  	[tilespmem:s15+$0x420] =	vst v6;
	v6 =	vadd.f32 v1, v5;
	v2 =	vand.u32 $0x7FFFFFFF, v2;
	v1 =	vsub.f32 v5, v1;
	v5 =	vld [tilespmem:s15+$0x440]  }
0xa5: {  	[tilespmem:s15+$0x5420] =	vst v2;
	v2 =	vld [tilespmem:s15+$0x5440]  }
0xa6: {  	[tilespmem:s15+$0x2C20] =	vst v6;
	v1 =	vand.u32 $0x7FFFFFFF, v1;
	v6 =	vadd.f32 v0, v7;
	v0 =	vsub.f32 v7, v0;
	v7 =	vld [tilespmem:s15+$0x2C40]  }
0xa7: {  	[tilespmem:s15+$0x7C20] =	vst v1;
	v1 =	vld [tilespmem:s15+$0x7C40]  }
0xa8: {  	[tilespmem:s15+$0x430] =	vst v6;
	v6 =	vadd.f32 v3, v4;
	v0 =	vand.u32 $0x7FFFFFFF, v0;
	v3 =	vsub.f32 v4, v3;
	v4 =	vld [tilespmem:s15+$0x450]  }
0xa9: {  	[tilespmem:s15+$0x5430] =	vst v0;
	v0 =	vld [tilespmem:s15+$0x5450]  }
0xaa: {  	[tilespmem:s15+$0x2C30] =	vst v6;
	v3 =	vand.u32 $0x7FFFFFFF, v3;
	v6 =	vadd.f32 v2, v5;
	v2 =	vsub.f32 v5, v2;
	v5 =	vld [tilespmem:s15+$0x2C50]  }
0xab: {  	[tilespmem:s15+$0x7C30] =	vst v3;
	v8 =	vld [tilespmem:s15+$0x7C50]  }
0xac: {  	[tilespmem:s15+$0x440] =	vst v6;
	v3 =	vadd.f32 v1, v7;
	v2 =	vand.u32 $0x7FFFFFFF, v2;
	v1 =	vsub.f32 v7, v1;
	v9 =	vld [tilespmem:s15+$0x460]  }
0xad: {  	[tilespmem:s15+$0x5440] =	vst v2;
	v2 =	vld [tilespmem:s15+$0x5460]  }
.Ltmp0:
0xae: {  	[tilespmem:s15+$0x2C40] =	vst v3;
	v1 =	vand.u32 $0x7FFFFFFF, v1;
	v6 =	vadd.f32 v0, v4;
	v4 =	vsub.f32 v4, v0;
	v0 =	vld [tilespmem:s15+$0x2C60];
	(pc) =	sbr.rel @p1 .LBB2_3-.Ltmp0, $4  }
0xaf: {  	[tilespmem:s15+$0x7C40] =	vst v1;
	v3 =	vld [tilespmem:s15+$0x7C60]  }
0xb0: {  	[tilespmem:s15+$0x450] =	vst v6;
	v6 =	vadd.f32 v8, v5;
	v4 =	vand.u32 $0x7FFFFFFF, v4;
	v5 =	vsub.f32 v5, v8;
	v1 =	vld [tilespmem:s15+$0x470]  }
0xb1: {  	[tilespmem:s15+$0x5450] =	vst v4;
	v4 =	vld [tilespmem:s15+$0x5470]  }
0xb2: {  	s19 =	sadd.s32 $0x200, s19;
	[tilespmem:s15+$0x2C50] =	vst v6;
	v7 =	vand.u32 $0x7FFFFFFF, v5;
	v6 =	vadd.f32 v2, v9;
	v5 =	vsub.f32 v9, v2;
	v2 =	vld [tilespmem:s15+$0x2C70]  }
0xb3: {  	[tilespmem:s15+$0x7C50] =	vst v7;
	v7 =	vld [tilespmem:s15+$0x7C70]  }
0xb4: {  	[tilespmem:s15+$0x460] =	vst v6;
	v6 =	vadd.f32 v3, v0;
	v5 =	vand.u32 $0x7FFFFFFF, v5;
	v0 =	vsub.f32 v0, v3  }
0xb5: {  	[tilespmem:s15+$0x5460] =	vst v5  }
0xb6: {  	[tilespmem:s15+$0x2C60] =	vst v6;
	v0 =	vand.u32 $0x7FFFFFFF, v0;
	v3 =	vadd.f32 v4, v1;
	v1 =	vsub.f32 v1, v4  }
0xb7: {  	[tilespmem:s15+$0x7C60] =	vst v0  }
0xb8: {  	s19 =	smul.u32 $0x14000, s23;
	[tilespmem:s15+$0x470] =	vst v3;
	v0 =	vadd.f32 v7, v2;
	v1 =	vand.u32 $0x7FFFFFFF, v1;
	v2 =	vsub.f32 v2, v7  }
0xb9: {  	[tilespmem:s15+$0x5470] =	vst v1  }
0xba: {  	s19 =	sshrl.u32 s19, $0x3;
	[tilespmem:s15+$0x2C70] =	vst v0;
	v0 =	vand.u32 $0x7FFFFFFF, v2  }
0xbb: {  	s23 =	sadd.s32 s7, s19;
	[tilespmem:s15+$0x7C70] =	vst v0  }
0xbc: {  	[hbm4b:s23+s25] =	stream.strided.scatter [tilespmem:s25], [sflag:$0x5], $0x2800, s12, s25, $0x38;
	[tilespmem:$0x14400] =	vst v63  }
0xbd: {  	s26 =	simm.s32 $0x2C00;
	s28 =	sadd.s32 s19, s16  }
0xbe: {  	[hbm4b:s28+s25] =	stream.strided.scatter [tilespmem:s26], [sflag:$0x5], $0x2800, s12, s25, $0x38;
	[tilespmem:$0x14400] =	vst v63  }
0xbf: {  	s26 =	sadd.s32 s19, s17;
	s28 =	simm.s32 $0x5400  }
0xc0: {  	[hbm4b:s26+s25] =	stream.strided.scatter [tilespmem:s28], [sflag:$0x5], $0x2800, s12, s25, $0x38;
	[tilespmem:$0x14400] =	vst v63  }
0xc1: {  	s28 =	sadd.s32 s19, s18  }
0xc2: {  	[hbm4b:s28+s25] =	stream.strided.scatter [tilespmem:s29], [sflag:$0x5], $0x2800, s12, s25, $0x38;
	[tilespmem:$0x14400] =	vst v63  }
0xc3: {  	_ =	swait.ge [sflag:s13], $0x2800  }
0xc4: {  	[sflag:s13] =	ssyncset.done $0x0  }
0xc5: {  	[sflag:s13] =	ssyncadd.s32 $0xFFFFD800  }
0xc6: {  	_ =	swait.ge [sflag:s13], $0x2800  }
0xc7: {  	[sflag:s13] =	ssyncset.done $0x0  }
0xc8: {  	[sflag:s13] =	ssyncadd.s32 $0xFFFFD800  }
0xc9: {  	_ =	swait.ge [sflag:s13], $0x2800  }
0xca: {  	[sflag:s13] =	ssyncset.done $0x0  }
0xcb: {  	[sflag:s13] =	ssyncadd.s32 $0xFFFFD800  }
0xcc: {  	_ =	swait.ge [sflag:s13], $0x2800  }
0xcd: {  	[sflag:s13] =	ssyncset.done $0x0  }
0xce: {  	s15 =	simm.s32 @!p0 $0x1;
	[sflag:s13] =	ssyncadd.s32 $0xFFFFD800  }
0xcf: {  	_ =	swait.ge @!p0 [sflag:s15], $0x50  }
0xd0: {  	[sflag:s15] =	ssyncset.done @!p0 $0x0  }
0xd1: {  	[sflag:s15] =	ssyncadd.s32 @!p0 $0xFFFFFFB0  }
0xd2: {  	_ =	swait.ge @!p0 [sflag:s15], $0x50  }
0xd3: {  	[sflag:s15] =	ssyncset.done @!p0 $0x0  }
0xd4: {  	[sflag:s15] =	ssyncadd.s32 @!p0 $0xFFFFFFB0  }
0xd5: {  	_ =	swait.ge @!p0 [sflag:s15], $0x50  }
0xd6: {  	[sflag:s15] =	ssyncset.done @!p0 $0x0  }
0xd7: {  	[sflag:s15] =	ssyncadd.s32 @!p0 $0xFFFFFFB0  }
0xd8: {  	_ =	swait.ge @!p0 [sflag:s15], $0x50  }
0xd9: {  	s19 =	simm.s32 @!p0 $0x0;
	[sflag:s15] =	ssyncset.done @!p0 $0x0  }
0xda: {  	s26 =	simm.s32 @!p0 $0x400;
	[sflag:s15] =	ssyncadd.s32 @!p0 $0xFFFFFFB0;
	s15 =	simm.s32 @!p0 $0x50  }
0xdb: {  	[tilespmem:s26], [sflag:$0x3] =	stream.indirect.gather @!p0 [hbm4b:s3+s15], $0x80, s19, s15, $0xb8;
	[tilespmem:$0x14400] =	vst v63  }
0xdc: {  	s28 =	simm.s32 @!p0 $0x2C00;
	s26 =	simm.s32 @!p0 $0x80  }
0xdd: {  	[tilespmem:s28], [sflag:$0x3] =	stream.indirect.gather @!p0 [hbm4b:s3+s15], $0x80, s26, s15, $0xb8;
	[tilespmem:$0x14400] =	vst v63  }
0xde: {  	s26 =	simm.s32 @!p0 $0x100;
	s28 =	simm.s32 @!p0 $0x5400  }
0xdf: {  	[tilespmem:s28], [sflag:$0x3] =	stream.indirect.gather @!p0 [hbm4b:s3+s15], $0x80, s26, s15, $0xb8;
	[tilespmem:$0x14400] =	vst v63  }
0xe0: {  	s26 =	simm.s32 @!p0 $0x180;
	s28 =	simm.s32 @!p0 $0x7C00  }
0xe1: {  	[tilespmem:s28], [sflag:$0x3] =	stream.indirect.gather @!p0 [hbm4b:s3+s15], $0x80, s26, s15, $0xb8;
	[tilespmem:$0x14400] =	vst v63  }
0xe2: {  	_ =	swait.ge [sflag:s14], $0x2800  }
0xe3: {  	[sflag:s14] =	ssyncset.done $0x0  }
0xe4: {  	[sflag:s14] =	ssyncadd.s32 $0xFFFFD800  }
0xe5: {  	_ =	swait.ge [sflag:s14], $0x2800  }
0xe6: {  	[sflag:s14] =	ssyncset.done $0x0  }
0xe7: {  	[sflag:s14] =	ssyncadd.s32 $0xFFFFD800  }
0xe8: {  	_ =	swait.ge [sflag:s14], $0x2800  }
0xe9: {  	[sflag:s14] =	ssyncset.done $0x0  }
0xea: {  	[sflag:s14] =	ssyncadd.s32 $0xFFFFD800  }
0xeb: {  	_ =	swait.ge [sflag:s14], $0x2800  }
0xec: {  	[sflag:s14] =	ssyncset.done $0x0  }
0xed: {  	s15 =	sadd.s32 @!p0 $0x1E, s4;
	s26 =	simm.s32 @!p0 $0x200;
	[sflag:s14] =	ssyncadd.s32 $0xFFFFD800  }
0xee: {  	[tilespmem:s26], [sflag:$0x2] =	stream.linear.gather @!p0 [hbm4b:s15+s19], $0x50, $0x38;
	[tilespmem:$0x14400] =	vst v63  }
0xef: {  	s15 =	sadd.s32 @!p0 $0x5406, s4;
	s26 =	simm.s32 @!p0 $0x280  }
0xf0: {  	[tilespmem:s26], [sflag:$0x2] =	stream.linear.gather @!p0 [hbm4b:s15+s19], $0x50, $0x38;
	[tilespmem:$0x14400] =	vst v63  }
0xf1: {  	s15 =	sadd.s32 @!p0 $0xA7EE, s4;
	s26 =	simm.s32 @!p0 $0x300  }
0xf2: {  	[tilespmem:s26], [sflag:$0x2] =	stream.linear.gather @!p0 [hbm4b:s15+s19], $0x50, $0x38;
	[tilespmem:$0x14400] =	vst v63  }
0xf3: {  	s4 =	sadd.s32 @!p0 $0xFBD6, s4;
	s15 =	simm.s32 @!p0 $0x380  }
0xf4: {  	[tilespmem:s15], [sflag:$0x2] =	stream.linear.gather @!p0 [hbm4b:s4+s19], $0x50, $0x38;
	[tilespmem:$0x14400] =	vst v63  }
0xf5: {  	s4 =	simm.s32 $0x0  }
0xf6: {  	v0 =	vld [tilespmem:s4+$0xA400]  }
0xf7: {  	v1 =	vld [tilespmem:s4+$0xF400];
	_ =	sdelay $0x1  }
0xf8: {  	v2 =	vld [tilespmem:s4+$0xCC00]  }
0xf9: {  	v3 =	vld [tilespmem:s4+$0x11C00];
	_ =	sdelay $0x1  }
0xfa: {  	v4 =	vld [tilespmem:s4+$0xA410];
	v6 =	vadd.f32 v1, v0;
	v0 =	vsub.f32 v0, v1  }
0xfb: {  	v5 =	vld [tilespmem:s4+$0xF410]  }
0xfc: {  	v0 =	vand.u32 $0x7FFFFFFF, v0  }
0xfd: {  	v7 =	vld [tilespmem:s4+$0xCC10];
	[tilespmem:s4+$0xF400] =	vst v0;
	v0 =	vadd.f32 v3, v2;
	v2 =	vsub.f32 v2, v3  }
0xfe: {  	v1 =	vld [tilespmem:s4+$0x11C10];
	[tilespmem:s4+$0xA400] =	vst v6  }
0xff: {  	[tilespmem:s4+$0xCC00] =	vst v0;
	v0 =	vand.u32 $0x7FFFFFFF, v2  }
0x100: {  	v6 =	vld [tilespmem:s4+$0xA420];
	[tilespmem:s4+$0x11C00] =	vst v0;
	v0 =	vadd.f32 v5, v4;
	v4 =	vsub.f32 v4, v5  }
0x101: {  	v3 =	vld [tilespmem:s4+$0xF420]  }
0x102: {  	[tilespmem:s4+$0xA410] =	vst v0;
	v0 =	vand.u32 $0x7FFFFFFF, v4  }
0x103: {  	v2 =	vld [tilespmem:s4+$0xCC20];
	[tilespmem:s4+$0xF410] =	vst v0;
	v0 =	vadd.f32 v1, v7;
	v1 =	vsub.f32 v7, v1  }
0x104: {  	v5 =	vld [tilespmem:s4+$0x11C20]  }
0x105: {  	[tilespmem:s4+$0xCC10] =	vst v0;
	v0 =	vand.u32 $0x7FFFFFFF, v1  }
0x106: {  	v4 =	vld [tilespmem:s4+$0xA430];
	[tilespmem:s4+$0x11C10] =	vst v0;
	v0 =	vadd.f32 v3, v6;
	v3 =	vsub.f32 v6, v3  }
0x107: {  	v7 =	vld [tilespmem:s4+$0xF430]  }
0x108: {  	[tilespmem:s4+$0xA420] =	vst v0;
	v0 =	vand.u32 $0x7FFFFFFF, v3  }
0x109: {  	v1 =	vld [tilespmem:s4+$0xCC30];
	[tilespmem:s4+$0xF420] =	vst v0;
	v0 =	vadd.f32 v5, v2;
	v2 =	vsub.f32 v2, v5  }
0x10a: {  	v6 =	vld [tilespmem:s4+$0x11C30]  }
0x10b: {  	[tilespmem:s4+$0xCC20] =	vst v0;
	v0 =	vand.u32 $0x7FFFFFFF, v2  }
0x10c: {  	v3 =	vld [tilespmem:s4+$0xA440];
	[tilespmem:s4+$0x11C20] =	vst v0;
	v0 =	vadd.f32 v7, v4;
	v4 =	vsub.f32 v4, v7  }
0x10d: {  	v5 =	vld [tilespmem:s4+$0xF440]  }
0x10e: {  	v2 =	vld [tilespmem:s4+$0xCC40];
	[tilespmem:s4+$0xA430] =	vst v0;
	v0 =	vand.u32 $0x7FFFFFFF, v4  }
0x10f: {  	v7 =	vld [tilespmem:s4+$0x11C40];
	[tilespmem:s4+$0xF430] =	vst v0;
	v0 =	vadd.f32 v6, v1;
	v1 =	vsub.f32 v1, v6;
	_ =	sdelay $0x1  }
0x110: {  	v4 =	vld [tilespmem:s4+$0xA450];
	[tilespmem:s4+$0xCC30] =	vst v0;
	v0 =	vand.u32 $0x7FFFFFFF, v1  }
0x111: {  	v6 =	vld [tilespmem:s4+$0xF450];
	v1 =	vsub.f32 v3, v5;
	[tilespmem:s4+$0x11C30] =	vst v0;
	v0 =	vadd.f32 v5, v3  }
0x112: {  	v8 =	vld [tilespmem:s4+$0xCC50]  }
0x113: {  	v5 =	vld [tilespmem:s4+$0x11C50];
	[tilespmem:s4+$0xA440] =	vst v0;
	v0 =	vand.u32 $0x7FFFFFFF, v1;
	v1 =	vsub.f32 v2, v7  }
0x114: {  	v9 =	vld [tilespmem:s4+$0xA460]  }
0x115: {  	[tilespmem:s4+$0xF440] =	vst v0;
	v0 =	vadd.f32 v7, v2;
	v2 =	vld [tilespmem:s4+$0xF460];
	v1 =	vand.u32 $0x7FFFFFFF, v1  }
0x116: {  	v3 =	vld [tilespmem:s4+$0x11C60];
	[tilespmem:s4+$0x11C40] =	vst v1;
	v1 =	vadd.f32 v6, v4;
	v4 =	vsub.f32 v4, v6  }
0x117: {  	[tilespmem:s4+$0xCC40] =	vst v0;
	v0 =	vld [tilespmem:s4+$0xCC60]  }
0x118: {  	v6 =	vadd.f32 v5, v8;
	v5 =	vsub.f32 v8, v5;
	[tilespmem:s4+$0xA450] =	vst v1;
	v4 =	vand.u32 $0x7FFFFFFF, v4;
	v1 =	vld [tilespmem:s4+$0xA470]  }
0x119: {  	[tilespmem:s4+$0xF450] =	vst v4;
	v4 =	vld [tilespmem:s4+$0xF470]  }
0x11a: {  	s15 =	simm.s32 $0x200;
	[tilespmem:s4+$0xCC50] =	vst v6;
	v7 =	vand.u32 $0x7FFFFFFF, v5;
	v6 =	vadd.f32 v2, v9;
	v5 =	vsub.f32 v9, v2;
	v2 =	vld [tilespmem:s4+$0xCC70]  }
.LBB2_5:
0x11b: {  	s19 =	sshra.s32 s15, $0x2;
	p0 =	sne.s32 s15, $0x9E00;
	[tilespmem:s4+$0x11C50] =	vst v7;
	v7 =	vld [tilespmem:s4+$0x11C70]  }
0x11c: {  	v8 =	vld [tilespmem:s19+$0xA400];
	[tilespmem:s4+$0xA460] =	vst v6;
	v6 =	vadd.f32 v3, v0;
	v5 =	vand.u32 $0x7FFFFFFF, v5;
	v0 =	vsub.f32 v0, v3  }
0x11d: {  	v3 =	vld [tilespmem:s19+$0xF400];
	[tilespmem:s4+$0xF460] =	vst v5  }
0x11e: {  	v5 =	vld [tilespmem:s19+$0xCC00];
	[tilespmem:s4+$0xCC60] =	vst v6;
	v0 =	vand.u32 $0x7FFFFFFF, v0;
	v6 =	vadd.f32 v4, v1;
	v1 =	vsub.f32 v1, v4  }
0x11f: {  	v4 =	vld [tilespmem:s19+$0x11C00];
	[tilespmem:s4+$0x11C60] =	vst v0  }
0x120: {  	v0 =	vld [tilespmem:s19+$0xA410];
	[tilespmem:s4+$0xA470] =	vst v6;
	v6 =	vadd.f32 v7, v2;
	v1 =	vand.u32 $0x7FFFFFFF, v1;
	v2 =	vsub.f32 v2, v7  }
0x121: {  	v7 =	vld [tilespmem:s19+$0xF410];
	[tilespmem:s4+$0xF470] =	vst v1  }
0x122: {  	v1 =	vadd.f32 v3, v8;
	v3 =	vsub.f32 v8, v3;
	v8 =	vld [tilespmem:s19+$0xCC10];
	[tilespmem:s4+$0xCC70] =	vst v6;
	v2 =	vand.u32 $0x7FFFFFFF, v2  }
0x123: {  	v6 =	vld [tilespmem:s19+$0x11C10];
	[tilespmem:s4+$0x11C70] =	vst v2;
	s4 =	smov.u32 s19  }
0x124: {  	[tilespmem:s4+$0xA400] =	vst v1;
	v1 =	vadd.f32 v4, v5;
	v2 =	vand.u32 $0x7FFFFFFF, v3;
	v3 =	vsub.f32 v5, v4;
	v4 =	vld [tilespmem:s4+$0xA420]  }
0x125: {  	[tilespmem:s4+$0xF400] =	vst v2;
	v2 =	vld [tilespmem:s4+$0xF420]  }
0x126: {  	[tilespmem:s4+$0xCC00] =	vst v1;
	v1 =	vand.u32 $0x7FFFFFFF, v3;
	v3 =	vadd.f32 v7, v0;
	v0 =	vsub.f32 v0, v7;
	v5 =	vld [tilespmem:s4+$0xCC20]  }
0x127: {  	[tilespmem:s4+$0x11C00] =	vst v1;
	v1 =	vld [tilespmem:s4+$0x11C20]  }
0x128: {  	[tilespmem:s4+$0xA410] =	vst v3;
	v3 =	vadd.f32 v6, v8;
	v0 =	vand.u32 $0x7FFFFFFF, v0;
	v6 =	vsub.f32 v8, v6;
	v7 =	vld [tilespmem:s4+$0xA430]  }
0x129: {  	[tilespmem:s4+$0xF410] =	vst v0;
	v0 =	vld [tilespmem:s4+$0xF430]  }
0x12a: {  	[tilespmem:s4+$0xCC10] =	vst v3;
	v3 =	vand.u32 $0x7FFFFFFF, v6;
	v6 =	vadd.f32 v2, v4;
	v2 =	vsub.f32 v4, v2;
	v4 =	vld [tilespmem:s4+$0xCC30]  }
0x12b: {  	[tilespmem:s4+$0x11C10] =	vst v3;
	v3 =	vld [tilespmem:s4+$0x11C30]  }
0x12c: {  	[tilespmem:s4+$0xA420] =	vst v6;
	v6 =	vadd.f32 v1, v5;
	v2 =	vand.u32 $0x7FFFFFFF, v2;
	v1 =	vsub.f32 v5, v1;
	v5 =	vld [tilespmem:s4+$0xA440]  }
0x12d: {  	[tilespmem:s4+$0xF420] =	vst v2;
	v2 =	vld [tilespmem:s4+$0xF440]  }
0x12e: {  	[tilespmem:s4+$0xCC20] =	vst v6;
	v1 =	vand.u32 $0x7FFFFFFF, v1;
	v6 =	vadd.f32 v0, v7;
	v0 =	vsub.f32 v7, v0;
	v7 =	vld [tilespmem:s4+$0xCC40]  }
0x12f: {  	[tilespmem:s4+$0x11C20] =	vst v1;
	v1 =	vld [tilespmem:s4+$0x11C40]  }
0x130: {  	[tilespmem:s4+$0xA430] =	vst v6;
	v6 =	vadd.f32 v3, v4;
	v0 =	vand.u32 $0x7FFFFFFF, v0;
	v3 =	vsub.f32 v4, v3;
	v4 =	vld [tilespmem:s4+$0xA450]  }
0x131: {  	[tilespmem:s4+$0xF430] =	vst v0;
	v0 =	vld [tilespmem:s4+$0xF450]  }
0x132: {  	[tilespmem:s4+$0xCC30] =	vst v6;
	v3 =	vand.u32 $0x7FFFFFFF, v3;
	v6 =	vadd.f32 v2, v5;
	v2 =	vsub.f32 v5, v2;
	v5 =	vld [tilespmem:s4+$0xCC50]  }
0x133: {  	[tilespmem:s4+$0x11C30] =	vst v3;
	v8 =	vld [tilespmem:s4+$0x11C50]  }
0x134: {  	[tilespmem:s4+$0xA440] =	vst v6;
	v3 =	vadd.f32 v1, v7;
	v2 =	vand.u32 $0x7FFFFFFF, v2;
	v1 =	vsub.f32 v7, v1;
	v9 =	vld [tilespmem:s4+$0xA460]  }
0x135: {  	[tilespmem:s4+$0xF440] =	vst v2;
	v2 =	vld [tilespmem:s4+$0xF460]  }
.Ltmp1:
0x136: {  	[tilespmem:s4+$0xCC40] =	vst v3;
	v1 =	vand.u32 $0x7FFFFFFF, v1;
	v6 =	vadd.f32 v0, v4;
	v4 =	vsub.f32 v4, v0;
	v0 =	vld [tilespmem:s4+$0xCC60];
	(pc) =	sbr.rel @p0 .LBB2_5-.Ltmp1, $4  }
0x137: {  	[tilespmem:s4+$0x11C40] =	vst v1;
	v3 =	vld [tilespmem:s4+$0x11C60]  }
0x138: {  	[tilespmem:s4+$0xA450] =	vst v6;
	v6 =	vadd.f32 v8, v5;
	v4 =	vand.u32 $0x7FFFFFFF, v4;
	v5 =	vsub.f32 v5, v8;
	v1 =	vld [tilespmem:s4+$0xA470]  }
0x139: {  	[tilespmem:s4+$0xF450] =	vst v4;
	v4 =	vld [tilespmem:s4+$0xF470]  }
0x13a: {  	s15 =	sadd.s32 $0x200, s15;
	[tilespmem:s4+$0xCC50] =	vst v6;
	v7 =	vand.u32 $0x7FFFFFFF, v5;
	v6 =	vadd.f32 v2, v9;
	v5 =	vsub.f32 v9, v2;
	v2 =	vld [tilespmem:s4+$0xCC70]  }
0x13b: {  	[tilespmem:s4+$0x11C50] =	vst v7;
	v56 =	vld [tilespmem:s4+$0x11C70]  }
0x13c: {  	[tilespmem:s4+$0xA460] =	vst v6;
	v57 =	vadd.f32 v3, v0;
	v5 =	vand.u32 $0x7FFFFFFF, v5;
	v58 =	vsub.f32 v0, v3  }
0x13d: {  	[tilespmem:s4+$0xF460] =	vst v5  }
0x13e: {  	[tilespmem:s4+$0xCC60] =	vst v57;
	v0 =	vand.u32 $0x7FFFFFFF, v58;
	v59 =	vadd.f32 v4, v1;
	v60 =	vsub.f32 v1, v4  }
0x13f: {  	[tilespmem:s4+$0x11C60] =	vst v0  }
0x140: {  	[tilespmem:s4+$0xA470] =	vst v59;
	v61 =	vadd.f32 v56, v2;
	v1 =	vand.u32 $0x7FFFFFFF, v60;
	v62 =	vsub.f32 v2, v56  }
0x141: {  	[tilespmem:s4+$0xF470] =	vst v1  }
0x142: {  	[tilespmem:s4+$0xCC70] =	vst v61;
	v63 =	vand.u32 $0x7FFFFFFF, v62  }
0x143: {  	s15 =	sadd.s32 $0x1400, s23;
	[tilespmem:s4+$0x11C70] =	vst v63  }
0x144: {  	[hbm4b:s15+s25] =	stream.strided.scatter [tilespmem:s9], [sflag:$0x6], $0x2800, s12, s25, $0x38;
	[tilespmem:$0x14400] =	vst v63  }
0x145: {  	s19 =	sadd.s32 $0x1480, s23;
	p0 =	sne.s32 s8, s1  }
0x146: {  	[hbm4b:s19+s25] =	stream.strided.scatter [tilespmem:s21], [sflag:$0x6], $0x2800, s12, s25, $0x38;
	[tilespmem:$0x14400] =	vst v63  }
.Ltmp2:
0x147: {  	_ = 	snop;
	(pc) =	sbr.rel @p0 .LBB2_2-.Ltmp2, $4  }
0x148: {  	s26 =	sadd.s32 $0x1500, s23  }
0x149: {  	[hbm4b:s26+s25] =	stream.strided.scatter [tilespmem:s10], [sflag:$0x6], $0x2800, s12, s25, $0x38;
	[tilespmem:$0x14400] =	vst v63  }
0x14a: {  	s28 =	sadd.s32 $0x1580, s23  }
0x14b: {  	[hbm4b:s28+s25] =	stream.strided.scatter [tilespmem:s22], [sflag:$0x6], $0x2800, s12, s25, $0x38;
	[tilespmem:$0x14400] =	vst v63  }
0x14c: {  	s8 =	simm.s32 $0x6  }
0x14d: {  	_ =	swait.ge [sflag:s8], $0x2800  }
0x14e: {  	[sflag:s8] =	ssyncset.done $0x0  }
0x14f: {  	[sflag:s8] =	ssyncadd.s32 $0xFFFFD800  }
0x150: {  	_ =	swait.ge [sflag:s8], $0x2800  }
0x151: {  	[sflag:s8] =	ssyncset.done $0x0  }
0x152: {  	[sflag:s8] =	ssyncadd.s32 $0xFFFFD800  }
0x153: {  	_ =	swait.ge [sflag:s8], $0x2800  }
0x154: {  	[sflag:s8] =	ssyncset.done $0x0  }
0x155: {  	[sflag:s8] =	ssyncadd.s32 $0xFFFFD800  }
0x156: {  	_ =	swait.ge [sflag:s8], $0x2800  }
0x157: {  	s15 =	rddreg [dreg:$0xc]  }
0x158: {  	s4 =	rddreg [dreg:$0xb];
	s15 =	sadd.s32 $0x1, s15  }
0x159: {  	p0 =	sne.s32 s15, s4  }
.Ltmp3:
0x15a: {  	_ = 	snop;
	(pc) =	sbr.rel @p0 .LBB2_1-.Ltmp3, $3  }
0x15b: {  	_ =	sdelay $0x1  }
0x15c: {  	[sflag:s8] =	ssyncset.done $0x0  }
0x15d: {  	[sflag:s8] =	ssyncadd.s32 $0xFFFFD800  }
0x15e: {  	_ =	sfence.sel $0x180000  }
0x15f: {  	[bflag:$0x0] =	sbarrier.arrive $0xFFFF  }
0x160: {  	_ =	strace $0x90000047  }
0x161: {  	s0 =	stileid.u32;
	[bflag:$0x2] =	sbarrier.arrive $0xFFFF  }
0x162: {  	p0 =	sne.s32 s0, $0x0;
	s0 =	rddreg [dreg:$0x2]  }
0x163: {  	s0 =	sadd.s32 @!p0 $0x100000, s0  }
0x164: {  	[sflag:s0] =	ssyncadd.tile.s32 @!p0 $0x1;
	_ =	shalt  }
.Lfunc_end2:
_tile_overlayer_lowered:
.L_overlay_start_2:
0x165: {  	(tag) =	ssettag $0x2  }
0x166: {  	s0 =	rddreg [dreg:$0x0];
	s2 =	stileid.u32  }
0x167: {  	s1 =	rddreg [dreg:$0x1];
	p0 =	sne.s32 s2, $0x0  }
0x168: {  	s3 =	rddreg [dreg:$0x2];
	[bflag:$0x3] =	sbarrier.arrive $0xFFFF;
	s2 =	simm.s32 @!p0 $0x1C07  }
0x169: {  	[timem:s3], [sflag:s2] =	dma.local @!p0 [hbm:s0], s1  }
0x16a: {  	s0 =	simm.s32 @!p0 $0x7  }
0x16b: {  	_ =	swait.ge @!p0 [sflag:s0], s1  }
0x16c: {  	s1 =	ssub.s32 @!p0 $0x0, s1;
	[sflag:s0] =	ssyncset.done @!p0 $0x0  }
0x16d: {  	[sflag:s0] =	ssyncadd.s32 @!p0 s1  }
0x16e: {  	[bflag:$0x3] =	sbarrier.arrive $0xFFFF  }
0x16f: {  	_ =	shalt  }

// kernel: kernel.9.cloned.1.call-start
scs
__scs_entry_jumppad:
0x0: {  	(pc) =	sbr.rel $0x88, $3  }
0x1: {  	(tag) =	ssettag $0x0;
	lr =	simm.s32 $0x1  }
0x2: {  	[smem:$0x3F9B] =	sst lr;
	_ =	strace $0xD0000000  }
0x3: {  	_ = 	snop  }
0x4: {  	_ = 	snop  }
0x5: {  	_ = 	snop  }
0x6: {  	_ = 	snop  }
0x7: {  	_ = 	snop  }
__scs_overlays_trampoline_lowered:
0x8: {  	[smem:$0x3FAA] =	sst s0  }
0x9: {  	[smem:$0x3FAB] =	sst s1  }
0xa: {  	[smem:$0x3FAC] =	sst s2  }
0xb: {  	[smem:$0x3FAD] =	sst s3  }
0xc: {  	[smem:$0x3FAE] =	sst s4  }
0xd: {  	[smem:$0x3FAF] =	sst s5  }
0xe: {  	[smem:$0x3FB0] =	sst s6  }
0xf: {  	[smem:$0x3FB1] =	sst s7  }
0x10: {  	[smem:$0x3FB2] =	sst s8  }
0x11: {  	[smem:$0x3FB3] =	sst s9;
	s0 =	simm.s32 @!p0 $0x0  }
0x12: {  	s1 =	sld [smem:$0x3F99];
	s0 =	simm.s32 @p0 $0x1  }
0x13: {  	[smem:$0x3FB4] =	sst s0;
	s0 =	simm.s32 @!p1 $0x0  }
0x14: {  	s2 =	sld [smem:$0x3F98];
	s0 =	simm.s32 @p1 $0x1  }
0x15: {  	[smem:$0x3FB5] =	sst s0;
	s0 =	simm.s32 @!p2 $0x0  }
0x16: {  	s3 =	sld [smem:$0x3FDB];
	s0 =	simm.s32 @p2 $0x1  }
0x17: {  	s4 =	simm.s32 $0x1BF5;
	[smem:$0x3FB7] =	sst s0  }
0x18: {  	s0 =	sld [smem:$0x3F9A];
	_ =	swait.ge [sflag:s4], $0x0  }
0x19: {  	s7 =	sld [smem:$0x3F9B]  }
0x1a: {  	s8 =	sadd.s32 $0xFFFFE003, lr  }
0x1b: {  	s9 =	sadd.s32 $0xFFFFFEF7, lr;
	s5 =	simm.s32 $0xFFFFFFFF;
	p2 =	slt.u32 s8, $0xFFFFF086  }
0x1c: {  	p1 =	slt.u32 s9, $0xF7A;
	s5 =	simm.s32 @!p2 $0x0  }
0x1d: {  	s5 =	simm.s32 @p1 $0x1;
	p0 =	seq.s32 s7, s2  }
0x1e: {  	s7 =	smul.u32 @!p0 $0xF7A, s2;
	p2 =	seq.s32 @!p0 s5, $0x0  }
0x1f: {  	s9 =	smul.u32 $0xF7A, s1;
	s8 =	simm.s32 @!p0 $0x1BF5;
	p2 =	por !p2, p0  }
0x20: {  	[sflag:s8] =	ssyncset.s32 @!p0 $0xFFFFF086;
	s6 =	sadd.s32 @!p0 s3, s7;
	s7 =	simm.s32 @!p0 $0x108  }
0x21: {  	s3 =	sadd.s32 s3, s9;
	s6 =	sadd.s32 @!p0 $0x88, s6;
	s7 =	simm.s32 @p2 $0x1082  }
0x22: {  	[simem:s7], [sflag:s8] =	dma.local @!p0 [hbm:s6], $0xF7A  }
0x23: {  	s9 =	sor.u32 $0xD0000000, s2;
	s6 =	simm.s32 $0x108;
	_ =	swait.ge @!p0 [sflag:s8], $0x0  }
0x24: {  	s3 =	sadd.s32 $0x88, s3;
	s6 =	simm.s32 @!p1 $0x1082;
	[sflag:s4] =	ssyncset.s32 $0xFFFFF086  }
0x25: {  	[simem:s6], [sflag:s4] =	dma.local [hbm:s3], $0xF7A  }
0x26: {  	[smem:$0x3F9B] =	sst s1;
	(tag) =	ssettag s2;
	_ =	strace s9  }
0x27: {  	s1 =	sld [smem:$0x3FAB]  }
0x28: {  	s2 =	sld [smem:$0x3FAC]  }
0x29: {  	s4 =	sld [smem:$0x3FAE]  }
0x2a: {  	p0 =	seq.s32 s5, $0x0;
	s5 =	sld [smem:$0x3FAF]  }
0x2b: {  	s6 =	sld [smem:$0x3FB0]  }
0x2c: {  	s7 =	sld [smem:$0x3FB1]  }
0x2d: {  	s3 =	simm.s32 $0x108;
	s8 =	sld [smem:$0x3FB2]  }
0x2e: {  	s3 =	simm.s32 @!p0 $0x1082;
	s9 =	sld [smem:$0x3FB3]  }
0x2f: {  	lr =	sadd.s32 s0, s3;
	s0 =	sld [smem:$0x3FAA]  }
0x30: {  	s3 =	sld [smem:$0x3FAD]  }
0x31: {  	[smem:$0x3FB6] =	sst s10  }
0x32: {  	s10 =	sld [smem:$0x3FB4];
	_ =	sdelay $0x3  }
0x33: {  	p0 =	seq.s32 s10, $0x1;
	s10 =	sld [smem:$0x3FB6];
	_ =	sdelay $0x3  }
0x34: {  	[smem:$0x3FB6] =	sst s10  }
0x35: {  	s10 =	sld [smem:$0x3FB5];
	_ =	sdelay $0x3  }
0x36: {  	p1 =	seq.s32 s10, $0x1;
	s10 =	sld [smem:$0x3FB6];
	_ =	sdelay $0x3  }
0x37: {  	[smem:$0x3FB6] =	sst s10  }
0x38: {  	s10 =	sld [smem:$0x3FB7]  }
0x39: {  	_ = 	snop;
	(pc) =	sbr.ind lr, $3  }
0x3a: {  	_ = 	snop  }
0x3b: {  	_ = 	snop  }
0x3c: {  	p2 =	seq.s32 s10, $0x1;
	s10 =	sld [smem:$0x3FB6]  }
0x3d: {  	_ =	shalt  }
0x3e: {  	_ =	shalt  }
0x3f: {  	_ =	shalt  }
0x40: {  	_ =	shalt  }
0x41: {  	_ =	shalt  }
0x42: {  	_ =	shalt  }
0x43: {  	_ =	shalt  }
0x44: {  	_ =	shalt  }
0x45: {  	_ =	shalt  }
0x46: {  	_ =	shalt  }
0x47: {  	_ =	shalt  }
0x48: {  	_ =	shalt  }
0x49: {  	_ =	shalt  }
0x4a: {  	_ =	shalt  }
0x4b: {  	_ =	shalt  }
0x4c: {  	_ =	shalt  }
0x4d: {  	_ =	shalt  }
0x4e: {  	_ =	shalt  }
0x4f: {  	_ =	shalt  }
0x50: {  	_ =	shalt  }
0x51: {  	_ =	shalt  }
0x52: {  	_ =	shalt  }
0x53: {  	_ =	shalt  }
0x54: {  	_ =	shalt  }
0x55: {  	_ =	shalt  }
0x56: {  	_ =	shalt  }
0x57: {  	_ =	shalt  }
0x58: {  	_ =	shalt  }
0x59: {  	_ =	shalt  }
0x5a: {  	_ =	shalt  }
0x5b: {  	_ =	shalt  }
0x5c: {  	_ =	shalt  }
0x5d: {  	_ =	shalt  }
0x5e: {  	_ =	shalt  }
0x5f: {  	_ =	shalt  }
0x60: {  	_ =	shalt  }
0x61: {  	_ =	shalt  }
0x62: {  	_ =	shalt  }
0x63: {  	_ =	shalt  }
0x64: {  	_ =	shalt  }
0x65: {  	_ =	shalt  }
0x66: {  	_ =	shalt  }
0x67: {  	_ =	shalt  }
0x68: {  	_ =	shalt  }
0x69: {  	_ =	shalt  }
0x6a: {  	_ =	shalt  }
0x6b: {  	_ =	shalt  }
0x6c: {  	_ =	shalt  }
0x6d: {  	_ =	shalt  }
0x6e: {  	_ =	shalt  }
0x6f: {  	_ =	shalt  }
0x70: {  	_ =	shalt  }
0x71: {  	_ =	shalt  }
0x72: {  	_ =	shalt  }
0x73: {  	_ =	shalt  }
0x74: {  	_ =	shalt  }
0x75: {  	_ =	shalt  }
0x76: {  	_ =	shalt  }
0x77: {  	_ =	shalt  }
0x78: {  	_ =	shalt  }
0x79: {  	_ =	shalt  }
0x7a: {  	_ =	shalt  }
0x7b: {  	_ =	shalt  }
0x7c: {  	_ =	shalt  }
0x7d: {  	_ =	shalt  }
0x7e: {  	_ =	shalt  }
0x7f: {  	_ =	shalt  }
0x80: {  	_ =	shalt  }
0x81: {  	_ =	shalt  }
0x82: {  	_ =	shalt  }
0x83: {  	_ =	shalt  }
0x84: {  	_ =	shalt  }
0x85: {  	_ =	shalt  }
0x86: {  	_ =	shalt  }
0x87: {  	_ =	shalt  }
.Lfunc_end0:
.L_simem_size_0:
called_computation.1_lowered:
.L_overlay_start_0:
0x88: {  	s2 =	sld [smem:$0x3FD9]  }
0x89: {  	s3 =	sld [smem:$0x3FFE];
	_ =	sdelay $0x1  }
0x8a: {  	s1 =	srdreg.scid  }
0x8b: {  	s0 =	sand.u32 $0x1, s1  }
0x8c: {  	s16 =	sshll.u32 s0, $0xA;
	s2 =	sadd.s32 s3, s2  }
0x8d: {  	s2 =	sadd.s32 s2, s16  }
0x8e: {  	[smem:$0x3FC2] =	sst s2  }
0x8f: {  	_ = 	snop  }
0x90: {  	(tm) =	ssettm $0x1  }
0x91: {  	s17 =	sld [smem:$0x3FFB];
	_ =	sdelay $0x3  }
0x92: {  	_ =	strace s17  }
0x93: {  	s2 =	sld [smem:$0x3FFC];
	_ =	sdelay $0x3  }
0x94: {  	_ =	strace s2  }
0x95: {  	s2 =	sld [smem:$0x3FFD];
	_ =	sdelay $0x3  }
0x96: {  	_ =	strace s2  }
0x97: {  	_ =	strace $0x8FFFFFFF  }
0x98: {  	s18 =	sld [smem:$0x3FDB];
	_ =	sdelay $0x1  }
0x99: {  	s19 =	simm.s32 $_scs_section_size  }
0x9a: {  	s4 =	simm.s32 $_size__tile_overlayer_lowered;
	s5 =	simm.s32 $_tile_overlayer_lowered  }
0x9b: {  	s22 =	simm.s32 $0x1BFF;
	s21 =	sshll.u32 s5, $0x1;
	s2 =	sadd.s32 s19, s18  }
0x9c: {  	s6 =	simm.s32 $0x0;
	s20 =	sshll.u32 s4, $0x1;
	s4 =	sadd.s32 s21, s2  }
0x9d: {  	[timem:s6], [sflag:s22] =	dma.local [hbm:s4], s20  }
0x9e: {  	_ =	swait.ge [sflag:s22], s20  }
0x9f: {  	s3 =	ssub.s32 $0x0, s20;
	[sflag:s22] =	ssyncset.done $0x0  }
0xa0: {  	[sflag:s22] =	ssyncadd.s32 s3;
	_ =	sdelay $0x1  }
0xa1: {  	s23 =	simm.s32 $0x1B8B  }
0xa2: {  	_ =	swait.ge [sflag:s23], $0x1  }
0xa3: {  	[sflag:s23] =	ssyncset.done $0x0  }
0xa4: {  	s25 =	simm.s32 $0x1B8E;
	s24 =	sld [smem:$0x3FFE];
	[sflag:s23] =	ssyncadd.s32 $0xFFFFFFFF  }
0xa5: {  	s26 =	simm.s32 $execute0_lowered;
	[smem:$0x3FD2] =	sst s25  }
0xa6: {  	s4 =	sshll.u32 s26, $0x1;
	_ =	strace $0x80000049;
	[dreg:$0x1] =	wrdreg $0xFFFFFFFF  }
0xa7: {  	s28 =	simm.s32 $_size_execute0_lowered;
	s2 =	sadd.s32 s2, s4;
	[dreg:$0x0] =	wrdreg $0x0  }
0xa8: {  	s4 =	sshll.u32 s28, $0x1;
	[dreg:$0x2] =	wrdreg s2  }
0xa9: {  	[dreg:$0x3] =	wrdreg s4  }
0xaa: {  	[dreg:$0x4] =	wrdreg $0xC0  }
0xab: {  	_ =	task [dreg:s6], $0x5FFFF  }
0xac: {  	[dreg:$0x1] =	wrdreg $0xFFFFFFFF  }
0xad: {  	[dreg:$0x0] =	wrdreg $0x60  }
0xae: {  	[dreg:$0x2] =	wrdreg s24  }
0xaf: {  	[dreg:$0x3] =	wrdreg $0x9  }
0xb0: {  	_ =	task.clear_ibuf [dreg:s6], $0x4FFFF;
	_ =	strace $0x90000049  }
0xb1: {  	s29 =	simm.s32 $0x9;
	_ =	strace $0x8000004B  }
0xb2: {  	_ =	swait.ge [sflag:s29], $0x1  }
0xb3: {  	[sflag:s29] =	ssyncadd.s32 $0xFFFFFFFF  }
0xb4: {  	_ =	strace $0x9000004B  }
0xb5: {  	_ =	sfence  }
0xb6: {  	s30 =	sld [smem:$0x0];
	_ =	sdelay $0x2  }
0xb7: {  	s31 =	sshll.u32 s1, $0xD;
	s1 =	sshrl.u32 s1, $0x2  }
0xb8: {  	s3 =	sand.u32 $0x4000, s31;
	s1 =	sadd.s32 s1, s30  }
0xb9: {  	s0 =	sor.u32 s3, s0;
	s1 =	sshll.u32 s1, $0x11  }
0xba: {  	s0 =	sor.u32 s1, s0  }
0xbb: {  	s0 =	sadd.s32 $0x8F2B, s0  }
0xbc: {  	[sflag:s0] =	ssyncadd.remote.s32 $0x1  }
0xbd: {  	_ =	sfence.sel $0xFFFF  }
0xbe: {  	[dreg:$0x0] =	wrdreg $0xFFFFFFFF;
	(pc) =	sbr.abs _section_cstart, $3  }
0xbf: {  	[dreg:$0x1] =	wrdreg $0xFFFFFFFF  }
0xc0: {  	_ =	task.clear_ibuf [dreg:s6], $0x2FFFF;
	_ =	strace $0x9FFFFFFF  }
0xc1: {  	(tm) =	ssettm $0x7FFFFFFF  }
tec
execute0_lowered:
.L_overlay_start_1:
0x0: {  	(tag) =	ssettag $0x1  }
0x1: {  	s0 =	srdreg.scid;
	s1 =	simm.s32 $0x32;
	s3 =	stileid.u32  }
0x2: {  	s8 =	rddreg [dreg:$0x0];
	s5 =	simm.s32 $0x0;
	s0 =	sand.u32 $0x1, s0  }
0x3: {  	s29 =	simm.s32 $0x7C00;
	s30 =	simm.s32 $0x200;
	p0 =	seq.s32 s0, $0x0  }
0x4: {  	s31 =	simm.s32 $0x280;
	s20 =	simm.s32 $0x2;
	s1 =	simm.s32 @!p0 $0xE  }
0x5: {  	s9 =	simm.s32 $0xA400;
	s2 =	ssub.s32 $0x0, s0;
	s3 =	smul.u32 s3, s1  }
0x6: {  	s10 =	simm.s32 $0xF400;
	s11 =	simm.s32 $0x3;
	s2 =	sand.u32 $0x320, s2  }
0x7: {  	s12 =	simm.s32 $0x1000;
	s0 =	ssub.s32 $0x2, s0;
	s4 =	sadd.s32 s2, s3  }
0x8: {  	s13 =	simm.s32 $0x5;
	s21 =	sshrl.u32 s0, $0x1;
	s2 =	smul.u32 $0xA0, s4  }
0x9: {  	s14 =	simm.s32 $0x4;
	[smem:$0x7FF] =	sst s5;
	s0 =	ssub.s32 s0, s21  }
0xa: {  	s6 =	sadd.s32 $0x1600, s8;
	s0 =	smax.u32 s0, $0x1;
	s2 =	sshrl.u32 s2, $0x3  }
0xb: {  	_ =	strace $0x8000004A;
	[dreg:$0xa] =	wrdreg s0;
	s2 =	sadd.s32 s6, s2  }
0xc: {  	s15 =	simm.s32 $0x0;
	s22 =	sadd.s32 $0x53E8, s2;
	[dreg:$0x2] =	wrdreg s2  }
0xd: {  	s5 =	sadd.s32 $0xA16600, s8;
	s23 =	sadd.s32 $0xA7D0, s2;
	[dreg:$0x3] =	wrdreg s22  }
0xe: {  	s7 =	sadd.s32 $0x16600, s8;
	s24 =	sadd.s32 $0xFBB8, s2;
	[dreg:$0x4] =	wrdreg s23  }
0xf: {  	s16 =	sadd.s32 $0x16680, s8;
	s25 =	sadd.s32 $0xA, s2;
	[dreg:$0x5] =	wrdreg s24  }
0x10: {  	s17 =	sadd.s32 $0x16700, s8;
	s26 =	sadd.s32 $0x53F2, s2;
	[dreg:$0x6] =	wrdreg s25  }
0x11: {  	s18 =	sadd.s32 $0x16780, s8;
	s28 =	sadd.s32 $0xA7DA, s2;
	[dreg:$0x7] =	wrdreg s26  }
0x12: {  	s21 =	simm.s32 $0xCC00;
	s2 =	sadd.s32 $0xFBC2, s2;
	[dreg:$0x8] =	wrdreg s28  }
0x13: {  	s0 =	simm.s32 $0x380;
	[dreg:$0x9] =	wrdreg s2;
	s24 =	simm.s32 $0x50  }
0x14: {  	s25 =	simm.s32 $0x400;
	s2 =	simm.s32 $0x300;
	s22 =	simm.s32 $0x11C00  }
.LBB2_1:
0x15: {  	[dreg:$0xb] =	wrdreg s15  }
0x16: {  	s3 =	simm.s32 $0x0;
	s8 =	rddreg [dreg:$0x2]  }
0x17: {  	[tilespmem:s3], [sflag:$0x1] =	stream.linear.gather [hbm4b:s8+s3], $0x50, $0x38;
	[tilespmem:$0x14400] =	vst v63  }
0x18: {  	s23 =	rddreg [dreg:$0x3];
	s15 =	simm.s32 $0x80  }
0x19: {  	[tilespmem:s15], [sflag:$0x1] =	stream.linear.gather [hbm4b:s23+s3], $0x50, $0x38;
	[tilespmem:$0x14400] =	vst v63  }
0x1a: {  	s26 =	rddreg [dreg:$0x4];
	s19 =	simm.s32 $0x100  }
0x1b: {  	[tilespmem:s19], [sflag:$0x1] =	stream.linear.gather [hbm4b:s26+s3], $0x50, $0x38;
	[tilespmem:$0x14400] =	vst v63  }
0x1c: {  	s28 =	rddreg [dreg:$0x5];
	s23 =	simm.s32 $0x180;
	s26 =	simm.s32 $0x1  }
0x1d: {  	[tilespmem:s23], [sflag:$0x1] =	stream.linear.gather [hbm4b:s28+s3], $0x50, $0x38;
	[tilespmem:$0x14400] =	vst v63  }
0x1e: {  	_ =	swait.ge [sflag:s26], $0x50  }
0x1f: {  	[sflag:s26] =	ssyncset.done $0x0  }
0x20: {  	[sflag:s26] =	ssyncadd.s32 $0xFFFFFFB0  }
0x21: {  	_ =	swait.ge [sflag:s26], $0x50  }
0x22: {  	[sflag:s26] =	ssyncset.done $0x0  }
0x23: {  	[sflag:s26] =	ssyncadd.s32 $0xFFFFFFB0  }
0x24: {  	_ =	swait.ge [sflag:s26], $0x50  }
0x25: {  	[sflag:s26] =	ssyncset.done $0x0  }
0x26: {  	[sflag:s26] =	ssyncadd.s32 $0xFFFFFFB0  }
0x27: {  	_ =	swait.ge [sflag:s26], $0x50  }
0x28: {  	[sflag:s26] =	ssyncset.done $0x0  }
0x29: {  	[sflag:s26] =	ssyncadd.s32 $0xFFFFFFB0  }
0x2a: {  	[tilespmem:s25], [sflag:$0x3] =	stream.indirect.gather [hbm4b:s5+s24], $0x80, s3, s24, $0xb8;
	[tilespmem:$0x14400] =	vst v63  }
0x2b: {  	s28 =	simm.s32 $0x2C00  }
0x2c: {  	[tilespmem:s28], [sflag:$0x3] =	stream.indirect.gather [hbm4b:s5+s24], $0x80, s15, s24, $0xb8;
	[tilespmem:$0x14400] =	vst v63  }
0x2d: {  	s15 =	simm.s32 $0x5400  }
0x2e: {  	[tilespmem:s15], [sflag:$0x3] =	stream.indirect.gather [hbm4b:s5+s24], $0x80, s19, s24, $0xb8;
	[tilespmem:$0x14400] =	vst v63  }
0x2f: {  	_ = 	snop  }
0x30: {  	[tilespmem:s29], [sflag:$0x3] =	stream.indirect.gather [hbm4b:s5+s24], $0x80, s23, s24, $0xb8;
	[tilespmem:$0x14400] =	vst v63  }
0x31: {  	s19 =	rddreg [dreg:$0x6]  }
0x32: {  	[tilespmem:s30], [sflag:$0x2] =	stream.linear.gather [hbm4b:s19+s3], $0x50, $0x38;
	[tilespmem:$0x14400] =	vst v63  }
0x33: {  	s23 =	rddreg [dreg:$0x7]  }
0x34: {  	[tilespmem:s31], [sflag:$0x2] =	stream.linear.gather [hbm4b:s23+s3], $0x50, $0x38;
	[tilespmem:$0x14400] =	vst v63  }
0x35: {  	s26 =	rddreg [dreg:$0x8]  }
0x36: {  	[tilespmem:s2], [sflag:$0x2] =	stream.linear.gather [hbm4b:s26+s3], $0x50, $0x38;
	[tilespmem:$0x14400] =	vst v63  }
0x37: {  	s8 =	simm.s32 $0x0;
	s28 =	rddreg [dreg:$0x9]  }
0x38: {  	[tilespmem:s0], [sflag:$0x2] =	stream.linear.gather [hbm4b:s28+s3], $0x50, $0x38;
	[tilespmem:$0x14400] =	vst v63  }
.LBB2_2:
0x39: {  	p0 =	seq.s32 s8, $0x0  }
0x3a: {  	s3 =	simm.s32 @!p0 $0x6  }
0x3b: {  	_ =	swait.ge @!p0 [sflag:s3], $0x2800  }
0x3c: {  	[sflag:s3] =	ssyncset.done @!p0 $0x0  }
0x3d: {  	[sflag:s3] =	ssyncadd.s32 @!p0 $0xFFFFD800  }
0x3e: {  	_ =	swait.ge @!p0 [sflag:s3], $0x2800  }
0x3f: {  	[sflag:s3] =	ssyncset.done @!p0 $0x0  }
0x40: {  	[sflag:s3] =	ssyncadd.s32 @!p0 $0xFFFFD800  }
0x41: {  	_ =	swait.ge @!p0 [sflag:s3], $0x2800  }
0x42: {  	[sflag:s3] =	ssyncset.done @!p0 $0x0  }
0x43: {  	[sflag:s3] =	ssyncadd.s32 @!p0 $0xFFFFD800  }
0x44: {  	_ =	swait.ge @!p0 [sflag:s3], $0x2800  }
0x45: {  	[sflag:s3] =	ssyncset.done @!p0 $0x0  }
0x46: {  	[sflag:s3] =	ssyncadd.s32 @!p0 $0xFFFFD800  }
0x47: {  	_ =	swait.ge [sflag:s20], $0x50  }
0x48: {  	[sflag:s20] =	ssyncset.done $0x0  }
0x49: {  	[sflag:s20] =	ssyncadd.s32 $0xFFFFFFB0  }
0x4a: {  	_ =	swait.ge [sflag:s20], $0x50  }
0x4b: {  	[sflag:s20] =	ssyncset.done $0x0  }
0x4c: {  	[sflag:s20] =	ssyncadd.s32 $0xFFFFFFB0  }
0x4d: {  	_ =	swait.ge [sflag:s20], $0x50  }
0x4e: {  	[sflag:s20] =	ssyncset.done $0x0  }
0x4f: {  	[sflag:s20] =	ssyncadd.s32 $0xFFFFFFB0  }
0x50: {  	_ =	swait.ge [sflag:s20], $0x50  }
0x51: {  	[sflag:s20] =	ssyncset.done $0x0  }
0x52: {  	[sflag:s20] =	ssyncadd.s32 $0xFFFFFFB0  }
0x53: {  	[tilespmem:s9], [sflag:$0x4] =	stream.indirect.gather [hbm4b:s5+s24], $0x80, s30, s24, $0xb8;
	[tilespmem:$0x14400] =	vst v63  }
0x54: {  	_ = 	snop  }
0x55: {  	[tilespmem:s21], [sflag:$0x4] =	stream.indirect.gather [hbm4b:s5+s24], $0x80, s31, s24, $0xb8;
	[tilespmem:$0x14400] =	vst v63  }
0x56: {  	_ = 	snop  }
0x57: {  	[tilespmem:s10], [sflag:$0x4] =	stream.indirect.gather [hbm4b:s5+s24], $0x80, s2, s24, $0xb8;
	[tilespmem:$0x14400] =	vst v63  }
0x58: {  	_ = 	snop  }
0x59: {  	[tilespmem:s22], [sflag:$0x4] =	stream.indirect.gather [hbm4b:s5+s24], $0x80, s0, s24, $0xb8;
	[tilespmem:$0x14400] =	vst v63  }
0x5a: {  	_ =	swait.ge [sflag:s11], $0x2800  }
0x5b: {  	[sflag:s11] =	ssyncset.done $0x0  }
0x5c: {  	[sflag:s11] =	ssyncadd.s32 $0xFFFFD800  }
0x5d: {  	_ =	swait.ge [sflag:s11], $0x2800  }
0x5e: {  	[sflag:s11] =	ssyncset.done $0x0  }
0x5f: {  	s23 =	sadd.s32 s4, s8;
	s8 =	sadd.s32 $0x1, s8;
	[sflag:s11] =	ssyncadd.s32 $0xFFFFD800  }
0x60: {  	p0 =	sge.u32 s8, s1;
	_ =	swait.ge [sflag:s11], $0x2800  }
0x61: {  	s3 =	smul.u32 @!p0 $0xA0, s23;
	[sflag:s11] =	ssyncset.done $0x0  }
0x62: {  	[sflag:s11] =	ssyncadd.s32 $0xFFFFD800  }
0x63: {  	s3 =	sshrl.u32 @!p0 s3, $0x3;
	_ =	swait.ge [sflag:s11], $0x2800  }
0x64: {  	s3 =	sadd.s32 @!p0 s6, s3;
	[sflag:s11] =	ssyncset.done $0x0  }
0x65: {  	s19 =	simm.s32 @!p0 $0x0;
	s15 =	sadd.s32 @!p0 $0x14, s3;
	[sflag:s11] =	ssyncadd.s32 $0xFFFFD800  }
0x66: {  	[tilespmem:s19], [sflag:$0x1] =	stream.linear.gather @!p0 [hbm4b:s15+s19], $0x50, $0x38;
	[tilespmem:$0x14400] =	vst v63  }
0x67: {  	s26 =	simm.s32 @!p0 $0x80;
	s15 =	sadd.s32 @!p0 $0x53FC, s3  }
0x68: {  	[tilespmem:s26], [sflag:$0x1] =	stream.linear.gather @!p0 [hbm4b:s15+s19], $0x50, $0x38;
	[tilespmem:$0x14400] =	vst v63  }
0x69: {  	s15 =	sadd.s32 @!p0 $0xA7E4, s3;
	s26 =	simm.s32 @!p0 $0x100  }
0x6a: {  	[tilespmem:s26], [sflag:$0x1] =	stream.linear.gather @!p0 [hbm4b:s15+s19], $0x50, $0x38;
	[tilespmem:$0x14400] =	vst v63  }
0x6b: {  	s15 =	sadd.s32 @!p0 $0xFBCC, s3;
	s26 =	simm.s32 @!p0 $0x180  }
0x6c: {  	[tilespmem:s26], [sflag:$0x1] =	stream.linear.gather @!p0 [hbm4b:s15+s19], $0x50, $0x38;
	[tilespmem:$0x14400] =	vst v63  }
0x6d: {  	s15 =	simm.s32 $0x0  }
0x6e: {  	v0 =	vld [tilespmem:s15+$0x400]  }
0x6f: {  	v1 =	vld [tilespmem:s15+$0x5400];
	_ =	sdelay $0x1  }
0x70: {  	v2 =	vld [tilespmem:s15+$0x2C00]  }
0x71: {  	v3 =	vld [tilespmem:s15+$0x7C00];
	_ =	sdelay $0x1  }
0x72: {  	v4 =	vld [tilespmem:s15+$0x410];
	v6 =	vadd.f32 v1, v0;
	v0 =	vsub.f32 v0, v1  }
0x73: {  	v5 =	vld [tilespmem:s15+$0x5410]  }
0x74: {  	v0 =	vand.u32 $0x7FFFFFFF, v0  }
0x75: {  	v7 =	vld [tilespmem:s15+$0x2C10];
	[tilespmem:s15+$0x5400] =	vst v0;
	v0 =	vadd.f32 v3, v2;
	v2 =	vsub.f32 v2, v3  }
0x76: {  	v1 =	vld [tilespmem:s15+$0x7C10];
	[tilespmem:s15+$0x400] =	vst v6  }
0x77: {  	[tilespmem:s15+$0x2C00] =	vst v0;
	v0 =	vand.u32 $0x7FFFFFFF, v2  }
0x78: {  	v6 =	vld [tilespmem:s15+$0x420];
	[tilespmem:s15+$0x7C00] =	vst v0;
	v0 =	vadd.f32 v5, v4;
	v4 =	vsub.f32 v4, v5  }
0x79: {  	v3 =	vld [tilespmem:s15+$0x5420]  }
0x7a: {  	[tilespmem:s15+$0x410] =	vst v0;
	v0 =	vand.u32 $0x7FFFFFFF, v4  }
0x7b: {  	v2 =	vld [tilespmem:s15+$0x2C20];
	[tilespmem:s15+$0x5410] =	vst v0;
	v0 =	vadd.f32 v1, v7;
	v1 =	vsub.f32 v7, v1  }
0x7c: {  	v5 =	vld [tilespmem:s15+$0x7C20]  }
0x7d: {  	[tilespmem:s15+$0x2C10] =	vst v0;
	v0 =	vand.u32 $0x7FFFFFFF, v1  }
0x7e: {  	v4 =	vld [tilespmem:s15+$0x430];
	[tilespmem:s15+$0x7C10] =	vst v0;
	v0 =	vadd.f32 v3, v6;
	v3 =	vsub.f32 v6, v3  }
0x7f: {  	v7 =	vld [tilespmem:s15+$0x5430]  }
0x80: {  	[tilespmem:s15+$0x420] =	vst v0;
	v0 =	vand.u32 $0x7FFFFFFF, v3  }
0x81: {  	v1 =	vld [tilespmem:s15+$0x2C30];
	[tilespmem:s15+$0x5420] =	vst v0;
	v0 =	vadd.f32 v5, v2;
	v2 =	vsub.f32 v2, v5  }
0x82: {  	v6 =	vld [tilespmem:s15+$0x7C30]  }
0x83: {  	[tilespmem:s15+$0x2C20] =	vst v0;
	v0 =	vand.u32 $0x7FFFFFFF, v2  }
0x84: {  	v3 =	vld [tilespmem:s15+$0x440];
	[tilespmem:s15+$0x7C20] =	vst v0;
	v0 =	vadd.f32 v7, v4;
	v4 =	vsub.f32 v4, v7  }
0x85: {  	v5 =	vld [tilespmem:s15+$0x5440]  }
0x86: {  	v2 =	vld [tilespmem:s15+$0x2C40];
	[tilespmem:s15+$0x430] =	vst v0;
	v0 =	vand.u32 $0x7FFFFFFF, v4  }
0x87: {  	v7 =	vld [tilespmem:s15+$0x7C40];
	[tilespmem:s15+$0x5430] =	vst v0;
	v0 =	vadd.f32 v6, v1;
	v1 =	vsub.f32 v1, v6;
	_ =	sdelay $0x1  }
0x88: {  	v4 =	vld [tilespmem:s15+$0x450];
	[tilespmem:s15+$0x2C30] =	vst v0;
	v0 =	vand.u32 $0x7FFFFFFF, v1  }
0x89: {  	v6 =	vld [tilespmem:s15+$0x5450];
	v1 =	vsub.f32 v3, v5;
	[tilespmem:s15+$0x7C30] =	vst v0;
	v0 =	vadd.f32 v5, v3  }
0x8a: {  	v8 =	vld [tilespmem:s15+$0x2C50]  }
0x8b: {  	v5 =	vld [tilespmem:s15+$0x7C50];
	[tilespmem:s15+$0x440] =	vst v0;
	v0 =	vand.u32 $0x7FFFFFFF, v1;
	v1 =	vsub.f32 v2, v7  }
0x8c: {  	v9 =	vld [tilespmem:s15+$0x460]  }
0x8d: {  	[tilespmem:s15+$0x5440] =	vst v0;
	v0 =	vadd.f32 v7, v2;
	v2 =	vld [tilespmem:s15+$0x5460];
	v1 =	vand.u32 $0x7FFFFFFF, v1  }
0x8e: {  	v3 =	vld [tilespmem:s15+$0x7C60];
	[tilespmem:s15+$0x7C40] =	vst v1;
	v1 =	vadd.f32 v6, v4;
	v4 =	vsub.f32 v4, v6  }
0x8f: {  	[tilespmem:s15+$0x2C40] =	vst v0;
	v0 =	vld [tilespmem:s15+$0x2C60]  }
0x90: {  	v6 =	vadd.f32 v5, v8;
	v5 =	vsub.f32 v8, v5;
	[tilespmem:s15+$0x450] =	vst v1;
	v4 =	vand.u32 $0x7FFFFFFF, v4;
	v1 =	vld [tilespmem:s15+$0x470]  }
0x91: {  	[tilespmem:s15+$0x5450] =	vst v4;
	v4 =	vld [tilespmem:s15+$0x5470]  }
0x92: {  	s19 =	simm.s32 $0x200;
	[tilespmem:s15+$0x2C50] =	vst v6;
	v7 =	vand.u32 $0x7FFFFFFF, v5;
	v6 =	vadd.f32 v2, v9;
	v5 =	vsub.f32 v9, v2;
	v2 =	vld [tilespmem:s15+$0x2C70]  }
.LBB2_3:
0x93: {  	s26 =	sshra.s32 s19, $0x2;
	p1 =	sne.s32 s19, $0x9E00;
	[tilespmem:s15+$0x7C50] =	vst v7;
	v7 =	vld [tilespmem:s15+$0x7C70]  }
0x94: {  	v8 =	vld [tilespmem:s26+$0x400];
	[tilespmem:s15+$0x460] =	vst v6;
	v6 =	vadd.f32 v3, v0;
	v5 =	vand.u32 $0x7FFFFFFF, v5;
	v0 =	vsub.f32 v0, v3  }
0x95: {  	v3 =	vld [tilespmem:s26+$0x5400];
	[tilespmem:s15+$0x5460] =	vst v5  }
0x96: {  	v5 =	vld [tilespmem:s26+$0x2C00];
	[tilespmem:s15+$0x2C60] =	vst v6;
	v0 =	vand.u32 $0x7FFFFFFF, v0;
	v6 =	vadd.f32 v4, v1;
	v1 =	vsub.f32 v1, v4  }
0x97: {  	v4 =	vld [tilespmem:s26+$0x7C00];
	[tilespmem:s15+$0x7C60] =	vst v0  }
0x98: {  	v0 =	vld [tilespmem:s26+$0x410];
	[tilespmem:s15+$0x470] =	vst v6;
	v6 =	vadd.f32 v7, v2;
	v1 =	vand.u32 $0x7FFFFFFF, v1;
	v2 =	vsub.f32 v2, v7  }
0x99: {  	v7 =	vld [tilespmem:s26+$0x5410];
	[tilespmem:s15+$0x5470] =	vst v1  }
0x9a: {  	v1 =	vadd.f32 v3, v8;
	v3 =	vsub.f32 v8, v3;
	v8 =	vld [tilespmem:s26+$0x2C10];
	[tilespmem:s15+$0x2C70] =	vst v6;
	v2 =	vand.u32 $0x7FFFFFFF, v2  }
0x9b: {  	v6 =	vld [tilespmem:s26+$0x7C10];
	[tilespmem:s15+$0x7C70] =	vst v2;
	s15 =	smov.u32 s26  }
0x9c: {  	[tilespmem:s15+$0x400] =	vst v1;
	v1 =	vadd.f32 v4, v5;
	v2 =	vand.u32 $0x7FFFFFFF, v3;
	v3 =	vsub.f32 v5, v4;
	v4 =	vld [tilespmem:s15+$0x420]  }
0x9d: {  	[tilespmem:s15+$0x5400] =	vst v2;
	v2 =	vld [tilespmem:s15+$0x5420]  }
0x9e: {  	[tilespmem:s15+$0x2C00] =	vst v1;
	v1 =	vand.u32 $0x7FFFFFFF, v3;
	v3 =	vadd.f32 v7, v0;
	v0 =	vsub.f32 v0, v7;
	v5 =	vld [tilespmem:s15+$0x2C20]  }
0x9f: {  	[tilespmem:s15+$0x7C00] =	vst v1;
	v1 =	vld [tilespmem:s15+$0x7C20]  }
0xa0: {  	[tilespmem:s15+$0x410] =	vst v3;
	v3 =	vadd.f32 v6, v8;
	v0 =	vand.u32 $0x7FFFFFFF, v0;
	v6 =	vsub.f32 v8, v6;
	v7 =	vld [tilespmem:s15+$0x430]  }
0xa1: {  	[tilespmem:s15+$0x5410] =	vst v0;
	v0 =	vld [tilespmem:s15+$0x5430]  }
0xa2: {  	[tilespmem:s15+$0x2C10] =	vst v3;
	v3 =	vand.u32 $0x7FFFFFFF, v6;
	v6 =	vadd.f32 v2, v4;
	v2 =	vsub.f32 v4, v2;
	v4 =	vld [tilespmem:s15+$0x2C30]  }
0xa3: {  	[tilespmem:s15+$0x7C10] =	vst v3;
	v3 =	vld [tilespmem:s15+$0x7C30]  }
0xa4: {  	[tilespmem:s15+$0x420] =	vst v6;
	v6 =	vadd.f32 v1, v5;
	v2 =	vand.u32 $0x7FFFFFFF, v2;
	v1 =	vsub.f32 v5, v1;
	v5 =	vld [tilespmem:s15+$0x440]  }
0xa5: {  	[tilespmem:s15+$0x5420] =	vst v2;
	v2 =	vld [tilespmem:s15+$0x5440]  }
0xa6: {  	[tilespmem:s15+$0x2C20] =	vst v6;
	v1 =	vand.u32 $0x7FFFFFFF, v1;
	v6 =	vadd.f32 v0, v7;
	v0 =	vsub.f32 v7, v0;
	v7 =	vld [tilespmem:s15+$0x2C40]  }
0xa7: {  	[tilespmem:s15+$0x7C20] =	vst v1;
	v1 =	vld [tilespmem:s15+$0x7C40]  }
0xa8: {  	[tilespmem:s15+$0x430] =	vst v6;
	v6 =	vadd.f32 v3, v4;
	v0 =	vand.u32 $0x7FFFFFFF, v0;
	v3 =	vsub.f32 v4, v3;
	v4 =	vld [tilespmem:s15+$0x450]  }
0xa9: {  	[tilespmem:s15+$0x5430] =	vst v0;
	v0 =	vld [tilespmem:s15+$0x5450]  }
0xaa: {  	[tilespmem:s15+$0x2C30] =	vst v6;
	v3 =	vand.u32 $0x7FFFFFFF, v3;
	v6 =	vadd.f32 v2, v5;
	v2 =	vsub.f32 v5, v2;
	v5 =	vld [tilespmem:s15+$0x2C50]  }
0xab: {  	[tilespmem:s15+$0x7C30] =	vst v3;
	v8 =	vld [tilespmem:s15+$0x7C50]  }
0xac: {  	[tilespmem:s15+$0x440] =	vst v6;
	v3 =	vadd.f32 v1, v7;
	v2 =	vand.u32 $0x7FFFFFFF, v2;
	v1 =	vsub.f32 v7, v1;
	v9 =	vld [tilespmem:s15+$0x460]  }
0xad: {  	[tilespmem:s15+$0x5440] =	vst v2;
	v2 =	vld [tilespmem:s15+$0x5460]  }
.Ltmp0:
0xae: {  	[tilespmem:s15+$0x2C40] =	vst v3;
	v1 =	vand.u32 $0x7FFFFFFF, v1;
	v6 =	vadd.f32 v0, v4;
	v4 =	vsub.f32 v4, v0;
	v0 =	vld [tilespmem:s15+$0x2C60];
	(pc) =	sbr.rel @p1 .LBB2_3-.Ltmp0, $4  }
0xaf: {  	[tilespmem:s15+$0x7C40] =	vst v1;
	v3 =	vld [tilespmem:s15+$0x7C60]  }
0xb0: {  	[tilespmem:s15+$0x450] =	vst v6;
	v6 =	vadd.f32 v8, v5;
	v4 =	vand.u32 $0x7FFFFFFF, v4;
	v5 =	vsub.f32 v5, v8;
	v1 =	vld [tilespmem:s15+$0x470]  }
0xb1: {  	[tilespmem:s15+$0x5450] =	vst v4;
	v4 =	vld [tilespmem:s15+$0x5470]  }
0xb2: {  	s19 =	sadd.s32 $0x200, s19;
	[tilespmem:s15+$0x2C50] =	vst v6;
	v7 =	vand.u32 $0x7FFFFFFF, v5;
	v6 =	vadd.f32 v2, v9;
	v5 =	vsub.f32 v9, v2;
	v2 =	vld [tilespmem:s15+$0x2C70]  }
0xb3: {  	[tilespmem:s15+$0x7C50] =	vst v7;
	v7 =	vld [tilespmem:s15+$0x7C70]  }
0xb4: {  	[tilespmem:s15+$0x460] =	vst v6;
	v6 =	vadd.f32 v3, v0;
	v5 =	vand.u32 $0x7FFFFFFF, v5;
	v0 =	vsub.f32 v0, v3  }
0xb5: {  	[tilespmem:s15+$0x5460] =	vst v5  }
0xb6: {  	[tilespmem:s15+$0x2C60] =	vst v6;
	v0 =	vand.u32 $0x7FFFFFFF, v0;
	v3 =	vadd.f32 v4, v1;
	v1 =	vsub.f32 v1, v4  }
0xb7: {  	[tilespmem:s15+$0x7C60] =	vst v0  }
0xb8: {  	s19 =	smul.u32 $0x14000, s23;
	[tilespmem:s15+$0x470] =	vst v3;
	v0 =	vadd.f32 v7, v2;
	v1 =	vand.u32 $0x7FFFFFFF, v1;
	v2 =	vsub.f32 v2, v7  }
0xb9: {  	[tilespmem:s15+$0x5470] =	vst v1  }
0xba: {  	s19 =	sshrl.u32 s19, $0x3;
	[tilespmem:s15+$0x2C70] =	vst v0;
	v0 =	vand.u32 $0x7FFFFFFF, v2  }
0xbb: {  	s23 =	sadd.s32 s7, s19;
	[tilespmem:s15+$0x7C70] =	vst v0  }
0xbc: {  	[hbm4b:s23+s25] =	stream.strided.scatter [tilespmem:s25], [sflag:$0x5], $0x2800, s12, s25, $0x38;
	[tilespmem:$0x14400] =	vst v63  }
0xbd: {  	s26 =	simm.s32 $0x2C00;
	s28 =	sadd.s32 s19, s16  }
0xbe: {  	[hbm4b:s28+s25] =	stream.strided.scatter [tilespmem:s26], [sflag:$0x5], $0x2800, s12, s25, $0x38;
	[tilespmem:$0x14400] =	vst v63  }
0xbf: {  	s26 =	sadd.s32 s19, s17;
	s28 =	simm.s32 $0x5400  }
0xc0: {  	[hbm4b:s26+s25] =	stream.strided.scatter [tilespmem:s28], [sflag:$0x5], $0x2800, s12, s25, $0x38;
	[tilespmem:$0x14400] =	vst v63  }
0xc1: {  	s28 =	sadd.s32 s19, s18  }
0xc2: {  	[hbm4b:s28+s25] =	stream.strided.scatter [tilespmem:s29], [sflag:$0x5], $0x2800, s12, s25, $0x38;
	[tilespmem:$0x14400] =	vst v63  }
0xc3: {  	_ =	swait.ge [sflag:s13], $0x2800  }
0xc4: {  	[sflag:s13] =	ssyncset.done $0x0  }
0xc5: {  	[sflag:s13] =	ssyncadd.s32 $0xFFFFD800  }
0xc6: {  	_ =	swait.ge [sflag:s13], $0x2800  }
0xc7: {  	[sflag:s13] =	ssyncset.done $0x0  }
0xc8: {  	[sflag:s13] =	ssyncadd.s32 $0xFFFFD800  }
0xc9: {  	_ =	swait.ge [sflag:s13], $0x2800  }
0xca: {  	[sflag:s13] =	ssyncset.done $0x0  }
0xcb: {  	[sflag:s13] =	ssyncadd.s32 $0xFFFFD800  }
0xcc: {  	_ =	swait.ge [sflag:s13], $0x2800  }
0xcd: {  	[sflag:s13] =	ssyncset.done $0x0  }
0xce: {  	s15 =	simm.s32 @!p0 $0x1;
	[sflag:s13] =	ssyncadd.s32 $0xFFFFD800  }
0xcf: {  	_ =	swait.ge @!p0 [sflag:s15], $0x50  }
0xd0: {  	[sflag:s15] =	ssyncset.done @!p0 $0x0  }
0xd1: {  	[sflag:s15] =	ssyncadd.s32 @!p0 $0xFFFFFFB0  }
0xd2: {  	_ =	swait.ge @!p0 [sflag:s15], $0x50  }
0xd3: {  	[sflag:s15] =	ssyncset.done @!p0 $0x0  }
0xd4: {  	[sflag:s15] =	ssyncadd.s32 @!p0 $0xFFFFFFB0  }
0xd5: {  	_ =	swait.ge @!p0 [sflag:s15], $0x50  }
0xd6: {  	[sflag:s15] =	ssyncset.done @!p0 $0x0  }
0xd7: {  	[sflag:s15] =	ssyncadd.s32 @!p0 $0xFFFFFFB0  }
0xd8: {  	_ =	swait.ge @!p0 [sflag:s15], $0x50  }
0xd9: {  	s19 =	simm.s32 @!p0 $0x0;
	[sflag:s15] =	ssyncset.done @!p0 $0x0  }
0xda: {  	s26 =	simm.s32 @!p0 $0x400;
	[sflag:s15] =	ssyncadd.s32 @!p0 $0xFFFFFFB0;
	s15 =	simm.s32 @!p0 $0x50  }
0xdb: {  	[tilespmem:s26], [sflag:$0x3] =	stream.indirect.gather @!p0 [hbm4b:s5+s15], $0x80, s19, s15, $0xb8;
	[tilespmem:$0x14400] =	vst v63  }
0xdc: {  	s28 =	simm.s32 @!p0 $0x2C00;
	s26 =	simm.s32 @!p0 $0x80  }
0xdd: {  	[tilespmem:s28], [sflag:$0x3] =	stream.indirect.gather @!p0 [hbm4b:s5+s15], $0x80, s26, s15, $0xb8;
	[tilespmem:$0x14400] =	vst v63  }
0xde: {  	s26 =	simm.s32 @!p0 $0x100;
	s28 =	simm.s32 @!p0 $0x5400  }
0xdf: {  	[tilespmem:s28], [sflag:$0x3] =	stream.indirect.gather @!p0 [hbm4b:s5+s15], $0x80, s26, s15, $0xb8;
	[tilespmem:$0x14400] =	vst v63  }
0xe0: {  	s26 =	simm.s32 @!p0 $0x180;
	s28 =	simm.s32 @!p0 $0x7C00  }
0xe1: {  	[tilespmem:s28], [sflag:$0x3] =	stream.indirect.gather @!p0 [hbm4b:s5+s15], $0x80, s26, s15, $0xb8;
	[tilespmem:$0x14400] =	vst v63  }
0xe2: {  	_ =	swait.ge [sflag:s14], $0x2800  }
0xe3: {  	[sflag:s14] =	ssyncset.done $0x0  }
0xe4: {  	[sflag:s14] =	ssyncadd.s32 $0xFFFFD800  }
0xe5: {  	_ =	swait.ge [sflag:s14], $0x2800  }
0xe6: {  	[sflag:s14] =	ssyncset.done $0x0  }
0xe7: {  	[sflag:s14] =	ssyncadd.s32 $0xFFFFD800  }
0xe8: {  	_ =	swait.ge [sflag:s14], $0x2800  }
0xe9: {  	[sflag:s14] =	ssyncset.done $0x0  }
0xea: {  	[sflag:s14] =	ssyncadd.s32 $0xFFFFD800  }
0xeb: {  	_ =	swait.ge [sflag:s14], $0x2800  }
0xec: {  	[sflag:s14] =	ssyncset.done $0x0  }
0xed: {  	s15 =	sadd.s32 @!p0 $0x1E, s3;
	s26 =	simm.s32 @!p0 $0x200;
	[sflag:s14] =	ssyncadd.s32 $0xFFFFD800  }
0xee: {  	[tilespmem:s26], [sflag:$0x2] =	stream.linear.gather @!p0 [hbm4b:s15+s19], $0x50, $0x38;
	[tilespmem:$0x14400] =	vst v63  }
0xef: {  	s15 =	sadd.s32 @!p0 $0x5406, s3;
	s26 =	simm.s32 @!p0 $0x280  }
0xf0: {  	[tilespmem:s26], [sflag:$0x2] =	stream.linear.gather @!p0 [hbm4b:s15+s19], $0x50, $0x38;
	[tilespmem:$0x14400] =	vst v63  }
0xf1: {  	s15 =	sadd.s32 @!p0 $0xA7EE, s3;
	s26 =	simm.s32 @!p0 $0x300  }
0xf2: {  	[tilespmem:s26], [sflag:$0x2] =	stream.linear.gather @!p0 [hbm4b:s15+s19], $0x50, $0x38;
	[tilespmem:$0x14400] =	vst v63  }
0xf3: {  	s3 =	sadd.s32 @!p0 $0xFBD6, s3;
	s15 =	simm.s32 @!p0 $0x380  }
0xf4: {  	[tilespmem:s15], [sflag:$0x2] =	stream.linear.gather @!p0 [hbm4b:s3+s19], $0x50, $0x38;
	[tilespmem:$0x14400] =	vst v63  }
0xf5: {  	s3 =	simm.s32 $0x0  }
0xf6: {  	v0 =	vld [tilespmem:s3+$0xA400]  }
0xf7: {  	v1 =	vld [tilespmem:s3+$0xF400];
	_ =	sdelay $0x1  }
0xf8: {  	v2 =	vld [tilespmem:s3+$0xCC00]  }
0xf9: {  	v3 =	vld [tilespmem:s3+$0x11C00];
	_ =	sdelay $0x1  }
0xfa: {  	v4 =	vld [tilespmem:s3+$0xA410];
	v6 =	vadd.f32 v1, v0;
	v0 =	vsub.f32 v0, v1  }
0xfb: {  	v5 =	vld [tilespmem:s3+$0xF410]  }
0xfc: {  	v0 =	vand.u32 $0x7FFFFFFF, v0  }
0xfd: {  	v7 =	vld [tilespmem:s3+$0xCC10];
	[tilespmem:s3+$0xF400] =	vst v0;
	v0 =	vadd.f32 v3, v2;
	v2 =	vsub.f32 v2, v3  }
0xfe: {  	v1 =	vld [tilespmem:s3+$0x11C10];
	[tilespmem:s3+$0xA400] =	vst v6  }
0xff: {  	[tilespmem:s3+$0xCC00] =	vst v0;
	v0 =	vand.u32 $0x7FFFFFFF, v2  }
0x100: {  	v6 =	vld [tilespmem:s3+$0xA420];
	[tilespmem:s3+$0x11C00] =	vst v0;
	v0 =	vadd.f32 v5, v4;
	v4 =	vsub.f32 v4, v5  }
0x101: {  	v3 =	vld [tilespmem:s3+$0xF420]  }
0x102: {  	[tilespmem:s3+$0xA410] =	vst v0;
	v0 =	vand.u32 $0x7FFFFFFF, v4  }
0x103: {  	v2 =	vld [tilespmem:s3+$0xCC20];
	[tilespmem:s3+$0xF410] =	vst v0;
	v0 =	vadd.f32 v1, v7;
	v1 =	vsub.f32 v7, v1  }
0x104: {  	v5 =	vld [tilespmem:s3+$0x11C20]  }
0x105: {  	[tilespmem:s3+$0xCC10] =	vst v0;
	v0 =	vand.u32 $0x7FFFFFFF, v1  }
0x106: {  	v4 =	vld [tilespmem:s3+$0xA430];
	[tilespmem:s3+$0x11C10] =	vst v0;
	v0 =	vadd.f32 v3, v6;
	v3 =	vsub.f32 v6, v3  }
0x107: {  	v7 =	vld [tilespmem:s3+$0xF430]  }
0x108: {  	[tilespmem:s3+$0xA420] =	vst v0;
	v0 =	vand.u32 $0x7FFFFFFF, v3  }
0x109: {  	v1 =	vld [tilespmem:s3+$0xCC30];
	[tilespmem:s3+$0xF420] =	vst v0;
	v0 =	vadd.f32 v5, v2;
	v2 =	vsub.f32 v2, v5  }
0x10a: {  	v6 =	vld [tilespmem:s3+$0x11C30]  }
0x10b: {  	[tilespmem:s3+$0xCC20] =	vst v0;
	v0 =	vand.u32 $0x7FFFFFFF, v2  }
0x10c: {  	v3 =	vld [tilespmem:s3+$0xA440];
	[tilespmem:s3+$0x11C20] =	vst v0;
	v0 =	vadd.f32 v7, v4;
	v4 =	vsub.f32 v4, v7  }
0x10d: {  	v5 =	vld [tilespmem:s3+$0xF440]  }
0x10e: {  	v2 =	vld [tilespmem:s3+$0xCC40];
	[tilespmem:s3+$0xA430] =	vst v0;
	v0 =	vand.u32 $0x7FFFFFFF, v4  }
0x10f: {  	v7 =	vld [tilespmem:s3+$0x11C40];
	[tilespmem:s3+$0xF430] =	vst v0;
	v0 =	vadd.f32 v6, v1;
	v1 =	vsub.f32 v1, v6;
	_ =	sdelay $0x1  }
0x110: {  	v4 =	vld [tilespmem:s3+$0xA450];
	[tilespmem:s3+$0xCC30] =	vst v0;
	v0 =	vand.u32 $0x7FFFFFFF, v1  }
0x111: {  	v6 =	vld [tilespmem:s3+$0xF450];
	v1 =	vsub.f32 v3, v5;
	[tilespmem:s3+$0x11C30] =	vst v0;
	v0 =	vadd.f32 v5, v3  }
0x112: {  	v8 =	vld [tilespmem:s3+$0xCC50]  }
0x113: {  	v5 =	vld [tilespmem:s3+$0x11C50];
	[tilespmem:s3+$0xA440] =	vst v0;
	v0 =	vand.u32 $0x7FFFFFFF, v1;
	v1 =	vsub.f32 v2, v7  }
0x114: {  	v9 =	vld [tilespmem:s3+$0xA460]  }
0x115: {  	[tilespmem:s3+$0xF440] =	vst v0;
	v0 =	vadd.f32 v7, v2;
	v2 =	vld [tilespmem:s3+$0xF460];
	v1 =	vand.u32 $0x7FFFFFFF, v1  }
0x116: {  	v3 =	vld [tilespmem:s3+$0x11C60];
	[tilespmem:s3+$0x11C40] =	vst v1;
	v1 =	vadd.f32 v6, v4;
	v4 =	vsub.f32 v4, v6  }
0x117: {  	[tilespmem:s3+$0xCC40] =	vst v0;
	v0 =	vld [tilespmem:s3+$0xCC60]  }
0x118: {  	v6 =	vadd.f32 v5, v8;
	v5 =	vsub.f32 v8, v5;
	[tilespmem:s3+$0xA450] =	vst v1;
	v4 =	vand.u32 $0x7FFFFFFF, v4;
	v1 =	vld [tilespmem:s3+$0xA470]  }
0x119: {  	[tilespmem:s3+$0xF450] =	vst v4;
	v4 =	vld [tilespmem:s3+$0xF470]  }
0x11a: {  	s15 =	simm.s32 $0x200;
	[tilespmem:s3+$0xCC50] =	vst v6;
	v7 =	vand.u32 $0x7FFFFFFF, v5;
	v6 =	vadd.f32 v2, v9;
	v5 =	vsub.f32 v9, v2;
	v2 =	vld [tilespmem:s3+$0xCC70]  }
.LBB2_5:
0x11b: {  	s19 =	sshra.s32 s15, $0x2;
	p0 =	sne.s32 s15, $0x9E00;
	[tilespmem:s3+$0x11C50] =	vst v7;
	v7 =	vld [tilespmem:s3+$0x11C70]  }
0x11c: {  	v8 =	vld [tilespmem:s19+$0xA400];
	[tilespmem:s3+$0xA460] =	vst v6;
	v6 =	vadd.f32 v3, v0;
	v5 =	vand.u32 $0x7FFFFFFF, v5;
	v0 =	vsub.f32 v0, v3  }
0x11d: {  	v3 =	vld [tilespmem:s19+$0xF400];
	[tilespmem:s3+$0xF460] =	vst v5  }
0x11e: {  	v5 =	vld [tilespmem:s19+$0xCC00];
	[tilespmem:s3+$0xCC60] =	vst v6;
	v0 =	vand.u32 $0x7FFFFFFF, v0;
	v6 =	vadd.f32 v4, v1;
	v1 =	vsub.f32 v1, v4  }
0x11f: {  	v4 =	vld [tilespmem:s19+$0x11C00];
	[tilespmem:s3+$0x11C60] =	vst v0  }
0x120: {  	v0 =	vld [tilespmem:s19+$0xA410];
	[tilespmem:s3+$0xA470] =	vst v6;
	v6 =	vadd.f32 v7, v2;
	v1 =	vand.u32 $0x7FFFFFFF, v1;
	v2 =	vsub.f32 v2, v7  }
0x121: {  	v7 =	vld [tilespmem:s19+$0xF410];
	[tilespmem:s3+$0xF470] =	vst v1  }
0x122: {  	v1 =	vadd.f32 v3, v8;
	v3 =	vsub.f32 v8, v3;
	v8 =	vld [tilespmem:s19+$0xCC10];
	[tilespmem:s3+$0xCC70] =	vst v6;
	v2 =	vand.u32 $0x7FFFFFFF, v2  }
0x123: {  	v6 =	vld [tilespmem:s19+$0x11C10];
	[tilespmem:s3+$0x11C70] =	vst v2;
	s3 =	smov.u32 s19  }
0x124: {  	[tilespmem:s3+$0xA400] =	vst v1;
	v1 =	vadd.f32 v4, v5;
	v2 =	vand.u32 $0x7FFFFFFF, v3;
	v3 =	vsub.f32 v5, v4;
	v4 =	vld [tilespmem:s3+$0xA420]  }
0x125: {  	[tilespmem:s3+$0xF400] =	vst v2;
	v2 =	vld [tilespmem:s3+$0xF420]  }
0x126: {  	[tilespmem:s3+$0xCC00] =	vst v1;
	v1 =	vand.u32 $0x7FFFFFFF, v3;
	v3 =	vadd.f32 v7, v0;
	v0 =	vsub.f32 v0, v7;
	v5 =	vld [tilespmem:s3+$0xCC20]  }
0x127: {  	[tilespmem:s3+$0x11C00] =	vst v1;
	v1 =	vld [tilespmem:s3+$0x11C20]  }
0x128: {  	[tilespmem:s3+$0xA410] =	vst v3;
	v3 =	vadd.f32 v6, v8;
	v0 =	vand.u32 $0x7FFFFFFF, v0;
	v6 =	vsub.f32 v8, v6;
	v7 =	vld [tilespmem:s3+$0xA430]  }
0x129: {  	[tilespmem:s3+$0xF410] =	vst v0;
	v0 =	vld [tilespmem:s3+$0xF430]  }
0x12a: {  	[tilespmem:s3+$0xCC10] =	vst v3;
	v3 =	vand.u32 $0x7FFFFFFF, v6;
	v6 =	vadd.f32 v2, v4;
	v2 =	vsub.f32 v4, v2;
	v4 =	vld [tilespmem:s3+$0xCC30]  }
0x12b: {  	[tilespmem:s3+$0x11C10] =	vst v3;
	v3 =	vld [tilespmem:s3+$0x11C30]  }
0x12c: {  	[tilespmem:s3+$0xA420] =	vst v6;
	v6 =	vadd.f32 v1, v5;
	v2 =	vand.u32 $0x7FFFFFFF, v2;
	v1 =	vsub.f32 v5, v1;
	v5 =	vld [tilespmem:s3+$0xA440]  }
0x12d: {  	[tilespmem:s3+$0xF420] =	vst v2;
	v2 =	vld [tilespmem:s3+$0xF440]  }
0x12e: {  	[tilespmem:s3+$0xCC20] =	vst v6;
	v1 =	vand.u32 $0x7FFFFFFF, v1;
	v6 =	vadd.f32 v0, v7;
	v0 =	vsub.f32 v7, v0;
	v7 =	vld [tilespmem:s3+$0xCC40]  }
0x12f: {  	[tilespmem:s3+$0x11C20] =	vst v1;
	v1 =	vld [tilespmem:s3+$0x11C40]  }
0x130: {  	[tilespmem:s3+$0xA430] =	vst v6;
	v6 =	vadd.f32 v3, v4;
	v0 =	vand.u32 $0x7FFFFFFF, v0;
	v3 =	vsub.f32 v4, v3;
	v4 =	vld [tilespmem:s3+$0xA450]  }
0x131: {  	[tilespmem:s3+$0xF430] =	vst v0;
	v0 =	vld [tilespmem:s3+$0xF450]  }
0x132: {  	[tilespmem:s3+$0xCC30] =	vst v6;
	v3 =	vand.u32 $0x7FFFFFFF, v3;
	v6 =	vadd.f32 v2, v5;
	v2 =	vsub.f32 v5, v2;
	v5 =	vld [tilespmem:s3+$0xCC50]  }
0x133: {  	[tilespmem:s3+$0x11C30] =	vst v3;
	v8 =	vld [tilespmem:s3+$0x11C50]  }
0x134: {  	[tilespmem:s3+$0xA440] =	vst v6;
	v3 =	vadd.f32 v1, v7;
	v2 =	vand.u32 $0x7FFFFFFF, v2;
	v1 =	vsub.f32 v7, v1;
	v9 =	vld [tilespmem:s3+$0xA460]  }
0x135: {  	[tilespmem:s3+$0xF440] =	vst v2;
	v2 =	vld [tilespmem:s3+$0xF460]  }
.Ltmp1:
0x136: {  	[tilespmem:s3+$0xCC40] =	vst v3;
	v1 =	vand.u32 $0x7FFFFFFF, v1;
	v6 =	vadd.f32 v0, v4;
	v4 =	vsub.f32 v4, v0;
	v0 =	vld [tilespmem:s3+$0xCC60];
	(pc) =	sbr.rel @p0 .LBB2_5-.Ltmp1, $4  }
0x137: {  	[tilespmem:s3+$0x11C40] =	vst v1;
	v3 =	vld [tilespmem:s3+$0x11C60]  }
0x138: {  	[tilespmem:s3+$0xA450] =	vst v6;
	v6 =	vadd.f32 v8, v5;
	v4 =	vand.u32 $0x7FFFFFFF, v4;
	v5 =	vsub.f32 v5, v8;
	v1 =	vld [tilespmem:s3+$0xA470]  }
0x139: {  	[tilespmem:s3+$0xF450] =	vst v4;
	v4 =	vld [tilespmem:s3+$0xF470]  }
0x13a: {  	s15 =	sadd.s32 $0x200, s15;
	[tilespmem:s3+$0xCC50] =	vst v6;
	v7 =	vand.u32 $0x7FFFFFFF, v5;
	v6 =	vadd.f32 v2, v9;
	v5 =	vsub.f32 v9, v2;
	v2 =	vld [tilespmem:s3+$0xCC70]  }
0x13b: {  	[tilespmem:s3+$0x11C50] =	vst v7;
	v56 =	vld [tilespmem:s3+$0x11C70]  }
0x13c: {  	[tilespmem:s3+$0xA460] =	vst v6;
	v57 =	vadd.f32 v3, v0;
	v5 =	vand.u32 $0x7FFFFFFF, v5;
	v58 =	vsub.f32 v0, v3  }
0x13d: {  	[tilespmem:s3+$0xF460] =	vst v5  }
0x13e: {  	[tilespmem:s3+$0xCC60] =	vst v57;
	v0 =	vand.u32 $0x7FFFFFFF, v58;
	v59 =	vadd.f32 v4, v1;
	v60 =	vsub.f32 v1, v4  }
0x13f: {  	[tilespmem:s3+$0x11C60] =	vst v0  }
0x140: {  	[tilespmem:s3+$0xA470] =	vst v59;
	v61 =	vadd.f32 v56, v2;
	v1 =	vand.u32 $0x7FFFFFFF, v60;
	v62 =	vsub.f32 v2, v56  }
0x141: {  	[tilespmem:s3+$0xF470] =	vst v1  }
0x142: {  	[tilespmem:s3+$0xCC70] =	vst v61;
	v63 =	vand.u32 $0x7FFFFFFF, v62  }
0x143: {  	s15 =	sadd.s32 $0x1400, s23;
	[tilespmem:s3+$0x11C70] =	vst v63  }
0x144: {  	[hbm4b:s15+s25] =	stream.strided.scatter [tilespmem:s9], [sflag:$0x6], $0x2800, s12, s25, $0x38;
	[tilespmem:$0x14400] =	vst v63  }
0x145: {  	s19 =	sadd.s32 $0x1480, s23;
	p0 =	sne.s32 s8, s1  }
0x146: {  	[hbm4b:s19+s25] =	stream.strided.scatter [tilespmem:s21], [sflag:$0x6], $0x2800, s12, s25, $0x38;
	[tilespmem:$0x14400] =	vst v63  }
.Ltmp2:
0x147: {  	_ = 	snop;
	(pc) =	sbr.rel @p0 .LBB2_2-.Ltmp2, $4  }
0x148: {  	s26 =	sadd.s32 $0x1500, s23  }
0x149: {  	[hbm4b:s26+s25] =	stream.strided.scatter [tilespmem:s10], [sflag:$0x6], $0x2800, s12, s25, $0x38;
	[tilespmem:$0x14400] =	vst v63  }
0x14a: {  	s28 =	sadd.s32 $0x1580, s23  }
0x14b: {  	[hbm4b:s28+s25] =	stream.strided.scatter [tilespmem:s22], [sflag:$0x6], $0x2800, s12, s25, $0x38;
	[tilespmem:$0x14400] =	vst v63  }
0x14c: {  	s8 =	simm.s32 $0x6  }
0x14d: {  	_ =	swait.ge [sflag:s8], $0x2800  }
0x14e: {  	[sflag:s8] =	ssyncset.done $0x0  }
0x14f: {  	[sflag:s8] =	ssyncadd.s32 $0xFFFFD800  }
0x150: {  	_ =	swait.ge [sflag:s8], $0x2800  }
0x151: {  	[sflag:s8] =	ssyncset.done $0x0  }
0x152: {  	[sflag:s8] =	ssyncadd.s32 $0xFFFFD800  }
0x153: {  	_ =	swait.ge [sflag:s8], $0x2800  }
0x154: {  	[sflag:s8] =	ssyncset.done $0x0  }
0x155: {  	[sflag:s8] =	ssyncadd.s32 $0xFFFFD800  }
0x156: {  	_ =	swait.ge [sflag:s8], $0x2800  }
0x157: {  	s15 =	rddreg [dreg:$0xb]  }
0x158: {  	s3 =	rddreg [dreg:$0xa];
	s15 =	sadd.s32 $0x1, s15  }
0x159: {  	p0 =	sne.s32 s15, s3  }
.Ltmp3:
0x15a: {  	_ = 	snop;
	(pc) =	sbr.rel @p0 .LBB2_1-.Ltmp3, $3  }
0x15b: {  	_ =	sdelay $0x1  }
0x15c: {  	[sflag:s8] =	ssyncset.done $0x0  }
0x15d: {  	[sflag:s8] =	ssyncadd.s32 $0xFFFFD800  }
0x15e: {  	_ =	sfence.sel $0x180000  }
0x15f: {  	[bflag:$0x0] =	sbarrier.arrive $0xFFFF  }
0x160: {  	_ =	strace $0x9000004A  }
0x161: {  	s0 =	stileid.u32;
	[bflag:$0x2] =	sbarrier.arrive $0xFFFF  }
0x162: {  	p0 =	sne.s32 s0, $0x0;
	s0 =	rddreg [dreg:$0x1]  }
0x163: {  	s0 =	sadd.s32 @!p0 $0x100000, s0  }
0x164: {  	[sflag:s0] =	ssyncadd.tile.s32 @!p0 $0x1;
	_ =	shalt  }
.Lfunc_end2:
_tile_overlayer_lowered:
.L_overlay_start_2:
0x165: {  	(tag) =	ssettag $0x2  }
0x166: {  	s0 =	rddreg [dreg:$0x0];
	s2 =	stileid.u32  }
0x167: {  	s1 =	rddreg [dreg:$0x1];
	p0 =	sne.s32 s2, $0x0  }
0x168: {  	s3 =	rddreg [dreg:$0x2];
	[bflag:$0x3] =	sbarrier.arrive $0xFFFF;
	s2 =	simm.s32 @!p0 $0x1C07  }
0x169: {  	[timem:s3], [sflag:s2] =	dma.local @!p0 [hbm:s0], s1  }
0x16a: {  	s0 =	simm.s32 @!p0 $0x7  }
0x16b: {  	_ =	swait.ge @!p0 [sflag:s0], s1  }
0x16c: {  	s1 =	ssub.s32 @!p0 $0x0, s1;
	[sflag:s0] =	ssyncset.done @!p0 $0x0  }
0x16d: {  	[sflag:s0] =	ssyncadd.s32 @!p0 s1  }
0x16e: {  	[bflag:$0x3] =	sbarrier.arrive $0xFFFF  }
0x16f: {  	_ =	shalt  }

</sc_bundles>
